<compile_context>
chip_gen: v7x
topology: tpu7x:2x2x1
jax: 0.10.2.dev20260603
libtpu: 0.0.44.dev20260713+nightly
codegen_flags: <defaults>
</compile_context>

<pallas_src>
import functools

import jax
import jax.numpy as jnp
from jax import lax
from jax.experimental import pallas as pl
from jax.experimental.pallas import tpu as pltpu
from jax.experimental.pallas import tpu_sc as plsc

N = 10000
E = 320000
D = 128
H = 128
G = 64
NUM_LAYERS = 3

NC = 2
NS = 16
NW = NC * NS
CHK = 128
KPS = 8
NSUPER = 10
NCHUNKT = NSUPER * KPS
EPW = NCHUNKT * CHK
SINK = 240
ACC_ROWS = N + SINK
RPT = 640
RPT_LAST = N - (NS - 1) * RPT


def _sc_agg_body(h_hbm, src_hbm, dst_hbm, out_hbm, src_v, didx0, didx1,
                 rows0, rows1, acc, gsem0, gsem1, isem0, isem1):
    c = lax.axis_index("c")
    s = lax.axis_index("s")
    w = c * NS + s

    pltpu.sync_copy(src_hbm.at[w], src_v)
    pltpu.sync_copy(dst_hbm.at[w, 0], didx0)

    @pl.when(s < NS - 1)
    def _():
        pltpu.sync_copy(h_hbm.at[pl.ds(s * RPT, RPT)],
                        acc.at[pl.ds(s * RPT, RPT)])

    @pl.when(s == NS - 1)
    def _():
        pltpu.sync_copy(h_hbm.at[pl.ds((NS - 1) * RPT, RPT_LAST)],
                        acc.at[pl.ds((NS - 1) * RPT, RPT_LAST)])

    plsc.subcore_barrier()

    rows = (rows0, rows1)
    gsems = (gsem0, gsem1)
    didx = (didx0, didx1)
    isems = (isem0, isem1)
    pltpu.async_copy(h_hbm.at[src_v.at[0]], rows0, gsem0)
    pltpu.async_copy(h_hbm.at[src_v.at[1]], rows1, gsem1)

    @pl.loop(0, NSUPER // 2)
    def _(jj):
        for jpar in range(2):
            j = jj * 2 + jpar
            jb = jpar

            @pl.when(j + 1 < NSUPER)
            def _():
                pltpu.async_copy(dst_hbm.at[w, j + 1], didx[1 - jb],
                                 isems[1 - jb])

            @pl.when(j > 0)
            def _():
                pltpu.make_async_copy(dst_hbm.at[w, j], didx[jb],
                                      isems[jb]).wait()

            for k in range(KPS):
                i = j * KPS + k
                b = k % 2
                pltpu.make_async_copy(h_hbm.at[src_v.at[i]], rows[b],
                                      gsems[b]).wait()
                pltpu.sync_copy(rows[b], acc.at[didx[jb].at[k]], add=True)

                @pl.when(i + 2 < NCHUNKT)
                def _():
                    pltpu.async_copy(h_hbm.at[src_v.at[i + 2]], rows[b],
                                     gsems[b])

    plsc.subcore_barrier()

    @pl.when(s < NS - 1)
    def _():
        pltpu.sync_copy(acc.at[pl.ds(s * RPT, RPT)],
                        out_hbm.at[c, pl.ds(s * RPT, RPT)])

    @pl.when(s == NS - 1)
    def _():
        pltpu.sync_copy(acc.at[pl.ds((NS - 1) * RPT, RPT_LAST)],
                        out_hbm.at[c, pl.ds((NS - 1) * RPT, RPT_LAST)])


@functools.cache
def _make_sc_agg():
    mesh = plsc.VectorSubcoreMesh(
        core_axis_name="c", subcore_axis_name="s", num_cores=NC, num_subcores=NS
    )
    return pl.kernel(
        _sc_agg_body,
        out_type=jax.ShapeDtypeStruct((NC, N, D), jnp.float32),
        mesh=mesh,
        scratch_types=[
            pltpu.VMEM((NCHUNKT, CHK), jnp.int32),
            pltpu.VMEM((KPS, CHK), jnp.int32),
            pltpu.VMEM((KPS, CHK), jnp.int32),
            pltpu.VMEM((CHK, D), jnp.float32),
            pltpu.VMEM((CHK, D), jnp.float32),
            pltpu.VMEM_SHARED((ACC_ROWS, D), jnp.float32),
            pltpu.SemaphoreType.DMA,
            pltpu.SemaphoreType.DMA,
            pltpu.SemaphoreType.DMA,
            pltpu.SemaphoreType.DMA,
        ],
    )


def _mlp_body(p_ref, h_ref, epsm1_ref, w1t_ref, b1_ref, g1_ref, be1_ref,
              w2t_ref, b2_ref, g2_ref, be2_ref, o_ref):
    h = h_ref[...]
    z = p_ref[0] + p_ref[1] + epsm1_ref[...] * h
    z1 = jnp.dot(z, w1t_ref[...], preferred_element_type=jnp.float32) + b1_ref[...]
    mu = jnp.mean(z1, axis=0, keepdims=True)
    var = jnp.mean((z1 - mu) ** 2, axis=0, keepdims=True)
    z1 = (z1 - mu) * lax.rsqrt(var + 1e-5) * g1_ref[...] + be1_ref[...]
    z1 = jnp.maximum(z1, 0.0)
    z2 = jnp.dot(z1, w2t_ref[...], preferred_element_type=jnp.float32) + b2_ref[...]
    mu2 = jnp.mean(z2, axis=0, keepdims=True)
    var2 = jnp.mean((z2 - mu2) ** 2, axis=0, keepdims=True)
    z2 = (z2 - mu2) * lax.rsqrt(var2 + 1e-5) * g2_ref[...] + be2_ref[...]
    o_ref[...] = jnp.maximum(z2, 0.0)


_mlp = pl.pallas_call(
    _mlp_body,
    out_shape=jax.ShapeDtypeStruct((N, H), jnp.float32),
)


def _final_body(p_ref, h_ref, epsm1_ref, w1t_ref, b1_ref, g1_ref, be1_ref,
                w2t_ref, b2_ref, g2_ref, be2_ref, batch_ref,
                l1wt_ref, l1b_ref, l2wt_ref, l2b_ref, o_ref):
    h = h_ref[...]
    z = p_ref[0] + p_ref[1] + epsm1_ref[...] * h
    z1 = jnp.dot(z, w1t_ref[...], preferred_element_type=jnp.float32) + b1_ref[...]
    mu = jnp.mean(z1, axis=0, keepdims=True)
    var = jnp.mean((z1 - mu) ** 2, axis=0, keepdims=True)
    z1 = (z1 - mu) * lax.rsqrt(var + 1e-5) * g1_ref[...] + be1_ref[...]
    z1 = jnp.maximum(z1, 0.0)
    z2 = jnp.dot(z1, w2t_ref[...], preferred_element_type=jnp.float32) + b2_ref[...]
    mu2 = jnp.mean(z2, axis=0, keepdims=True)
    var2 = jnp.mean((z2 - mu2) ** 2, axis=0, keepdims=True)
    z2 = (z2 - mu2) * lax.rsqrt(var2 + 1e-5) * g2_ref[...] + be2_ref[...]
    hfin = jnp.maximum(z2, 0.0)

    iota = lax.broadcasted_iota(jnp.int32, (G, N), 0)
    onehot = jnp.where(batch_ref[...] == iota, 1.0, 0.0)
    sums = jnp.dot(onehot, hfin, preferred_element_type=jnp.float32)
    counts = jnp.sum(onehot, axis=1, keepdims=True)
    pooled = sums / jnp.maximum(counts, 1.0)
    zz = jnp.maximum(
        jnp.dot(pooled, l1wt_ref[...], preferred_element_type=jnp.float32)
        + l1b_ref[...], 0.0)
    o_ref[...] = (jnp.dot(zz, l2wt_ref[...], preferred_element_type=jnp.float32)
                  + l2b_ref[...])


_final = pl.pallas_call(
    _final_body,
    out_shape=jax.ShapeDtypeStruct((G, 1), jnp.float32),
)


def kernel(x, edge_index, batch, params):
    ppt = EPW - E // NW
    pad_src = jnp.broadcast_to(
        (jnp.arange(ppt, dtype=jnp.int32) * 41) % N, (NW, ppt))
    pad_dst = jnp.broadcast_to(
        N + jnp.arange(ppt, dtype=jnp.int32), (NW, ppt))
    src_p = jnp.concatenate(
        [edge_index[0].reshape(NW, E // NW), pad_src], axis=1)
    dst_p = jnp.concatenate(
        [edge_index[1].reshape(NW, E // NW), pad_dst], axis=1)
    src = src_p.reshape(NW, NCHUNKT, CHK)
    dst = dst_p.reshape(NW, NSUPER, KPS, CHK)
    batch2d = batch.reshape(1, N)

    sc_agg = _make_sc_agg()
    h = x
    out = None
    for l in range(NUM_LAYERS):
        p = sc_agg(h, src, dst)
        epsm1 = (params[f"eps_{l}"] - 1.0).reshape(1, 1)
        args = (
            p, h, epsm1,
            params[f"W1_{l}"].T, params[f"b1_{l}"].reshape(1, H),
            params[f"g1_{l}"].reshape(1, H), params[f"be1_{l}"].reshape(1, H),
            params[f"W2_{l}"].T, params[f"b2_{l}"].reshape(1, H),
            params[f"g2_{l}"].reshape(1, H), params[f"be2_{l}"].reshape(1, H),
        )
        if l < NUM_LAYERS - 1:
            h = _mlp(*args)
        else:
            out = _final(*args, batch2d,
                         params["lin1_W"].T, params["lin1_b"].reshape(1, H // 2),
                         params["lin2_W"].T, params["lin2_b"].reshape(1, 1))
    return out.squeeze(-1)

# --- scband reference (transcript-rebuilt; emitter-appended) ---
"""Pipeline reference for scband-gin-32676111188647 (READ-ONLY COPY).

The authoritative reference and input builder live on the scoring server;
editing this copy changes nothing except your own understanding.
"""

import jax, jax.numpy as jnp
import numpy as np

N = 10000
E = 320000
D = 128
H = 128
NUM_LAYERS = 3
G = 64


def _init_params(key):
    params = {}
    k = key
    def nxt():
        nonlocal k
        k, sub = jax.random.split(k)
        return sub
    for l in range(NUM_LAYERS):
        din = D if l == 0 else H
        params[f"W1_{l}"] = jax.random.normal(nxt(), (H, din), jnp.float32) * (1.0 / np.sqrt(din))
        params[f"b1_{l}"] = jnp.zeros((H,), jnp.float32)
        params[f"g1_{l}"] = jnp.ones((H,), jnp.float32)
        params[f"be1_{l}"] = jnp.zeros((H,), jnp.float32)
        params[f"W2_{l}"] = jax.random.normal(nxt(), (H, H), jnp.float32) * (1.0 / np.sqrt(H))
        params[f"b2_{l}"] = jnp.zeros((H,), jnp.float32)
        params[f"eps_{l}"] = jnp.zeros((), jnp.float32)
        params[f"g2_{l}"] = jnp.ones((H,), jnp.float32)
        params[f"be2_{l}"] = jnp.zeros((H,), jnp.float32)
    params["lin1_W"] = jax.random.normal(nxt(), (H // 2, H), jnp.float32) * (1.0 / np.sqrt(H))
    params["lin1_b"] = jnp.zeros((H // 2,), jnp.float32)
    params["lin2_W"] = jax.random.normal(nxt(), (1, H // 2), jnp.float32) * (1.0 / np.sqrt(H // 2))
    params["lin2_b"] = jnp.zeros((1,), jnp.float32)
    return params


def setup_inputs(seed: int = 0):
    key = jax.random.key(seed)
    k1, k2, k3, k4 = jax.random.split(key, 4)
    x = jax.random.normal(k1, (N, D), dtype=jnp.float32)
    edge_index = jax.random.randint(k2, (2, E), 0, N, dtype=jnp.int32)
    batch = jnp.sort(jax.random.randint(k3, (N,), 0, G, dtype=jnp.int32))
    params = _init_params(k4)
    return {"x": x, "edge_index": edge_index, "batch": batch, "params": params}


def _batchnorm(h, gamma, beta):
    mu = jnp.mean(h, axis=0, keepdims=True)
    var = jnp.var(h, axis=0, keepdims=True)
    return (h - mu) / jnp.sqrt(var + 1e-5) * gamma + beta


def _forward(x, params, edge_index, batch):
    src = edge_index[0]
    dst = edge_index[1]
    h = x
    for l in range(NUM_LAYERS):
        # GINConv: (1+eps)*x_i + sum_{j->i} x_j, then MLP
        agg = jax.ops.segment_sum(h[src], dst, num_segments=N)
        z = (1.0 + params[f"eps_{l}"]) * h + agg
        z = z @ params[f"W1_{l}"].T + params[f"b1_{l}"]
        z = _batchnorm(z, params[f"g1_{l}"], params[f"be1_{l}"])
        z = jax.nn.relu(z)
        z = z @ params[f"W2_{l}"].T + params[f"b2_{l}"]
        # outer BatchNorm + ReLU (dropout omitted: eval-mode determinism)
        z = _batchnorm(z, params[f"g2_{l}"], params[f"be2_{l}"])
        h = jax.nn.relu(z)
    # global_mean_pool over graph ids
    sums = jax.ops.segment_sum(h, batch, num_segments=G)
    counts = jax.ops.segment_sum(jnp.ones((N,), jnp.float32), batch, num_segments=G)
    pooled = sums / jnp.clip(counts, 1.0)[:, None]
    z = jax.nn.relu(pooled @ params["lin1_W"].T + params["lin1_b"])
    out = (z @ params["lin2_W"].T + params["lin2_b"]).squeeze(-1)
    return out


def reference(x, edge_index, batch, params):
    return _forward(x, params, edge_index, batch)

if __name__ == "__main__":
    import jax
    _d = setup_inputs()
    print(jax.jit(kernel)(*tuple(_d.values())))

</pallas_src>

<mosaic_0001>
#map = affine_map<(d0, d1) -> (0, 0)>
#map1 = affine_map<(d0, d1) -> (0, 0, 0)>
#map2 = affine_map<(d0, d1) -> (0, 0, 0, 0)>
module attributes {stable_mosaic.version = 14 : i64} {
  func.func @_sc_agg_body(%arg0: i32, %arg1: i32, %arg2: memref<10000x128xf32, #tpu.memory_space<hbm>>, %arg3: memref<32x80x128xi32, #tpu.memory_space<hbm>>, %arg4: memref<32x10x8x128xi32, #tpu.memory_space<hbm>>, %arg5: memref<2x10000x128xf32, #tpu.memory_space<hbm>>, %arg6: memref<80x128xi32, #tpu.memory_space<vmem>>, %arg7: memref<8x128xi32, #tpu.memory_space<vmem>>, %arg8: memref<8x128xi32, #tpu.memory_space<vmem>>, %arg9: memref<128x128xf32, #tpu.memory_space<vmem>>, %arg10: memref<128x128xf32, #tpu.memory_space<vmem>>, %arg11: memref<10240x128xf32, #tpu.memory_space<vmem_shared>>, %arg12: memref<!tpu.dma_semaphore, #tpu.memory_space<semaphore_mem>>, %arg13: memref<!tpu.dma_semaphore, #tpu.memory_space<semaphore_mem>>, %arg14: memref<!tpu.dma_semaphore, #tpu.memory_space<semaphore_mem>>, %arg15: memref<!tpu.dma_semaphore, #tpu.memory_space<semaphore_mem>>) attributes {dimension_semantics = [#tpu.dimension_semantics<core_parallel>, #tpu.dimension_semantics<subcore_parallel>], iteration_bounds = array<i64: 2, 16>, scalar_prefetch = 0 : i64, scratch_operands = 10 : i64, tpu.core_type = #tpu.core_type<sc_vector_subcore>, window_params = [{transform_indices = #map}, {transform_indices = #map1}, {transform_indices = #map2}, {transform_indices = #map1}]} {
    %mul3A = arith.constant 16 : i32
    %mul3A_0 = arith.muli %arg0, %mul3A : i32
    %add3A = arith.addi %mul3A_0, %arg1 : i32
    "tpu.region"() ({
      %run_scoped3A_35 = tpu.sem_alloc : memref<!tpu.dma_semaphore, #tpu.memory_space<semaphore_mem>>
      %dma_start3A_36 = arith.constant 0 : i32
      %dma_start3A_37 = arith.constant 0 : i32
      %dma_start3A_38 = tpu.memref_slice %arg3[%add3A, %dma_start3A_36, %dma_start3A_37] : memref<32x80x128xi32, #tpu.memory_space<hbm>> -> memref<1x80x128xi32, #tpu.memory_space<hbm>>
      %dma_start3A_39 = tpu.memref_squeeze %dma_start3A_38 : memref<1x80x128xi32, #tpu.memory_space<hbm>> -> memref<80x128xi32, #tpu.memory_space<hbm>>
      %dma_start3A_40 = arith.constant 0 : i32
      %dma_start3A_41 = arith.constant 0 : i32
      %dma_start3A_42 = tpu.memref_slice %arg3[%add3A, %dma_start3A_40, %dma_start3A_41] : memref<32x80x128xi32, #tpu.memory_space<hbm>> -> memref<1x80x128xi32, #tpu.memory_space<hbm>>
      %dma_start3A_43 = tpu.memref_squeeze %dma_start3A_42 : memref<1x80x128xi32, #tpu.memory_space<hbm>> -> memref<80x128xi32, #tpu.memory_space<hbm>>
      tpu.enqueue_dma source(%dma_start3A_43 : memref<80x128xi32, #tpu.memory_space<hbm>>) target(%arg6 : memref<80x128xi32, #tpu.memory_space<vmem>>) target_semaphore(%run_scoped3A_35 : memref<!tpu.dma_semaphore, #tpu.memory_space<semaphore_mem>>)
      %dma_wait3A = arith.constant 0 : i32
      %dma_wait3A_44 = arith.constant 0 : i32
      %dma_wait3A_45 = tpu.memref_slice %arg3[%add3A, %dma_wait3A, %dma_wait3A_44] : memref<32x80x128xi32, #tpu.memory_space<hbm>> -> memref<1x80x128xi32, #tpu.memory_space<hbm>>
      %dma_wait3A_46 = tpu.memref_squeeze %dma_wait3A_45 : memref<1x80x128xi32, #tpu.memory_space<hbm>> -> memref<80x128xi32, #tpu.memory_space<hbm>>
      %dma_wait3A_47 = arith.constant 0 : i32
      %dma_wait3A_48 = arith.constant 0 : i32
      %dma_wait3A_49 = tpu.memref_slice %arg3[%add3A, %dma_wait3A_47, %dma_wait3A_48] : memref<32x80x128xi32, #tpu.memory_space<hbm>> -> memref<1x80x128xi32, #tpu.memory_space<hbm>>
      %dma_wait3A_50 = tpu.memref_squeeze %dma_wait3A_49 : memref<1x80x128xi32, #tpu.memory_space<hbm>> -> memref<80x128xi32, #tpu.memory_space<hbm>>
      tpu.wait_dma2 semaphore(%run_scoped3A_35 : memref<!tpu.dma_semaphore, #tpu.memory_space<semaphore_mem>>) src(%dma_wait3A_50 : memref<80x128xi32, #tpu.memory_space<hbm>>) dst(%arg6 : memref<80x128xi32, #tpu.memory_space<vmem>>)
      tpu.yield
    }) : () -> ()
    %run_scoped3A = arith.constant 0 : i32
    "tpu.region"() ({
      %run_scoped3A_35 = tpu.sem_alloc : memref<!tpu.dma_semaphore, #tpu.memory_space<semaphore_mem>>
      %dma_start3A_36 = arith.constant 0 : i32
      %dma_start3A_37 = arith.constant 0 : i32
      %dma_start3A_38 = tpu.memref_slice %arg4[%add3A, %run_scoped3A, %dma_start3A_36, %dma_start3A_37] : memref<32x10x8x128xi32, #tpu.memory_space<hbm>> -> memref<1x1x8x128xi32, #tpu.memory_space<hbm>>
      %dma_start3A_39 = tpu.memref_squeeze %dma_start3A_38 : memref<1x1x8x128xi32, #tpu.memory_space<hbm>> -> memref<8x128xi32, #tpu.memory_space<hbm>>
      %dma_start3A_40 = arith.constant 0 : i32
      %dma_start3A_41 = arith.constant 0 : i32
      %dma_start3A_42 = tpu.memref_slice %arg4[%add3A, %run_scoped3A, %dma_start3A_40, %dma_start3A_41] : memref<32x10x8x128xi32, #tpu.memory_space<hbm>> -> memref<1x1x8x128xi32, #tpu.memory_space<hbm>>
      %dma_start3A_43 = tpu.memref_squeeze %dma_start3A_42 : memref<1x1x8x128xi32, #tpu.memory_space<hbm>> -> memref<8x128xi32, #tpu.memory_space<hbm>>
      tpu.enqueue_dma source(%dma_start3A_43 : memref<8x128xi32, #tpu.memory_space<hbm>>) target(%arg7 : memref<8x128xi32, #tpu.memory_space<vmem>>) target_semaphore(%run_scoped3A_35 : memref<!tpu.dma_semaphore, #tpu.memory_space<semaphore_mem>>)
      %dma_wait3A = arith.constant 0 : i32
      %dma_wait3A_44 = arith.constant 0 : i32
      %dma_wait3A_45 = tpu.memref_slice %arg4[%add3A, %run_scoped3A, %dma_wait3A, %dma_wait3A_44] : memref<32x10x8x128xi32, #tpu.memory_space<hbm>> -> memref<1x1x8x128xi32, #tpu.memory_space<hbm>>
      %dma_wait3A_46 = tpu.memref_squeeze %dma_wait3A_45 : memref<1x1x8x128xi32, #tpu.memory_space<hbm>> -> memref<8x128xi32, #tpu.memory_space<hbm>>
      %dma_wait3A_47 = arith.constant 0 : i32
      %dma_wait3A_48 = arith.constant 0 : i32
      %dma_wait3A_49 = tpu.memref_slice %arg4[%add3A, %run_scoped3A, %dma_wait3A_47, %dma_wait3A_48] : memref<32x10x8x128xi32, #tpu.memory_space<hbm>> -> memref<1x1x8x128xi32, #tpu.memory_space<hbm>>
      %dma_wait3A_50 = tpu.memref_squeeze %dma_wait3A_49 : memref<1x1x8x128xi32, #tpu.memory_space<hbm>> -> memref<8x128xi32, #tpu.memory_space<hbm>>
      tpu.wait_dma2 semaphore(%run_scoped3A_35 : memref<!tpu.dma_semaphore, #tpu.memory_space<semaphore_mem>>) src(%dma_wait3A_50 : memref<8x128xi32, #tpu.memory_space<hbm>>) dst(%arg7 : memref<8x128xi32, #tpu.memory_space<vmem>>)
      tpu.yield
    }) : () -> ()
    %lt3A = arith.constant 15 : i32
    %lt3A_1 = arith.cmpi slt, %arg1, %lt3A : i32
    %convert_element_type3A = arith.extui %lt3A_1 : i1 to i32
    %cond3A = arith.constant 0 : i32
    %cond3A_2 = arith.cmpi ne, %convert_element_type3A, %cond3A : i32
    scf.if %cond3A_2 {
      %mul3A_35 = arith.constant 640 : i32
      %mul3A_36 = arith.muli %arg1, %mul3A_35 : i32
      %mul3A_37 = arith.constant 640 : i32
      %mul3A_38 = arith.muli %arg1, %mul3A_37 : i32
      "tpu.region"() ({
        %run_scoped3A_39 = tpu.sem_alloc : memref<!tpu.dma_semaphore, #tpu.memory_space<semaphore_mem>>
        %dma_start3A_40 = arith.constant 0 : i32
        %dma_start3A_41 = tpu.memref_slice %arg11[%mul3A_38, %dma_start3A_40] : memref<10240x128xf32, #tpu.memory_space<vmem_shared>> -> memref<640x128xf32, #tpu.memory_space<vmem_shared>>
        %dma_start3A_42 = arith.constant 0 : i32
        %dma_start3A_43 = tpu.memref_slice %arg2[%mul3A_36, %dma_start3A_42] : memref<10000x128xf32, #tpu.memory_space<hbm>> -> memref<640x128xf32, #tpu.memory_space<hbm>>
        tpu.enqueue_dma source(%dma_start3A_43 : memref<640x128xf32, #tpu.memory_space<hbm>>) target(%dma_start3A_41 : memref<640x128xf32, #tpu.memory_space<vmem_shared>>) target_semaphore(%run_scoped3A_39 : memref<!tpu.dma_semaphore, #tpu.memory_space<semaphore_mem>>)
        %dma_wait3A = arith.constant 0 : i32
        %dma_wait3A_44 = tpu.memref_slice %arg11[%mul3A_38, %dma_wait3A] : memref<10240x128xf32, #tpu.memory_space<vmem_shared>> -> memref<640x128xf32, #tpu.memory_space<vmem_shared>>
        %dma_wait3A_45 = arith.constant 0 : i32
        %dma_wait3A_46 = tpu.memref_slice %arg2[%mul3A_36, %dma_wait3A_45] : memref<10000x128xf32, #tpu.memory_space<hbm>> -> memref<640x128xf32, #tpu.memory_space<hbm>>
        tpu.wait_dma2 semaphore(%run_scoped3A_39 : memref<!tpu.dma_semaphore, #tpu.memory_space<semaphore_mem>>) src(%dma_wait3A_46 : memref<640x128xf32, #tpu.memory_space<hbm>>) dst(%dma_wait3A_44 : memref<640x128xf32, #tpu.memory_space<vmem_shared>>)
        tpu.yield
      }) : () -> ()
    } else {
    }
    %eq3A = arith.constant 15 : i32
    %eq3A_3 = arith.cmpi eq, %arg1, %eq3A : i32
    %convert_element_type3A_4 = arith.extui %eq3A_3 : i1 to i32
    %cond3A_5 = arith.constant 0 : i32
    %cond3A_6 = arith.cmpi ne, %convert_element_type3A_4, %cond3A_5 : i32
    scf.if %cond3A_6 {
      "tpu.region"() ({
        %run_scoped3A_35 = tpu.sem_alloc : memref<!tpu.dma_semaphore, #tpu.memory_space<semaphore_mem>>
        %dma_start3A_36 = arith.constant 9600 : i32
        %dma_start3A_37 = arith.constant 0 : i32
        %dma_start3A_38 = tpu.memref_slice %arg11[%dma_start3A_36, %dma_start3A_37] : memref<10240x128xf32, #tpu.memory_space<vmem_shared>> -> memref<400x128xf32, #tpu.memory_space<vmem_shared>>
        %dma_start3A_39 = arith.constant 9600 : i32
        %dma_start3A_40 = arith.constant 0 : i32
        %dma_start3A_41 = tpu.memref_slice %arg2[%dma_start3A_39, %dma_start3A_40] : memref<10000x128xf32, #tpu.memory_space<hbm>> -> memref<400x128xf32, #tpu.memory_space<hbm>>
        tpu.enqueue_dma source(%dma_start3A_41 : memref<400x128xf32, #tpu.memory_space<hbm>>) target(%dma_start3A_38 : memref<400x128xf32, #tpu.memory_space<vmem_shared>>) target_semaphore(%run_scoped3A_35 : memref<!tpu.dma_semaphore, #tpu.memory_space<semaphore_mem>>)
        %dma_wait3A = arith.constant 9600 : i32
        %dma_wait3A_42 = arith.constant 0 : i32
        %dma_wait3A_43 = tpu.memref_slice %arg11[%dma_wait3A, %dma_wait3A_42] : memref<10240x128xf32, #tpu.memory_space<vmem_shared>> -> memref<400x128xf32, #tpu.memory_space<vmem_shared>>
        %dma_wait3A_44 = arith.constant 9600 : i32
        %dma_wait3A_45 = arith.constant 0 : i32
        %dma_wait3A_46 = tpu.memref_slice %arg2[%dma_wait3A_44, %dma_wait3A_45] : memref<10000x128xf32, #tpu.memory_space<hbm>> -> memref<400x128xf32, #tpu.memory_space<hbm>>
        tpu.wait_dma2 semaphore(%run_scoped3A_35 : memref<!tpu.dma_semaphore, #tpu.memory_space<semaphore_mem>>) src(%dma_wait3A_46 : memref<400x128xf32, #tpu.memory_space<hbm>>) dst(%dma_wait3A_43 : memref<400x128xf32, #tpu.memory_space<vmem_shared>>)
        tpu.yield
      }) : () -> ()
    } else {
    }
    %barrier3A = arith.constant 0 : index
    tpu.barrier barrier_id(%barrier3A)
    %dma_start3A = arith.constant 0 : i32
    %dma_start3A_7 = arith.constant 0 : i32
    %dma_start3A_8 = tpu.memref_slice %arg6[%dma_start3A, %dma_start3A_7] : memref<80x128xi32, #tpu.memory_space<vmem>> -> memref<1x128xi32, #tpu.memory_space<vmem>>
    %dma_start3A_9 = tpu.memref_squeeze %dma_start3A_8 : memref<1x128xi32, #tpu.memory_space<vmem>> -> memref<128xi32, #tpu.memory_space<vmem>>
    %dma_start3A_10 = arith.constant 0 : i32
    %dma_start3A_11 = arith.constant 0 : i32
    %dma_start3A_12 = tpu.memref_slice %arg2[%dma_start3A_10, %dma_start3A_11] : memref<10000x128xf32, #tpu.memory_space<hbm>> -> memref<10000x128xf32, #tpu.memory_space<hbm>>
    tpu.enqueue_indirect_dma source(%dma_start3A_12 : memref<10000x128xf32, #tpu.memory_space<hbm>>) target(%arg9 : memref<128x128xf32, #tpu.memory_space<vmem>>) offsets(%dma_start3A_9 : memref<128xi32, #tpu.memory_space<vmem>>) semaphore(%arg12 : memref<!tpu.dma_semaphore, #tpu.memory_space<semaphore_mem>>)
    %dma_start3A_13 = arith.constant 1 : i32
    %dma_start3A_14 = arith.constant 0 : i32
    %dma_start3A_15 = tpu.memref_slice %arg6[%dma_start3A_13, %dma_start3A_14] : memref<80x128xi32, #tpu.memory_space<vmem>> -> memref<1x128xi32, #tpu.memory_space<vmem>>
    %dma_start3A_16 = tpu.memref_squeeze %dma_start3A_15 : memref<1x128xi32, #tpu.memory_space<vmem>> -> memref<128xi32, #tpu.memory_space<vmem>>
    %dma_start3A_17 = arith.constant 0 : i32
    %dma_start3A_18 = arith.constant 0 : i32
    %dma_start3A_19 = tpu.memref_slice %arg2[%dma_start3A_17, %dma_start3A_18] : memref<10000x128xf32, #tpu.memory_space<hbm>> -> memref<10000x128xf32, #tpu.memory_space<hbm>>
    tpu.enqueue_indirect_dma source(%dma_start3A_19 : memref<10000x128xf32, #tpu.memory_space<hbm>>) target(%arg10 : memref<128x128xf32, #tpu.memory_space<vmem>>) offsets(%dma_start3A_16 : memref<128xi32, #tpu.memory_space<vmem>>) semaphore(%arg13 : memref<!tpu.dma_semaphore, #tpu.memory_space<semaphore_mem>>)
    %scan3A = arith.constant 0 : i32
    %scan3A_20 = arith.constant 5 : i32
    %scan3A_21 = arith.addi %scan3A, %scan3A_20 : i32
    %scan3A_22 = arith.constant 1 : i32
    scf.for %scan3A_35 = %scan3A to %scan3A_21 step %scan3A_22  : i32 {
      %mul3A_36 = arith.constant 1 : i32
      %mul3A_37 = arith.muli %scan3A_35, %mul3A_36 : i32
      %add3A_38 = arith.constant 0 : i32
      %add3A_39 = arith.addi %add3A_38, %mul3A_37 : i32
      %mul3A_40 = arith.constant 2 : i32
      %mul3A_41 = arith.muli %add3A_39, %mul3A_40 : i32
      %add3A_42 = arith.constant 0 : i32
      %add3A_43 = arith.addi %mul3A_41, %add3A_42 : i32
      %add3A_44 = arith.constant 1 : i32
      %add3A_45 = arith.addi %add3A_43, %add3A_44 : i32
      %lt3A_46 = arith.constant 10 : i32
      %lt3A_47 = arith.cmpi slt, %add3A_45, %lt3A_46 : i32
      %convert_element_type3A_48 = arith.extui %lt3A_47 : i1 to i32
      %cond3A_49 = arith.constant 0 : i32
      %cond3A_50 = arith.cmpi ne, %convert_element_type3A_48, %cond3A_49 : i32
      scf.if %cond3A_50 {
        %add3A_358 = arith.constant 1 : i32
        %add3A_359 = arith.addi %add3A_43, %add3A_358 : i32
        %dma_start3A_360 = arith.constant 0 : i32
        %dma_start3A_361 = arith.constant 0 : i32
        %dma_start3A_362 = tpu.memref_slice %arg4[%add3A, %add3A_359, %dma_start3A_360, %dma_start3A_361] : memref<32x10x8x128xi32, #tpu.memory_space<hbm>> -> memref<1x1x8x128xi32, #tpu.memory_space<hbm>>
        %dma_start3A_363 = tpu.memref_squeeze %dma_start3A_362 : memref<1x1x8x128xi32, #tpu.memory_space<hbm>> -> memref<8x128xi32, #tpu.memory_space<hbm>>
        %dma_start3A_364 = arith.constant 0 : i32
        %dma_start3A_365 = arith.constant 0 : i32
        %dma_start3A_366 = tpu.memref_slice %arg4[%add3A, %add3A_359, %dma_start3A_364, %dma_start3A_365] : memref<32x10x8x128xi32, #tpu.memory_space<hbm>> -> memref<1x1x8x128xi32, #tpu.memory_space<hbm>>
        %dma_start3A_367 = tpu.memref_squeeze %dma_start3A_366 : memref<1x1x8x128xi32, #tpu.memory_space<hbm>> -> memref<8x128xi32, #tpu.memory_space<hbm>>
        tpu.enqueue_dma source(%dma_start3A_367 : memref<8x128xi32, #tpu.memory_space<hbm>>) target(%arg8 : memref<8x128xi32, #tpu.memory_space<vmem>>) target_semaphore(%arg15 : memref<!tpu.dma_semaphore, #tpu.memory_space<semaphore_mem>>)
      } else {
      }
      %gt3A = arith.constant 0 : i32
      %gt3A_51 = arith.cmpi sgt, %add3A_43, %gt3A : i32
      %convert_element_type3A_52 = arith.extui %gt3A_51 : i1 to i32
      %cond3A_53 = arith.constant 0 : i32
      %cond3A_54 = arith.cmpi ne, %convert_element_type3A_52, %cond3A_53 : i32
      scf.if %cond3A_54 {
        %dma_wait3A_358 = arith.constant 0 : i32
        %dma_wait3A_359 = arith.constant 0 : i32
        %dma_wait3A_360 = tpu.memref_slice %arg4[%add3A, %add3A_43, %dma_wait3A_358, %dma_wait3A_359] : memref<32x10x8x128xi32, #tpu.memory_space<hbm>> -> memref<1x1x8x128xi32, #tpu.memory_space<hbm>>
        %dma_wait3A_361 = tpu.memref_squeeze %dma_wait3A_360 : memref<1x1x8x128xi32, #tpu.memory_space<hbm>> -> memref<8x128xi32, #tpu.memory_space<hbm>>
        %dma_wait3A_362 = arith.constant 0 : i32
        %dma_wait3A_363 = arith.constant 0 : i32
        %dma_wait3A_364 = tpu.memref_slice %arg4[%add3A, %add3A_43, %dma_wait3A_362, %dma_wait3A_363] : memref<32x10x8x128xi32, #tpu.memory_space<hbm>> -> memref<1x1x8x128xi32, #tpu.memory_space<hbm>>
        %dma_wait3A_365 = tpu.memref_squeeze %dma_wait3A_364 : memref<1x1x8x128xi32, #tpu.memory_space<hbm>> -> memref<8x128xi32, #tpu.memory_space<hbm>>
        tpu.wait_dma2 semaphore(%arg14 : memref<!tpu.dma_semaphore, #tpu.memory_space<semaphore_mem>>) src(%dma_wait3A_365 : memref<8x128xi32, #tpu.memory_space<hbm>>) dst(%arg7 : memref<8x128xi32, #tpu.memory_space<vmem>>)
      } else {
      }
      %mul3A_55 = arith.constant 8 : i32
      %mul3A_56 = arith.muli %add3A_43, %mul3A_55 : i32
      %add3A_57 = arith.constant 0 : i32
      %add3A_58 = arith.addi %mul3A_56, %add3A_57 : i32
      %dma_wait3A = arith.constant 0 : i32
      %dma_wait3A_59 = tpu.memref_slice %arg6[%add3A_58, %dma_wait3A] : memref<80x128xi32, #tpu.memory_space<vmem>> -> memref<1x128xi32, #tpu.memory_space<vmem>>
      %dma_wait3A_60 = tpu.memref_squeeze %dma_wait3A_59 : memref<1x128xi32, #tpu.memory_space<vmem>> -> memref<128xi32, #tpu.memory_space<vmem>>
      %dma_wait3A_61 = arith.constant 0 : i32
      %dma_wait3A_62 = arith.constant 0 : i32
      %dma_wait3A_63 = tpu.memref_slice %arg2[%dma_wait3A_61, %dma_wait3A_62] : memref<10000x128xf32, #tpu.memory_space<hbm>> -> memref<10000x128xf32, #tpu.memory_space<hbm>>
      tpu.wait_indirect_dma semaphore(%arg12 : memref<!tpu.dma_semaphore, #tpu.memory_space<semaphore_mem>>) src(%dma_wait3A_63 : memref<10000x128xf32, #tpu.memory_space<hbm>>) dst(%arg9 : memref<128x128xf32, #tpu.memory_space<vmem>>)
      %run_scoped3A_64 = arith.constant 0 : i32
      "tpu.region"() ({
        %run_scoped3A_358 = tpu.sem_alloc : memref<!tpu.dma_semaphore, #tpu.memory_space<semaphore_mem>>
        %dma_start3A_359 = arith.constant 0 : i32
        %dma_start3A_360 = tpu.memref_slice %arg7[%run_scoped3A_64, %dma_start3A_359] : memref<8x128xi32, #tpu.memory_space<vmem>> -> memref<1x128xi32, #tpu.memory_space<vmem>>
        %dma_start3A_361 = tpu.memref_squeeze %dma_start3A_360 : memref<1x128xi32, #tpu.memory_space<vmem>> -> memref<128xi32, #tpu.memory_space<vmem>>
        %dma_start3A_362 = arith.constant 0 : i32
        %dma_start3A_363 = arith.constant 0 : i32
        %dma_start3A_364 = tpu.memref_slice %arg11[%dma_start3A_362, %dma_start3A_363] : memref<10240x128xf32, #tpu.memory_space<vmem_shared>> -> memref<10240x128xf32, #tpu.memory_space<vmem_shared>>
        tpu.enqueue_indirect_dma source(%arg9 : memref<128x128xf32, #tpu.memory_space<vmem>>) target(%dma_start3A_364 : memref<10240x128xf32, #tpu.memory_space<vmem_shared>>) offsets(%dma_start3A_361 : memref<128xi32, #tpu.memory_space<vmem>>) semaphore(%run_scoped3A_358 : memref<!tpu.dma_semaphore, #tpu.memory_space<semaphore_mem>>) {add = true}
        %dma_wait3A_365 = arith.constant 0 : i32
        %dma_wait3A_366 = tpu.memref_slice %arg7[%run_scoped3A_64, %dma_wait3A_365] : memref<8x128xi32, #tpu.memory_space<vmem>> -> memref<1x128xi32, #tpu.memory_space<vmem>>
        %dma_wait3A_367 = tpu.memref_squeeze %dma_wait3A_366 : memref<1x128xi32, #tpu.memory_space<vmem>> -> memref<128xi32, #tpu.memory_space<vmem>>
        %dma_wait3A_368 = arith.constant 0 : i32
        %dma_wait3A_369 = arith.constant 0 : i32
        %dma_wait3A_370 = tpu.memref_slice %arg11[%dma_wait3A_368, %dma_wait3A_369] : memref<10240x128xf32, #tpu.memory_space<vmem_shared>> -> memref<10240x128xf32, #tpu.memory_space<vmem_shared>>
        tpu.wait_indirect_dma semaphore(%run_scoped3A_358 : memref<!tpu.dma_semaphore, #tpu.memory_space<semaphore_mem>>) src(%arg9 : memref<128x128xf32, #tpu.memory_space<vmem>>) dst(%dma_wait3A_370 : memref<10240x128xf32, #tpu.memory_space<vmem_shared>>)
        tpu.yield
      }) : () -> ()
      %add3A_65 = arith.constant 2 : i32
      %add3A_66 = arith.addi %add3A_58, %add3A_65 : i32
      %lt3A_67 = arith.constant 80 : i32
      %lt3A_68 = arith.cmpi slt, %add3A_66, %lt3A_67 : i32
      %convert_element_type3A_69 = arith.extui %lt3A_68 : i1 to i32
      %cond3A_70 = arith.constant 0 : i32
      %cond3A_71 = arith.cmpi ne, %convert_element_type3A_69, %cond3A_70 : i32
      scf.if %cond3A_71 {
        %add3A_358 = arith.constant 2 : i32
        %add3A_359 = arith.addi %add3A_58, %add3A_358 : i32
        %dma_start3A_360 = arith.constant 0 : i32
        %dma_start3A_361 = tpu.memref_slice %arg6[%add3A_359, %dma_start3A_360] : memref<80x128xi32, #tpu.memory_space<vmem>> -> memref<1x128xi32, #tpu.memory_space<vmem>>
        %dma_start3A_362 = tpu.memref_squeeze %dma_start3A_361 : memref<1x128xi32, #tpu.memory_space<vmem>> -> memref<128xi32, #tpu.memory_space<vmem>>
        %dma_start3A_363 = arith.constant 0 : i32
        %dma_start3A_364 = arith.constant 0 : i32
        %dma_start3A_365 = tpu.memref_slice %arg2[%dma_start3A_363, %dma_start3A_364] : memref<10000x128xf32, #tpu.memory_space<hbm>> -> memref<10000x128xf32, #tpu.memory_space<hbm>>
        tpu.enqueue_indirect_dma source(%dma_start3A_365 : memref<10000x128xf32, #tpu.memory_space<hbm>>) target(%arg9 : memref<128x128xf32, #tpu.memory_space<vmem>>) offsets(%dma_start3A_362 : memref<128xi32, #tpu.memory_space<vmem>>) semaphore(%arg12 : memref<!tpu.dma_semaphore, #tpu.memory_space<semaphore_mem>>)
      } else {
      }
      %mul3A_72 = arith.constant 8 : i32
      %mul3A_73 = arith.muli %add3A_43, %mul3A_72 : i32
      %add3A_74 = arith.constant 1 : i32
      %add3A_75 = arith.addi %mul3A_73, %add3A_74 : i32
      %dma_wait3A_76 = arith.constant 0 : i32
      %dma_wait3A_77 = tpu.memref_slice %arg6[%add3A_75, %dma_wait3A_76] : memref<80x128xi32, #tpu.memory_space<vmem>> -> memref<1x128xi32, #tpu.memory_space<vmem>>
      %dma_wait3A_78 = tpu.memref_squeeze %dma_wait3A_77 : memref<1x128xi32, #tpu.memory_space<vmem>> -> memref<128xi32, #tpu.memory_space<vmem>>
      %dma_wait3A_79 = arith.constant 0 : i32
      %dma_wait3A_80 = arith.constant 0 : i32
      %dma_wait3A_81 = tpu.memref_slice %arg2[%dma_wait3A_79, %dma_wait3A_80] : memref<10000x128xf32, #tpu.memory_space<hbm>> -> memref<10000x128xf32, #tpu.memory_space<hbm>>
      tpu.wait_indirect_dma semaphore(%arg13 : memref<!tpu.dma_semaphore, #tpu.memory_space<semaphore_mem>>) src(%dma_wait3A_81 : memref<10000x128xf32, #tpu.memory_space<hbm>>) dst(%arg10 : memref<128x128xf32, #tpu.memory_space<vmem>>)
      %run_scoped3A_82 = arith.constant 1 : i32
      "tpu.region"() ({
        %run_scoped3A_358 = tpu.sem_alloc : memref<!tpu.dma_semaphore, #tpu.memory_space<semaphore_mem>>
        %dma_start3A_359 = arith.constant 0 : i32
        %dma_start3A_360 = tpu.memref_slice %arg7[%run_scoped3A_82, %dma_start3A_359] : memref<8x128xi32, #tpu.memory_space<vmem>> -> memref<1x128xi32, #tpu.memory_space<vmem>>
        %dma_start3A_361 = tpu.memref_squeeze %dma_start3A_360 : memref<1x128xi32, #tpu.memory_space<vmem>> -> memref<128xi32, #tpu.memory_space<vmem>>
        %dma_start3A_362 = arith.constant 0 : i32
        %dma_start3A_363 = arith.constant 0 : i32
        %dma_start3A_364 = tpu.memref_slice %arg11[%dma_start3A_362, %dma_start3A_363] : memref<10240x128xf32, #tpu.memory_space<vmem_shared>> -> memref<10240x128xf32, #tpu.memory_space<vmem_shared>>
        tpu.enqueue_indirect_dma source(%arg10 : memref<128x128xf32, #tpu.memory_space<vmem>>) target(%dma_start3A_364 : memref<10240x128xf32, #tpu.memory_space<vmem_shared>>) offsets(%dma_start3A_361 : memref<128xi32, #tpu.memory_space<vmem>>) semaphore(%run_scoped3A_358 : memref<!tpu.dma_semaphore, #tpu.memory_space<semaphore_mem>>) {add = true}
        %dma_wait3A_365 = arith.constant 0 : i32
        %dma_wait3A_366 = tpu.memref_slice %arg7[%run_scoped3A_82, %dma_wait3A_365] : memref<8x128xi32, #tpu.memory_space<vmem>> -> memref<1x128xi32, #tpu.memory_space<vmem>>
        %dma_wait3A_367 = tpu.memref_squeeze %dma_wait3A_366 : memref<1x128xi32, #tpu.memory_space<vmem>> -> memref<128xi32, #tpu.memory_space<vmem>>
        %dma_wait3A_368 = arith.constant 0 : i32
        %dma_wait3A_369 = arith.constant 0 : i32
        %dma_wait3A_370 = tpu.memref_slice %arg11[%dma_wait3A_368, %dma_wait3A_369] : memref<10240x128xf32, #tpu.memory_space<vmem_shared>> -> memref<10240x128xf32, #tpu.memory_space<vmem_shared>>
        tpu.wait_indirect_dma semaphore(%run_scoped3A_358 : memref<!tpu.dma_semaphore, #tpu.memory_space<semaphore_mem>>) src(%arg10 : memref<128x128xf32, #tpu.memory_space<vmem>>) dst(%dma_wait3A_370 : memref<10240x128xf32, #tpu.memory_space<vmem_shared>>)
        tpu.yield
      }) : () -> ()
      %add3A_83 = arith.constant 2 : i32
      %add3A_84 = arith.addi %add3A_75, %add3A_83 : i32
      %lt3A_85 = arith.constant 80 : i32
      %lt3A_86 = arith.cmpi slt, %add3A_84, %lt3A_85 : i32
      %convert_element_type3A_87 = arith.extui %lt3A_86 : i1 to i32
      %cond3A_88 = arith.constant 0 : i32
      %cond3A_89 = arith.cmpi ne, %convert_element_type3A_87, %cond3A_88 : i32
      scf.if %cond3A_89 {
        %add3A_358 = arith.constant 2 : i32
        %add3A_359 = arith.addi %add3A_75, %add3A_358 : i32
        %dma_start3A_360 = arith.constant 0 : i32
        %dma_start3A_361 = tpu.memref_slice %arg6[%add3A_359, %dma_start3A_360] : memref<80x128xi32, #tpu.memory_space<vmem>> -> memref<1x128xi32, #tpu.memory_space<vmem>>
        %dma_start3A_362 = tpu.memref_squeeze %dma_start3A_361 : memref<1x128xi32, #tpu.memory_space<vmem>> -> memref<128xi32, #tpu.memory_space<vmem>>
        %dma_start3A_363 = arith.constant 0 : i32
        %dma_start3A_364 = arith.constant 0 : i32
        %dma_start3A_365 = tpu.memref_slice %arg2[%dma_start3A_363, %dma_start3A_364] : memref<10000x128xf32, #tpu.memory_space<hbm>> -> memref<10000x128xf32, #tpu.memory_space<hbm>>
        tpu.enqueue_indirect_dma source(%dma_start3A_365 : memref<10000x128xf32, #tpu.memory_space<hbm>>) target(%arg10 : memref<128x128xf32, #tpu.memory_space<vmem>>) offsets(%dma_start3A_362 : memref<128xi32, #tpu.memory_space<vmem>>) semaphore(%arg13 : memref<!tpu.dma_semaphore, #tpu.memory_space<semaphore_mem>>)
      } else {
      }
      %mul3A_90 = arith.constant 8 : i32
      %mul3A_91 = arith.muli %add3A_43, %mul3A_90 : i32
      %add3A_92 = arith.constant 2 : i32
      %add3A_93 = arith.addi %mul3A_91, %add3A_92 : i32
      %dma_wait3A_94 = arith.constant 0 : i32
      %dma_wait3A_95 = tpu.memref_slice %arg6[%add3A_93, %dma_wait3A_94] : memref<80x128xi32, #tpu.memory_space<vmem>> -> memref<1x128xi32, #tpu.memory_space<vmem>>
      %dma_wait3A_96 = tpu.memref_squeeze %dma_wait3A_95 : memref<1x128xi32, #tpu.memory_space<vmem>> -> memref<128xi32, #tpu.memory_space<vmem>>
      %dma_wait3A_97 = arith.constant 0 : i32
      %dma_wait3A_98 = arith.constant 0 : i32
      %dma_wait3A_99 = tpu.memref_slice %arg2[%dma_wait3A_97, %dma_wait3A_98] : memref<10000x128xf32, #tpu.memory_space<hbm>> -> memref<10000x128xf32, #tpu.memory_space<hbm>>
      tpu.wait_indirect_dma semaphore(%arg12 : memref<!tpu.dma_semaphore, #tpu.memory_space<semaphore_mem>>) src(%dma_wait3A_99 : memref<10000x128xf32, #tpu.memory_space<hbm>>) dst(%arg9 : memref<128x128xf32, #tpu.memory_space<vmem>>)
      %run_scoped3A_100 = arith.constant 2 : i32
      "tpu.region"() ({
        %run_scoped3A_358 = tpu.sem_alloc : memref<!tpu.dma_semaphore, #tpu.memory_space<semaphore_mem>>
        %dma_start3A_359 = arith.constant 0 : i32
        %dma_start3A_360 = tpu.memref_slice %arg7[%run_scoped3A_100, %dma_start3A_359] : memref<8x128xi32, #tpu.memory_space<vmem>> -> memref<1x128xi32, #tpu.memory_space<vmem>>
        %dma_start3A_361 = tpu.memref_squeeze %dma_start3A_360 : memref<1x128xi32, #tpu.memory_space<vmem>> -> memref<128xi32, #tpu.memory_space<vmem>>
        %dma_start3A_362 = arith.constant 0 : i32
        %dma_start3A_363 = arith.constant 0 : i32
        %dma_start3A_364 = tpu.memref_slice %arg11[%dma_start3A_362, %dma_start3A_363] : memref<10240x128xf32, #tpu.memory_space<vmem_shared>> -> memref<10240x128xf32, #tpu.memory_space<vmem_shared>>
        tpu.enqueue_indirect_dma source(%arg9 : memref<128x128xf32, #tpu.memory_space<vmem>>) target(%dma_start3A_364 : memref<10240x128xf32, #tpu.memory_space<vmem_shared>>) offsets(%dma_start3A_361 : memref<128xi32, #tpu.memory_space<vmem>>) semaphore(%run_scoped3A_358 : memref<!tpu.dma_semaphore, #tpu.memory_space<semaphore_mem>>) {add = true}
        %dma_wait3A_365 = arith.constant 0 : i32
        %dma_wait3A_366 = tpu.memref_slice %arg7[%run_scoped3A_100, %dma_wait3A_365] : memref<8x128xi32, #tpu.memory_space<vmem>> -> memref<1x128xi32, #tpu.memory_space<vmem>>
        %dma_wait3A_367 = tpu.memref_squeeze %dma_wait3A_366 : memref<1x128xi32, #tpu.memory_space<vmem>> -> memref<128xi32, #tpu.memory_space<vmem>>
        %dma_wait3A_368 = arith.constant 0 : i32
        %dma_wait3A_369 = arith.constant 0 : i32
        %dma_wait3A_370 = tpu.memref_slice %arg11[%dma_wait3A_368, %dma_wait3A_369] : memref<10240x128xf32, #tpu.memory_space<vmem_shared>> -> memref<10240x128xf32, #tpu.memory_space<vmem_shared>>
        tpu.wait_indirect_dma semaphore(%run_scoped3A_358 : memref<!tpu.dma_semaphore, #tpu.memory_space<semaphore_mem>>) src(%arg9 : memref<128x128xf32, #tpu.memory_space<vmem>>) dst(%dma_wait3A_370 : memref<10240x128xf32, #tpu.memory_space<vmem_shared>>)
        tpu.yield
      }) : () -> ()
      %add3A_101 = arith.constant 2 : i32
      %add3A_102 = arith.addi %add3A_93, %add3A_101 : i32
      %lt3A_103 = arith.constant 80 : i32
      %lt3A_104 = arith.cmpi slt, %add3A_102, %lt3A_103 : i32
      %convert_element_type3A_105 = arith.extui %lt3A_104 : i1 to i32
      %cond3A_106 = arith.constant 0 : i32
      %cond3A_107 = arith.cmpi ne, %convert_element_type3A_105, %cond3A_106 : i32
      scf.if %cond3A_107 {
        %add3A_358 = arith.constant 2 : i32
        %add3A_359 = arith.addi %add3A_93, %add3A_358 : i32
        %dma_start3A_360 = arith.constant 0 : i32
        %dma_start3A_361 = tpu.memref_slice %arg6[%add3A_359, %dma_start3A_360] : memref<80x128xi32, #tpu.memory_space<vmem>> -> memref<1x128xi32, #tpu.memory_space<vmem>>
        %dma_start3A_362 = tpu.memref_squeeze %dma_start3A_361 : memref<1x128xi32, #tpu.memory_space<vmem>> -> memref<128xi32, #tpu.memory_space<vmem>>
        %dma_start3A_363 = arith.constant 0 : i32
        %dma_start3A_364 = arith.constant 0 : i32
        %dma_start3A_365 = tpu.memref_slice %arg2[%dma_start3A_363, %dma_start3A_364] : memref<10000x128xf32, #tpu.memory_space<hbm>> -> memref<10000x128xf32, #tpu.memory_space<hbm>>
        tpu.enqueue_indirect_dma source(%dma_start3A_365 : memref<10000x128xf32, #tpu.memory_space<hbm>>) target(%arg9 : memref<128x128xf32, #tpu.memory_space<vmem>>) offsets(%dma_start3A_362 : memref<128xi32, #tpu.memory_space<vmem>>) semaphore(%arg12 : memref<!tpu.dma_semaphore, #tpu.memory_space<semaphore_mem>>)
      } else {
      }
      %mul3A_108 = arith.constant 8 : i32
      %mul3A_109 = arith.muli %add3A_43, %mul3A_108 : i32
      %add3A_110 = arith.constant 3 : i32
      %add3A_111 = arith.addi %mul3A_109, %add3A_110 : i32
      %dma_wait3A_112 = arith.constant 0 : i32
      %dma_wait3A_113 = tpu.memref_slice %arg6[%add3A_111, %dma_wait3A_112] : memref<80x128xi32, #tpu.memory_space<vmem>> -> memref<1x128xi32, #tpu.memory_space<vmem>>
      %dma_wait3A_114 = tpu.memref_squeeze %dma_wait3A_113 : memref<1x128xi32, #tpu.memory_space<vmem>> -> memref<128xi32, #tpu.memory_space<vmem>>
      %dma_wait3A_115 = arith.constant 0 : i32
      %dma_wait3A_116 = arith.constant 0 : i32
      %dma_wait3A_117 = tpu.memref_slice %arg2[%dma_wait3A_115, %dma_wait3A_116] : memref<10000x128xf32, #tpu.memory_space<hbm>> -> memref<10000x128xf32, #tpu.memory_space<hbm>>
      tpu.wait_indirect_dma semaphore(%arg13 : memref<!tpu.dma_semaphore, #tpu.memory_space<semaphore_mem>>) src(%dma_wait3A_117 : memref<10000x128xf32, #tpu.memory_space<hbm>>) dst(%arg10 : memref<128x128xf32, #tpu.memory_space<vmem>>)
      %run_scoped3A_118 = arith.constant 3 : i32
      "tpu.region"() ({
        %run_scoped3A_358 = tpu.sem_alloc : memref<!tpu.dma_semaphore, #tpu.memory_space<semaphore_mem>>
        %dma_start3A_359 = arith.constant 0 : i32
        %dma_start3A_360 = tpu.memref_slice %arg7[%run_scoped3A_118, %dma_start3A_359] : memref<8x128xi32, #tpu.memory_space<vmem>> -> memref<1x128xi32, #tpu.memory_space<vmem>>
        %dma_start3A_361 = tpu.memref_squeeze %dma_start3A_360 : memref<1x128xi32, #tpu.memory_space<vmem>> -> memref<128xi32, #tpu.memory_space<vmem>>
        %dma_start3A_362 = arith.constant 0 : i32
        %dma_start3A_363 = arith.constant 0 : i32
        %dma_start3A_364 = tpu.memref_slice %arg11[%dma_start3A_362, %dma_start3A_363] : memref<10240x128xf32, #tpu.memory_space<vmem_shared>> -> memref<10240x128xf32, #tpu.memory_space<vmem_shared>>
        tpu.enqueue_indirect_dma source(%arg10 : memref<128x128xf32, #tpu.memory_space<vmem>>) target(%dma_start3A_364 : memref<10240x128xf32, #tpu.memory_space<vmem_shared>>) offsets(%dma_start3A_361 : memref<128xi32, #tpu.memory_space<vmem>>) semaphore(%run_scoped3A_358 : memref<!tpu.dma_semaphore, #tpu.memory_space<semaphore_mem>>) {add = true}
        %dma_wait3A_365 = arith.constant 0 : i32
        %dma_wait3A_366 = tpu.memref_slice %arg7[%run_scoped3A_118, %dma_wait3A_365] : memref<8x128xi32, #tpu.memory_space<vmem>> -> memref<1x128xi32, #tpu.memory_space<vmem>>
        %dma_wait3A_367 = tpu.memref_squeeze %dma_wait3A_366 : memref<1x128xi32, #tpu.memory_space<vmem>> -> memref<128xi32, #tpu.memory_space<vmem>>
        %dma_wait3A_368 = arith.constant 0 : i32
        %dma_wait3A_369 = arith.constant 0 : i32
        %dma_wait3A_370 = tpu.memref_slice %arg11[%dma_wait3A_368, %dma_wait3A_369] : memref<10240x128xf32, #tpu.memory_space<vmem_shared>> -> memref<10240x128xf32, #tpu.memory_space<vmem_shared>>
        tpu.wait_indirect_dma semaphore(%run_scoped3A_358 : memref<!tpu.dma_semaphore, #tpu.memory_space<semaphore_mem>>) src(%arg10 : memref<128x128xf32, #tpu.memory_space<vmem>>) dst(%dma_wait3A_370 : memref<10240x128xf32, #tpu.memory_space<vmem_shared>>)
        tpu.yield
      }) : () -> ()
      %add3A_119 = arith.constant 2 : i32
      %add3A_120 = arith.addi %add3A_111, %add3A_119 : i32
      %lt3A_121 = arith.constant 80 : i32
      %lt3A_122 = arith.cmpi slt, %add3A_120, %lt3A_121 : i32
      %convert_element_type3A_123 = arith.extui %lt3A_122 : i1 to i32
      %cond3A_124 = arith.constant 0 : i32
      %cond3A_125 = arith.cmpi ne, %convert_element_type3A_123, %cond3A_124 : i32
      scf.if %cond3A_125 {
        %add3A_358 = arith.constant 2 : i32
        %add3A_359 = arith.addi %add3A_111, %add3A_358 : i32
        %dma_start3A_360 = arith.constant 0 : i32
        %dma_start3A_361 = tpu.memref_slice %arg6[%add3A_359, %dma_start3A_360] : memref<80x128xi32, #tpu.memory_space<vmem>> -> memref<1x128xi32, #tpu.memory_space<vmem>>
        %dma_start3A_362 = tpu.memref_squeeze %dma_start3A_361 : memref<1x128xi32, #tpu.memory_space<vmem>> -> memref<128xi32, #tpu.memory_space<vmem>>
        %dma_start3A_363 = arith.constant 0 : i32
        %dma_start3A_364 = arith.constant 0 : i32
        %dma_start3A_365 = tpu.memref_slice %arg2[%dma_start3A_363, %dma_start3A_364] : memref<10000x128xf32, #tpu.memory_space<hbm>> -> memref<10000x128xf32, #tpu.memory_space<hbm>>
        tpu.enqueue_indirect_dma source(%dma_start3A_365 : memref<10000x128xf32, #tpu.memory_space<hbm>>) target(%arg10 : memref<128x128xf32, #tpu.memory_space<vmem>>) offsets(%dma_start3A_362 : memref<128xi32, #tpu.memory_space<vmem>>) semaphore(%arg13 : memref<!tpu.dma_semaphore, #tpu.memory_space<semaphore_mem>>)
      } else {
      }
      %mul3A_126 = arith.constant 8 : i32
      %mul3A_127 = arith.muli %add3A_43, %mul3A_126 : i32
      %add3A_128 = arith.constant 4 : i32
      %add3A_129 = arith.addi %mul3A_127, %add3A_128 : i32
      %dma_wait3A_130 = arith.constant 0 : i32
      %dma_wait3A_131 = tpu.memref_slice %arg6[%add3A_129, %dma_wait3A_130] : memref<80x128xi32, #tpu.memory_space<vmem>> -> memref<1x128xi32, #tpu.memory_space<vmem>>
      %dma_wait3A_132 = tpu.memref_squeeze %dma_wait3A_131 : memref<1x128xi32, #tpu.memory_space<vmem>> -> memref<128xi32, #tpu.memory_space<vmem>>
      %dma_wait3A_133 = arith.constant 0 : i32
      %dma_wait3A_134 = arith.constant 0 : i32
      %dma_wait3A_135 = tpu.memref_slice %arg2[%dma_wait3A_133, %dma_wait3A_134] : memref<10000x128xf32, #tpu.memory_space<hbm>> -> memref<10000x128xf32, #tpu.memory_space<hbm>>
      tpu.wait_indirect_dma semaphore(%arg12 : memref<!tpu.dma_semaphore, #tpu.memory_space<semaphore_mem>>) src(%dma_wait3A_135 : memref<10000x128xf32, #tpu.memory_space<hbm>>) dst(%arg9 : memref<128x128xf32, #tpu.memory_space<vmem>>)
      %run_scoped3A_136 = arith.constant 4 : i32
      "tpu.region"() ({
        %run_scoped3A_358 = tpu.sem_alloc : memref<!tpu.dma_semaphore, #tpu.memory_space<semaphore_mem>>
        %dma_start3A_359 = arith.constant 0 : i32
        %dma_start3A_360 = tpu.memref_slice %arg7[%run_scoped3A_136, %dma_start3A_359] : memref<8x128xi32, #tpu.memory_space<vmem>> -> memref<1x128xi32, #tpu.memory_space<vmem>>
        %dma_start3A_361 = tpu.memref_squeeze %dma_start3A_360 : memref<1x128xi32, #tpu.memory_space<vmem>> -> memref<128xi32, #tpu.memory_space<vmem>>
        %dma_start3A_362 = arith.constant 0 : i32
        %dma_start3A_363 = arith.constant 0 : i32
        %dma_start3A_364 = tpu.memref_slice %arg11[%dma_start3A_362, %dma_start3A_363] : memref<10240x128xf32, #tpu.memory_space<vmem_shared>> -> memref<10240x128xf32, #tpu.memory_space<vmem_shared>>
        tpu.enqueue_indirect_dma source(%arg9 : memref<128x128xf32, #tpu.memory_space<vmem>>) target(%dma_start3A_364 : memref<10240x128xf32, #tpu.memory_space<vmem_shared>>) offsets(%dma_start3A_361 : memref<128xi32, #tpu.memory_space<vmem>>) semaphore(%run_scoped3A_358 : memref<!tpu.dma_semaphore, #tpu.memory_space<semaphore_mem>>) {add = true}
        %dma_wait3A_365 = arith.constant 0 : i32
        %dma_wait3A_366 = tpu.memref_slice %arg7[%run_scoped3A_136, %dma_wait3A_365] : memref<8x128xi32, #tpu.memory_space<vmem>> -> memref<1x128xi32, #tpu.memory_space<vmem>>
        %dma_wait3A_367 = tpu.memref_squeeze %dma_wait3A_366 : memref<1x128xi32, #tpu.memory_space<vmem>> -> memref<128xi32, #tpu.memory_space<vmem>>
        %dma_wait3A_368 = arith.constant 0 : i32
        %dma_wait3A_369 = arith.constant 0 : i32
        %dma_wait3A_370 = tpu.memref_slice %arg11[%dma_wait3A_368, %dma_wait3A_369] : memref<10240x128xf32, #tpu.memory_space<vmem_shared>> -> memref<10240x128xf32, #tpu.memory_space<vmem_shared>>
        tpu.wait_indirect_dma semaphore(%run_scoped3A_358 : memref<!tpu.dma_semaphore, #tpu.memory_space<semaphore_mem>>) src(%arg9 : memref<128x128xf32, #tpu.memory_space<vmem>>) dst(%dma_wait3A_370 : memref<10240x128xf32, #tpu.memory_space<vmem_shared>>)
        tpu.yield
      }) : () -> ()
      %add3A_137 = arith.constant 2 : i32
      %add3A_138 = arith.addi %add3A_129, %add3A_137 : i32
      %lt3A_139 = arith.constant 80 : i32
      %lt3A_140 = arith.cmpi slt, %add3A_138, %lt3A_139 : i32
      %convert_element_type3A_141 = arith.extui %lt3A_140 : i1 to i32
      %cond3A_142 = arith.constant 0 : i32
      %cond3A_143 = arith.cmpi ne, %convert_element_type3A_141, %cond3A_142 : i32
      scf.if %cond3A_143 {
        %add3A_358 = arith.constant 2 : i32
        %add3A_359 = arith.addi %add3A_129, %add3A_358 : i32
        %dma_start3A_360 = arith.constant 0 : i32
        %dma_start3A_361 = tpu.memref_slice %arg6[%add3A_359, %dma_start3A_360] : memref<80x128xi32, #tpu.memory_space<vmem>> -> memref<1x128xi32, #tpu.memory_space<vmem>>
        %dma_start3A_362 = tpu.memref_squeeze %dma_start3A_361 : memref<1x128xi32, #tpu.memory_space<vmem>> -> memref<128xi32, #tpu.memory_space<vmem>>
        %dma_start3A_363 = arith.constant 0 : i32
        %dma_start3A_364 = arith.constant 0 : i32
        %dma_start3A_365 = tpu.memref_slice %arg2[%dma_start3A_363, %dma_start3A_364] : memref<10000x128xf32, #tpu.memory_space<hbm>> -> memref<10000x128xf32, #tpu.memory_space<hbm>>
        tpu.enqueue_indirect_dma source(%dma_start3A_365 : memref<10000x128xf32, #tpu.memory_space<hbm>>) target(%arg9 : memref<128x128xf32, #tpu.memory_space<vmem>>) offsets(%dma_start3A_362 : memref<128xi32, #tpu.memory_space<vmem>>) semaphore(%arg12 : memref<!tpu.dma_semaphore, #tpu.memory_space<semaphore_mem>>)
      } else {
      }
      %mul3A_144 = arith.constant 8 : i32
      %mul3A_145 = arith.muli %add3A_43, %mul3A_144 : i32
      %add3A_146 = arith.constant 5 : i32
      %add3A_147 = arith.addi %mul3A_145, %add3A_146 : i32
      %dma_wait3A_148 = arith.constant 0 : i32
      %dma_wait3A_149 = tpu.memref_slice %arg6[%add3A_147, %dma_wait3A_148] : memref<80x128xi32, #tpu.memory_space<vmem>> -> memref<1x128xi32, #tpu.memory_space<vmem>>
      %dma_wait3A_150 = tpu.memref_squeeze %dma_wait3A_149 : memref<1x128xi32, #tpu.memory_space<vmem>> -> memref<128xi32, #tpu.memory_space<vmem>>
      %dma_wait3A_151 = arith.constant 0 : i32
      %dma_wait3A_152 = arith.constant 0 : i32
      %dma_wait3A_153 = tpu.memref_slice %arg2[%dma_wait3A_151, %dma_wait3A_152] : memref<10000x128xf32, #tpu.memory_space<hbm>> -> memref<10000x128xf32, #tpu.memory_space<hbm>>
      tpu.wait_indirect_dma semaphore(%arg13 : memref<!tpu.dma_semaphore, #tpu.memory_space<semaphore_mem>>) src(%dma_wait3A_153 : memref<10000x128xf32, #tpu.memory_space<hbm>>) dst(%arg10 : memref<128x128xf32, #tpu.memory_space<vmem>>)
      %run_scoped3A_154 = arith.constant 5 : i32
      "tpu.region"() ({
        %run_scoped3A_358 = tpu.sem_alloc : memref<!tpu.dma_semaphore, #tpu.memory_space<semaphore_mem>>
        %dma_start3A_359 = arith.constant 0 : i32
        %dma_start3A_360 = tpu.memref_slice %arg7[%run_scoped3A_154, %dma_start3A_359] : memref<8x128xi32, #tpu.memory_space<vmem>> -> memref<1x128xi32, #tpu.memory_space<vmem>>
        %dma_start3A_361 = tpu.memref_squeeze %dma_start3A_360 : memref<1x128xi32, #tpu.memory_space<vmem>> -> memref<128xi32, #tpu.memory_space<vmem>>
        %dma_start3A_362 = arith.constant 0 : i32
        %dma_start3A_363 = arith.constant 0 : i32
        %dma_start3A_364 = tpu.memref_slice %arg11[%dma_start3A_362, %dma_start3A_363] : memref<10240x128xf32, #tpu.memory_space<vmem_shared>> -> memref<10240x128xf32, #tpu.memory_space<vmem_shared>>
        tpu.enqueue_indirect_dma source(%arg10 : memref<128x128xf32, #tpu.memory_space<vmem>>) target(%dma_start3A_364 : memref<10240x128xf32, #tpu.memory_space<vmem_shared>>) offsets(%dma_start3A_361 : memref<128xi32, #tpu.memory_space<vmem>>) semaphore(%run_scoped3A_358 : memref<!tpu.dma_semaphore, #tpu.memory_space<semaphore_mem>>) {add = true}
        %dma_wait3A_365 = arith.constant 0 : i32
        %dma_wait3A_366 = tpu.memref_slice %arg7[%run_scoped3A_154, %dma_wait3A_365] : memref<8x128xi32, #tpu.memory_space<vmem>> -> memref<1x128xi32, #tpu.memory_space<vmem>>
        %dma_wait3A_367 = tpu.memref_squeeze %dma_wait3A_366 : memref<1x128xi32, #tpu.memory_space<vmem>> -> memref<128xi32, #tpu.memory_space<vmem>>
        %dma_wait3A_368 = arith.constant 0 : i32
        %dma_wait3A_369 = arith.constant 0 : i32
        %dma_wait3A_370 = tpu.memref_slice %arg11[%dma_wait3A_368, %dma_wait3A_369] : memref<10240x128xf32, #tpu.memory_space<vmem_shared>> -> memref<10240x128xf32, #tpu.memory_space<vmem_shared>>
        tpu.wait_indirect_dma semaphore(%run_scoped3A_358 : memref<!tpu.dma_semaphore, #tpu.memory_space<semaphore_mem>>) src(%arg10 : memref<128x128xf32, #tpu.memory_space<vmem>>) dst(%dma_wait3A_370 : memref<10240x128xf32, #tpu.memory_space<vmem_shared>>)
        tpu.yield
      }) : () -> ()
      %add3A_155 = arith.constant 2 : i32
      %add3A_156 = arith.addi %add3A_147, %add3A_155 : i32
      %lt3A_157 = arith.constant 80 : i32
      %lt3A_158 = arith.cmpi slt, %add3A_156, %lt3A_157 : i32
      %convert_element_type3A_159 = arith.extui %lt3A_158 : i1 to i32
      %cond3A_160 = arith.constant 0 : i32
      %cond3A_161 = arith.cmpi ne, %convert_element_type3A_159, %cond3A_160 : i32
      scf.if %cond3A_161 {
        %add3A_358 = arith.constant 2 : i32
        %add3A_359 = arith.addi %add3A_147, %add3A_358 : i32
        %dma_start3A_360 = arith.constant 0 : i32
        %dma_start3A_361 = tpu.memref_slice %arg6[%add3A_359, %dma_start3A_360] : memref<80x128xi32, #tpu.memory_space<vmem>> -> memref<1x128xi32, #tpu.memory_space<vmem>>
        %dma_start3A_362 = tpu.memref_squeeze %dma_start3A_361 : memref<1x128xi32, #tpu.memory_space<vmem>> -> memref<128xi32, #tpu.memory_space<vmem>>
        %dma_start3A_363 = arith.constant 0 : i32
        %dma_start3A_364 = arith.constant 0 : i32
        %dma_start3A_365 = tpu.memref_slice %arg2[%dma_start3A_363, %dma_start3A_364] : memref<10000x128xf32, #tpu.memory_space<hbm>> -> memref<10000x128xf32, #tpu.memory_space<hbm>>
        tpu.enqueue_indirect_dma source(%dma_start3A_365 : memref<10000x128xf32, #tpu.memory_space<hbm>>) target(%arg10 : memref<128x128xf32, #tpu.memory_space<vmem>>) offsets(%dma_start3A_362 : memref<128xi32, #tpu.memory_space<vmem>>) semaphore(%arg13 : memref<!tpu.dma_semaphore, #tpu.memory_space<semaphore_mem>>)
      } else {
      }
      %mul3A_162 = arith.constant 8 : i32
      %mul3A_163 = arith.muli %add3A_43, %mul3A_162 : i32
      %add3A_164 = arith.constant 6 : i32
      %add3A_165 = arith.addi %mul3A_163, %add3A_164 : i32
      %dma_wait3A_166 = arith.constant 0 : i32
      %dma_wait3A_167 = tpu.memref_slice %arg6[%add3A_165, %dma_wait3A_166] : memref<80x128xi32, #tpu.memory_space<vmem>> -> memref<1x128xi32, #tpu.memory_space<vmem>>
      %dma_wait3A_168 = tpu.memref_squeeze %dma_wait3A_167 : memref<1x128xi32, #tpu.memory_space<vmem>> -> memref<128xi32, #tpu.memory_space<vmem>>
      %dma_wait3A_169 = arith.constant 0 : i32
      %dma_wait3A_170 = arith.constant 0 : i32
      %dma_wait3A_171 = tpu.memref_slice %arg2[%dma_wait3A_169, %dma_wait3A_170] : memref<10000x128xf32, #tpu.memory_space<hbm>> -> memref<10000x128xf32, #tpu.memory_space<hbm>>
      tpu.wait_indirect_dma semaphore(%arg12 : memref<!tpu.dma_semaphore, #tpu.memory_space<semaphore_mem>>) src(%dma_wait3A_171 : memref<10000x128xf32, #tpu.memory_space<hbm>>) dst(%arg9 : memref<128x128xf32, #tpu.memory_space<vmem>>)
      %run_scoped3A_172 = arith.constant 6 : i32
      "tpu.region"() ({
        %run_scoped3A_358 = tpu.sem_alloc : memref<!tpu.dma_semaphore, #tpu.memory_space<semaphore_mem>>
        %dma_start3A_359 = arith.constant 0 : i32
        %dma_start3A_360 = tpu.memref_slice %arg7[%run_scoped3A_172, %dma_start3A_359] : memref<8x128xi32, #tpu.memory_space<vmem>> -> memref<1x128xi32, #tpu.memory_space<vmem>>
        %dma_start3A_361 = tpu.memref_squeeze %dma_start3A_360 : memref<1x128xi32, #tpu.memory_space<vmem>> -> memref<128xi32, #tpu.memory_space<vmem>>
        %dma_start3A_362 = arith.constant 0 : i32
        %dma_start3A_363 = arith.constant 0 : i32
        %dma_start3A_364 = tpu.memref_slice %arg11[%dma_start3A_362, %dma_start3A_363] : memref<10240x128xf32, #tpu.memory_space<vmem_shared>> -> memref<10240x128xf32, #tpu.memory_space<vmem_shared>>
        tpu.enqueue_indirect_dma source(%arg9 : memref<128x128xf32, #tpu.memory_space<vmem>>) target(%dma_start3A_364 : memref<10240x128xf32, #tpu.memory_space<vmem_shared>>) offsets(%dma_start3A_361 : memref<128xi32, #tpu.memory_space<vmem>>) semaphore(%run_scoped3A_358 : memref<!tpu.dma_semaphore, #tpu.memory_space<semaphore_mem>>) {add = true}
        %dma_wait3A_365 = arith.constant 0 : i32
        %dma_wait3A_366 = tpu.memref_slice %arg7[%run_scoped3A_172, %dma_wait3A_365] : memref<8x128xi32, #tpu.memory_space<vmem>> -> memref<1x128xi32, #tpu.memory_space<vmem>>
        %dma_wait3A_367 = tpu.memref_squeeze %dma_wait3A_366 : memref<1x128xi32, #tpu.memory_space<vmem>> -> memref<128xi32, #tpu.memory_space<vmem>>
        %dma_wait3A_368 = arith.constant 0 : i32
        %dma_wait3A_369 = arith.constant 0 : i32
        %dma_wait3A_370 = tpu.memref_slice %arg11[%dma_wait3A_368, %dma_wait3A_369] : memref<10240x128xf32, #tpu.memory_space<vmem_shared>> -> memref<10240x128xf32, #tpu.memory_space<vmem_shared>>
        tpu.wait_indirect_dma semaphore(%run_scoped3A_358 : memref<!tpu.dma_semaphore, #tpu.memory_space<semaphore_mem>>) src(%arg9 : memref<128x128xf32, #tpu.memory_space<vmem>>) dst(%dma_wait3A_370 : memref<10240x128xf32, #tpu.memory_space<vmem_shared>>)
        tpu.yield
      }) : () -> ()
      %add3A_173 = arith.constant 2 : i32
      %add3A_174 = arith.addi %add3A_165, %add3A_173 : i32
      %lt3A_175 = arith.constant 80 : i32
      %lt3A_176 = arith.cmpi slt, %add3A_174, %lt3A_175 : i32
      %convert_element_type3A_177 = arith.extui %lt3A_176 : i1 to i32
      %cond3A_178 = arith.constant 0 : i32
      %cond3A_179 = arith.cmpi ne, %convert_element_type3A_177, %cond3A_178 : i32
      scf.if %cond3A_179 {
        %add3A_358 = arith.constant 2 : i32
        %add3A_359 = arith.addi %add3A_165, %add3A_358 : i32
        %dma_start3A_360 = arith.constant 0 : i32
        %dma_start3A_361 = tpu.memref_slice %arg6[%add3A_359, %dma_start3A_360] : memref<80x128xi32, #tpu.memory_space<vmem>> -> memref<1x128xi32, #tpu.memory_space<vmem>>
        %dma_start3A_362 = tpu.memref_squeeze %dma_start3A_361 : memref<1x128xi32, #tpu.memory_space<vmem>> -> memref<128xi32, #tpu.memory_space<vmem>>
        %dma_start3A_363 = arith.constant 0 : i32
        %dma_start3A_364 = arith.constant 0 : i32
        %dma_start3A_365 = tpu.memref_slice %arg2[%dma_start3A_363, %dma_start3A_364] : memref<10000x128xf32, #tpu.memory_space<hbm>> -> memref<10000x128xf32, #tpu.memory_space<hbm>>
        tpu.enqueue_indirect_dma source(%dma_start3A_365 : memref<10000x128xf32, #tpu.memory_space<hbm>>) target(%arg9 : memref<128x128xf32, #tpu.memory_space<vmem>>) offsets(%dma_start3A_362 : memref<128xi32, #tpu.memory_space<vmem>>) semaphore(%arg12 : memref<!tpu.dma_semaphore, #tpu.memory_space<semaphore_mem>>)
      } else {
      }
      %mul3A_180 = arith.constant 8 : i32
      %mul3A_181 = arith.muli %add3A_43, %mul3A_180 : i32
      %add3A_182 = arith.constant 7 : i32
      %add3A_183 = arith.addi %mul3A_181, %add3A_182 : i32
      %dma_wait3A_184 = arith.constant 0 : i32
      %dma_wait3A_185 = tpu.memref_slice %arg6[%add3A_183, %dma_wait3A_184] : memref<80x128xi32, #tpu.memory_space<vmem>> -> memref<1x128xi32, #tpu.memory_space<vmem>>
      %dma_wait3A_186 = tpu.memref_squeeze %dma_wait3A_185 : memref<1x128xi32, #tpu.memory_space<vmem>> -> memref<128xi32, #tpu.memory_space<vmem>>
      %dma_wait3A_187 = arith.constant 0 : i32
      %dma_wait3A_188 = arith.constant 0 : i32
      %dma_wait3A_189 = tpu.memref_slice %arg2[%dma_wait3A_187, %dma_wait3A_188] : memref<10000x128xf32, #tpu.memory_space<hbm>> -> memref<10000x128xf32, #tpu.memory_space<hbm>>
      tpu.wait_indirect_dma semaphore(%arg13 : memref<!tpu.dma_semaphore, #tpu.memory_space<semaphore_mem>>) src(%dma_wait3A_189 : memref<10000x128xf32, #tpu.memory_space<hbm>>) dst(%arg10 : memref<128x128xf32, #tpu.memory_space<vmem>>)
      %run_scoped3A_190 = arith.constant 7 : i32
      "tpu.region"() ({
        %run_scoped3A_358 = tpu.sem_alloc : memref<!tpu.dma_semaphore, #tpu.memory_space<semaphore_mem>>
        %dma_start3A_359 = arith.constant 0 : i32
        %dma_start3A_360 = tpu.memref_slice %arg7[%run_scoped3A_190, %dma_start3A_359] : memref<8x128xi32, #tpu.memory_space<vmem>> -> memref<1x128xi32, #tpu.memory_space<vmem>>
        %dma_start3A_361 = tpu.memref_squeeze %dma_start3A_360 : memref<1x128xi32, #tpu.memory_space<vmem>> -> memref<128xi32, #tpu.memory_space<vmem>>
        %dma_start3A_362 = arith.constant 0 : i32
        %dma_start3A_363 = arith.constant 0 : i32
        %dma_start3A_364 = tpu.memref_slice %arg11[%dma_start3A_362, %dma_start3A_363] : memref<10240x128xf32, #tpu.memory_space<vmem_shared>> -> memref<10240x128xf32, #tpu.memory_space<vmem_shared>>
        tpu.enqueue_indirect_dma source(%arg10 : memref<128x128xf32, #tpu.memory_space<vmem>>) target(%dma_start3A_364 : memref<10240x128xf32, #tpu.memory_space<vmem_shared>>) offsets(%dma_start3A_361 : memref<128xi32, #tpu.memory_space<vmem>>) semaphore(%run_scoped3A_358 : memref<!tpu.dma_semaphore, #tpu.memory_space<semaphore_mem>>) {add = true}
        %dma_wait3A_365 = arith.constant 0 : i32
        %dma_wait3A_366 = tpu.memref_slice %arg7[%run_scoped3A_190, %dma_wait3A_365] : memref<8x128xi32, #tpu.memory_space<vmem>> -> memref<1x128xi32, #tpu.memory_space<vmem>>
        %dma_wait3A_367 = tpu.memref_squeeze %dma_wait3A_366 : memref<1x128xi32, #tpu.memory_space<vmem>> -> memref<128xi32, #tpu.memory_space<vmem>>
        %dma_wait3A_368 = arith.constant 0 : i32
        %dma_wait3A_369 = arith.constant 0 : i32
        %dma_wait3A_370 = tpu.memref_slice %arg11[%dma_wait3A_368, %dma_wait3A_369] : memref<10240x128xf32, #tpu.memory_space<vmem_shared>> -> memref<10240x128xf32, #tpu.memory_space<vmem_shared>>
        tpu.wait_indirect_dma semaphore(%run_scoped3A_358 : memref<!tpu.dma_semaphore, #tpu.memory_space<semaphore_mem>>) src(%arg10 : memref<128x128xf32, #tpu.memory_space<vmem>>) dst(%dma_wait3A_370 : memref<10240x128xf32, #tpu.memory_space<vmem_shared>>)
        tpu.yield
      }) : () -> ()
      %add3A_191 = arith.constant 2 : i32
      %add3A_192 = arith.addi %add3A_183, %add3A_191 : i32
      %lt3A_193 = arith.constant 80 : i32
      %lt3A_194 = arith.cmpi slt, %add3A_192, %lt3A_193 : i32
      %convert_element_type3A_195 = arith.extui %lt3A_194 : i1 to i32
      %cond3A_196 = arith.constant 0 : i32
      %cond3A_197 = arith.cmpi ne, %convert_element_type3A_195, %cond3A_196 : i32
      scf.if %cond3A_197 {
        %add3A_358 = arith.constant 2 : i32
        %add3A_359 = arith.addi %add3A_183, %add3A_358 : i32
        %dma_start3A_360 = arith.constant 0 : i32
        %dma_start3A_361 = tpu.memref_slice %arg6[%add3A_359, %dma_start3A_360] : memref<80x128xi32, #tpu.memory_space<vmem>> -> memref<1x128xi32, #tpu.memory_space<vmem>>
        %dma_start3A_362 = tpu.memref_squeeze %dma_start3A_361 : memref<1x128xi32, #tpu.memory_space<vmem>> -> memref<128xi32, #tpu.memory_space<vmem>>
        %dma_start3A_363 = arith.constant 0 : i32
        %dma_start3A_364 = arith.constant 0 : i32
        %dma_start3A_365 = tpu.memref_slice %arg2[%dma_start3A_363, %dma_start3A_364] : memref<10000x128xf32, #tpu.memory_space<hbm>> -> memref<10000x128xf32, #tpu.memory_space<hbm>>
        tpu.enqueue_indirect_dma source(%dma_start3A_365 : memref<10000x128xf32, #tpu.memory_space<hbm>>) target(%arg10 : memref<128x128xf32, #tpu.memory_space<vmem>>) offsets(%dma_start3A_362 : memref<128xi32, #tpu.memory_space<vmem>>) semaphore(%arg13 : memref<!tpu.dma_semaphore, #tpu.memory_space<semaphore_mem>>)
      } else {
      }
      %mul3A_198 = arith.constant 2 : i32
      %mul3A_199 = arith.muli %add3A_39, %mul3A_198 : i32
      %add3A_200 = arith.constant 1 : i32
      %add3A_201 = arith.addi %mul3A_199, %add3A_200 : i32
      %add3A_202 = arith.constant 1 : i32
      %add3A_203 = arith.addi %add3A_201, %add3A_202 : i32
      %lt3A_204 = arith.constant 10 : i32
      %lt3A_205 = arith.cmpi slt, %add3A_203, %lt3A_204 : i32
      %convert_element_type3A_206 = arith.extui %lt3A_205 : i1 to i32
      %cond3A_207 = arith.constant 0 : i32
      %cond3A_208 = arith.cmpi ne, %convert_element_type3A_206, %cond3A_207 : i32
      scf.if %cond3A_208 {
        %add3A_358 = arith.constant 1 : i32
        %add3A_359 = arith.addi %add3A_201, %add3A_358 : i32
        %dma_start3A_360 = arith.constant 0 : i32
        %dma_start3A_361 = arith.constant 0 : i32
        %dma_start3A_362 = tpu.memref_slice %arg4[%add3A, %add3A_359, %dma_start3A_360, %dma_start3A_361] : memref<32x10x8x128xi32, #tpu.memory_space<hbm>> -> memref<1x1x8x128xi32, #tpu.memory_space<hbm>>
        %dma_start3A_363 = tpu.memref_squeeze %dma_start3A_362 : memref<1x1x8x128xi32, #tpu.memory_space<hbm>> -> memref<8x128xi32, #tpu.memory_space<hbm>>
        %dma_start3A_364 = arith.constant 0 : i32
        %dma_start3A_365 = arith.constant 0 : i32
        %dma_start3A_366 = tpu.memref_slice %arg4[%add3A, %add3A_359, %dma_start3A_364, %dma_start3A_365] : memref<32x10x8x128xi32, #tpu.memory_space<hbm>> -> memref<1x1x8x128xi32, #tpu.memory_space<hbm>>
        %dma_start3A_367 = tpu.memref_squeeze %dma_start3A_366 : memref<1x1x8x128xi32, #tpu.memory_space<hbm>> -> memref<8x128xi32, #tpu.memory_space<hbm>>
        tpu.enqueue_dma source(%dma_start3A_367 : memref<8x128xi32, #tpu.memory_space<hbm>>) target(%arg7 : memref<8x128xi32, #tpu.memory_space<vmem>>) target_semaphore(%arg14 : memref<!tpu.dma_semaphore, #tpu.memory_space<semaphore_mem>>)
      } else {
      }
      %gt3A_209 = arith.constant 0 : i32
      %gt3A_210 = arith.cmpi sgt, %add3A_201, %gt3A_209 : i32
      %convert_element_type3A_211 = arith.extui %gt3A_210 : i1 to i32
      %cond3A_212 = arith.constant 0 : i32
      %cond3A_213 = arith.cmpi ne, %convert_element_type3A_211, %cond3A_212 : i32
      scf.if %cond3A_213 {
        %dma_wait3A_358 = arith.constant 0 : i32
        %dma_wait3A_359 = arith.constant 0 : i32
        %dma_wait3A_360 = tpu.memref_slice %arg4[%add3A, %add3A_201, %dma_wait3A_358, %dma_wait3A_359] : memref<32x10x8x128xi32, #tpu.memory_space<hbm>> -> memref<1x1x8x128xi32, #tpu.memory_space<hbm>>
        %dma_wait3A_361 = tpu.memref_squeeze %dma_wait3A_360 : memref<1x1x8x128xi32, #tpu.memory_space<hbm>> -> memref<8x128xi32, #tpu.memory_space<hbm>>
        %dma_wait3A_362 = arith.constant 0 : i32
        %dma_wait3A_363 = arith.constant 0 : i32
        %dma_wait3A_364 = tpu.memref_slice %arg4[%add3A, %add3A_201, %dma_wait3A_362, %dma_wait3A_363] : memref<32x10x8x128xi32, #tpu.memory_space<hbm>> -> memref<1x1x8x128xi32, #tpu.memory_space<hbm>>
        %dma_wait3A_365 = tpu.memref_squeeze %dma_wait3A_364 : memref<1x1x8x128xi32, #tpu.memory_space<hbm>> -> memref<8x128xi32, #tpu.memory_space<hbm>>
        tpu.wait_dma2 semaphore(%arg15 : memref<!tpu.dma_semaphore, #tpu.memory_space<semaphore_mem>>) src(%dma_wait3A_365 : memref<8x128xi32, #tpu.memory_space<hbm>>) dst(%arg8 : memref<8x128xi32, #tpu.memory_space<vmem>>)
      } else {
      }
      %mul3A_214 = arith.constant 8 : i32
      %mul3A_215 = arith.muli %add3A_201, %mul3A_214 : i32
      %add3A_216 = arith.constant 0 : i32
      %add3A_217 = arith.addi %mul3A_215, %add3A_216 : i32
      %dma_wait3A_218 = arith.constant 0 : i32
      %dma_wait3A_219 = tpu.memref_slice %arg6[%add3A_217, %dma_wait3A_218] : memref<80x128xi32, #tpu.memory_space<vmem>> -> memref<1x128xi32, #tpu.memory_space<vmem>>
      %dma_wait3A_220 = tpu.memref_squeeze %dma_wait3A_219 : memref<1x128xi32, #tpu.memory_space<vmem>> -> memref<128xi32, #tpu.memory_space<vmem>>
      %dma_wait3A_221 = arith.constant 0 : i32
      %dma_wait3A_222 = arith.constant 0 : i32
      %dma_wait3A_223 = tpu.memref_slice %arg2[%dma_wait3A_221, %dma_wait3A_222] : memref<10000x128xf32, #tpu.memory_space<hbm>> -> memref<10000x128xf32, #tpu.memory_space<hbm>>
      tpu.wait_indirect_dma semaphore(%arg12 : memref<!tpu.dma_semaphore, #tpu.memory_space<semaphore_mem>>) src(%dma_wait3A_223 : memref<10000x128xf32, #tpu.memory_space<hbm>>) dst(%arg9 : memref<128x128xf32, #tpu.memory_space<vmem>>)
      %run_scoped3A_224 = arith.constant 0 : i32
      "tpu.region"() ({
        %run_scoped3A_358 = tpu.sem_alloc : memref<!tpu.dma_semaphore, #tpu.memory_space<semaphore_mem>>
        %dma_start3A_359 = arith.constant 0 : i32
        %dma_start3A_360 = tpu.memref_slice %arg8[%run_scoped3A_224, %dma_start3A_359] : memref<8x128xi32, #tpu.memory_space<vmem>> -> memref<1x128xi32, #tpu.memory_space<vmem>>
        %dma_start3A_361 = tpu.memref_squeeze %dma_start3A_360 : memref<1x128xi32, #tpu.memory_space<vmem>> -> memref<128xi32, #tpu.memory_space<vmem>>
        %dma_start3A_362 = arith.constant 0 : i32
        %dma_start3A_363 = arith.constant 0 : i32
        %dma_start3A_364 = tpu.memref_slice %arg11[%dma_start3A_362, %dma_start3A_363] : memref<10240x128xf32, #tpu.memory_space<vmem_shared>> -> memref<10240x128xf32, #tpu.memory_space<vmem_shared>>
        tpu.enqueue_indirect_dma source(%arg9 : memref<128x128xf32, #tpu.memory_space<vmem>>) target(%dma_start3A_364 : memref<10240x128xf32, #tpu.memory_space<vmem_shared>>) offsets(%dma_start3A_361 : memref<128xi32, #tpu.memory_space<vmem>>) semaphore(%run_scoped3A_358 : memref<!tpu.dma_semaphore, #tpu.memory_space<semaphore_mem>>) {add = true}
        %dma_wait3A_365 = arith.constant 0 : i32
        %dma_wait3A_366 = tpu.memref_slice %arg8[%run_scoped3A_224, %dma_wait3A_365] : memref<8x128xi32, #tpu.memory_space<vmem>> -> memref<1x128xi32, #tpu.memory_space<vmem>>
        %dma_wait3A_367 = tpu.memref_squeeze %dma_wait3A_366 : memref<1x128xi32, #tpu.memory_space<vmem>> -> memref<128xi32, #tpu.memory_space<vmem>>
        %dma_wait3A_368 = arith.constant 0 : i32
        %dma_wait3A_369 = arith.constant 0 : i32
        %dma_wait3A_370 = tpu.memref_slice %arg11[%dma_wait3A_368, %dma_wait3A_369] : memref<10240x128xf32, #tpu.memory_space<vmem_shared>> -> memref<10240x128xf32, #tpu.memory_space<vmem_shared>>
        tpu.wait_indirect_dma semaphore(%run_scoped3A_358 : memref<!tpu.dma_semaphore, #tpu.memory_space<semaphore_mem>>) src(%arg9 : memref<128x128xf32, #tpu.memory_space<vmem>>) dst(%dma_wait3A_370 : memref<10240x128xf32, #tpu.memory_space<vmem_shared>>)
        tpu.yield
      }) : () -> ()
      %add3A_225 = arith.constant 2 : i32
      %add3A_226 = arith.addi %add3A_217, %add3A_225 : i32
      %lt3A_227 = arith.constant 80 : i32
      %lt3A_228 = arith.cmpi slt, %add3A_226, %lt3A_227 : i32
      %convert_element_type3A_229 = arith.extui %lt3A_228 : i1 to i32
      %cond3A_230 = arith.constant 0 : i32
      %cond3A_231 = arith.cmpi ne, %convert_element_type3A_229, %cond3A_230 : i32
      scf.if %cond3A_231 {
        %add3A_358 = arith.constant 2 : i32
        %add3A_359 = arith.addi %add3A_217, %add3A_358 : i32
        %dma_start3A_360 = arith.constant 0 : i32
        %dma_start3A_361 = tpu.memref_slice %arg6[%add3A_359, %dma_start3A_360] : memref<80x128xi32, #tpu.memory_space<vmem>> -> memref<1x128xi32, #tpu.memory_space<vmem>>
        %dma_start3A_362 = tpu.memref_squeeze %dma_start3A_361 : memref<1x128xi32, #tpu.memory_space<vmem>> -> memref<128xi32, #tpu.memory_space<vmem>>
        %dma_start3A_363 = arith.constant 0 : i32
        %dma_start3A_364 = arith.constant 0 : i32
        %dma_start3A_365 = tpu.memref_slice %arg2[%dma_start3A_363, %dma_start3A_364] : memref<10000x128xf32, #tpu.memory_space<hbm>> -> memref<10000x128xf32, #tpu.memory_space<hbm>>
        tpu.enqueue_indirect_dma source(%dma_start3A_365 : memref<10000x128xf32, #tpu.memory_space<hbm>>) target(%arg9 : memref<128x128xf32, #tpu.memory_space<vmem>>) offsets(%dma_start3A_362 : memref<128xi32, #tpu.memory_space<vmem>>) semaphore(%arg12 : memref<!tpu.dma_semaphore, #tpu.memory_space<semaphore_mem>>)
      } else {
      }
      %mul3A_232 = arith.constant 8 : i32
      %mul3A_233 = arith.muli %add3A_201, %mul3A_232 : i32
      %add3A_234 = arith.constant 1 : i32
      %add3A_235 = arith.addi %mul3A_233, %add3A_234 : i32
      %dma_wait3A_236 = arith.constant 0 : i32
      %dma_wait3A_237 = tpu.memref_slice %arg6[%add3A_235, %dma_wait3A_236] : memref<80x128xi32, #tpu.memory_space<vmem>> -> memref<1x128xi32, #tpu.memory_space<vmem>>
      %dma_wait3A_238 = tpu.memref_squeeze %dma_wait3A_237 : memref<1x128xi32, #tpu.memory_space<vmem>> -> memref<128xi32, #tpu.memory_space<vmem>>
      %dma_wait3A_239 = arith.constant 0 : i32
      %dma_wait3A_240 = arith.constant 0 : i32
      %dma_wait3A_241 = tpu.memref_slice %arg2[%dma_wait3A_239, %dma_wait3A_240] : memref<10000x128xf32, #tpu.memory_space<hbm>> -> memref<10000x128xf32, #tpu.memory_space<hbm>>
      tpu.wait_indirect_dma semaphore(%arg13 : memref<!tpu.dma_semaphore, #tpu.memory_space<semaphore_mem>>) src(%dma_wait3A_241 : memref<10000x128xf32, #tpu.memory_space<hbm>>) dst(%arg10 : memref<128x128xf32, #tpu.memory_space<vmem>>)
      %run_scoped3A_242 = arith.constant 1 : i32
      "tpu.region"() ({
        %run_scoped3A_358 = tpu.sem_alloc : memref<!tpu.dma_semaphore, #tpu.memory_space<semaphore_mem>>
        %dma_start3A_359 = arith.constant 0 : i32
        %dma_start3A_360 = tpu.memref_slice %arg8[%run_scoped3A_242, %dma_start3A_359] : memref<8x128xi32, #tpu.memory_space<vmem>> -> memref<1x128xi32, #tpu.memory_space<vmem>>
        %dma_start3A_361 = tpu.memref_squeeze %dma_start3A_360 : memref<1x128xi32, #tpu.memory_space<vmem>> -> memref<128xi32, #tpu.memory_space<vmem>>
        %dma_start3A_362 = arith.constant 0 : i32
        %dma_start3A_363 = arith.constant 0 : i32
        %dma_start3A_364 = tpu.memref_slice %arg11[%dma_start3A_362, %dma_start3A_363] : memref<10240x128xf32, #tpu.memory_space<vmem_shared>> -> memref<10240x128xf32, #tpu.memory_space<vmem_shared>>
        tpu.enqueue_indirect_dma source(%arg10 : memref<128x128xf32, #tpu.memory_space<vmem>>) target(%dma_start3A_364 : memref<10240x128xf32, #tpu.memory_space<vmem_shared>>) offsets(%dma_start3A_361 : memref<128xi32, #tpu.memory_space<vmem>>) semaphore(%run_scoped3A_358 : memref<!tpu.dma_semaphore, #tpu.memory_space<semaphore_mem>>) {add = true}
        %dma_wait3A_365 = arith.constant 0 : i32
        %dma_wait3A_366 = tpu.memref_slice %arg8[%run_scoped3A_242, %dma_wait3A_365] : memref<8x128xi32, #tpu.memory_space<vmem>> -> memref<1x128xi32, #tpu.memory_space<vmem>>
        %dma_wait3A_367 = tpu.memref_squeeze %dma_wait3A_366 : memref<1x128xi32, #tpu.memory_space<vmem>> -> memref<128xi32, #tpu.memory_space<vmem>>
        %dma_wait3A_368 = arith.constant 0 : i32
        %dma_wait3A_369 = arith.constant 0 : i32
        %dma_wait3A_370 = tpu.memref_slice %arg11[%dma_wait3A_368, %dma_wait3A_369] : memref<10240x128xf32, #tpu.memory_space<vmem_shared>> -> memref<10240x128xf32, #tpu.memory_space<vmem_shared>>
        tpu.wait_indirect_dma semaphore(%run_scoped3A_358 : memref<!tpu.dma_semaphore, #tpu.memory_space<semaphore_mem>>) src(%arg10 : memref<128x128xf32, #tpu.memory_space<vmem>>) dst(%dma_wait3A_370 : memref<10240x128xf32, #tpu.memory_space<vmem_shared>>)
        tpu.yield
      }) : () -> ()
      %add3A_243 = arith.constant 2 : i32
      %add3A_244 = arith.addi %add3A_235, %add3A_243 : i32
      %lt3A_245 = arith.constant 80 : i32
      %lt3A_246 = arith.cmpi slt, %add3A_244, %lt3A_245 : i32
      %convert_element_type3A_247 = arith.extui %lt3A_246 : i1 to i32
      %cond3A_248 = arith.constant 0 : i32
      %cond3A_249 = arith.cmpi ne, %convert_element_type3A_247, %cond3A_248 : i32
      scf.if %cond3A_249 {
        %add3A_358 = arith.constant 2 : i32
        %add3A_359 = arith.addi %add3A_235, %add3A_358 : i32
        %dma_start3A_360 = arith.constant 0 : i32
        %dma_start3A_361 = tpu.memref_slice %arg6[%add3A_359, %dma_start3A_360] : memref<80x128xi32, #tpu.memory_space<vmem>> -> memref<1x128xi32, #tpu.memory_space<vmem>>
        %dma_start3A_362 = tpu.memref_squeeze %dma_start3A_361 : memref<1x128xi32, #tpu.memory_space<vmem>> -> memref<128xi32, #tpu.memory_space<vmem>>
        %dma_start3A_363 = arith.constant 0 : i32
        %dma_start3A_364 = arith.constant 0 : i32
        %dma_start3A_365 = tpu.memref_slice %arg2[%dma_start3A_363, %dma_start3A_364] : memref<10000x128xf32, #tpu.memory_space<hbm>> -> memref<10000x128xf32, #tpu.memory_space<hbm>>
        tpu.enqueue_indirect_dma source(%dma_start3A_365 : memref<10000x128xf32, #tpu.memory_space<hbm>>) target(%arg10 : memref<128x128xf32, #tpu.memory_space<vmem>>) offsets(%dma_start3A_362 : memref<128xi32, #tpu.memory_space<vmem>>) semaphore(%arg13 : memref<!tpu.dma_semaphore, #tpu.memory_space<semaphore_mem>>)
      } else {
      }
      %mul3A_250 = arith.constant 8 : i32
      %mul3A_251 = arith.muli %add3A_201, %mul3A_250 : i32
      %add3A_252 = arith.constant 2 : i32
      %add3A_253 = arith.addi %mul3A_251, %add3A_252 : i32
      %dma_wait3A_254 = arith.constant 0 : i32
      %dma_wait3A_255 = tpu.memref_slice %arg6[%add3A_253, %dma_wait3A_254] : memref<80x128xi32, #tpu.memory_space<vmem>> -> memref<1x128xi32, #tpu.memory_space<vmem>>
      %dma_wait3A_256 = tpu.memref_squeeze %dma_wait3A_255 : memref<1x128xi32, #tpu.memory_space<vmem>> -> memref<128xi32, #tpu.memory_space<vmem>>
      %dma_wait3A_257 = arith.constant 0 : i32
      %dma_wait3A_258 = arith.constant 0 : i32
      %dma_wait3A_259 = tpu.memref_slice %arg2[%dma_wait3A_257, %dma_wait3A_258] : memref<10000x128xf32, #tpu.memory_space<hbm>> -> memref<10000x128xf32, #tpu.memory_space<hbm>>
      tpu.wait_indirect_dma semaphore(%arg12 : memref<!tpu.dma_semaphore, #tpu.memory_space<semaphore_mem>>) src(%dma_wait3A_259 : memref<10000x128xf32, #tpu.memory_space<hbm>>) dst(%arg9 : memref<128x128xf32, #tpu.memory_space<vmem>>)
      %run_scoped3A_260 = arith.constant 2 : i32
      "tpu.region"() ({
        %run_scoped3A_358 = tpu.sem_alloc : memref<!tpu.dma_semaphore, #tpu.memory_space<semaphore_mem>>
        %dma_start3A_359 = arith.constant 0 : i32
        %dma_start3A_360 = tpu.memref_slice %arg8[%run_scoped3A_260, %dma_start3A_359] : memref<8x128xi32, #tpu.memory_space<vmem>> -> memref<1x128xi32, #tpu.memory_space<vmem>>
        %dma_start3A_361 = tpu.memref_squeeze %dma_start3A_360 : memref<1x128xi32, #tpu.memory_space<vmem>> -> memref<128xi32, #tpu.memory_space<vmem>>
        %dma_start3A_362 = arith.constant 0 : i32
        %dma_start3A_363 = arith.constant 0 : i32
        %dma_start3A_364 = tpu.memref_slice %arg11[%dma_start3A_362, %dma_start3A_363] : memref<10240x128xf32, #tpu.memory_space<vmem_shared>> -> memref<10240x128xf32, #tpu.memory_space<vmem_shared>>
        tpu.enqueue_indirect_dma source(%arg9 : memref<128x128xf32, #tpu.memory_space<vmem>>) target(%dma_start3A_364 : memref<10240x128xf32, #tpu.memory_space<vmem_shared>>) offsets(%dma_start3A_361 : memref<128xi32, #tpu.memory_space<vmem>>) semaphore(%run_scoped3A_358 : memref<!tpu.dma_semaphore, #tpu.memory_space<semaphore_mem>>) {add = true}
        %dma_wait3A_365 = arith.constant 0 : i32
        %dma_wait3A_366 = tpu.memref_slice %arg8[%run_scoped3A_260, %dma_wait3A_365] : memref<8x128xi32, #tpu.memory_space<vmem>> -> memref<1x128xi32, #tpu.memory_space<vmem>>
        %dma_wait3A_367 = tpu.memref_squeeze %dma_wait3A_366 : memref<1x128xi32, #tpu.memory_space<vmem>> -> memref<128xi32, #tpu.memory_space<vmem>>
        %dma_wait3A_368 = arith.constant 0 : i32
        %dma_wait3A_369 = arith.constant 0 : i32
        %dma_wait3A_370 = tpu.memref_slice %arg11[%dma_wait3A_368, %dma_wait3A_369] : memref<10240x128xf32, #tpu.memory_space<vmem_shared>> -> memref<10240x128xf32, #tpu.memory_space<vmem_shared>>
        tpu.wait_indirect_dma semaphore(%run_scoped3A_358 : memref<!tpu.dma_semaphore, #tpu.memory_space<semaphore_mem>>) src(%arg9 : memref<128x128xf32, #tpu.memory_space<vmem>>) dst(%dma_wait3A_370 : memref<10240x128xf32, #tpu.memory_space<vmem_shared>>)
        tpu.yield
      }) : () -> ()
      %add3A_261 = arith.constant 2 : i32
      %add3A_262 = arith.addi %add3A_253, %add3A_261 : i32
      %lt3A_263 = arith.constant 80 : i32
      %lt3A_264 = arith.cmpi slt, %add3A_262, %lt3A_263 : i32
      %convert_element_type3A_265 = arith.extui %lt3A_264 : i1 to i32
      %cond3A_266 = arith.constant 0 : i32
      %cond3A_267 = arith.cmpi ne, %convert_element_type3A_265, %cond3A_266 : i32
      scf.if %cond3A_267 {
        %add3A_358 = arith.constant 2 : i32
        %add3A_359 = arith.addi %add3A_253, %add3A_358 : i32
        %dma_start3A_360 = arith.constant 0 : i32
        %dma_start3A_361 = tpu.memref_slice %arg6[%add3A_359, %dma_start3A_360] : memref<80x128xi32, #tpu.memory_space<vmem>> -> memref<1x128xi32, #tpu.memory_space<vmem>>
        %dma_start3A_362 = tpu.memref_squeeze %dma_start3A_361 : memref<1x128xi32, #tpu.memory_space<vmem>> -> memref<128xi32, #tpu.memory_space<vmem>>
        %dma_start3A_363 = arith.constant 0 : i32
        %dma_start3A_364 = arith.constant 0 : i32
        %dma_start3A_365 = tpu.memref_slice %arg2[%dma_start3A_363, %dma_start3A_364] : memref<10000x128xf32, #tpu.memory_space<hbm>> -> memref<10000x128xf32, #tpu.memory_space<hbm>>
        tpu.enqueue_indirect_dma source(%dma_start3A_365 : memref<10000x128xf32, #tpu.memory_space<hbm>>) target(%arg9 : memref<128x128xf32, #tpu.memory_space<vmem>>) offsets(%dma_start3A_362 : memref<128xi32, #tpu.memory_space<vmem>>) semaphore(%arg12 : memref<!tpu.dma_semaphore, #tpu.memory_space<semaphore_mem>>)
      } else {
      }
      %mul3A_268 = arith.constant 8 : i32
      %mul3A_269 = arith.muli %add3A_201, %mul3A_268 : i32
      %add3A_270 = arith.constant 3 : i32
      %add3A_271 = arith.addi %mul3A_269, %add3A_270 : i32
      %dma_wait3A_272 = arith.constant 0 : i32
      %dma_wait3A_273 = tpu.memref_slice %arg6[%add3A_271, %dma_wait3A_272] : memref<80x128xi32, #tpu.memory_space<vmem>> -> memref<1x128xi32, #tpu.memory_space<vmem>>
      %dma_wait3A_274 = tpu.memref_squeeze %dma_wait3A_273 : memref<1x128xi32, #tpu.memory_space<vmem>> -> memref<128xi32, #tpu.memory_space<vmem>>
      %dma_wait3A_275 = arith.constant 0 : i32
      %dma_wait3A_276 = arith.constant 0 : i32
      %dma_wait3A_277 = tpu.memref_slice %arg2[%dma_wait3A_275, %dma_wait3A_276] : memref<10000x128xf32, #tpu.memory_space<hbm>> -> memref<10000x128xf32, #tpu.memory_space<hbm>>
      tpu.wait_indirect_dma semaphore(%arg13 : memref<!tpu.dma_semaphore, #tpu.memory_space<semaphore_mem>>) src(%dma_wait3A_277 : memref<10000x128xf32, #tpu.memory_space<hbm>>) dst(%arg10 : memref<128x128xf32, #tpu.memory_space<vmem>>)
      %run_scoped3A_278 = arith.constant 3 : i32
      "tpu.region"() ({
        %run_scoped3A_358 = tpu.sem_alloc : memref<!tpu.dma_semaphore, #tpu.memory_space<semaphore_mem>>
        %dma_start3A_359 = arith.constant 0 : i32
        %dma_start3A_360 = tpu.memref_slice %arg8[%run_scoped3A_278, %dma_start3A_359] : memref<8x128xi32, #tpu.memory_space<vmem>> -> memref<1x128xi32, #tpu.memory_space<vmem>>
        %dma_start3A_361 = tpu.memref_squeeze %dma_start3A_360 : memref<1x128xi32, #tpu.memory_space<vmem>> -> memref<128xi32, #tpu.memory_space<vmem>>
        %dma_start3A_362 = arith.constant 0 : i32
        %dma_start3A_363 = arith.constant 0 : i32
        %dma_start3A_364 = tpu.memref_slice %arg11[%dma_start3A_362, %dma_start3A_363] : memref<10240x128xf32, #tpu.memory_space<vmem_shared>> -> memref<10240x128xf32, #tpu.memory_space<vmem_shared>>
        tpu.enqueue_indirect_dma source(%arg10 : memref<128x128xf32, #tpu.memory_space<vmem>>) target(%dma_start3A_364 : memref<10240x128xf32, #tpu.memory_space<vmem_shared>>) offsets(%dma_start3A_361 : memref<128xi32, #tpu.memory_space<vmem>>) semaphore(%run_scoped3A_358 : memref<!tpu.dma_semaphore, #tpu.memory_space<semaphore_mem>>) {add = true}
        %dma_wait3A_365 = arith.constant 0 : i32
        %dma_wait3A_366 = tpu.memref_slice %arg8[%run_scoped3A_278, %dma_wait3A_365] : memref<8x128xi32, #tpu.memory_space<vmem>> -> memref<1x128xi32, #tpu.memory_space<vmem>>
        %dma_wait3A_367 = tpu.memref_squeeze %dma_wait3A_366 : memref<1x128xi32, #tpu.memory_space<vmem>> -> memref<128xi32, #tpu.memory_space<vmem>>
        %dma_wait3A_368 = arith.constant 0 : i32
        %dma_wait3A_369 = arith.constant 0 : i32
        %dma_wait3A_370 = tpu.memref_slice %arg11[%dma_wait3A_368, %dma_wait3A_369] : memref<10240x128xf32, #tpu.memory_space<vmem_shared>> -> memref<10240x128xf32, #tpu.memory_space<vmem_shared>>
        tpu.wait_indirect_dma semaphore(%run_scoped3A_358 : memref<!tpu.dma_semaphore, #tpu.memory_space<semaphore_mem>>) src(%arg10 : memref<128x128xf32, #tpu.memory_space<vmem>>) dst(%dma_wait3A_370 : memref<10240x128xf32, #tpu.memory_space<vmem_shared>>)
        tpu.yield
      }) : () -> ()
      %add3A_279 = arith.constant 2 : i32
      %add3A_280 = arith.addi %add3A_271, %add3A_279 : i32
      %lt3A_281 = arith.constant 80 : i32
      %lt3A_282 = arith.cmpi slt, %add3A_280, %lt3A_281 : i32
      %convert_element_type3A_283 = arith.extui %lt3A_282 : i1 to i32
      %cond3A_284 = arith.constant 0 : i32
      %cond3A_285 = arith.cmpi ne, %convert_element_type3A_283, %cond3A_284 : i32
      scf.if %cond3A_285 {
        %add3A_358 = arith.constant 2 : i32
        %add3A_359 = arith.addi %add3A_271, %add3A_358 : i32
        %dma_start3A_360 = arith.constant 0 : i32
        %dma_start3A_361 = tpu.memref_slice %arg6[%add3A_359, %dma_start3A_360] : memref<80x128xi32, #tpu.memory_space<vmem>> -> memref<1x128xi32, #tpu.memory_space<vmem>>
        %dma_start3A_362 = tpu.memref_squeeze %dma_start3A_361 : memref<1x128xi32, #tpu.memory_space<vmem>> -> memref<128xi32, #tpu.memory_space<vmem>>
        %dma_start3A_363 = arith.constant 0 : i32
        %dma_start3A_364 = arith.constant 0 : i32
        %dma_start3A_365 = tpu.memref_slice %arg2[%dma_start3A_363, %dma_start3A_364] : memref<10000x128xf32, #tpu.memory_space<hbm>> -> memref<10000x128xf32, #tpu.memory_space<hbm>>
        tpu.enqueue_indirect_dma source(%dma_start3A_365 : memref<10000x128xf32, #tpu.memory_space<hbm>>) target(%arg10 : memref<128x128xf32, #tpu.memory_space<vmem>>) offsets(%dma_start3A_362 : memref<128xi32, #tpu.memory_space<vmem>>) semaphore(%arg13 : memref<!tpu.dma_semaphore, #tpu.memory_space<semaphore_mem>>)
      } else {
      }
      %mul3A_286 = arith.constant 8 : i32
      %mul3A_287 = arith.muli %add3A_201, %mul3A_286 : i32
      %add3A_288 = arith.constant 4 : i32
      %add3A_289 = arith.addi %mul3A_287, %add3A_288 : i32
      %dma_wait3A_290 = arith.constant 0 : i32
      %dma_wait3A_291 = tpu.memref_slice %arg6[%add3A_289, %dma_wait3A_290] : memref<80x128xi32, #tpu.memory_space<vmem>> -> memref<1x128xi32, #tpu.memory_space<vmem>>
      %dma_wait3A_292 = tpu.memref_squeeze %dma_wait3A_291 : memref<1x128xi32, #tpu.memory_space<vmem>> -> memref<128xi32, #tpu.memory_space<vmem>>
      %dma_wait3A_293 = arith.constant 0 : i32
      %dma_wait3A_294 = arith.constant 0 : i32
      %dma_wait3A_295 = tpu.memref_slice %arg2[%dma_wait3A_293, %dma_wait3A_294] : memref<10000x128xf32, #tpu.memory_space<hbm>> -> memref<10000x128xf32, #tpu.memory_space<hbm>>
      tpu.wait_indirect_dma semaphore(%arg12 : memref<!tpu.dma_semaphore, #tpu.memory_space<semaphore_mem>>) src(%dma_wait3A_295 : memref<10000x128xf32, #tpu.memory_space<hbm>>) dst(%arg9 : memref<128x128xf32, #tpu.memory_space<vmem>>)
      %run_scoped3A_296 = arith.constant 4 : i32
      "tpu.region"() ({
        %run_scoped3A_358 = tpu.sem_alloc : memref<!tpu.dma_semaphore, #tpu.memory_space<semaphore_mem>>
        %dma_start3A_359 = arith.constant 0 : i32
        %dma_start3A_360 = tpu.memref_slice %arg8[%run_scoped3A_296, %dma_start3A_359] : memref<8x128xi32, #tpu.memory_space<vmem>> -> memref<1x128xi32, #tpu.memory_space<vmem>>
        %dma_start3A_361 = tpu.memref_squeeze %dma_start3A_360 : memref<1x128xi32, #tpu.memory_space<vmem>> -> memref<128xi32, #tpu.memory_space<vmem>>
        %dma_start3A_362 = arith.constant 0 : i32
        %dma_start3A_363 = arith.constant 0 : i32
        %dma_start3A_364 = tpu.memref_slice %arg11[%dma_start3A_362, %dma_start3A_363] : memref<10240x128xf32, #tpu.memory_space<vmem_shared>> -> memref<10240x128xf32, #tpu.memory_space<vmem_shared>>
        tpu.enqueue_indirect_dma source(%arg9 : memref<128x128xf32, #tpu.memory_space<vmem>>) target(%dma_start3A_364 : memref<10240x128xf32, #tpu.memory_space<vmem_shared>>) offsets(%dma_start3A_361 : memref<128xi32, #tpu.memory_space<vmem>>) semaphore(%run_scoped3A_358 : memref<!tpu.dma_semaphore, #tpu.memory_space<semaphore_mem>>) {add = true}
        %dma_wait3A_365 = arith.constant 0 : i32
        %dma_wait3A_366 = tpu.memref_slice %arg8[%run_scoped3A_296, %dma_wait3A_365] : memref<8x128xi32, #tpu.memory_space<vmem>> -> memref<1x128xi32, #tpu.memory_space<vmem>>
        %dma_wait3A_367 = tpu.memref_squeeze %dma_wait3A_366 : memref<1x128xi32, #tpu.memory_space<vmem>> -> memref<128xi32, #tpu.memory_space<vmem>>
        %dma_wait3A_368 = arith.constant 0 : i32
        %dma_wait3A_369 = arith.constant 0 : i32
        %dma_wait3A_370 = tpu.memref_slice %arg11[%dma_wait3A_368, %dma_wait3A_369] : memref<10240x128xf32, #tpu.memory_space<vmem_shared>> -> memref<10240x128xf32, #tpu.memory_space<vmem_shared>>
        tpu.wait_indirect_dma semaphore(%run_scoped3A_358 : memref<!tpu.dma_semaphore, #tpu.memory_space<semaphore_mem>>) src(%arg9 : memref<128x128xf32, #tpu.memory_space<vmem>>) dst(%dma_wait3A_370 : memref<10240x128xf32, #tpu.memory_space<vmem_shared>>)
        tpu.yield
      }) : () -> ()
      %add3A_297 = arith.constant 2 : i32
      %add3A_298 = arith.addi %add3A_289, %add3A_297 : i32
      %lt3A_299 = arith.constant 80 : i32
      %lt3A_300 = arith.cmpi slt, %add3A_298, %lt3A_299 : i32
      %convert_element_type3A_301 = arith.extui %lt3A_300 : i1 to i32
      %cond3A_302 = arith.constant 0 : i32
      %cond3A_303 = arith.cmpi ne, %convert_element_type3A_301, %cond3A_302 : i32
      scf.if %cond3A_303 {
        %add3A_358 = arith.constant 2 : i32
        %add3A_359 = arith.addi %add3A_289, %add3A_358 : i32
        %dma_start3A_360 = arith.constant 0 : i32
        %dma_start3A_361 = tpu.memref_slice %arg6[%add3A_359, %dma_start3A_360] : memref<80x128xi32, #tpu.memory_space<vmem>> -> memref<1x128xi32, #tpu.memory_space<vmem>>
        %dma_start3A_362 = tpu.memref_squeeze %dma_start3A_361 : memref<1x128xi32, #tpu.memory_space<vmem>> -> memref<128xi32, #tpu.memory_space<vmem>>
        %dma_start3A_363 = arith.constant 0 : i32
        %dma_start3A_364 = arith.constant 0 : i32
        %dma_start3A_365 = tpu.memref_slice %arg2[%dma_start3A_363, %dma_start3A_364] : memref<10000x128xf32, #tpu.memory_space<hbm>> -> memref<10000x128xf32, #tpu.memory_space<hbm>>
        tpu.enqueue_indirect_dma source(%dma_start3A_365 : memref<10000x128xf32, #tpu.memory_space<hbm>>) target(%arg9 : memref<128x128xf32, #tpu.memory_space<vmem>>) offsets(%dma_start3A_362 : memref<128xi32, #tpu.memory_space<vmem>>) semaphore(%arg12 : memref<!tpu.dma_semaphore, #tpu.memory_space<semaphore_mem>>)
      } else {
      }
      %mul3A_304 = arith.constant 8 : i32
      %mul3A_305 = arith.muli %add3A_201, %mul3A_304 : i32
      %add3A_306 = arith.constant 5 : i32
      %add3A_307 = arith.addi %mul3A_305, %add3A_306 : i32
      %dma_wait3A_308 = arith.constant 0 : i32
      %dma_wait3A_309 = tpu.memref_slice %arg6[%add3A_307, %dma_wait3A_308] : memref<80x128xi32, #tpu.memory_space<vmem>> -> memref<1x128xi32, #tpu.memory_space<vmem>>
      %dma_wait3A_310 = tpu.memref_squeeze %dma_wait3A_309 : memref<1x128xi32, #tpu.memory_space<vmem>> -> memref<128xi32, #tpu.memory_space<vmem>>
      %dma_wait3A_311 = arith.constant 0 : i32
      %dma_wait3A_312 = arith.constant 0 : i32
      %dma_wait3A_313 = tpu.memref_slice %arg2[%dma_wait3A_311, %dma_wait3A_312] : memref<10000x128xf32, #tpu.memory_space<hbm>> -> memref<10000x128xf32, #tpu.memory_space<hbm>>
      tpu.wait_indirect_dma semaphore(%arg13 : memref<!tpu.dma_semaphore, #tpu.memory_space<semaphore_mem>>) src(%dma_wait3A_313 : memref<10000x128xf32, #tpu.memory_space<hbm>>) dst(%arg10 : memref<128x128xf32, #tpu.memory_space<vmem>>)
      %run_scoped3A_314 = arith.constant 5 : i32
      "tpu.region"() ({
        %run_scoped3A_358 = tpu.sem_alloc : memref<!tpu.dma_semaphore, #tpu.memory_space<semaphore_mem>>
        %dma_start3A_359 = arith.constant 0 : i32
        %dma_start3A_360 = tpu.memref_slice %arg8[%run_scoped3A_314, %dma_start3A_359] : memref<8x128xi32, #tpu.memory_space<vmem>> -> memref<1x128xi32, #tpu.memory_space<vmem>>
        %dma_start3A_361 = tpu.memref_squeeze %dma_start3A_360 : memref<1x128xi32, #tpu.memory_space<vmem>> -> memref<128xi32, #tpu.memory_space<vmem>>
        %dma_start3A_362 = arith.constant 0 : i32
        %dma_start3A_363 = arith.constant 0 : i32
        %dma_start3A_364 = tpu.memref_slice %arg11[%dma_start3A_362, %dma_start3A_363] : memref<10240x128xf32, #tpu.memory_space<vmem_shared>> -> memref<10240x128xf32, #tpu.memory_space<vmem_shared>>
        tpu.enqueue_indirect_dma source(%arg10 : memref<128x128xf32, #tpu.memory_space<vmem>>) target(%dma_start3A_364 : memref<10240x128xf32, #tpu.memory_space<vmem_shared>>) offsets(%dma_start3A_361 : memref<128xi32, #tpu.memory_space<vmem>>) semaphore(%run_scoped3A_358 : memref<!tpu.dma_semaphore, #tpu.memory_space<semaphore_mem>>) {add = true}
        %dma_wait3A_365 = arith.constant 0 : i32
        %dma_wait3A_366 = tpu.memref_slice %arg8[%run_scoped3A_314, %dma_wait3A_365] : memref<8x128xi32, #tpu.memory_space<vmem>> -> memref<1x128xi32, #tpu.memory_space<vmem>>
        %dma_wait3A_367 = tpu.memref_squeeze %dma_wait3A_366 : memref<1x128xi32, #tpu.memory_space<vmem>> -> memref<128xi32, #tpu.memory_space<vmem>>
        %dma_wait3A_368 = arith.constant 0 : i32
        %dma_wait3A_369 = arith.constant 0 : i32
        %dma_wait3A_370 = tpu.memref_slice %arg11[%dma_wait3A_368, %dma_wait3A_369] : memref<10240x128xf32, #tpu.memory_space<vmem_shared>> -> memref<10240x128xf32, #tpu.memory_space<vmem_shared>>
        tpu.wait_indirect_dma semaphore(%run_scoped3A_358 : memref<!tpu.dma_semaphore, #tpu.memory_space<semaphore_mem>>) src(%arg10 : memref<128x128xf32, #tpu.memory_space<vmem>>) dst(%dma_wait3A_370 : memref<10240x128xf32, #tpu.memory_space<vmem_shared>>)
        tpu.yield
      }) : () -> ()
      %add3A_315 = arith.constant 2 : i32
      %add3A_316 = arith.addi %add3A_307, %add3A_315 : i32
      %lt3A_317 = arith.constant 80 : i32
      %lt3A_318 = arith.cmpi slt, %add3A_316, %lt3A_317 : i32
      %convert_element_type3A_319 = arith.extui %lt3A_318 : i1 to i32
      %cond3A_320 = arith.constant 0 : i32
      %cond3A_321 = arith.cmpi ne, %convert_element_type3A_319, %cond3A_320 : i32
      scf.if %cond3A_321 {
        %add3A_358 = arith.constant 2 : i32
        %add3A_359 = arith.addi %add3A_307, %add3A_358 : i32
        %dma_start3A_360 = arith.constant 0 : i32
        %dma_start3A_361 = tpu.memref_slice %arg6[%add3A_359, %dma_start3A_360] : memref<80x128xi32, #tpu.memory_space<vmem>> -> memref<1x128xi32, #tpu.memory_space<vmem>>
        %dma_start3A_362 = tpu.memref_squeeze %dma_start3A_361 : memref<1x128xi32, #tpu.memory_space<vmem>> -> memref<128xi32, #tpu.memory_space<vmem>>
        %dma_start3A_363 = arith.constant 0 : i32
        %dma_start3A_364 = arith.constant 0 : i32
        %dma_start3A_365 = tpu.memref_slice %arg2[%dma_start3A_363, %dma_start3A_364] : memref<10000x128xf32, #tpu.memory_space<hbm>> -> memref<10000x128xf32, #tpu.memory_space<hbm>>
        tpu.enqueue_indirect_dma source(%dma_start3A_365 : memref<10000x128xf32, #tpu.memory_space<hbm>>) target(%arg10 : memref<128x128xf32, #tpu.memory_space<vmem>>) offsets(%dma_start3A_362 : memref<128xi32, #tpu.memory_space<vmem>>) semaphore(%arg13 : memref<!tpu.dma_semaphore, #tpu.memory_space<semaphore_mem>>)
      } else {
      }
      %mul3A_322 = arith.constant 8 : i32
      %mul3A_323 = arith.muli %add3A_201, %mul3A_322 : i32
      %add3A_324 = arith.constant 6 : i32
      %add3A_325 = arith.addi %mul3A_323, %add3A_324 : i32
      %dma_wait3A_326 = arith.constant 0 : i32
      %dma_wait3A_327 = tpu.memref_slice %arg6[%add3A_325, %dma_wait3A_326] : memref<80x128xi32, #tpu.memory_space<vmem>> -> memref<1x128xi32, #tpu.memory_space<vmem>>
      %dma_wait3A_328 = tpu.memref_squeeze %dma_wait3A_327 : memref<1x128xi32, #tpu.memory_space<vmem>> -> memref<128xi32, #tpu.memory_space<vmem>>
      %dma_wait3A_329 = arith.constant 0 : i32
      %dma_wait3A_330 = arith.constant 0 : i32
      %dma_wait3A_331 = tpu.memref_slice %arg2[%dma_wait3A_329, %dma_wait3A_330] : memref<10000x128xf32, #tpu.memory_space<hbm>> -> memref<10000x128xf32, #tpu.memory_space<hbm>>
      tpu.wait_indirect_dma semaphore(%arg12 : memref<!tpu.dma_semaphore, #tpu.memory_space<semaphore_mem>>) src(%dma_wait3A_331 : memref<10000x128xf32, #tpu.memory_space<hbm>>) dst(%arg9 : memref<128x128xf32, #tpu.memory_space<vmem>>)
      %run_scoped3A_332 = arith.constant 6 : i32
      "tpu.region"() ({
        %run_scoped3A_358 = tpu.sem_alloc : memref<!tpu.dma_semaphore, #tpu.memory_space<semaphore_mem>>
        %dma_start3A_359 = arith.constant 0 : i32
        %dma_start3A_360 = tpu.memref_slice %arg8[%run_scoped3A_332, %dma_start3A_359] : memref<8x128xi32, #tpu.memory_space<vmem>> -> memref<1x128xi32, #tpu.memory_space<vmem>>
        %dma_start3A_361 = tpu.memref_squeeze %dma_start3A_360 : memref<1x128xi32, #tpu.memory_space<vmem>> -> memref<128xi32, #tpu.memory_space<vmem>>
        %dma_start3A_362 = arith.constant 0 : i32
        %dma_start3A_363 = arith.constant 0 : i32
        %dma_start3A_364 = tpu.memref_slice %arg11[%dma_start3A_362, %dma_start3A_363] : memref<10240x128xf32, #tpu.memory_space<vmem_shared>> -> memref<10240x128xf32, #tpu.memory_space<vmem_shared>>
        tpu.enqueue_indirect_dma source(%arg9 : memref<128x128xf32, #tpu.memory_space<vmem>>) target(%dma_start3A_364 : memref<10240x128xf32, #tpu.memory_space<vmem_shared>>) offsets(%dma_start3A_361 : memref<128xi32, #tpu.memory_space<vmem>>) semaphore(%run_scoped3A_358 : memref<!tpu.dma_semaphore, #tpu.memory_space<semaphore_mem>>) {add = true}
        %dma_wait3A_365 = arith.constant 0 : i32
        %dma_wait3A_366 = tpu.memref_slice %arg8[%run_scoped3A_332, %dma_wait3A_365] : memref<8x128xi32, #tpu.memory_space<vmem>> -> memref<1x128xi32, #tpu.memory_space<vmem>>
        %dma_wait3A_367 = tpu.memref_squeeze %dma_wait3A_366 : memref<1x128xi32, #tpu.memory_space<vmem>> -> memref<128xi32, #tpu.memory_space<vmem>>
        %dma_wait3A_368 = arith.constant 0 : i32
        %dma_wait3A_369 = arith.constant 0 : i32
        %dma_wait3A_370 = tpu.memref_slice %arg11[%dma_wait3A_368, %dma_wait3A_369] : memref<10240x128xf32, #tpu.memory_space<vmem_shared>> -> memref<10240x128xf32, #tpu.memory_space<vmem_shared>>
        tpu.wait_indirect_dma semaphore(%run_scoped3A_358 : memref<!tpu.dma_semaphore, #tpu.memory_space<semaphore_mem>>) src(%arg9 : memref<128x128xf32, #tpu.memory_space<vmem>>) dst(%dma_wait3A_370 : memref<10240x128xf32, #tpu.memory_space<vmem_shared>>)
        tpu.yield
      }) : () -> ()
      %add3A_333 = arith.constant 2 : i32
      %add3A_334 = arith.addi %add3A_325, %add3A_333 : i32
      %lt3A_335 = arith.constant 80 : i32
      %lt3A_336 = arith.cmpi slt, %add3A_334, %lt3A_335 : i32
      %convert_element_type3A_337 = arith.extui %lt3A_336 : i1 to i32
      %cond3A_338 = arith.constant 0 : i32
      %cond3A_339 = arith.cmpi ne, %convert_element_type3A_337, %cond3A_338 : i32
      scf.if %cond3A_339 {
        %add3A_358 = arith.constant 2 : i32
        %add3A_359 = arith.addi %add3A_325, %add3A_358 : i32
        %dma_start3A_360 = arith.constant 0 : i32
        %dma_start3A_361 = tpu.memref_slice %arg6[%add3A_359, %dma_start3A_360] : memref<80x128xi32, #tpu.memory_space<vmem>> -> memref<1x128xi32, #tpu.memory_space<vmem>>
        %dma_start3A_362 = tpu.memref_squeeze %dma_start3A_361 : memref<1x128xi32, #tpu.memory_space<vmem>> -> memref<128xi32, #tpu.memory_space<vmem>>
        %dma_start3A_363 = arith.constant 0 : i32
        %dma_start3A_364 = arith.constant 0 : i32
        %dma_start3A_365 = tpu.memref_slice %arg2[%dma_start3A_363, %dma_start3A_364] : memref<10000x128xf32, #tpu.memory_space<hbm>> -> memref<10000x128xf32, #tpu.memory_space<hbm>>
        tpu.enqueue_indirect_dma source(%dma_start3A_365 : memref<10000x128xf32, #tpu.memory_space<hbm>>) target(%arg9 : memref<128x128xf32, #tpu.memory_space<vmem>>) offsets(%dma_start3A_362 : memref<128xi32, #tpu.memory_space<vmem>>) semaphore(%arg12 : memref<!tpu.dma_semaphore, #tpu.memory_space<semaphore_mem>>)
      } else {
      }
      %mul3A_340 = arith.constant 8 : i32
      %mul3A_341 = arith.muli %add3A_201, %mul3A_340 : i32
      %add3A_342 = arith.constant 7 : i32
      %add3A_343 = arith.addi %mul3A_341, %add3A_342 : i32
      %dma_wait3A_344 = arith.constant 0 : i32
      %dma_wait3A_345 = tpu.memref_slice %arg6[%add3A_343, %dma_wait3A_344] : memref<80x128xi32, #tpu.memory_space<vmem>> -> memref<1x128xi32, #tpu.memory_space<vmem>>
      %dma_wait3A_346 = tpu.memref_squeeze %dma_wait3A_345 : memref<1x128xi32, #tpu.memory_space<vmem>> -> memref<128xi32, #tpu.memory_space<vmem>>
      %dma_wait3A_347 = arith.constant 0 : i32
      %dma_wait3A_348 = arith.constant 0 : i32
      %dma_wait3A_349 = tpu.memref_slice %arg2[%dma_wait3A_347, %dma_wait3A_348] : memref<10000x128xf32, #tpu.memory_space<hbm>> -> memref<10000x128xf32, #tpu.memory_space<hbm>>
      tpu.wait_indirect_dma semaphore(%arg13 : memref<!tpu.dma_semaphore, #tpu.memory_space<semaphore_mem>>) src(%dma_wait3A_349 : memref<10000x128xf32, #tpu.memory_space<hbm>>) dst(%arg10 : memref<128x128xf32, #tpu.memory_space<vmem>>)
      %run_scoped3A_350 = arith.constant 7 : i32
      "tpu.region"() ({
        %run_scoped3A_358 = tpu.sem_alloc : memref<!tpu.dma_semaphore, #tpu.memory_space<semaphore_mem>>
        %dma_start3A_359 = arith.constant 0 : i32
        %dma_start3A_360 = tpu.memref_slice %arg8[%run_scoped3A_350, %dma_start3A_359] : memref<8x128xi32, #tpu.memory_space<vmem>> -> memref<1x128xi32, #tpu.memory_space<vmem>>
        %dma_start3A_361 = tpu.memref_squeeze %dma_start3A_360 : memref<1x128xi32, #tpu.memory_space<vmem>> -> memref<128xi32, #tpu.memory_space<vmem>>
        %dma_start3A_362 = arith.constant 0 : i32
        %dma_start3A_363 = arith.constant 0 : i32
        %dma_start3A_364 = tpu.memref_slice %arg11[%dma_start3A_362, %dma_start3A_363] : memref<10240x128xf32, #tpu.memory_space<vmem_shared>> -> memref<10240x128xf32, #tpu.memory_space<vmem_shared>>
        tpu.enqueue_indirect_dma source(%arg10 : memref<128x128xf32, #tpu.memory_space<vmem>>) target(%dma_start3A_364 : memref<10240x128xf32, #tpu.memory_space<vmem_shared>>) offsets(%dma_start3A_361 : memref<128xi32, #tpu.memory_space<vmem>>) semaphore(%run_scoped3A_358 : memref<!tpu.dma_semaphore, #tpu.memory_space<semaphore_mem>>) {add = true}
        %dma_wait3A_365 = arith.constant 0 : i32
        %dma_wait3A_366 = tpu.memref_slice %arg8[%run_scoped3A_350, %dma_wait3A_365] : memref<8x128xi32, #tpu.memory_space<vmem>> -> memref<1x128xi32, #tpu.memory_space<vmem>>
        %dma_wait3A_367 = tpu.memref_squeeze %dma_wait3A_366 : memref<1x128xi32, #tpu.memory_space<vmem>> -> memref<128xi32, #tpu.memory_space<vmem>>
        %dma_wait3A_368 = arith.constant 0 : i32
        %dma_wait3A_369 = arith.constant 0 : i32
        %dma_wait3A_370 = tpu.memref_slice %arg11[%dma_wait3A_368, %dma_wait3A_369] : memref<10240x128xf32, #tpu.memory_space<vmem_shared>> -> memref<10240x128xf32, #tpu.memory_space<vmem_shared>>
        tpu.wait_indirect_dma semaphore(%run_scoped3A_358 : memref<!tpu.dma_semaphore, #tpu.memory_space<semaphore_mem>>) src(%arg10 : memref<128x128xf32, #tpu.memory_space<vmem>>) dst(%dma_wait3A_370 : memref<10240x128xf32, #tpu.memory_space<vmem_shared>>)
        tpu.yield
      }) : () -> ()
      %add3A_351 = arith.constant 2 : i32
      %add3A_352 = arith.addi %add3A_343, %add3A_351 : i32
      %lt3A_353 = arith.constant 80 : i32
      %lt3A_354 = arith.cmpi slt, %add3A_352, %lt3A_353 : i32
      %convert_element_type3A_355 = arith.extui %lt3A_354 : i1 to i32
      %cond3A_356 = arith.constant 0 : i32
      %cond3A_357 = arith.cmpi ne, %convert_element_type3A_355, %cond3A_356 : i32
      scf.if %cond3A_357 {
        %add3A_358 = arith.constant 2 : i32
        %add3A_359 = arith.addi %add3A_343, %add3A_358 : i32
        %dma_start3A_360 = arith.constant 0 : i32
        %dma_start3A_361 = tpu.memref_slice %arg6[%add3A_359, %dma_start3A_360] : memref<80x128xi32, #tpu.memory_space<vmem>> -> memref<1x128xi32, #tpu.memory_space<vmem>>
        %dma_start3A_362 = tpu.memref_squeeze %dma_start3A_361 : memref<1x128xi32, #tpu.memory_space<vmem>> -> memref<128xi32, #tpu.memory_space<vmem>>
        %dma_start3A_363 = arith.constant 0 : i32
        %dma_start3A_364 = arith.constant 0 : i32
        %dma_start3A_365 = tpu.memref_slice %arg2[%dma_start3A_363, %dma_start3A_364] : memref<10000x128xf32, #tpu.memory_space<hbm>> -> memref<10000x128xf32, #tpu.memory_space<hbm>>
        tpu.enqueue_indirect_dma source(%dma_start3A_365 : memref<10000x128xf32, #tpu.memory_space<hbm>>) target(%arg10 : memref<128x128xf32, #tpu.memory_space<vmem>>) offsets(%dma_start3A_362 : memref<128xi32, #tpu.memory_space<vmem>>) semaphore(%arg13 : memref<!tpu.dma_semaphore, #tpu.memory_space<semaphore_mem>>)
      } else {
      }
    }
    %scan3A_23 = arith.constant 5 : i32
    %barrier3A_24 = arith.constant 0 : index
    tpu.barrier barrier_id(%barrier3A_24)
    %lt3A_25 = arith.constant 15 : i32
    %lt3A_26 = arith.cmpi slt, %arg1, %lt3A_25 : i32
    %convert_element_type3A_27 = arith.extui %lt3A_26 : i1 to i32
    %cond3A_28 = arith.constant 0 : i32
    %cond3A_29 = arith.cmpi ne, %convert_element_type3A_27, %cond3A_28 : i32
    scf.if %cond3A_29 {
      %mul3A_35 = arith.constant 640 : i32
      %mul3A_36 = arith.muli %arg1, %mul3A_35 : i32
      %mul3A_37 = arith.constant 640 : i32
      %mul3A_38 = arith.muli %arg1, %mul3A_37 : i32
      "tpu.region"() ({
        %run_scoped3A_39 = tpu.sem_alloc : memref<!tpu.dma_semaphore, #tpu.memory_space<semaphore_mem>>
        %dma_start3A_40 = arith.constant 0 : i32
        %dma_start3A_41 = tpu.memref_slice %arg5[%arg0, %mul3A_38, %dma_start3A_40] : memref<2x10000x128xf32, #tpu.memory_space<hbm>> -> memref<1x640x128xf32, #tpu.memory_space<hbm>>
        %dma_start3A_42 = tpu.memref_squeeze %dma_start3A_41 : memref<1x640x128xf32, #tpu.memory_space<hbm>> -> memref<640x128xf32, #tpu.memory_space<hbm>>
        %dma_start3A_43 = arith.constant 0 : i32
        %dma_start3A_44 = tpu.memref_slice %arg11[%mul3A_36, %dma_start3A_43] : memref<10240x128xf32, #tpu.memory_space<vmem_shared>> -> memref<640x128xf32, #tpu.memory_space<vmem_shared>>
        tpu.enqueue_dma source(%dma_start3A_44 : memref<640x128xf32, #tpu.memory_space<vmem_shared>>) target(%dma_start3A_42 : memref<640x128xf32, #tpu.memory_space<hbm>>) target_semaphore(%run_scoped3A_39 : memref<!tpu.dma_semaphore, #tpu.memory_space<semaphore_mem>>)
        %dma_wait3A = arith.constant 0 : i32
        %dma_wait3A_45 = tpu.memref_slice %arg5[%arg0, %mul3A_38, %dma_wait3A] : memref<2x10000x128xf32, #tpu.memory_space<hbm>> -> memref<1x640x128xf32, #tpu.memory_space<hbm>>
        %dma_wait3A_46 = tpu.memref_squeeze %dma_wait3A_45 : memref<1x640x128xf32, #tpu.memory_space<hbm>> -> memref<640x128xf32, #tpu.memory_space<hbm>>
        %dma_wait3A_47 = arith.constant 0 : i32
        %dma_wait3A_48 = tpu.memref_slice %arg11[%mul3A_36, %dma_wait3A_47] : memref<10240x128xf32, #tpu.memory_space<vmem_shared>> -> memref<640x128xf32, #tpu.memory_space<vmem_shared>>
        tpu.wait_dma2 semaphore(%run_scoped3A_39 : memref<!tpu.dma_semaphore, #tpu.memory_space<semaphore_mem>>) src(%dma_wait3A_48 : memref<640x128xf32, #tpu.memory_space<vmem_shared>>) dst(%dma_wait3A_46 : memref<640x128xf32, #tpu.memory_space<hbm>>)
        tpu.yield
      }) : () -> ()
    } else {
    }
    %eq3A_30 = arith.constant 15 : i32
    %eq3A_31 = arith.cmpi eq, %arg1, %eq3A_30 : i32
    %convert_element_type3A_32 = arith.extui %eq3A_31 : i1 to i32
    %cond3A_33 = arith.constant 0 : i32
    %cond3A_34 = arith.cmpi ne, %convert_element_type3A_32, %cond3A_33 : i32
    scf.if %cond3A_34 {
      "tpu.region"() ({
        %run_scoped3A_35 = tpu.sem_alloc : memref<!tpu.dma_semaphore, #tpu.memory_space<semaphore_mem>>
        %dma_start3A_36 = arith.constant 9600 : i32
        %dma_start3A_37 = arith.constant 0 : i32
        %dma_start3A_38 = tpu.memref_slice %arg5[%arg0, %dma_start3A_36, %dma_start3A_37] : memref<2x10000x128xf32, #tpu.memory_space<hbm>> -> memref<1x400x128xf32, #tpu.memory_space<hbm>>
        %dma_start3A_39 = tpu.memref_squeeze %dma_start3A_38 : memref<1x400x128xf32, #tpu.memory_space<hbm>> -> memref<400x128xf32, #tpu.memory_space<hbm>>
        %dma_start3A_40 = arith.constant 9600 : i32
        %dma_start3A_41 = arith.constant 0 : i32
        %dma_start3A_42 = tpu.memref_slice %arg11[%dma_start3A_40, %dma_start3A_41] : memref<10240x128xf32, #tpu.memory_space<vmem_shared>> -> memref<400x128xf32, #tpu.memory_space<vmem_shared>>
        tpu.enqueue_dma source(%dma_start3A_42 : memref<400x128xf32, #tpu.memory_space<vmem_shared>>) target(%dma_start3A_39 : memref<400x128xf32, #tpu.memory_space<hbm>>) target_semaphore(%run_scoped3A_35 : memref<!tpu.dma_semaphore, #tpu.memory_space<semaphore_mem>>)
        %dma_wait3A = arith.constant 9600 : i32
        %dma_wait3A_43 = arith.constant 0 : i32
        %dma_wait3A_44 = tpu.memref_slice %arg5[%arg0, %dma_wait3A, %dma_wait3A_43] : memref<2x10000x128xf32, #tpu.memory_space<hbm>> -> memref<1x400x128xf32, #tpu.memory_space<hbm>>
        %dma_wait3A_45 = tpu.memref_squeeze %dma_wait3A_44 : memref<1x400x128xf32, #tpu.memory_space<hbm>> -> memref<400x128xf32, #tpu.memory_space<hbm>>
        %dma_wait3A_46 = arith.constant 9600 : i32
        %dma_wait3A_47 = arith.constant 0 : i32
        %dma_wait3A_48 = tpu.memref_slice %arg11[%dma_wait3A_46, %dma_wait3A_47] : memref<10240x128xf32, #tpu.memory_space<vmem_shared>> -> memref<400x128xf32, #tpu.memory_space<vmem_shared>>
        tpu.wait_dma2 semaphore(%run_scoped3A_35 : memref<!tpu.dma_semaphore, #tpu.memory_space<semaphore_mem>>) src(%dma_wait3A_48 : memref<400x128xf32, #tpu.memory_space<vmem_shared>>) dst(%dma_wait3A_45 : memref<400x128xf32, #tpu.memory_space<hbm>>)
        tpu.yield
      }) : () -> ()
    } else {
    }
    return
  }
}

#map = affine_map<(d0, d1) -> (0, 0)>
#map1 = affine_map<(d0, d1) -> (0, 0, 0)>
#map2 = affine_map<(d0, d1) -> (0, 0, 0, 0)>
module attributes {stable_mosaic.version = 14 : i64} {
  func.func @_sc_agg_body(%arg0: i32, %arg1: i32, %arg2: memref<10000x128xf32, #tpu.memory_space<hbm>>, %arg3: memref<32x80x128xi32, #tpu.memory_space<hbm>>, %arg4: memref<32x10x8x128xi32, #tpu.memory_space<hbm>>, %arg5: memref<2x10000x128xf32, #tpu.memory_space<hbm>>, %arg6: memref<80x128xi32, #tpu.memory_space<vmem>>, %arg7: memref<8x128xi32, #tpu.memory_space<vmem>>, %arg8: memref<8x128xi32, #tpu.memory_space<vmem>>, %arg9: memref<128x128xf32, #tpu.memory_space<vmem>>, %arg10: memref<128x128xf32, #tpu.memory_space<vmem>>, %arg11: memref<10240x128xf32, #tpu.memory_space<vmem_shared>>, %arg12: memref<!tpu.dma_semaphore, #tpu.memory_space<semaphore_mem>>, %arg13: memref<!tpu.dma_semaphore, #tpu.memory_space<semaphore_mem>>, %arg14: memref<!tpu.dma_semaphore, #tpu.memory_space<semaphore_mem>>, %arg15: memref<!tpu.dma_semaphore, #tpu.memory_space<semaphore_mem>>) attributes {dimension_semantics = [#tpu.dimension_semantics<core_parallel>, #tpu.dimension_semantics<subcore_parallel>], iteration_bounds = array<i64: 2, 16>, scalar_prefetch = 0 : i64, scratch_operands = 10 : i64, tpu.core_type = #tpu.core_type<sc_vector_subcore>, window_params = [{transform_indices = #map}, {transform_indices = #map1}, {transform_indices = #map2}, {transform_indices = #map1}]} {
    %mul3A = arith.constant 16 : i32
    %mul3A_0 = arith.muli %arg0, %mul3A : i32
    %add3A = arith.addi %mul3A_0, %arg1 : i32
    "tpu.region"() ({
      %run_scoped3A_35 = tpu.sem_alloc : memref<!tpu.dma_semaphore, #tpu.memory_space<semaphore_mem>>
      %dma_start3A_36 = arith.constant 0 : i32
      %dma_start3A_37 = arith.constant 0 : i32
      %dma_start3A_38 = tpu.memref_slice %arg3[%add3A, %dma_start3A_36, %dma_start3A_37] : memref<32x80x128xi32, #tpu.memory_space<hbm>> -> memref<1x80x128xi32, #tpu.memory_space<hbm>>
      %dma_start3A_39 = tpu.memref_squeeze %dma_start3A_38 : memref<1x80x128xi32, #tpu.memory_space<hbm>> -> memref<80x128xi32, #tpu.memory_space<hbm>>
      %dma_start3A_40 = arith.constant 0 : i32
      %dma_start3A_41 = arith.constant 0 : i32
      %dma_start3A_42 = tpu.memref_slice %arg3[%add3A, %dma_start3A_40, %dma_start3A_41] : memref<32x80x128xi32, #tpu.memory_space<hbm>> -> memref<1x80x128xi32, #tpu.memory_space<hbm>>
      %dma_start3A_43 = tpu.memref_squeeze %dma_start3A_42 : memref<1x80x128xi32, #tpu.memory_space<hbm>> -> memref<80x128xi32, #tpu.memory_space<hbm>>
      tpu.enqueue_dma source(%dma_start3A_43 : memref<80x128xi32, #tpu.memory_space<hbm>>) target(%arg6 : memref<80x128xi32, #tpu.memory_space<vmem>>) target_semaphore(%run_scoped3A_35 : memref<!tpu.dma_semaphore, #tpu.memory_space<semaphore_mem>>)
      %dma_wait3A = arith.constant 0 : i32
      %dma_wait3A_44 = arith.constant 0 : i32
      %dma_wait3A_45 = tpu.memref_slice %arg3[%add3A, %dma_wait3A, %dma_wait3A_44] : memref<32x80x128xi32, #tpu.memory_space<hbm>> -> memref<1x80x128xi32, #tpu.memory_space<hbm>>
      %dma_wait3A_46 = tpu.memref_squeeze %dma_wait3A_45 : memref<1x80x128xi32, #tpu.memory_space<hbm>> -> memref<80x128xi32, #tpu.memory_space<hbm>>
      %dma_wait3A_47 = arith.constant 0 : i32
      %dma_wait3A_48 = arith.constant 0 : i32
      %dma_wait3A_49 = tpu.memref_slice %arg3[%add3A, %dma_wait3A_47, %dma_wait3A_48] : memref<32x80x128xi32, #tpu.memory_space<hbm>> -> memref<1x80x128xi32, #tpu.memory_space<hbm>>
      %dma_wait3A_50 = tpu.memref_squeeze %dma_wait3A_49 : memref<1x80x128xi32, #tpu.memory_space<hbm>> -> memref<80x128xi32, #tpu.memory_space<hbm>>
      tpu.wait_dma2 semaphore(%run_scoped3A_35 : memref<!tpu.dma_semaphore, #tpu.memory_space<semaphore_mem>>) src(%dma_wait3A_50 : memref<80x128xi32, #tpu.memory_space<hbm>>) dst(%arg6 : memref<80x128xi32, #tpu.memory_space<vmem>>)
      tpu.yield
    }) : () -> ()
    %run_scoped3A = arith.constant 0 : i32
    "tpu.region"() ({
      %run_scoped3A_35 = tpu.sem_alloc : memref<!tpu.dma_semaphore, #tpu.memory_space<semaphore_mem>>
      %dma_start3A_36 = arith.constant 0 : i32
      %dma_start3A_37 = arith.constant 0 : i32
      %dma_start3A_38 = tpu.memref_slice %arg4[%add3A, %run_scoped3A, %dma_start3A_36, %dma_start3A_37] : memref<32x10x8x128xi32, #tpu.memory_space<hbm>> -> memref<1x1x8x128xi32, #tpu.memory_space<hbm>>
      %dma_start3A_39 = tpu.memref_squeeze %dma_start3A_38 : memref<1x1x8x128xi32, #tpu.memory_space<hbm>> -> memref<8x128xi32, #tpu.memory_space<hbm>>
      %dma_start3A_40 = arith.constant 0 : i32
      %dma_start3A_41 = arith.constant 0 : i32
      %dma_start3A_42 = tpu.memref_slice %arg4[%add3A, %run_scoped3A, %dma_start3A_40, %dma_start3A_41] : memref<32x10x8x128xi32, #tpu.memory_space<hbm>> -> memref<1x1x8x128xi32, #tpu.memory_space<hbm>>
      %dma_start3A_43 = tpu.memref_squeeze %dma_start3A_42 : memref<1x1x8x128xi32, #tpu.memory_space<hbm>> -> memref<8x128xi32, #tpu.memory_space<hbm>>
      tpu.enqueue_dma source(%dma_start3A_43 : memref<8x128xi32, #tpu.memory_space<hbm>>) target(%arg7 : memref<8x128xi32, #tpu.memory_space<vmem>>) target_semaphore(%run_scoped3A_35 : memref<!tpu.dma_semaphore, #tpu.memory_space<semaphore_mem>>)
      %dma_wait3A = arith.constant 0 : i32
      %dma_wait3A_44 = arith.constant 0 : i32
      %dma_wait3A_45 = tpu.memref_slice %arg4[%add3A, %run_scoped3A, %dma_wait3A, %dma_wait3A_44] : memref<32x10x8x128xi32, #tpu.memory_space<hbm>> -> memref<1x1x8x128xi32, #tpu.memory_space<hbm>>
      %dma_wait3A_46 = tpu.memref_squeeze %dma_wait3A_45 : memref<1x1x8x128xi32, #tpu.memory_space<hbm>> -> memref<8x128xi32, #tpu.memory_space<hbm>>
      %dma_wait3A_47 = arith.constant 0 : i32
      %dma_wait3A_48 = arith.constant 0 : i32
      %dma_wait3A_49 = tpu.memref_slice %arg4[%add3A, %run_scoped3A, %dma_wait3A_47, %dma_wait3A_48] : memref<32x10x8x128xi32, #tpu.memory_space<hbm>> -> memref<1x1x8x128xi32, #tpu.memory_space<hbm>>
      %dma_wait3A_50 = tpu.memref_squeeze %dma_wait3A_49 : memref<1x1x8x128xi32, #tpu.memory_space<hbm>> -> memref<8x128xi32, #tpu.memory_space<hbm>>
      tpu.wait_dma2 semaphore(%run_scoped3A_35 : memref<!tpu.dma_semaphore, #tpu.memory_space<semaphore_mem>>) src(%dma_wait3A_50 : memref<8x128xi32, #tpu.memory_space<hbm>>) dst(%arg7 : memref<8x128xi32, #tpu.memory_space<vmem>>)
      tpu.yield
    }) : () -> ()
    %lt3A = arith.constant 15 : i32
    %lt3A_1 = arith.cmpi slt, %arg1, %lt3A : i32
    %convert_element_type3A = arith.extui %lt3A_1 : i1 to i32
    %cond3A = arith.constant 0 : i32
    %cond3A_2 = arith.cmpi ne, %convert_element_type3A, %cond3A : i32
    scf.if %cond3A_2 {
      %mul3A_35 = arith.constant 640 : i32
      %mul3A_36 = arith.muli %arg1, %mul3A_35 : i32
      %mul3A_37 = arith.constant 640 : i32
      %mul3A_38 = arith.muli %arg1, %mul3A_37 : i32
      "tpu.region"() ({
        %run_scoped3A_39 = tpu.sem_alloc : memref<!tpu.dma_semaphore, #tpu.memory_space<semaphore_mem>>
        %dma_start3A_40 = arith.constant 0 : i32
        %dma_start3A_41 = tpu.memref_slice %arg11[%mul3A_38, %dma_start3A_40] : memref<10240x128xf32, #tpu.memory_space<vmem_shared>> -> memref<640x128xf32, #tpu.memory_space<vmem_shared>>
        %dma_start3A_42 = arith.constant 0 : i32
        %dma_start3A_43 = tpu.memref_slice %arg2[%mul3A_36, %dma_start3A_42] : memref<10000x128xf32, #tpu.memory_space<hbm>> -> memref<640x128xf32, #tpu.memory_space<hbm>>
        tpu.enqueue_dma source(%dma_start3A_43 : memref<640x128xf32, #tpu.memory_space<hbm>>) target(%dma_start3A_41 : memref<640x128xf32, #tpu.memory_space<vmem_shared>>) target_semaphore(%run_scoped3A_39 : memref<!tpu.dma_semaphore, #tpu.memory_space<semaphore_mem>>)
        %dma_wait3A = arith.constant 0 : i32
        %dma_wait3A_44 = tpu.memref_slice %arg11[%mul3A_38, %dma_wait3A] : memref<10240x128xf32, #tpu.memory_space<vmem_shared>> -> memref<640x128xf32, #tpu.memory_space<vmem_shared>>
        %dma_wait3A_45 = arith.constant 0 : i32
        %dma_wait3A_46 = tpu.memref_slice %arg2[%mul3A_36, %dma_wait3A_45] : memref<10000x128xf32, #tpu.memory_space<hbm>> -> memref<640x128xf32, #tpu.memory_space<hbm>>
        tpu.wait_dma2 semaphore(%run_scoped3A_39 : memref<!tpu.dma_semaphore, #tpu.memory_space<semaphore_mem>>) src(%dma_wait3A_46 : memref<640x128xf32, #tpu.memory_space<hbm>>) dst(%dma_wait3A_44 : memref<640x128xf32, #tpu.memory_space<vmem_shared>>)
        tpu.yield
      }) : () -> ()
    } else {
    }
    %eq3A = arith.constant 15 : i32
    %eq3A_3 = arith.cmpi eq, %arg1, %eq3A : i32
    %convert_element_type3A_4 = arith.extui %eq3A_3 : i1 to i32
    %cond3A_5 = arith.constant 0 : i32
    %cond3A_6 = arith.cmpi ne, %convert_element_type3A_4, %cond3A_5 : i32
    scf.if %cond3A_6 {
      "tpu.region"() ({
        %run_scoped3A_35 = tpu.sem_alloc : memref<!tpu.dma_semaphore, #tpu.memory_space<semaphore_mem>>
        %dma_start3A_36 = arith.constant 9600 : i32
        %dma_start3A_37 = arith.constant 0 : i32
        %dma_start3A_38 = tpu.memref_slice %arg11[%dma_start3A_36, %dma_start3A_37] : memref<10240x128xf32, #tpu.memory_space<vmem_shared>> -> memref<400x128xf32, #tpu.memory_space<vmem_shared>>
        %dma_start3A_39 = arith.constant 9600 : i32
        %dma_start3A_40 = arith.constant 0 : i32
        %dma_start3A_41 = tpu.memref_slice %arg2[%dma_start3A_39, %dma_start3A_40] : memref<10000x128xf32, #tpu.memory_space<hbm>> -> memref<400x128xf32, #tpu.memory_space<hbm>>
        tpu.enqueue_dma source(%dma_start3A_41 : memref<400x128xf32, #tpu.memory_space<hbm>>) target(%dma_start3A_38 : memref<400x128xf32, #tpu.memory_space<vmem_shared>>) target_semaphore(%run_scoped3A_35 : memref<!tpu.dma_semaphore, #tpu.memory_space<semaphore_mem>>)
        %dma_wait3A = arith.constant 9600 : i32
        %dma_wait3A_42 = arith.constant 0 : i32
        %dma_wait3A_43 = tpu.memref_slice %arg11[%dma_wait3A, %dma_wait3A_42] : memref<10240x128xf32, #tpu.memory_space<vmem_shared>> -> memref<400x128xf32, #tpu.memory_space<vmem_shared>>
        %dma_wait3A_44 = arith.constant 9600 : i32
        %dma_wait3A_45 = arith.constant 0 : i32
        %dma_wait3A_46 = tpu.memref_slice %arg2[%dma_wait3A_44, %dma_wait3A_45] : memref<10000x128xf32, #tpu.memory_space<hbm>> -> memref<400x128xf32, #tpu.memory_space<hbm>>
        tpu.wait_dma2 semaphore(%run_scoped3A_35 : memref<!tpu.dma_semaphore, #tpu.memory_space<semaphore_mem>>) src(%dma_wait3A_46 : memref<400x128xf32, #tpu.memory_space<hbm>>) dst(%dma_wait3A_43 : memref<400x128xf32, #tpu.memory_space<vmem_shared>>)
        tpu.yield
      }) : () -> ()
    } else {
    }
    %barrier3A = arith.constant 0 : index
    tpu.barrier barrier_id(%barrier3A)
    %dma_start3A = arith.constant 0 : i32
    %dma_start3A_7 = arith.constant 0 : i32
    %dma_start3A_8 = tpu.memref_slice %arg6[%dma_start3A, %dma_start3A_7] : memref<80x128xi32, #tpu.memory_space<vmem>> -> memref<1x128xi32, #tpu.memory_space<vmem>>
    %dma_start3A_9 = tpu.memref_squeeze %dma_start3A_8 : memref<1x128xi32, #tpu.memory_space<vmem>> -> memref<128xi32, #tpu.memory_space<vmem>>
    %dma_start3A_10 = arith.constant 0 : i32
    %dma_start3A_11 = arith.constant 0 : i32
    %dma_start3A_12 = tpu.memref_slice %arg2[%dma_start3A_10, %dma_start3A_11] : memref<10000x128xf32, #tpu.memory_space<hbm>> -> memref<10000x128xf32, #tpu.memory_space<hbm>>
    tpu.enqueue_indirect_dma source(%dma_start3A_12 : memref<10000x128xf32, #tpu.memory_space<hbm>>) target(%arg9 : memref<128x128xf32, #tpu.memory_space<vmem>>) offsets(%dma_start3A_9 : memref<128xi32, #tpu.memory_space<vmem>>) semaphore(%arg12 : memref<!tpu.dma_semaphore, #tpu.memory_space<semaphore_mem>>)
    %dma_start3A_13 = arith.constant 1 : i32
    %dma_start3A_14 = arith.constant 0 : i32
    %dma_start3A_15 = tpu.memref_slice %arg6[%dma_start3A_13, %dma_start3A_14] : memref<80x128xi32, #tpu.memory_space<vmem>> -> memref<1x128xi32, #tpu.memory_space<vmem>>
    %dma_start3A_16 = tpu.memref_squeeze %dma_start3A_15 : memref<1x128xi32, #tpu.memory_space<vmem>> -> memref<128xi32, #tpu.memory_space<vmem>>
    %dma_start3A_17 = arith.constant 0 : i32
    %dma_start3A_18 = arith.constant 0 : i32
    %dma_start3A_19 = tpu.memref_slice %arg2[%dma_start3A_17, %dma_start3A_18] : memref<10000x128xf32, #tpu.memory_space<hbm>> -> memref<10000x128xf32, #tpu.memory_space<hbm>>
    tpu.enqueue_indirect_dma source(%dma_start3A_19 : memref<10000x128xf32, #tpu.memory_space<hbm>>) target(%arg10 : memref<128x128xf32, #tpu.memory_space<vmem>>) offsets(%dma_start3A_16 : memref<128xi32, #tpu.memory_space<vmem>>) semaphore(%arg13 : memref<!tpu.dma_semaphore, #tpu.memory_space<semaphore_mem>>)
    %scan3A = arith.constant 0 : i32
    %scan3A_20 = arith.constant 5 : i32
    %scan3A_21 = arith.addi %scan3A, %scan3A_20 : i32
    %scan3A_22 = arith.constant 1 : i32
    scf.for %scan3A_35 = %scan3A to %scan3A_21 step %scan3A_22  : i32 {
      %mul3A_36 = arith.constant 1 : i32
      %mul3A_37 = arith.muli %scan3A_35, %mul3A_36 : i32
      %add3A_38 = arith.constant 0 : i32
      %add3A_39 = arith.addi %add3A_38, %mul3A_37 : i32
      %mul3A_40 = arith.constant 2 : i32
      %mul3A_41 = arith.muli %add3A_39, %mul3A_40 : i32
      %add3A_42 = arith.constant 0 : i32
      %add3A_43 = arith.addi %mul3A_41, %add3A_42 : i32
      %add3A_44 = arith.constant 1 : i32
      %add3A_45 = arith.addi %add3A_43, %add3A_44 : i32
      %lt3A_46 = arith.constant 10 : i32
      %lt3A_47 = arith.cmpi slt, %add3A_45, %lt3A_46 : i32
      %convert_element_type3A_48 = arith.extui %lt3A_47 : i1 to i32
      %cond3A_49 = arith.constant 0 : i32
      %cond3A_50 = arith.cmpi ne, %convert_element_type3A_48, %cond3A_49 : i32
      scf.if %cond3A_50 {
        %add3A_358 = arith.constant 1 : i32
        %add3A_359 = arith.addi %add3A_43, %add3A_358 : i32
        %dma_start3A_360 = arith.constant 0 : i32
        %dma_start3A_361 = arith.constant 0 : i32
        %dma_start3A_362 = tpu.memref_slice %arg4[%add3A, %add3A_359, %dma_start3A_360, %dma_start3A_361] : memref<32x10x8x128xi32, #tpu.memory_space<hbm>> -> memref<1x1x8x128xi32, #tpu.memory_space<hbm>>
        %dma_start3A_363 = tpu.memref_squeeze %dma_start3A_362 : memref<1x1x8x128xi32, #tpu.memory_space<hbm>> -> memref<8x128xi32, #tpu.memory_space<hbm>>
        %dma_start3A_364 = arith.constant 0 : i32
        %dma_start3A_365 = arith.constant 0 : i32
        %dma_start3A_366 = tpu.memref_slice %arg4[%add3A, %add3A_359, %dma_start3A_364, %dma_start3A_365] : memref<32x10x8x128xi32, #tpu.memory_space<hbm>> -> memref<1x1x8x128xi32, #tpu.memory_space<hbm>>
        %dma_start3A_367 = tpu.memref_squeeze %dma_start3A_366 : memref<1x1x8x128xi32, #tpu.memory_space<hbm>> -> memref<8x128xi32, #tpu.memory_space<hbm>>
        tpu.enqueue_dma source(%dma_start3A_367 : memref<8x128xi32, #tpu.memory_space<hbm>>) target(%arg8 : memref<8x128xi32, #tpu.memory_space<vmem>>) target_semaphore(%arg15 : memref<!tpu.dma_semaphore, #tpu.memory_space<semaphore_mem>>)
      } else {
      }
      %gt3A = arith.constant 0 : i32
      %gt3A_51 = arith.cmpi sgt, %add3A_43, %gt3A : i32
      %convert_element_type3A_52 = arith.extui %gt3A_51 : i1 to i32
      %cond3A_53 = arith.constant 0 : i32
      %cond3A_54 = arith.cmpi ne, %convert_element_type3A_52, %cond3A_53 : i32
      scf.if %cond3A_54 {
        %dma_wait3A_358 = arith.constant 0 : i32
        %dma_wait3A_359 = arith.constant 0 : i32
        %dma_wait3A_360 = tpu.memref_slice %arg4[%add3A, %add3A_43, %dma_wait3A_358, %dma_wait3A_359] : memref<32x10x8x128xi32, #tpu.memory_space<hbm>> -> memref<1x1x8x128xi32, #tpu.memory_space<hbm>>
        %dma_wait3A_361 = tpu.memref_squeeze %dma_wait3A_360 : memref<1x1x8x128xi32, #tpu.memory_space<hbm>> -> memref<8x128xi32, #tpu.memory_space<hbm>>
        %dma_wait3A_362 = arith.constant 0 : i32
        %dma_wait3A_363 = arith.constant 0 : i32
        %dma_wait3A_364 = tpu.memref_slice %arg4[%add3A, %add3A_43, %dma_wait3A_362, %dma_wait3A_363] : memref<32x10x8x128xi32, #tpu.memory_space<hbm>> -> memref<1x1x8x128xi32, #tpu.memory_space<hbm>>
        %dma_wait3A_365 = tpu.memref_squeeze %dma_wait3A_364 : memref<1x1x8x128xi32, #tpu.memory_space<hbm>> -> memref<8x128xi32, #tpu.memory_space<hbm>>
        tpu.wait_dma2 semaphore(%arg14 : memref<!tpu.dma_semaphore, #tpu.memory_space<semaphore_mem>>) src(%dma_wait3A_365 : memref<8x128xi32, #tpu.memory_space<hbm>>) dst(%arg7 : memref<8x128xi32, #tpu.memory_space<vmem>>)
      } else {
      }
      %mul3A_55 = arith.constant 8 : i32
      %mul3A_56 = arith.muli %add3A_43, %mul3A_55 : i32
      %add3A_57 = arith.constant 0 : i32
      %add3A_58 = arith.addi %mul3A_56, %add3A_57 : i32
      %dma_wait3A = arith.constant 0 : i32
      %dma_wait3A_59 = tpu.memref_slice %arg6[%add3A_58, %dma_wait3A] : memref<80x128xi32, #tpu.memory_space<vmem>> -> memref<1x128xi32, #tpu.memory_space<vmem>>
      %dma_wait3A_60 = tpu.memref_squeeze %dma_wait3A_59 : memref<1x128xi32, #tpu.memory_space<vmem>> -> memref<128xi32, #tpu.memory_space<vmem>>
      %dma_wait3A_61 = arith.constant 0 : i32
      %dma_wait3A_62 = arith.constant 0 : i32
      %dma_wait3A_63 = tpu.memref_slice %arg2[%dma_wait3A_61, %dma_wait3A_62] : memref<10000x128xf32, #tpu.memory_space<hbm>> -> memref<10000x128xf32, #tpu.memory_space<hbm>>
      tpu.wait_indirect_dma semaphore(%arg12 : memref<!tpu.dma_semaphore, #tpu.memory_space<semaphore_mem>>) src(%dma_wait3A_63 : memref<10000x128xf32, #tpu.memory_space<hbm>>) dst(%arg9 : memref<128x128xf32, #tpu.memory_space<vmem>>)
      %run_scoped3A_64 = arith.constant 0 : i32
      "tpu.region"() ({
        %run_scoped3A_358 = tpu.sem_alloc : memref<!tpu.dma_semaphore, #tpu.memory_space<semaphore_mem>>
        %dma_start3A_359 = arith.constant 0 : i32
        %dma_start3A_360 = tpu.memref_slice %arg7[%run_scoped3A_64, %dma_start3A_359] : memref<8x128xi32, #tpu.memory_space<vmem>> -> memref<1x128xi32, #tpu.memory_space<vmem>>
        %dma_start3A_361 = tpu.memref_squeeze %dma_start3A_360 : memref<1x128xi32, #tpu.memory_space<vmem>> -> memref<128xi32, #tpu.memory_space<vmem>>
        %dma_start3A_362 = arith.constant 0 : i32
        %dma_start3A_363 = arith.constant 0 : i32
        %dma_start3A_364 = tpu.memref_slice %arg11[%dma_start3A_362, %dma_start3A_363] : memref<10240x128xf32, #tpu.memory_space<vmem_shared>> -> memref<10240x128xf32, #tpu.memory_space<vmem_shared>>
        tpu.enqueue_indirect_dma source(%arg9 : memref<128x128xf32, #tpu.memory_space<vmem>>) target(%dma_start3A_364 : memref<10240x128xf32, #tpu.memory_space<vmem_shared>>) offsets(%dma_start3A_361 : memref<128xi32, #tpu.memory_space<vmem>>) semaphore(%run_scoped3A_358 : memref<!tpu.dma_semaphore, #tpu.memory_space<semaphore_mem>>) {add = true}
        %dma_wait3A_365 = arith.constant 0 : i32
        %dma_wait3A_366 = tpu.memref_slice %arg7[%run_scoped3A_64, %dma_wait3A_365] : memref<8x128xi32, #tpu.memory_space<vmem>> -> memref<1x128xi32, #tpu.memory_space<vmem>>
        %dma_wait3A_367 = tpu.memref_squeeze %dma_wait3A_366 : memref<1x128xi32, #tpu.memory_space<vmem>> -> memref<128xi32, #tpu.memory_space<vmem>>
        %dma_wait3A_368 = arith.constant 0 : i32
        %dma_wait3A_369 = arith.constant 0 : i32
        %dma_wait3A_370 = tpu.memref_slice %arg11[%dma_wait3A_368, %dma_wait3A_369] : memref<10240x128xf32, #tpu.memory_space<vmem_shared>> -> memref<10240x128xf32, #tpu.memory_space<vmem_shared>>
        tpu.wait_indirect_dma semaphore(%run_scoped3A_358 : memref<!tpu.dma_semaphore, #tpu.memory_space<semaphore_mem>>) src(%arg9 : memref<128x128xf32, #tpu.memory_space<vmem>>) dst(%dma_wait3A_370 : memref<10240x128xf32, #tpu.memory_space<vmem_shared>>)
        tpu.yield
      }) : () -> ()
      %add3A_65 = arith.constant 2 : i32
      %add3A_66 = arith.addi %add3A_58, %add3A_65 : i32
      %lt3A_67 = arith.constant 80 : i32
      %lt3A_68 = arith.cmpi slt, %add3A_66, %lt3A_67 : i32
      %convert_element_type3A_69 = arith.extui %lt3A_68 : i1 to i32
      %cond3A_70 = arith.constant 0 : i32
      %cond3A_71 = arith.cmpi ne, %convert_element_type3A_69, %cond3A_70 : i32
      scf.if %cond3A_71 {
        %add3A_358 = arith.constant 2 : i32
        %add3A_359 = arith.addi %add3A_58, %add3A_358 : i32
        %dma_start3A_360 = arith.constant 0 : i32
        %dma_start3A_361 = tpu.memref_slice %arg6[%add3A_359, %dma_start3A_360] : memref<80x128xi32, #tpu.memory_space<vmem>> -> memref<1x128xi32, #tpu.memory_space<vmem>>
        %dma_start3A_362 = tpu.memref_squeeze %dma_start3A_361 : memref<1x128xi32, #tpu.memory_space<vmem>> -> memref<128xi32, #tpu.memory_space<vmem>>
        %dma_start3A_363 = arith.constant 0 : i32
        %dma_start3A_364 = arith.constant 0 : i32
        %dma_start3A_365 = tpu.memref_slice %arg2[%dma_start3A_363, %dma_start3A_364] : memref<10000x128xf32, #tpu.memory_space<hbm>> -> memref<10000x128xf32, #tpu.memory_space<hbm>>
        tpu.enqueue_indirect_dma source(%dma_start3A_365 : memref<10000x128xf32, #tpu.memory_space<hbm>>) target(%arg9 : memref<128x128xf32, #tpu.memory_space<vmem>>) offsets(%dma_start3A_362 : memref<128xi32, #tpu.memory_space<vmem>>) semaphore(%arg12 : memref<!tpu.dma_semaphore, #tpu.memory_space<semaphore_mem>>)
      } else {
      }
      %mul3A_72 = arith.constant 8 : i32
      %mul3A_73 = arith.muli %add3A_43, %mul3A_72 : i32
      %add3A_74 = arith.constant 1 : i32
      %add3A_75 = arith.addi %mul3A_73, %add3A_74 : i32
      %dma_wait3A_76 = arith.constant 0 : i32
      %dma_wait3A_77 = tpu.memref_slice %arg6[%add3A_75, %dma_wait3A_76] : memref<80x128xi32, #tpu.memory_space<vmem>> -> memref<1x128xi32, #tpu.memory_space<vmem>>
      %dma_wait3A_78 = tpu.memref_squeeze %dma_wait3A_77 : memref<1x128xi32, #tpu.memory_space<vmem>> -> memref<128xi32, #tpu.memory_space<vmem>>
      %dma_wait3A_79 = arith.constant 0 : i32
      %dma_wait3A_80 = arith.constant 0 : i32
      %dma_wait3A_81 = tpu.memref_slice %arg2[%dma_wait3A_79, %dma_wait3A_80] : memref<10000x128xf32, #tpu.memory_space<hbm>> -> memref<10000x128xf32, #tpu.memory_space<hbm>>
      tpu.wait_indirect_dma semaphore(%arg13 : memref<!tpu.dma_semaphore, #tpu.memory_space<semaphore_mem>>) src(%dma_wait3A_81 : memref<10000x128xf32, #tpu.memory_space<hbm>>) dst(%arg10 : memref<128x128xf32, #tpu.memory_space<vmem>>)
      %run_scoped3A_82 = arith.constant 1 : i32
      "tpu.region"() ({
        %run_scoped3A_358 = tpu.sem_alloc : memref<!tpu.dma_semaphore, #tpu.memory_space<semaphore_mem>>
        %dma_start3A_359 = arith.constant 0 : i32
        %dma_start3A_360 = tpu.memref_slice %arg7[%run_scoped3A_82, %dma_start3A_359] : memref<8x128xi32, #tpu.memory_space<vmem>> -> memref<1x128xi32, #tpu.memory_space<vmem>>
        %dma_start3A_361 = tpu.memref_squeeze %dma_start3A_360 : memref<1x128xi32, #tpu.memory_space<vmem>> -> memref<128xi32, #tpu.memory_space<vmem>>
        %dma_start3A_362 = arith.constant 0 : i32
        %dma_start3A_363 = arith.constant 0 : i32
        %dma_start3A_364 = tpu.memref_slice %arg11[%dma_start3A_362, %dma_start3A_363] : memref<10240x128xf32, #tpu.memory_space<vmem_shared>> -> memref<10240x128xf32, #tpu.memory_space<vmem_shared>>
        tpu.enqueue_indirect_dma source(%arg10 : memref<128x128xf32, #tpu.memory_space<vmem>>) target(%dma_start3A_364 : memref<10240x128xf32, #tpu.memory_space<vmem_shared>>) offsets(%dma_start3A_361 : memref<128xi32, #tpu.memory_space<vmem>>) semaphore(%run_scoped3A_358 : memref<!tpu.dma_semaphore, #tpu.memory_space<semaphore_mem>>) {add = true}
        %dma_wait3A_365 = arith.constant 0 : i32
        %dma_wait3A_366 = tpu.memref_slice %arg7[%run_scoped3A_82, %dma_wait3A_365] : memref<8x128xi32, #tpu.memory_space<vmem>> -> memref<1x128xi32, #tpu.memory_space<vmem>>
        %dma_wait3A_367 = tpu.memref_squeeze %dma_wait3A_366 : memref<1x128xi32, #tpu.memory_space<vmem>> -> memref<128xi32, #tpu.memory_space<vmem>>
        %dma_wait3A_368 = arith.constant 0 : i32
        %dma_wait3A_369 = arith.constant 0 : i32
        %dma_wait3A_370 = tpu.memref_slice %arg11[%dma_wait3A_368, %dma_wait3A_369] : memref<10240x128xf32, #tpu.memory_space<vmem_shared>> -> memref<10240x128xf32, #tpu.memory_space<vmem_shared>>
        tpu.wait_indirect_dma semaphore(%run_scoped3A_358 : memref<!tpu.dma_semaphore, #tpu.memory_space<semaphore_mem>>) src(%arg10 : memref<128x128xf32, #tpu.memory_space<vmem>>) dst(%dma_wait3A_370 : memref<10240x128xf32, #tpu.memory_space<vmem_shared>>)
        tpu.yield
      }) : () -> ()
      %add3A_83 = arith.constant 2 : i32
      %add3A_84 = arith.addi %add3A_75, %add3A_83 : i32
      %lt3A_85 = arith.constant 80 : i32
      %lt3A_86 = arith.cmpi slt, %add3A_84, %lt3A_85 : i32
      %convert_element_type3A_87 = arith.extui %lt3A_86 : i1 to i32
      %cond3A_88 = arith.constant 0 : i32
      %cond3A_89 = arith.cmpi ne, %convert_element_type3A_87, %cond3A_88 : i32
      scf.if %cond3A_89 {
        %add3A_358 = arith.constant 2 : i32
        %add3A_359 = arith.addi %add3A_75, %add3A_358 : i32
        %dma_start3A_360 = arith.constant 0 : i32
        %dma_start3A_361 = tpu.memref_slice %arg6[%add3A_359, %dma_start3A_360] : memref<80x128xi32, #tpu.memory_space<vmem>> -> memref<1x128xi32, #tpu.memory_space<vmem>>
        %dma_start3A_362 = tpu.memref_squeeze %dma_start3A_361 : memref<1x128xi32, #tpu.memory_space<vmem>> -> memref<128xi32, #tpu.memory_space<vmem>>
        %dma_start3A_363 = arith.constant 0 : i32
        %dma_start3A_364 = arith.constant 0 : i32
        %dma_start3A_365 = tpu.memref_slice %arg2[%dma_start3A_363, %dma_start3A_364] : memref<10000x128xf32, #tpu.memory_space<hbm>> -> memref<10000x128xf32, #tpu.memory_space<hbm>>
        tpu.enqueue_indirect_dma source(%dma_start3A_365 : memref<10000x128xf32, #tpu.memory_space<hbm>>) target(%arg10 : memref<128x128xf32, #tpu.memory_space<vmem>>) offsets(%dma_start3A_362 : memref<128xi32, #tpu.memory_space<vmem>>) semaphore(%arg13 : memref<!tpu.dma_semaphore, #tpu.memory_space<semaphore_mem>>)
      } else {
      }
      %mul3A_90 = arith.constant 8 : i32
      %mul3A_91 = arith.muli %add3A_43, %mul3A_90 : i32
      %add3A_92 = arith.constant 2 : i32
      %add3A_93 = arith.addi %mul3A_91, %add3A_92 : i32
      %dma_wait3A_94 = arith.constant 0 : i32
      %dma_wait3A_95 = tpu.memref_slice %arg6[%add3A_93, %dma_wait3A_94] : memref<80x128xi32, #tpu.memory_space<vmem>> -> memref<1x128xi32, #tpu.memory_space<vmem>>
      %dma_wait3A_96 = tpu.memref_squeeze %dma_wait3A_95 : memref<1x128xi32, #tpu.memory_space<vmem>> -> memref<128xi32, #tpu.memory_space<vmem>>
      %dma_wait3A_97 = arith.constant 0 : i32
      %dma_wait3A_98 = arith.constant 0 : i32
      %dma_wait3A_99 = tpu.memref_slice %arg2[%dma_wait3A_97, %dma_wait3A_98] : memref<10000x128xf32, #tpu.memory_space<hbm>> -> memref<10000x128xf32, #tpu.memory_space<hbm>>
      tpu.wait_indirect_dma semaphore(%arg12 : memref<!tpu.dma_semaphore, #tpu.memory_space<semaphore_mem>>) src(%dma_wait3A_99 : memref<10000x128xf32, #tpu.memory_space<hbm>>) dst(%arg9 : memref<128x128xf32, #tpu.memory_space<vmem>>)
      %run_scoped3A_100 = arith.constant 2 : i32
      "tpu.region"() ({
        %run_scoped3A_358 = tpu.sem_alloc : memref<!tpu.dma_semaphore, #tpu.memory_space<semaphore_mem>>
        %dma_start3A_359 = arith.constant 0 : i32
        %dma_start3A_360 = tpu.memref_slice %arg7[%run_scoped3A_100, %dma_start3A_359] : memref<8x128xi32, #tpu.memory_space<vmem>> -> memref<1x128xi32, #tpu.memory_space<vmem>>
        %dma_start3A_361 = tpu.memref_squeeze %dma_start3A_360 : memref<1x128xi32, #tpu.memory_space<vmem>> -> memref<128xi32, #tpu.memory_space<vmem>>
        %dma_start3A_362 = arith.constant 0 : i32
        %dma_start3A_363 = arith.constant 0 : i32
        %dma_start3A_364 = tpu.memref_slice %arg11[%dma_start3A_362, %dma_start3A_363] : memref<10240x128xf32, #tpu.memory_space<vmem_shared>> -> memref<10240x128xf32, #tpu.memory_space<vmem_shared>>
        tpu.enqueue_indirect_dma source(%arg9 : memref<128x128xf32, #tpu.memory_space<vmem>>) target(%dma_start3A_364 : memref<10240x128xf32, #tpu.memory_space<vmem_shared>>) offsets(%dma_start3A_361 : memref<128xi32, #tpu.memory_space<vmem>>) semaphore(%run_scoped3A_358 : memref<!tpu.dma_semaphore, #tpu.memory_space<semaphore_mem>>) {add = true}
        %dma_wait3A_365 = arith.constant 0 : i32
        %dma_wait3A_366 = tpu.memref_slice %arg7[%run_scoped3A_100, %dma_wait3A_365] : memref<8x128xi32, #tpu.memory_space<vmem>> -> memref<1x128xi32, #tpu.memory_space<vmem>>
        %dma_wait3A_367 = tpu.memref_squeeze %dma_wait3A_366 : memref<1x128xi32, #tpu.memory_space<vmem>> -> memref<128xi32, #tpu.memory_space<vmem>>
        %dma_wait3A_368 = arith.constant 0 : i32
        %dma_wait3A_369 = arith.constant 0 : i32
        %dma_wait3A_370 = tpu.memref_slice %arg11[%dma_wait3A_368, %dma_wait3A_369] : memref<10240x128xf32, #tpu.memory_space<vmem_shared>> -> memref<10240x128xf32, #tpu.memory_space<vmem_shared>>
        tpu.wait_indirect_dma semaphore(%run_scoped3A_358 : memref<!tpu.dma_semaphore, #tpu.memory_space<semaphore_mem>>) src(%arg9 : memref<128x128xf32, #tpu.memory_space<vmem>>) dst(%dma_wait3A_370 : memref<10240x128xf32, #tpu.memory_space<vmem_shared>>)
        tpu.yield
      }) : () -> ()
      %add3A_101 = arith.constant 2 : i32
      %add3A_102 = arith.addi %add3A_93, %add3A_101 : i32
      %lt3A_103 = arith.constant 80 : i32
      %lt3A_104 = arith.cmpi slt, %add3A_102, %lt3A_103 : i32
      %convert_element_type3A_105 = arith.extui %lt3A_104 : i1 to i32
      %cond3A_106 = arith.constant 0 : i32
      %cond3A_107 = arith.cmpi ne, %convert_element_type3A_105, %cond3A_106 : i32
      scf.if %cond3A_107 {
        %add3A_358 = arith.constant 2 : i32
        %add3A_359 = arith.addi %add3A_93, %add3A_358 : i32
        %dma_start3A_360 = arith.constant 0 : i32
        %dma_start3A_361 = tpu.memref_slice %arg6[%add3A_359, %dma_start3A_360] : memref<80x128xi32, #tpu.memory_space<vmem>> -> memref<1x128xi32, #tpu.memory_space<vmem>>
        %dma_start3A_362 = tpu.memref_squeeze %dma_start3A_361 : memref<1x128xi32, #tpu.memory_space<vmem>> -> memref<128xi32, #tpu.memory_space<vmem>>
        %dma_start3A_363 = arith.constant 0 : i32
        %dma_start3A_364 = arith.constant 0 : i32
        %dma_start3A_365 = tpu.memref_slice %arg2[%dma_start3A_363, %dma_start3A_364] : memref<10000x128xf32, #tpu.memory_space<hbm>> -> memref<10000x128xf32, #tpu.memory_space<hbm>>
        tpu.enqueue_indirect_dma source(%dma_start3A_365 : memref<10000x128xf32, #tpu.memory_space<hbm>>) target(%arg9 : memref<128x128xf32, #tpu.memory_space<vmem>>) offsets(%dma_start3A_362 : memref<128xi32, #tpu.memory_space<vmem>>) semaphore(%arg12 : memref<!tpu.dma_semaphore, #tpu.memory_space<semaphore_mem>>)
      } else {
      }
      %mul3A_108 = arith.constant 8 : i32
      %mul3A_109 = arith.muli %add3A_43, %mul3A_108 : i32
      %add3A_110 = arith.constant 3 : i32
      %add3A_111 = arith.addi %mul3A_109, %add3A_110 : i32
      %dma_wait3A_112 = arith.constant 0 : i32
      %dma_wait3A_113 = tpu.memref_slice %arg6[%add3A_111, %dma_wait3A_112] : memref<80x128xi32, #tpu.memory_space<vmem>> -> memref<1x128xi32, #tpu.memory_space<vmem>>
      %dma_wait3A_114 = tpu.memref_squeeze %dma_wait3A_113 : memref<1x128xi32, #tpu.memory_space<vmem>> -> memref<128xi32, #tpu.memory_space<vmem>>
      %dma_wait3A_115 = arith.constant 0 : i32
      %dma_wait3A_116 = arith.constant 0 : i32
      %dma_wait3A_117 = tpu.memref_slice %arg2[%dma_wait3A_115, %dma_wait3A_116] : memref<10000x128xf32, #tpu.memory_space<hbm>> -> memref<10000x128xf32, #tpu.memory_space<hbm>>
      tpu.wait_indirect_dma semaphore(%arg13 : memref<!tpu.dma_semaphore, #tpu.memory_space<semaphore_mem>>) src(%dma_wait3A_117 : memref<10000x128xf32, #tpu.memory_space<hbm>>) dst(%arg10 : memref<128x128xf32, #tpu.memory_space<vmem>>)
      %run_scoped3A_118 = arith.constant 3 : i32
      "tpu.region"() ({
        %run_scoped3A_358 = tpu.sem_alloc : memref<!tpu.dma_semaphore, #tpu.memory_space<semaphore_mem>>
        %dma_start3A_359 = arith.constant 0 : i32
        %dma_start3A_360 = tpu.memref_slice %arg7[%run_scoped3A_118, %dma_start3A_359] : memref<8x128xi32, #tpu.memory_space<vmem>> -> memref<1x128xi32, #tpu.memory_space<vmem>>
        %dma_start3A_361 = tpu.memref_squeeze %dma_start3A_360 : memref<1x128xi32, #tpu.memory_space<vmem>> -> memref<128xi32, #tpu.memory_space<vmem>>
        %dma_start3A_362 = arith.constant 0 : i32
        %dma_start3A_363 = arith.constant 0 : i32
        %dma_start3A_364 = tpu.memref_slice %arg11[%dma_start3A_362, %dma_start3A_363] : memref<10240x128xf32, #tpu.memory_space<vmem_shared>> -> memref<10240x128xf32, #tpu.memory_space<vmem_shared>>
        tpu.enqueue_indirect_dma source(%arg10 : memref<128x128xf32, #tpu.memory_space<vmem>>) target(%dma_start3A_364 : memref<10240x128xf32, #tpu.memory_space<vmem_shared>>) offsets(%dma_start3A_361 : memref<128xi32, #tpu.memory_space<vmem>>) semaphore(%run_scoped3A_358 : memref<!tpu.dma_semaphore, #tpu.memory_space<semaphore_mem>>) {add = true}
        %dma_wait3A_365 = arith.constant 0 : i32
        %dma_wait3A_366 = tpu.memref_slice %arg7[%run_scoped3A_118, %dma_wait3A_365] : memref<8x128xi32, #tpu.memory_space<vmem>> -> memref<1x128xi32, #tpu.memory_space<vmem>>
        %dma_wait3A_367 = tpu.memref_squeeze %dma_wait3A_366 : memref<1x128xi32, #tpu.memory_space<vmem>> -> memref<128xi32, #tpu.memory_space<vmem>>
        %dma_wait3A_368 = arith.constant 0 : i32
        %dma_wait3A_369 = arith.constant 0 : i32
        %dma_wait3A_370 = tpu.memref_slice %arg11[%dma_wait3A_368, %dma_wait3A_369] : memref<10240x128xf32, #tpu.memory_space<vmem_shared>> -> memref<10240x128xf32, #tpu.memory_space<vmem_shared>>
        tpu.wait_indirect_dma semaphore(%run_scoped3A_358 : memref<!tpu.dma_semaphore, #tpu.memory_space<semaphore_mem>>) src(%arg10 : memref<128x128xf32, #tpu.memory_space<vmem>>) dst(%dma_wait3A_370 : memref<10240x128xf32, #tpu.memory_space<vmem_shared>>)
        tpu.yield
      }) : () -> ()
      %add3A_119 = arith.constant 2 : i32
      %add3A_120 = arith.addi %add3A_111, %add3A_119 : i32
      %lt3A_121 = arith.constant 80 : i32
      %lt3A_122 = arith.cmpi slt, %add3A_120, %lt3A_121 : i32
      %convert_element_type3A_123 = arith.extui %lt3A_122 : i1 to i32
      %cond3A_124 = arith.constant 0 : i32
      %cond3A_125 = arith.cmpi ne, %convert_element_type3A_123, %cond3A_124 : i32
      scf.if %cond3A_125 {
        %add3A_358 = arith.constant 2 : i32
        %add3A_359 = arith.addi %add3A_111, %add3A_358 : i32
        %dma_start3A_360 = arith.constant 0 : i32
        %dma_start3A_361 = tpu.memref_slice %arg6[%add3A_359, %dma_start3A_360] : memref<80x128xi32, #tpu.memory_space<vmem>> -> memref<1x128xi32, #tpu.memory_space<vmem>>
        %dma_start3A_362 = tpu.memref_squeeze %dma_start3A_361 : memref<1x128xi32, #tpu.memory_space<vmem>> -> memref<128xi32, #tpu.memory_space<vmem>>
        %dma_start3A_363 = arith.constant 0 : i32
        %dma_start3A_364 = arith.constant 0 : i32
        %dma_start3A_365 = tpu.memref_slice %arg2[%dma_start3A_363, %dma_start3A_364] : memref<10000x128xf32, #tpu.memory_space<hbm>> -> memref<10000x128xf32, #tpu.memory_space<hbm>>
        tpu.enqueue_indirect_dma source(%dma_start3A_365 : memref<10000x128xf32, #tpu.memory_space<hbm>>) target(%arg10 : memref<128x128xf32, #tpu.memory_space<vmem>>) offsets(%dma_start3A_362 : memref<128xi32, #tpu.memory_space<vmem>>) semaphore(%arg13 : memref<!tpu.dma_semaphore, #tpu.memory_space<semaphore_mem>>)
      } else {
      }
      %mul3A_126 = arith.constant 8 : i32
      %mul3A_127 = arith.muli %add3A_43, %mul3A_126 : i32
      %add3A_128 = arith.constant 4 : i32
      %add3A_129 = arith.addi %mul3A_127, %add3A_128 : i32
      %dma_wait3A_130 = arith.constant 0 : i32
      %dma_wait3A_131 = tpu.memref_slice %arg6[%add3A_129, %dma_wait3A_130] : memref<80x128xi32, #tpu.memory_space<vmem>> -> memref<1x128xi32, #tpu.memory_space<vmem>>
      %dma_wait3A_132 = tpu.memref_squeeze %dma_wait3A_131 : memref<1x128xi32, #tpu.memory_space<vmem>> -> memref<128xi32, #tpu.memory_space<vmem>>
      %dma_wait3A_133 = arith.constant 0 : i32
      %dma_wait3A_134 = arith.constant 0 : i32
      %dma_wait3A_135 = tpu.memref_slice %arg2[%dma_wait3A_133, %dma_wait3A_134] : memref<10000x128xf32, #tpu.memory_space<hbm>> -> memref<10000x128xf32, #tpu.memory_space<hbm>>
      tpu.wait_indirect_dma semaphore(%arg12 : memref<!tpu.dma_semaphore, #tpu.memory_space<semaphore_mem>>) src(%dma_wait3A_135 : memref<10000x128xf32, #tpu.memory_space<hbm>>) dst(%arg9 : memref<128x128xf32, #tpu.memory_space<vmem>>)
      %run_scoped3A_136 = arith.constant 4 : i32
      "tpu.region"() ({
        %run_scoped3A_358 = tpu.sem_alloc : memref<!tpu.dma_semaphore, #tpu.memory_space<semaphore_mem>>
        %dma_start3A_359 = arith.constant 0 : i32
        %dma_start3A_360 = tpu.memref_slice %arg7[%run_scoped3A_136, %dma_start3A_359] : memref<8x128xi32, #tpu.memory_space<vmem>> -> memref<1x128xi32, #tpu.memory_space<vmem>>
        %dma_start3A_361 = tpu.memref_squeeze %dma_start3A_360 : memref<1x128xi32, #tpu.memory_space<vmem>> -> memref<128xi32, #tpu.memory_space<vmem>>
        %dma_start3A_362 = arith.constant 0 : i32
        %dma_start3A_363 = arith.constant 0 : i32
        %dma_start3A_364 = tpu.memref_slice %arg11[%dma_start3A_362, %dma_start3A_363] : memref<10240x128xf32, #tpu.memory_space<vmem_shared>> -> memref<10240x128xf32, #tpu.memory_space<vmem_shared>>
        tpu.enqueue_indirect_dma source(%arg9 : memref<128x128xf32, #tpu.memory_space<vmem>>) target(%dma_start3A_364 : memref<10240x128xf32, #tpu.memory_space<vmem_shared>>) offsets(%dma_start3A_361 : memref<128xi32, #tpu.memory_space<vmem>>) semaphore(%run_scoped3A_358 : memref<!tpu.dma_semaphore, #tpu.memory_space<semaphore_mem>>) {add = true}
        %dma_wait3A_365 = arith.constant 0 : i32
        %dma_wait3A_366 = tpu.memref_slice %arg7[%run_scoped3A_136, %dma_wait3A_365] : memref<8x128xi32, #tpu.memory_space<vmem>> -> memref<1x128xi32, #tpu.memory_space<vmem>>
        %dma_wait3A_367 = tpu.memref_squeeze %dma_wait3A_366 : memref<1x128xi32, #tpu.memory_space<vmem>> -> memref<128xi32, #tpu.memory_space<vmem>>
        %dma_wait3A_368 = arith.constant 0 : i32
        %dma_wait3A_369 = arith.constant 0 : i32
        %dma_wait3A_370 = tpu.memref_slice %arg11[%dma_wait3A_368, %dma_wait3A_369] : memref<10240x128xf32, #tpu.memory_space<vmem_shared>> -> memref<10240x128xf32, #tpu.memory_space<vmem_shared>>
        tpu.wait_indirect_dma semaphore(%run_scoped3A_358 : memref<!tpu.dma_semaphore, #tpu.memory_space<semaphore_mem>>) src(%arg9 : memref<128x128xf32, #tpu.memory_space<vmem>>) dst(%dma_wait3A_370 : memref<10240x128xf32, #tpu.memory_space<vmem_shared>>)
        tpu.yield
      }) : () -> ()
      %add3A_137 = arith.constant 2 : i32
      %add3A_138 = arith.addi %add3A_129, %add3A_137 : i32
      %lt3A_139 = arith.constant 80 : i32
      %lt3A_140 = arith.cmpi slt, %add3A_138, %lt3A_139 : i32
      %convert_element_type3A_141 = arith.extui %lt3A_140 : i1 to i32
      %cond3A_142 = arith.constant 0 : i32
      %cond3A_143 = arith.cmpi ne, %convert_element_type3A_141, %cond3A_142 : i32
      scf.if %cond3A_143 {
        %add3A_358 = arith.constant 2 : i32
        %add3A_359 = arith.addi %add3A_129, %add3A_358 : i32
        %dma_start3A_360 = arith.constant 0 : i32
        %dma_start3A_361 = tpu.memref_slice %arg6[%add3A_359, %dma_start3A_360] : memref<80x128xi32, #tpu.memory_space<vmem>> -> memref<1x128xi32, #tpu.memory_space<vmem>>
        %dma_start3A_362 = tpu.memref_squeeze %dma_start3A_361 : memref<1x128xi32, #tpu.memory_space<vmem>> -> memref<128xi32, #tpu.memory_space<vmem>>
        %dma_start3A_363 = arith.constant 0 : i32
        %dma_start3A_364 = arith.constant 0 : i32
        %dma_start3A_365 = tpu.memref_slice %arg2[%dma_start3A_363, %dma_start3A_364] : memref<10000x128xf32, #tpu.memory_space<hbm>> -> memref<10000x128xf32, #tpu.memory_space<hbm>>
        tpu.enqueue_indirect_dma source(%dma_start3A_365 : memref<10000x128xf32, #tpu.memory_space<hbm>>) target(%arg9 : memref<128x128xf32, #tpu.memory_space<vmem>>) offsets(%dma_start3A_362 : memref<128xi32, #tpu.memory_space<vmem>>) semaphore(%arg12 : memref<!tpu.dma_semaphore, #tpu.memory_space<semaphore_mem>>)
      } else {
      }
      %mul3A_144 = arith.constant 8 : i32
      %mul3A_145 = arith.muli %add3A_43, %mul3A_144 : i32
      %add3A_146 = arith.constant 5 : i32
      %add3A_147 = arith.addi %mul3A_145, %add3A_146 : i32
      %dma_wait3A_148 = arith.constant 0 : i32
      %dma_wait3A_149 = tpu.memref_slice %arg6[%add3A_147, %dma_wait3A_148] : memref<80x128xi32, #tpu.memory_space<vmem>> -> memref<1x128xi32, #tpu.memory_space<vmem>>
      %dma_wait3A_150 = tpu.memref_squeeze %dma_wait3A_149 : memref<1x128xi32, #tpu.memory_space<vmem>> -> memref<128xi32, #tpu.memory_space<vmem>>
      %dma_wait3A_151 = arith.constant 0 : i32
      %dma_wait3A_152 = arith.constant 0 : i32
      %dma_wait3A_153 = tpu.memref_slice %arg2[%dma_wait3A_151, %dma_wait3A_152] : memref<10000x128xf32, #tpu.memory_space<hbm>> -> memref<10000x128xf32, #tpu.memory_space<hbm>>
      tpu.wait_indirect_dma semaphore(%arg13 : memref<!tpu.dma_semaphore, #tpu.memory_space<semaphore_mem>>) src(%dma_wait3A_153 : memref<10000x128xf32, #tpu.memory_space<hbm>>) dst(%arg10 : memref<128x128xf32, #tpu.memory_space<vmem>>)
      %run_scoped3A_154 = arith.constant 5 : i32
      "tpu.region"() ({
        %run_scoped3A_358 = tpu.sem_alloc : memref<!tpu.dma_semaphore, #tpu.memory_space<semaphore_mem>>
        %dma_start3A_359 = arith.constant 0 : i32
        %dma_start3A_360 = tpu.memref_slice %arg7[%run_scoped3A_154, %dma_start3A_359] : memref<8x128xi32, #tpu.memory_space<vmem>> -> memref<1x128xi32, #tpu.memory_space<vmem>>
        %dma_start3A_361 = tpu.memref_squeeze %dma_start3A_360 : memref<1x128xi32, #tpu.memory_space<vmem>> -> memref<128xi32, #tpu.memory_space<vmem>>
        %dma_start3A_362 = arith.constant 0 : i32
        %dma_start3A_363 = arith.constant 0 : i32
        %dma_start3A_364 = tpu.memref_slice %arg11[%dma_start3A_362, %dma_start3A_363] : memref<10240x128xf32, #tpu.memory_space<vmem_shared>> -> memref<10240x128xf32, #tpu.memory_space<vmem_shared>>
        tpu.enqueue_indirect_dma source(%arg10 : memref<128x128xf32, #tpu.memory_space<vmem>>) target(%dma_start3A_364 : memref<10240x128xf32, #tpu.memory_space<vmem_shared>>) offsets(%dma_start3A_361 : memref<128xi32, #tpu.memory_space<vmem>>) semaphore(%run_scoped3A_358 : memref<!tpu.dma_semaphore, #tpu.memory_space<semaphore_mem>>) {add = true}
        %dma_wait3A_365 = arith.constant 0 : i32
        %dma_wait3A_366 = tpu.memref_slice %arg7[%run_scoped3A_154, %dma_wait3A_365] : memref<8x128xi32, #tpu.memory_space<vmem>> -> memref<1x128xi32, #tpu.memory_space<vmem>>
        %dma_wait3A_367 = tpu.memref_squeeze %dma_wait3A_366 : memref<1x128xi32, #tpu.memory_space<vmem>> -> memref<128xi32, #tpu.memory_space<vmem>>
        %dma_wait3A_368 = arith.constant 0 : i32
        %dma_wait3A_369 = arith.constant 0 : i32
        %dma_wait3A_370 = tpu.memref_slice %arg11[%dma_wait3A_368, %dma_wait3A_369] : memref<10240x128xf32, #tpu.memory_space<vmem_shared>> -> memref<10240x128xf32, #tpu.memory_space<vmem_shared>>
        tpu.wait_indirect_dma semaphore(%run_scoped3A_358 : memref<!tpu.dma_semaphore, #tpu.memory_space<semaphore_mem>>) src(%arg10 : memref<128x128xf32, #tpu.memory_space<vmem>>) dst(%dma_wait3A_370 : memref<10240x128xf32, #tpu.memory_space<vmem_shared>>)
        tpu.yield
      }) : () -> ()
      %add3A_155 = arith.constant 2 : i32
      %add3A_156 = arith.addi %add3A_147, %add3A_155 : i32
      %lt3A_157 = arith.constant 80 : i32
      %lt3A_158 = arith.cmpi slt, %add3A_156, %lt3A_157 : i32
      %convert_element_type3A_159 = arith.extui %lt3A_158 : i1 to i32
      %cond3A_160 = arith.constant 0 : i32
      %cond3A_161 = arith.cmpi ne, %convert_element_type3A_159, %cond3A_160 : i32
      scf.if %cond3A_161 {
        %add3A_358 = arith.constant 2 : i32
        %add3A_359 = arith.addi %add3A_147, %add3A_358 : i32
        %dma_start3A_360 = arith.constant 0 : i32
        %dma_start3A_361 = tpu.memref_slice %arg6[%add3A_359, %dma_start3A_360] : memref<80x128xi32, #tpu.memory_space<vmem>> -> memref<1x128xi32, #tpu.memory_space<vmem>>
        %dma_start3A_362 = tpu.memref_squeeze %dma_start3A_361 : memref<1x128xi32, #tpu.memory_space<vmem>> -> memref<128xi32, #tpu.memory_space<vmem>>
        %dma_start3A_363 = arith.constant 0 : i32
        %dma_start3A_364 = arith.constant 0 : i32
        %dma_start3A_365 = tpu.memref_slice %arg2[%dma_start3A_363, %dma_start3A_364] : memref<10000x128xf32, #tpu.memory_space<hbm>> -> memref<10000x128xf32, #tpu.memory_space<hbm>>
        tpu.enqueue_indirect_dma source(%dma_start3A_365 : memref<10000x128xf32, #tpu.memory_space<hbm>>) target(%arg10 : memref<128x128xf32, #tpu.memory_space<vmem>>) offsets(%dma_start3A_362 : memref<128xi32, #tpu.memory_space<vmem>>) semaphore(%arg13 : memref<!tpu.dma_semaphore, #tpu.memory_space<semaphore_mem>>)
      } else {
      }
      %mul3A_162 = arith.constant 8 : i32
      %mul3A_163 = arith.muli %add3A_43, %mul3A_162 : i32
      %add3A_164 = arith.constant 6 : i32
      %add3A_165 = arith.addi %mul3A_163, %add3A_164 : i32
      %dma_wait3A_166 = arith.constant 0 : i32
      %dma_wait3A_167 = tpu.memref_slice %arg6[%add3A_165, %dma_wait3A_166] : memref<80x128xi32, #tpu.memory_space<vmem>> -> memref<1x128xi32, #tpu.memory_space<vmem>>
      %dma_wait3A_168 = tpu.memref_squeeze %dma_wait3A_167 : memref<1x128xi32, #tpu.memory_space<vmem>> -> memref<128xi32, #tpu.memory_space<vmem>>
      %dma_wait3A_169 = arith.constant 0 : i32
      %dma_wait3A_170 = arith.constant 0 : i32
      %dma_wait3A_171 = tpu.memref_slice %arg2[%dma_wait3A_169, %dma_wait3A_170] : memref<10000x128xf32, #tpu.memory_space<hbm>> -> memref<10000x128xf32, #tpu.memory_space<hbm>>
      tpu.wait_indirect_dma semaphore(%arg12 : memref<!tpu.dma_semaphore, #tpu.memory_space<semaphore_mem>>) src(%dma_wait3A_171 : memref<10000x128xf32, #tpu.memory_space<hbm>>) dst(%arg9 : memref<128x128xf32, #tpu.memory_space<vmem>>)
      %run_scoped3A_172 = arith.constant 6 : i32
      "tpu.region"() ({
        %run_scoped3A_358 = tpu.sem_alloc : memref<!tpu.dma_semaphore, #tpu.memory_space<semaphore_mem>>
        %dma_start3A_359 = arith.constant 0 : i32
        %dma_start3A_360 = tpu.memref_slice %arg7[%run_scoped3A_172, %dma_start3A_359] : memref<8x128xi32, #tpu.memory_space<vmem>> -> memref<1x128xi32, #tpu.memory_space<vmem>>
        %dma_start3A_361 = tpu.memref_squeeze %dma_start3A_360 : memref<1x128xi32, #tpu.memory_space<vmem>> -> memref<128xi32, #tpu.memory_space<vmem>>
        %dma_start3A_362 = arith.constant 0 : i32
        %dma_start3A_363 = arith.constant 0 : i32
        %dma_start3A_364 = tpu.memref_slice %arg11[%dma_start3A_362, %dma_start3A_363] : memref<10240x128xf32, #tpu.memory_space<vmem_shared>> -> memref<10240x128xf32, #tpu.memory_space<vmem_shared>>
        tpu.enqueue_indirect_dma source(%arg9 : memref<128x128xf32, #tpu.memory_space<vmem>>) target(%dma_start3A_364 : memref<10240x128xf32, #tpu.memory_space<vmem_shared>>) offsets(%dma_start3A_361 : memref<128xi32, #tpu.memory_space<vmem>>) semaphore(%run_scoped3A_358 : memref<!tpu.dma_semaphore, #tpu.memory_space<semaphore_mem>>) {add = true}
        %dma_wait3A_365 = arith.constant 0 : i32
        %dma_wait3A_366 = tpu.memref_slice %arg7[%run_scoped3A_172, %dma_wait3A_365] : memref<8x128xi32, #tpu.memory_space<vmem>> -> memref<1x128xi32, #tpu.memory_space<vmem>>
        %dma_wait3A_367 = tpu.memref_squeeze %dma_wait3A_366 : memref<1x128xi32, #tpu.memory_space<vmem>> -> memref<128xi32, #tpu.memory_space<vmem>>
        %dma_wait3A_368 = arith.constant 0 : i32
        %dma_wait3A_369 = arith.constant 0 : i32
        %dma_wait3A_370 = tpu.memref_slice %arg11[%dma_wait3A_368, %dma_wait3A_369] : memref<10240x128xf32, #tpu.memory_space<vmem_shared>> -> memref<10240x128xf32, #tpu.memory_space<vmem_shared>>
        tpu.wait_indirect_dma semaphore(%run_scoped3A_358 : memref<!tpu.dma_semaphore, #tpu.memory_space<semaphore_mem>>) src(%arg9 : memref<128x128xf32, #tpu.memory_space<vmem>>) dst(%dma_wait3A_370 : memref<10240x128xf32, #tpu.memory_space<vmem_shared>>)
        tpu.yield
      }) : () -> ()
      %add3A_173 = arith.constant 2 : i32
      %add3A_174 = arith.addi %add3A_165, %add3A_173 : i32
      %lt3A_175 = arith.constant 80 : i32
      %lt3A_176 = arith.cmpi slt, %add3A_174, %lt3A_175 : i32
      %convert_element_type3A_177 = arith.extui %lt3A_176 : i1 to i32
      %cond3A_178 = arith.constant 0 : i32
      %cond3A_179 = arith.cmpi ne, %convert_element_type3A_177, %cond3A_178 : i32
      scf.if %cond3A_179 {
        %add3A_358 = arith.constant 2 : i32
        %add3A_359 = arith.addi %add3A_165, %add3A_358 : i32
        %dma_start3A_360 = arith.constant 0 : i32
        %dma_start3A_361 = tpu.memref_slice %arg6[%add3A_359, %dma_start3A_360] : memref<80x128xi32, #tpu.memory_space<vmem>> -> memref<1x128xi32, #tpu.memory_space<vmem>>
        %dma_start3A_362 = tpu.memref_squeeze %dma_start3A_361 : memref<1x128xi32, #tpu.memory_space<vmem>> -> memref<128xi32, #tpu.memory_space<vmem>>
        %dma_start3A_363 = arith.constant 0 : i32
        %dma_start3A_364 = arith.constant 0 : i32
        %dma_start3A_365 = tpu.memref_slice %arg2[%dma_start3A_363, %dma_start3A_364] : memref<10000x128xf32, #tpu.memory_space<hbm>> -> memref<10000x128xf32, #tpu.memory_space<hbm>>
        tpu.enqueue_indirect_dma source(%dma_start3A_365 : memref<10000x128xf32, #tpu.memory_space<hbm>>) target(%arg9 : memref<128x128xf32, #tpu.memory_space<vmem>>) offsets(%dma_start3A_362 : memref<128xi32, #tpu.memory_space<vmem>>) semaphore(%arg12 : memref<!tpu.dma_semaphore, #tpu.memory_space<semaphore_mem>>)
      } else {
      }
      %mul3A_180 = arith.constant 8 : i32
      %mul3A_181 = arith.muli %add3A_43, %mul3A_180 : i32
      %add3A_182 = arith.constant 7 : i32
      %add3A_183 = arith.addi %mul3A_181, %add3A_182 : i32
      %dma_wait3A_184 = arith.constant 0 : i32
      %dma_wait3A_185 = tpu.memref_slice %arg6[%add3A_183, %dma_wait3A_184] : memref<80x128xi32, #tpu.memory_space<vmem>> -> memref<1x128xi32, #tpu.memory_space<vmem>>
      %dma_wait3A_186 = tpu.memref_squeeze %dma_wait3A_185 : memref<1x128xi32, #tpu.memory_space<vmem>> -> memref<128xi32, #tpu.memory_space<vmem>>
      %dma_wait3A_187 = arith.constant 0 : i32
      %dma_wait3A_188 = arith.constant 0 : i32
      %dma_wait3A_189 = tpu.memref_slice %arg2[%dma_wait3A_187, %dma_wait3A_188] : memref<10000x128xf32, #tpu.memory_space<hbm>> -> memref<10000x128xf32, #tpu.memory_space<hbm>>
      tpu.wait_indirect_dma semaphore(%arg13 : memref<!tpu.dma_semaphore, #tpu.memory_space<semaphore_mem>>) src(%dma_wait3A_189 : memref<10000x128xf32, #tpu.memory_space<hbm>>) dst(%arg10 : memref<128x128xf32, #tpu.memory_space<vmem>>)
      %run_scoped3A_190 = arith.constant 7 : i32
      "tpu.region"() ({
        %run_scoped3A_358 = tpu.sem_alloc : memref<!tpu.dma_semaphore, #tpu.memory_space<semaphore_mem>>
        %dma_start3A_359 = arith.constant 0 : i32
        %dma_start3A_360 = tpu.memref_slice %arg7[%run_scoped3A_190, %dma_start3A_359] : memref<8x128xi32, #tpu.memory_space<vmem>> -> memref<1x128xi32, #tpu.memory_space<vmem>>
        %dma_start3A_361 = tpu.memref_squeeze %dma_start3A_360 : memref<1x128xi32, #tpu.memory_space<vmem>> -> memref<128xi32, #tpu.memory_space<vmem>>
        %dma_start3A_362 = arith.constant 0 : i32
        %dma_start3A_363 = arith.constant 0 : i32
        %dma_start3A_364 = tpu.memref_slice %arg11[%dma_start3A_362, %dma_start3A_363] : memref<10240x128xf32, #tpu.memory_space<vmem_shared>> -> memref<10240x128xf32, #tpu.memory_space<vmem_shared>>
        tpu.enqueue_indirect_dma source(%arg10 : memref<128x128xf32, #tpu.memory_space<vmem>>) target(%dma_start3A_364 : memref<10240x128xf32, #tpu.memory_space<vmem_shared>>) offsets(%dma_start3A_361 : memref<128xi32, #tpu.memory_space<vmem>>) semaphore(%run_scoped3A_358 : memref<!tpu.dma_semaphore, #tpu.memory_space<semaphore_mem>>) {add = true}
        %dma_wait3A_365 = arith.constant 0 : i32
        %dma_wait3A_366 = tpu.memref_slice %arg7[%run_scoped3A_190, %dma_wait3A_365] : memref<8x128xi32, #tpu.memory_space<vmem>> -> memref<1x128xi32, #tpu.memory_space<vmem>>
        %dma_wait3A_367 = tpu.memref_squeeze %dma_wait3A_366 : memref<1x128xi32, #tpu.memory_space<vmem>> -> memref<128xi32, #tpu.memory_space<vmem>>
        %dma_wait3A_368 = arith.constant 0 : i32
        %dma_wait3A_369 = arith.constant 0 : i32
        %dma_wait3A_370 = tpu.memref_slice %arg11[%dma_wait3A_368, %dma_wait3A_369] : memref<10240x128xf32, #tpu.memory_space<vmem_shared>> -> memref<10240x128xf32, #tpu.memory_space<vmem_shared>>
        tpu.wait_indirect_dma semaphore(%run_scoped3A_358 : memref<!tpu.dma_semaphore, #tpu.memory_space<semaphore_mem>>) src(%arg10 : memref<128x128xf32, #tpu.memory_space<vmem>>) dst(%dma_wait3A_370 : memref<10240x128xf32, #tpu.memory_space<vmem_shared>>)
        tpu.yield
      }) : () -> ()
      %add3A_191 = arith.constant 2 : i32
      %add3A_192 = arith.addi %add3A_183, %add3A_191 : i32
      %lt3A_193 = arith.constant 80 : i32
      %lt3A_194 = arith.cmpi slt, %add3A_192, %lt3A_193 : i32
      %convert_element_type3A_195 = arith.extui %lt3A_194 : i1 to i32
      %cond3A_196 = arith.constant 0 : i32
      %cond3A_197 = arith.cmpi ne, %convert_element_type3A_195, %cond3A_196 : i32
      scf.if %cond3A_197 {
        %add3A_358 = arith.constant 2 : i32
        %add3A_359 = arith.addi %add3A_183, %add3A_358 : i32
        %dma_start3A_360 = arith.constant 0 : i32
        %dma_start3A_361 = tpu.memref_slice %arg6[%add3A_359, %dma_start3A_360] : memref<80x128xi32, #tpu.memory_space<vmem>> -> memref<1x128xi32, #tpu.memory_space<vmem>>
        %dma_start3A_362 = tpu.memref_squeeze %dma_start3A_361 : memref<1x128xi32, #tpu.memory_space<vmem>> -> memref<128xi32, #tpu.memory_space<vmem>>
        %dma_start3A_363 = arith.constant 0 : i32
        %dma_start3A_364 = arith.constant 0 : i32
        %dma_start3A_365 = tpu.memref_slice %arg2[%dma_start3A_363, %dma_start3A_364] : memref<10000x128xf32, #tpu.memory_space<hbm>> -> memref<10000x128xf32, #tpu.memory_space<hbm>>
        tpu.enqueue_indirect_dma source(%dma_start3A_365 : memref<10000x128xf32, #tpu.memory_space<hbm>>) target(%arg10 : memref<128x128xf32, #tpu.memory_space<vmem>>) offsets(%dma_start3A_362 : memref<128xi32, #tpu.memory_space<vmem>>) semaphore(%arg13 : memref<!tpu.dma_semaphore, #tpu.memory_space<semaphore_mem>>)
      } else {
      }
      %mul3A_198 = arith.constant 2 : i32
      %mul3A_199 = arith.muli %add3A_39, %mul3A_198 : i32
      %add3A_200 = arith.constant 1 : i32
      %add3A_201 = arith.addi %mul3A_199, %add3A_200 : i32
      %add3A_202 = arith.constant 1 : i32
      %add3A_203 = arith.addi %add3A_201, %add3A_202 : i32
      %lt3A_204 = arith.constant 10 : i32
      %lt3A_205 = arith.cmpi slt, %add3A_203, %lt3A_204 : i32
      %convert_element_type3A_206 = arith.extui %lt3A_205 : i1 to i32
      %cond3A_207 = arith.constant 0 : i32
      %cond3A_208 = arith.cmpi ne, %convert_element_type3A_206, %cond3A_207 : i32
      scf.if %cond3A_208 {
        %add3A_358 = arith.constant 1 : i32
        %add3A_359 = arith.addi %add3A_201, %add3A_358 : i32
        %dma_start3A_360 = arith.constant 0 : i32
        %dma_start3A_361 = arith.constant 0 : i32
        %dma_start3A_362 = tpu.memref_slice %arg4[%add3A, %add3A_359, %dma_start3A_360, %dma_start3A_361] : memref<32x10x8x128xi32, #tpu.memory_space<hbm>> -> memref<1x1x8x128xi32, #tpu.memory_space<hbm>>
        %dma_start3A_363 = tpu.memref_squeeze %dma_start3A_362 : memref<1x1x8x128xi32, #tpu.memory_space<hbm>> -> memref<8x128xi32, #tpu.memory_space<hbm>>
        %dma_start3A_364 = arith.constant 0 : i32
        %dma_start3A_365 = arith.constant 0 : i32
        %dma_start3A_366 = tpu.memref_slice %arg4[%add3A, %add3A_359, %dma_start3A_364, %dma_start3A_365] : memref<32x10x8x128xi32, #tpu.memory_space<hbm>> -> memref<1x1x8x128xi32, #tpu.memory_space<hbm>>
        %dma_start3A_367 = tpu.memref_squeeze %dma_start3A_366 : memref<1x1x8x128xi32, #tpu.memory_space<hbm>> -> memref<8x128xi32, #tpu.memory_space<hbm>>
        tpu.enqueue_dma source(%dma_start3A_367 : memref<8x128xi32, #tpu.memory_space<hbm>>) target(%arg7 : memref<8x128xi32, #tpu.memory_space<vmem>>) target_semaphore(%arg14 : memref<!tpu.dma_semaphore, #tpu.memory_space<semaphore_mem>>)
      } else {
      }
      %gt3A_209 = arith.constant 0 : i32
      %gt3A_210 = arith.cmpi sgt, %add3A_201, %gt3A_209 : i32
      %convert_element_type3A_211 = arith.extui %gt3A_210 : i1 to i32
      %cond3A_212 = arith.constant 0 : i32
      %cond3A_213 = arith.cmpi ne, %convert_element_type3A_211, %cond3A_212 : i32
      scf.if %cond3A_213 {
        %dma_wait3A_358 = arith.constant 0 : i32
        %dma_wait3A_359 = arith.constant 0 : i32
        %dma_wait3A_360 = tpu.memref_slice %arg4[%add3A, %add3A_201, %dma_wait3A_358, %dma_wait3A_359] : memref<32x10x8x128xi32, #tpu.memory_space<hbm>> -> memref<1x1x8x128xi32, #tpu.memory_space<hbm>>
        %dma_wait3A_361 = tpu.memref_squeeze %dma_wait3A_360 : memref<1x1x8x128xi32, #tpu.memory_space<hbm>> -> memref<8x128xi32, #tpu.memory_space<hbm>>
        %dma_wait3A_362 = arith.constant 0 : i32
        %dma_wait3A_363 = arith.constant 0 : i32
        %dma_wait3A_364 = tpu.memref_slice %arg4[%add3A, %add3A_201, %dma_wait3A_362, %dma_wait3A_363] : memref<32x10x8x128xi32, #tpu.memory_space<hbm>> -> memref<1x1x8x128xi32, #tpu.memory_space<hbm>>
        %dma_wait3A_365 = tpu.memref_squeeze %dma_wait3A_364 : memref<1x1x8x128xi32, #tpu.memory_space<hbm>> -> memref<8x128xi32, #tpu.memory_space<hbm>>
        tpu.wait_dma2 semaphore(%arg15 : memref<!tpu.dma_semaphore, #tpu.memory_space<semaphore_mem>>) src(%dma_wait3A_365 : memref<8x128xi32, #tpu.memory_space<hbm>>) dst(%arg8 : memref<8x128xi32, #tpu.memory_space<vmem>>)
      } else {
      }
      %mul3A_214 = arith.constant 8 : i32
      %mul3A_215 = arith.muli %add3A_201, %mul3A_214 : i32
      %add3A_216 = arith.constant 0 : i32
      %add3A_217 = arith.addi %mul3A_215, %add3A_216 : i32
      %dma_wait3A_218 = arith.constant 0 : i32
      %dma_wait3A_219 = tpu.memref_slice %arg6[%add3A_217, %dma_wait3A_218] : memref<80x128xi32, #tpu.memory_space<vmem>> -> memref<1x128xi32, #tpu.memory_space<vmem>>
      %dma_wait3A_220 = tpu.memref_squeeze %dma_wait3A_219 : memref<1x128xi32, #tpu.memory_space<vmem>> -> memref<128xi32, #tpu.memory_space<vmem>>
      %dma_wait3A_221 = arith.constant 0 : i32
      %dma_wait3A_222 = arith.constant 0 : i32
      %dma_wait3A_223 = tpu.memref_slice %arg2[%dma_wait3A_221, %dma_wait3A_222] : memref<10000x128xf32, #tpu.memory_space<hbm>> -> memref<10000x128xf32, #tpu.memory_space<hbm>>
      tpu.wait_indirect_dma semaphore(%arg12 : memref<!tpu.dma_semaphore, #tpu.memory_space<semaphore_mem>>) src(%dma_wait3A_223 : memref<10000x128xf32, #tpu.memory_space<hbm>>) dst(%arg9 : memref<128x128xf32, #tpu.memory_space<vmem>>)
      %run_scoped3A_224 = arith.constant 0 : i32
      "tpu.region"() ({
        %run_scoped3A_358 = tpu.sem_alloc : memref<!tpu.dma_semaphore, #tpu.memory_space<semaphore_mem>>
        %dma_start3A_359 = arith.constant 0 : i32
        %dma_start3A_360 = tpu.memref_slice %arg8[%run_scoped3A_224, %dma_start3A_359] : memref<8x128xi32, #tpu.memory_space<vmem>> -> memref<1x128xi32, #tpu.memory_space<vmem>>
        %dma_start3A_361 = tpu.memref_squeeze %dma_start3A_360 : memref<1x128xi32, #tpu.memory_space<vmem>> -> memref<128xi32, #tpu.memory_space<vmem>>
        %dma_start3A_362 = arith.constant 0 : i32
        %dma_start3A_363 = arith.constant 0 : i32
        %dma_start3A_364 = tpu.memref_slice %arg11[%dma_start3A_362, %dma_start3A_363] : memref<10240x128xf32, #tpu.memory_space<vmem_shared>> -> memref<10240x128xf32, #tpu.memory_space<vmem_shared>>
        tpu.enqueue_indirect_dma source(%arg9 : memref<128x128xf32, #tpu.memory_space<vmem>>) target(%dma_start3A_364 : memref<10240x128xf32, #tpu.memory_space<vmem_shared>>) offsets(%dma_start3A_361 : memref<128xi32, #tpu.memory_space<vmem>>) semaphore(%run_scoped3A_358 : memref<!tpu.dma_semaphore, #tpu.memory_space<semaphore_mem>>) {add = true}
        %dma_wait3A_365 = arith.constant 0 : i32
        %dma_wait3A_366 = tpu.memref_slice %arg8[%run_scoped3A_224, %dma_wait3A_365] : memref<8x128xi32, #tpu.memory_space<vmem>> -> memref<1x128xi32, #tpu.memory_space<vmem>>
        %dma_wait3A_367 = tpu.memref_squeeze %dma_wait3A_366 : memref<1x128xi32, #tpu.memory_space<vmem>> -> memref<128xi32, #tpu.memory_space<vmem>>
        %dma_wait3A_368 = arith.constant 0 : i32
        %dma_wait3A_369 = arith.constant 0 : i32
        %dma_wait3A_370 = tpu.memref_slice %arg11[%dma_wait3A_368, %dma_wait3A_369] : memref<10240x128xf32, #tpu.memory_space<vmem_shared>> -> memref<10240x128xf32, #tpu.memory_space<vmem_shared>>
        tpu.wait_indirect_dma semaphore(%run_scoped3A_358 : memref<!tpu.dma_semaphore, #tpu.memory_space<semaphore_mem>>) src(%arg9 : memref<128x128xf32, #tpu.memory_space<vmem>>) dst(%dma_wait3A_370 : memref<10240x128xf32, #tpu.memory_space<vmem_shared>>)
        tpu.yield
      }) : () -> ()
      %add3A_225 = arith.constant 2 : i32
      %add3A_226 = arith.addi %add3A_217, %add3A_225 : i32
      %lt3A_227 = arith.constant 80 : i32
      %lt3A_228 = arith.cmpi slt, %add3A_226, %lt3A_227 : i32
      %convert_element_type3A_229 = arith.extui %lt3A_228 : i1 to i32
      %cond3A_230 = arith.constant 0 : i32
      %cond3A_231 = arith.cmpi ne, %convert_element_type3A_229, %cond3A_230 : i32
      scf.if %cond3A_231 {
        %add3A_358 = arith.constant 2 : i32
        %add3A_359 = arith.addi %add3A_217, %add3A_358 : i32
        %dma_start3A_360 = arith.constant 0 : i32
        %dma_start3A_361 = tpu.memref_slice %arg6[%add3A_359, %dma_start3A_360] : memref<80x128xi32, #tpu.memory_space<vmem>> -> memref<1x128xi32, #tpu.memory_space<vmem>>
        %dma_start3A_362 = tpu.memref_squeeze %dma_start3A_361 : memref<1x128xi32, #tpu.memory_space<vmem>> -> memref<128xi32, #tpu.memory_space<vmem>>
        %dma_start3A_363 = arith.constant 0 : i32
        %dma_start3A_364 = arith.constant 0 : i32
        %dma_start3A_365 = tpu.memref_slice %arg2[%dma_start3A_363, %dma_start3A_364] : memref<10000x128xf32, #tpu.memory_space<hbm>> -> memref<10000x128xf32, #tpu.memory_space<hbm>>
        tpu.enqueue_indirect_dma source(%dma_start3A_365 : memref<10000x128xf32, #tpu.memory_space<hbm>>) target(%arg9 : memref<128x128xf32, #tpu.memory_space<vmem>>) offsets(%dma_start3A_362 : memref<128xi32, #tpu.memory_space<vmem>>) semaphore(%arg12 : memref<!tpu.dma_semaphore, #tpu.memory_space<semaphore_mem>>)
      } else {
      }
      %mul3A_232 = arith.constant 8 : i32
      %mul3A_233 = arith.muli %add3A_201, %mul3A_232 : i32
      %add3A_234 = arith.constant 1 : i32
      %add3A_235 = arith.addi %mul3A_233, %add3A_234 : i32
      %dma_wait3A_236 = arith.constant 0 : i32
      %dma_wait3A_237 = tpu.memref_slice %arg6[%add3A_235, %dma_wait3A_236] : memref<80x128xi32, #tpu.memory_space<vmem>> -> memref<1x128xi32, #tpu.memory_space<vmem>>
      %dma_wait3A_238 = tpu.memref_squeeze %dma_wait3A_237 : memref<1x128xi32, #tpu.memory_space<vmem>> -> memref<128xi32, #tpu.memory_space<vmem>>
      %dma_wait3A_239 = arith.constant 0 : i32
      %dma_wait3A_240 = arith.constant 0 : i32
      %dma_wait3A_241 = tpu.memref_slice %arg2[%dma_wait3A_239, %dma_wait3A_240] : memref<10000x128xf32, #tpu.memory_space<hbm>> -> memref<10000x128xf32, #tpu.memory_space<hbm>>
      tpu.wait_indirect_dma semaphore(%arg13 : memref<!tpu.dma_semaphore, #tpu.memory_space<semaphore_mem>>) src(%dma_wait3A_241 : memref<10000x128xf32, #tpu.memory_space<hbm>>) dst(%arg10 : memref<128x128xf32, #tpu.memory_space<vmem>>)
      %run_scoped3A_242 = arith.constant 1 : i32
      "tpu.region"() ({
        %run_scoped3A_358 = tpu.sem_alloc : memref<!tpu.dma_semaphore, #tpu.memory_space<semaphore_mem>>
        %dma_start3A_359 = arith.constant 0 : i32
        %dma_start3A_360 = tpu.memref_slice %arg8[%run_scoped3A_242, %dma_start3A_359] : memref<8x128xi32, #tpu.memory_space<vmem>> -> memref<1x128xi32, #tpu.memory_space<vmem>>
        %dma_start3A_361 = tpu.memref_squeeze %dma_start3A_360 : memref<1x128xi32, #tpu.memory_space<vmem>> -> memref<128xi32, #tpu.memory_space<vmem>>
        %dma_start3A_362 = arith.constant 0 : i32
        %dma_start3A_363 = arith.constant 0 : i32
        %dma_start3A_364 = tpu.memref_slice %arg11[%dma_start3A_362, %dma_start3A_363] : memref<10240x128xf32, #tpu.memory_space<vmem_shared>> -> memref<10240x128xf32, #tpu.memory_space<vmem_shared>>
        tpu.enqueue_indirect_dma source(%arg10 : memref<128x128xf32, #tpu.memory_space<vmem>>) target(%dma_start3A_364 : memref<10240x128xf32, #tpu.memory_space<vmem_shared>>) offsets(%dma_start3A_361 : memref<128xi32, #tpu.memory_space<vmem>>) semaphore(%run_scoped3A_358 : memref<!tpu.dma_semaphore, #tpu.memory_space<semaphore_mem>>) {add = true}
        %dma_wait3A_365 = arith.constant 0 : i32
        %dma_wait3A_366 = tpu.memref_slice %arg8[%run_scoped3A_242, %dma_wait3A_365] : memref<8x128xi32, #tpu.memory_space<vmem>> -> memref<1x128xi32, #tpu.memory_space<vmem>>
        %dma_wait3A_367 = tpu.memref_squeeze %dma_wait3A_366 : memref<1x128xi32, #tpu.memory_space<vmem>> -> memref<128xi32, #tpu.memory_space<vmem>>
        %dma_wait3A_368 = arith.constant 0 : i32
        %dma_wait3A_369 = arith.constant 0 : i32
        %dma_wait3A_370 = tpu.memref_slice %arg11[%dma_wait3A_368, %dma_wait3A_369] : memref<10240x128xf32, #tpu.memory_space<vmem_shared>> -> memref<10240x128xf32, #tpu.memory_space<vmem_shared>>
        tpu.wait_indirect_dma semaphore(%run_scoped3A_358 : memref<!tpu.dma_semaphore, #tpu.memory_space<semaphore_mem>>) src(%arg10 : memref<128x128xf32, #tpu.memory_space<vmem>>) dst(%dma_wait3A_370 : memref<10240x128xf32, #tpu.memory_space<vmem_shared>>)
        tpu.yield
      }) : () -> ()
      %add3A_243 = arith.constant 2 : i32
      %add3A_244 = arith.addi %add3A_235, %add3A_243 : i32
      %lt3A_245 = arith.constant 80 : i32
      %lt3A_246 = arith.cmpi slt, %add3A_244, %lt3A_245 : i32
      %convert_element_type3A_247 = arith.extui %lt3A_246 : i1 to i32
      %cond3A_248 = arith.constant 0 : i32
      %cond3A_249 = arith.cmpi ne, %convert_element_type3A_247, %cond3A_248 : i32
      scf.if %cond3A_249 {
        %add3A_358 = arith.constant 2 : i32
        %add3A_359 = arith.addi %add3A_235, %add3A_358 : i32
        %dma_start3A_360 = arith.constant 0 : i32
        %dma_start3A_361 = tpu.memref_slice %arg6[%add3A_359, %dma_start3A_360] : memref<80x128xi32, #tpu.memory_space<vmem>> -> memref<1x128xi32, #tpu.memory_space<vmem>>
        %dma_start3A_362 = tpu.memref_squeeze %dma_start3A_361 : memref<1x128xi32, #tpu.memory_space<vmem>> -> memref<128xi32, #tpu.memory_space<vmem>>
        %dma_start3A_363 = arith.constant 0 : i32
        %dma_start3A_364 = arith.constant 0 : i32
        %dma_start3A_365 = tpu.memref_slice %arg2[%dma_start3A_363, %dma_start3A_364] : memref<10000x128xf32, #tpu.memory_space<hbm>> -> memref<10000x128xf32, #tpu.memory_space<hbm>>
        tpu.enqueue_indirect_dma source(%dma_start3A_365 : memref<10000x128xf32, #tpu.memory_space<hbm>>) target(%arg10 : memref<128x128xf32, #tpu.memory_space<vmem>>) offsets(%dma_start3A_362 : memref<128xi32, #tpu.memory_space<vmem>>) semaphore(%arg13 : memref<!tpu.dma_semaphore, #tpu.memory_space<semaphore_mem>>)
      } else {
      }
      %mul3A_250 = arith.constant 8 : i32
      %mul3A_251 = arith.muli %add3A_201, %mul3A_250 : i32
      %add3A_252 = arith.constant 2 : i32
      %add3A_253 = arith.addi %mul3A_251, %add3A_252 : i32
      %dma_wait3A_254 = arith.constant 0 : i32
      %dma_wait3A_255 = tpu.memref_slice %arg6[%add3A_253, %dma_wait3A_254] : memref<80x128xi32, #tpu.memory_space<vmem>> -> memref<1x128xi32, #tpu.memory_space<vmem>>
      %dma_wait3A_256 = tpu.memref_squeeze %dma_wait3A_255 : memref<1x128xi32, #tpu.memory_space<vmem>> -> memref<128xi32, #tpu.memory_space<vmem>>
      %dma_wait3A_257 = arith.constant 0 : i32
      %dma_wait3A_258 = arith.constant 0 : i32
      %dma_wait3A_259 = tpu.memref_slice %arg2[%dma_wait3A_257, %dma_wait3A_258] : memref<10000x128xf32, #tpu.memory_space<hbm>> -> memref<10000x128xf32, #tpu.memory_space<hbm>>
      tpu.wait_indirect_dma semaphore(%arg12 : memref<!tpu.dma_semaphore, #tpu.memory_space<semaphore_mem>>) src(%dma_wait3A_259 : memref<10000x128xf32, #tpu.memory_space<hbm>>) dst(%arg9 : memref<128x128xf32, #tpu.memory_space<vmem>>)
      %run_scoped3A_260 = arith.constant 2 : i32
      "tpu.region"() ({
        %run_scoped3A_358 = tpu.sem_alloc : memref<!tpu.dma_semaphore, #tpu.memory_space<semaphore_mem>>
        %dma_start3A_359 = arith.constant 0 : i32
        %dma_start3A_360 = tpu.memref_slice %arg8[%run_scoped3A_260, %dma_start3A_359] : memref<8x128xi32, #tpu.memory_space<vmem>> -> memref<1x128xi32, #tpu.memory_space<vmem>>
        %dma_start3A_361 = tpu.memref_squeeze %dma_start3A_360 : memref<1x128xi32, #tpu.memory_space<vmem>> -> memref<128xi32, #tpu.memory_space<vmem>>
        %dma_start3A_362 = arith.constant 0 : i32
        %dma_start3A_363 = arith.constant 0 : i32
        %dma_start3A_364 = tpu.memref_slice %arg11[%dma_start3A_362, %dma_start3A_363] : memref<10240x128xf32, #tpu.memory_space<vmem_shared>> -> memref<10240x128xf32, #tpu.memory_space<vmem_shared>>
        tpu.enqueue_indirect_dma source(%arg9 : memref<128x128xf32, #tpu.memory_space<vmem>>) target(%dma_start3A_364 : memref<10240x128xf32, #tpu.memory_space<vmem_shared>>) offsets(%dma_start3A_361 : memref<128xi32, #tpu.memory_space<vmem>>) semaphore(%run_scoped3A_358 : memref<!tpu.dma_semaphore, #tpu.memory_space<semaphore_mem>>) {add = true}
        %dma_wait3A_365 = arith.constant 0 : i32
        %dma_wait3A_366 = tpu.memref_slice %arg8[%run_scoped3A_260, %dma_wait3A_365] : memref<8x128xi32, #tpu.memory_space<vmem>> -> memref<1x128xi32, #tpu.memory_space<vmem>>
        %dma_wait3A_367 = tpu.memref_squeeze %dma_wait3A_366 : memref<1x128xi32, #tpu.memory_space<vmem>> -> memref<128xi32, #tpu.memory_space<vmem>>
        %dma_wait3A_368 = arith.constant 0 : i32
        %dma_wait3A_369 = arith.constant 0 : i32
        %dma_wait3A_370 = tpu.memref_slice %arg11[%dma_wait3A_368, %dma_wait3A_369] : memref<10240x128xf32, #tpu.memory_space<vmem_shared>> -> memref<10240x128xf32, #tpu.memory_space<vmem_shared>>
        tpu.wait_indirect_dma semaphore(%run_scoped3A_358 : memref<!tpu.dma_semaphore, #tpu.memory_space<semaphore_mem>>) src(%arg9 : memref<128x128xf32, #tpu.memory_space<vmem>>) dst(%dma_wait3A_370 : memref<10240x128xf32, #tpu.memory_space<vmem_shared>>)
        tpu.yield
      }) : () -> ()
      %add3A_261 = arith.constant 2 : i32
      %add3A_262 = arith.addi %add3A_253, %add3A_261 : i32
      %lt3A_263 = arith.constant 80 : i32
      %lt3A_264 = arith.cmpi slt, %add3A_262, %lt3A_263 : i32
      %convert_element_type3A_265 = arith.extui %lt3A_264 : i1 to i32
      %cond3A_266 = arith.constant 0 : i32
      %cond3A_267 = arith.cmpi ne, %convert_element_type3A_265, %cond3A_266 : i32
      scf.if %cond3A_267 {
        %add3A_358 = arith.constant 2 : i32
        %add3A_359 = arith.addi %add3A_253, %add3A_358 : i32
        %dma_start3A_360 = arith.constant 0 : i32
        %dma_start3A_361 = tpu.memref_slice %arg6[%add3A_359, %dma_start3A_360] : memref<80x128xi32, #tpu.memory_space<vmem>> -> memref<1x128xi32, #tpu.memory_space<vmem>>
        %dma_start3A_362 = tpu.memref_squeeze %dma_start3A_361 : memref<1x128xi32, #tpu.memory_space<vmem>> -> memref<128xi32, #tpu.memory_space<vmem>>
        %dma_start3A_363 = arith.constant 0 : i32
        %dma_start3A_364 = arith.constant 0 : i32
        %dma_start3A_365 = tpu.memref_slice %arg2[%dma_start3A_363, %dma_start3A_364] : memref<10000x128xf32, #tpu.memory_space<hbm>> -> memref<10000x128xf32, #tpu.memory_space<hbm>>
        tpu.enqueue_indirect_dma source(%dma_start3A_365 : memref<10000x128xf32, #tpu.memory_space<hbm>>) target(%arg9 : memref<128x128xf32, #tpu.memory_space<vmem>>) offsets(%dma_start3A_362 : memref<128xi32, #tpu.memory_space<vmem>>) semaphore(%arg12 : memref<!tpu.dma_semaphore, #tpu.memory_space<semaphore_mem>>)
      } else {
      }
      %mul3A_268 = arith.constant 8 : i32
      %mul3A_269 = arith.muli %add3A_201, %mul3A_268 : i32
      %add3A_270 = arith.constant 3 : i32
      %add3A_271 = arith.addi %mul3A_269, %add3A_270 : i32
      %dma_wait3A_272 = arith.constant 0 : i32
      %dma_wait3A_273 = tpu.memref_slice %arg6[%add3A_271, %dma_wait3A_272] : memref<80x128xi32, #tpu.memory_space<vmem>> -> memref<1x128xi32, #tpu.memory_space<vmem>>
      %dma_wait3A_274 = tpu.memref_squeeze %dma_wait3A_273 : memref<1x128xi32, #tpu.memory_space<vmem>> -> memref<128xi32, #tpu.memory_space<vmem>>
      %dma_wait3A_275 = arith.constant 0 : i32
      %dma_wait3A_276 = arith.constant 0 : i32
      %dma_wait3A_277 = tpu.memref_slice %arg2[%dma_wait3A_275, %dma_wait3A_276] : memref<10000x128xf32, #tpu.memory_space<hbm>> -> memref<10000x128xf32, #tpu.memory_space<hbm>>
      tpu.wait_indirect_dma semaphore(%arg13 : memref<!tpu.dma_semaphore, #tpu.memory_space<semaphore_mem>>) src(%dma_wait3A_277 : memref<10000x128xf32, #tpu.memory_space<hbm>>) dst(%arg10 : memref<128x128xf32, #tpu.memory_space<vmem>>)
      %run_scoped3A_278 = arith.constant 3 : i32
      "tpu.region"() ({
        %run_scoped3A_358 = tpu.sem_alloc : memref<!tpu.dma_semaphore, #tpu.memory_space<semaphore_mem>>
        %dma_start3A_359 = arith.constant 0 : i32
        %dma_start3A_360 = tpu.memref_slice %arg8[%run_scoped3A_278, %dma_start3A_359] : memref<8x128xi32, #tpu.memory_space<vmem>> -> memref<1x128xi32, #tpu.memory_space<vmem>>
        %dma_start3A_361 = tpu.memref_squeeze %dma_start3A_360 : memref<1x128xi32, #tpu.memory_space<vmem>> -> memref<128xi32, #tpu.memory_space<vmem>>
        %dma_start3A_362 = arith.constant 0 : i32
        %dma_start3A_363 = arith.constant 0 : i32
        %dma_start3A_364 = tpu.memref_slice %arg11[%dma_start3A_362, %dma_start3A_363] : memref<10240x128xf32, #tpu.memory_space<vmem_shared>> -> memref<10240x128xf32, #tpu.memory_space<vmem_shared>>
        tpu.enqueue_indirect_dma source(%arg10 : memref<128x128xf32, #tpu.memory_space<vmem>>) target(%dma_start3A_364 : memref<10240x128xf32, #tpu.memory_space<vmem_shared>>) offsets(%dma_start3A_361 : memref<128xi32, #tpu.memory_space<vmem>>) semaphore(%run_scoped3A_358 : memref<!tpu.dma_semaphore, #tpu.memory_space<semaphore_mem>>) {add = true}
        %dma_wait3A_365 = arith.constant 0 : i32
        %dma_wait3A_366 = tpu.memref_slice %arg8[%run_scoped3A_278, %dma_wait3A_365] : memref<8x128xi32, #tpu.memory_space<vmem>> -> memref<1x128xi32, #tpu.memory_space<vmem>>
        %dma_wait3A_367 = tpu.memref_squeeze %dma_wait3A_366 : memref<1x128xi32, #tpu.memory_space<vmem>> -> memref<128xi32, #tpu.memory_space<vmem>>
        %dma_wait3A_368 = arith.constant 0 : i32
        %dma_wait3A_369 = arith.constant 0 : i32
        %dma_wait3A_370 = tpu.memref_slice %arg11[%dma_wait3A_368, %dma_wait3A_369] : memref<10240x128xf32, #tpu.memory_space<vmem_shared>> -> memref<10240x128xf32, #tpu.memory_space<vmem_shared>>
        tpu.wait_indirect_dma semaphore(%run_scoped3A_358 : memref<!tpu.dma_semaphore, #tpu.memory_space<semaphore_mem>>) src(%arg10 : memref<128x128xf32, #tpu.memory_space<vmem>>) dst(%dma_wait3A_370 : memref<10240x128xf32, #tpu.memory_space<vmem_shared>>)
        tpu.yield
      }) : () -> ()
      %add3A_279 = arith.constant 2 : i32
      %add3A_280 = arith.addi %add3A_271, %add3A_279 : i32
      %lt3A_281 = arith.constant 80 : i32
      %lt3A_282 = arith.cmpi slt, %add3A_280, %lt3A_281 : i32
      %convert_element_type3A_283 = arith.extui %lt3A_282 : i1 to i32
      %cond3A_284 = arith.constant 0 : i32
      %cond3A_285 = arith.cmpi ne, %convert_element_type3A_283, %cond3A_284 : i32
      scf.if %cond3A_285 {
        %add3A_358 = arith.constant 2 : i32
        %add3A_359 = arith.addi %add3A_271, %add3A_358 : i32
        %dma_start3A_360 = arith.constant 0 : i32
        %dma_start3A_361 = tpu.memref_slice %arg6[%add3A_359, %dma_start3A_360] : memref<80x128xi32, #tpu.memory_space<vmem>> -> memref<1x128xi32, #tpu.memory_space<vmem>>
        %dma_start3A_362 = tpu.memref_squeeze %dma_start3A_361 : memref<1x128xi32, #tpu.memory_space<vmem>> -> memref<128xi32, #tpu.memory_space<vmem>>
        %dma_start3A_363 = arith.constant 0 : i32
        %dma_start3A_364 = arith.constant 0 : i32
        %dma_start3A_365 = tpu.memref_slice %arg2[%dma_start3A_363, %dma_start3A_364] : memref<10000x128xf32, #tpu.memory_space<hbm>> -> memref<10000x128xf32, #tpu.memory_space<hbm>>
        tpu.enqueue_indirect_dma source(%dma_start3A_365 : memref<10000x128xf32, #tpu.memory_space<hbm>>) target(%arg10 : memref<128x128xf32, #tpu.memory_space<vmem>>) offsets(%dma_start3A_362 : memref<128xi32, #tpu.memory_space<vmem>>) semaphore(%arg13 : memref<!tpu.dma_semaphore, #tpu.memory_space<semaphore_mem>>)
      } else {
      }
      %mul3A_286 = arith.constant 8 : i32
      %mul3A_287 = arith.muli %add3A_201, %mul3A_286 : i32
      %add3A_288 = arith.constant 4 : i32
      %add3A_289 = arith.addi %mul3A_287, %add3A_288 : i32
      %dma_wait3A_290 = arith.constant 0 : i32
      %dma_wait3A_291 = tpu.memref_slice %arg6[%add3A_289, %dma_wait3A_290] : memref<80x128xi32, #tpu.memory_space<vmem>> -> memref<1x128xi32, #tpu.memory_space<vmem>>
      %dma_wait3A_292 = tpu.memref_squeeze %dma_wait3A_291 : memref<1x128xi32, #tpu.memory_space<vmem>> -> memref<128xi32, #tpu.memory_space<vmem>>
      %dma_wait3A_293 = arith.constant 0 : i32
      %dma_wait3A_294 = arith.constant 0 : i32
      %dma_wait3A_295 = tpu.memref_slice %arg2[%dma_wait3A_293, %dma_wait3A_294] : memref<10000x128xf32, #tpu.memory_space<hbm>> -> memref<10000x128xf32, #tpu.memory_space<hbm>>
      tpu.wait_indirect_dma semaphore(%arg12 : memref<!tpu.dma_semaphore, #tpu.memory_space<semaphore_mem>>) src(%dma_wait3A_295 : memref<10000x128xf32, #tpu.memory_space<hbm>>) dst(%arg9 : memref<128x128xf32, #tpu.memory_space<vmem>>)
      %run_scoped3A_296 = arith.constant 4 : i32
      "tpu.region"() ({
        %run_scoped3A_358 = tpu.sem_alloc : memref<!tpu.dma_semaphore, #tpu.memory_space<semaphore_mem>>
        %dma_start3A_359 = arith.constant 0 : i32
        %dma_start3A_360 = tpu.memref_slice %arg8[%run_scoped3A_296, %dma_start3A_359] : memref<8x128xi32, #tpu.memory_space<vmem>> -> memref<1x128xi32, #tpu.memory_space<vmem>>
        %dma_start3A_361 = tpu.memref_squeeze %dma_start3A_360 : memref<1x128xi32, #tpu.memory_space<vmem>> -> memref<128xi32, #tpu.memory_space<vmem>>
        %dma_start3A_362 = arith.constant 0 : i32
        %dma_start3A_363 = arith.constant 0 : i32
        %dma_start3A_364 = tpu.memref_slice %arg11[%dma_start3A_362, %dma_start3A_363] : memref<10240x128xf32, #tpu.memory_space<vmem_shared>> -> memref<10240x128xf32, #tpu.memory_space<vmem_shared>>
        tpu.enqueue_indirect_dma source(%arg9 : memref<128x128xf32, #tpu.memory_space<vmem>>) target(%dma_start3A_364 : memref<10240x128xf32, #tpu.memory_space<vmem_shared>>) offsets(%dma_start3A_361 : memref<128xi32, #tpu.memory_space<vmem>>) semaphore(%run_scoped3A_358 : memref<!tpu.dma_semaphore, #tpu.memory_space<semaphore_mem>>) {add = true}
        %dma_wait3A_365 = arith.constant 0 : i32
        %dma_wait3A_366 = tpu.memref_slice %arg8[%run_scoped3A_296, %dma_wait3A_365] : memref<8x128xi32, #tpu.memory_space<vmem>> -> memref<1x128xi32, #tpu.memory_space<vmem>>
        %dma_wait3A_367 = tpu.memref_squeeze %dma_wait3A_366 : memref<1x128xi32, #tpu.memory_space<vmem>> -> memref<128xi32, #tpu.memory_space<vmem>>
        %dma_wait3A_368 = arith.constant 0 : i32
        %dma_wait3A_369 = arith.constant 0 : i32
        %dma_wait3A_370 = tpu.memref_slice %arg11[%dma_wait3A_368, %dma_wait3A_369] : memref<10240x128xf32, #tpu.memory_space<vmem_shared>> -> memref<10240x128xf32, #tpu.memory_space<vmem_shared>>
        tpu.wait_indirect_dma semaphore(%run_scoped3A_358 : memref<!tpu.dma_semaphore, #tpu.memory_space<semaphore_mem>>) src(%arg9 : memref<128x128xf32, #tpu.memory_space<vmem>>) dst(%dma_wait3A_370 : memref<10240x128xf32, #tpu.memory_space<vmem_shared>>)
        tpu.yield
      }) : () -> ()
      %add3A_297 = arith.constant 2 : i32
      %add3A_298 = arith.addi %add3A_289, %add3A_297 : i32
      %lt3A_299 = arith.constant 80 : i32
      %lt3A_300 = arith.cmpi slt, %add3A_298, %lt3A_299 : i32
      %convert_element_type3A_301 = arith.extui %lt3A_300 : i1 to i32
      %cond3A_302 = arith.constant 0 : i32
      %cond3A_303 = arith.cmpi ne, %convert_element_type3A_301, %cond3A_302 : i32
      scf.if %cond3A_303 {
        %add3A_358 = arith.constant 2 : i32
        %add3A_359 = arith.addi %add3A_289, %add3A_358 : i32
        %dma_start3A_360 = arith.constant 0 : i32
        %dma_start3A_361 = tpu.memref_slice %arg6[%add3A_359, %dma_start3A_360] : memref<80x128xi32, #tpu.memory_space<vmem>> -> memref<1x128xi32, #tpu.memory_space<vmem>>
        %dma_start3A_362 = tpu.memref_squeeze %dma_start3A_361 : memref<1x128xi32, #tpu.memory_space<vmem>> -> memref<128xi32, #tpu.memory_space<vmem>>
        %dma_start3A_363 = arith.constant 0 : i32
        %dma_start3A_364 = arith.constant 0 : i32
        %dma_start3A_365 = tpu.memref_slice %arg2[%dma_start3A_363, %dma_start3A_364] : memref<10000x128xf32, #tpu.memory_space<hbm>> -> memref<10000x128xf32, #tpu.memory_space<hbm>>
        tpu.enqueue_indirect_dma source(%dma_start3A_365 : memref<10000x128xf32, #tpu.memory_space<hbm>>) target(%arg9 : memref<128x128xf32, #tpu.memory_space<vmem>>) offsets(%dma_start3A_362 : memref<128xi32, #tpu.memory_space<vmem>>) semaphore(%arg12 : memref<!tpu.dma_semaphore, #tpu.memory_space<semaphore_mem>>)
      } else {
      }
      %mul3A_304 = arith.constant 8 : i32
      %mul3A_305 = arith.muli %add3A_201, %mul3A_304 : i32
      %add3A_306 = arith.constant 5 : i32
      %add3A_307 = arith.addi %mul3A_305, %add3A_306 : i32
      %dma_wait3A_308 = arith.constant 0 : i32
      %dma_wait3A_309 = tpu.memref_slice %arg6[%add3A_307, %dma_wait3A_308] : memref<80x128xi32, #tpu.memory_space<vmem>> -> memref<1x128xi32, #tpu.memory_space<vmem>>
      %dma_wait3A_310 = tpu.memref_squeeze %dma_wait3A_309 : memref<1x128xi32, #tpu.memory_space<vmem>> -> memref<128xi32, #tpu.memory_space<vmem>>
      %dma_wait3A_311 = arith.constant 0 : i32
      %dma_wait3A_312 = arith.constant 0 : i32
      %dma_wait3A_313 = tpu.memref_slice %arg2[%dma_wait3A_311, %dma_wait3A_312] : memref<10000x128xf32, #tpu.memory_space<hbm>> -> memref<10000x128xf32, #tpu.memory_space<hbm>>
      tpu.wait_indirect_dma semaphore(%arg13 : memref<!tpu.dma_semaphore, #tpu.memory_space<semaphore_mem>>) src(%dma_wait3A_313 : memref<10000x128xf32, #tpu.memory_space<hbm>>) dst(%arg10 : memref<128x128xf32, #tpu.memory_space<vmem>>)
      %run_scoped3A_314 = arith.constant 5 : i32
      "tpu.region"() ({
        %run_scoped3A_358 = tpu.sem_alloc : memref<!tpu.dma_semaphore, #tpu.memory_space<semaphore_mem>>
        %dma_start3A_359 = arith.constant 0 : i32
        %dma_start3A_360 = tpu.memref_slice %arg8[%run_scoped3A_314, %dma_start3A_359] : memref<8x128xi32, #tpu.memory_space<vmem>> -> memref<1x128xi32, #tpu.memory_space<vmem>>
        %dma_start3A_361 = tpu.memref_squeeze %dma_start3A_360 : memref<1x128xi32, #tpu.memory_space<vmem>> -> memref<128xi32, #tpu.memory_space<vmem>>
        %dma_start3A_362 = arith.constant 0 : i32
        %dma_start3A_363 = arith.constant 0 : i32
        %dma_start3A_364 = tpu.memref_slice %arg11[%dma_start3A_362, %dma_start3A_363] : memref<10240x128xf32, #tpu.memory_space<vmem_shared>> -> memref<10240x128xf32, #tpu.memory_space<vmem_shared>>
        tpu.enqueue_indirect_dma source(%arg10 : memref<128x128xf32, #tpu.memory_space<vmem>>) target(%dma_start3A_364 : memref<10240x128xf32, #tpu.memory_space<vmem_shared>>) offsets(%dma_start3A_361 : memref<128xi32, #tpu.memory_space<vmem>>) semaphore(%run_scoped3A_358 : memref<!tpu.dma_semaphore, #tpu.memory_space<semaphore_mem>>) {add = true}
        %dma_wait3A_365 = arith.constant 0 : i32
        %dma_wait3A_366 = tpu.memref_slice %arg8[%run_scoped3A_314, %dma_wait3A_365] : memref<8x128xi32, #tpu.memory_space<vmem>> -> memref<1x128xi32, #tpu.memory_space<vmem>>
        %dma_wait3A_367 = tpu.memref_squeeze %dma_wait3A_366 : memref<1x128xi32, #tpu.memory_space<vmem>> -> memref<128xi32, #tpu.memory_space<vmem>>
        %dma_wait3A_368 = arith.constant 0 : i32
        %dma_wait3A_369 = arith.constant 0 : i32
        %dma_wait3A_370 = tpu.memref_slice %arg11[%dma_wait3A_368, %dma_wait3A_369] : memref<10240x128xf32, #tpu.memory_space<vmem_shared>> -> memref<10240x128xf32, #tpu.memory_space<vmem_shared>>
        tpu.wait_indirect_dma semaphore(%run_scoped3A_358 : memref<!tpu.dma_semaphore, #tpu.memory_space<semaphore_mem>>) src(%arg10 : memref<128x128xf32, #tpu.memory_space<vmem>>) dst(%dma_wait3A_370 : memref<10240x128xf32, #tpu.memory_space<vmem_shared>>)
        tpu.yield
      }) : () -> ()
      %add3A_315 = arith.constant 2 : i32
      %add3A_316 = arith.addi %add3A_307, %add3A_315 : i32
      %lt3A_317 = arith.constant 80 : i32
      %lt3A_318 = arith.cmpi slt, %add3A_316, %lt3A_317 : i32
      %convert_element_type3A_319 = arith.extui %lt3A_318 : i1 to i32
      %cond3A_320 = arith.constant 0 : i32
      %cond3A_321 = arith.cmpi ne, %convert_element_type3A_319, %cond3A_320 : i32
      scf.if %cond3A_321 {
        %add3A_358 = arith.constant 2 : i32
        %add3A_359 = arith.addi %add3A_307, %add3A_358 : i32
        %dma_start3A_360 = arith.constant 0 : i32
        %dma_start3A_361 = tpu.memref_slice %arg6[%add3A_359, %dma_start3A_360] : memref<80x128xi32, #tpu.memory_space<vmem>> -> memref<1x128xi32, #tpu.memory_space<vmem>>
        %dma_start3A_362 = tpu.memref_squeeze %dma_start3A_361 : memref<1x128xi32, #tpu.memory_space<vmem>> -> memref<128xi32, #tpu.memory_space<vmem>>
        %dma_start3A_363 = arith.constant 0 : i32
        %dma_start3A_364 = arith.constant 0 : i32
        %dma_start3A_365 = tpu.memref_slice %arg2[%dma_start3A_363, %dma_start3A_364] : memref<10000x128xf32, #tpu.memory_space<hbm>> -> memref<10000x128xf32, #tpu.memory_space<hbm>>
        tpu.enqueue_indirect_dma source(%dma_start3A_365 : memref<10000x128xf32, #tpu.memory_space<hbm>>) target(%arg10 : memref<128x128xf32, #tpu.memory_space<vmem>>) offsets(%dma_start3A_362 : memref<128xi32, #tpu.memory_space<vmem>>) semaphore(%arg13 : memref<!tpu.dma_semaphore, #tpu.memory_space<semaphore_mem>>)
      } else {
      }
      %mul3A_322 = arith.constant 8 : i32
      %mul3A_323 = arith.muli %add3A_201, %mul3A_322 : i32
      %add3A_324 = arith.constant 6 : i32
      %add3A_325 = arith.addi %mul3A_323, %add3A_324 : i32
      %dma_wait3A_326 = arith.constant 0 : i32
      %dma_wait3A_327 = tpu.memref_slice %arg6[%add3A_325, %dma_wait3A_326] : memref<80x128xi32, #tpu.memory_space<vmem>> -> memref<1x128xi32, #tpu.memory_space<vmem>>
      %dma_wait3A_328 = tpu.memref_squeeze %dma_wait3A_327 : memref<1x128xi32, #tpu.memory_space<vmem>> -> memref<128xi32, #tpu.memory_space<vmem>>
      %dma_wait3A_329 = arith.constant 0 : i32
      %dma_wait3A_330 = arith.constant 0 : i32
      %dma_wait3A_331 = tpu.memref_slice %arg2[%dma_wait3A_329, %dma_wait3A_330] : memref<10000x128xf32, #tpu.memory_space<hbm>> -> memref<10000x128xf32, #tpu.memory_space<hbm>>
      tpu.wait_indirect_dma semaphore(%arg12 : memref<!tpu.dma_semaphore, #tpu.memory_space<semaphore_mem>>) src(%dma_wait3A_331 : memref<10000x128xf32, #tpu.memory_space<hbm>>) dst(%arg9 : memref<128x128xf32, #tpu.memory_space<vmem>>)
      %run_scoped3A_332 = arith.constant 6 : i32
      "tpu.region"() ({
        %run_scoped3A_358 = tpu.sem_alloc : memref<!tpu.dma_semaphore, #tpu.memory_space<semaphore_mem>>
        %dma_start3A_359 = arith.constant 0 : i32
        %dma_start3A_360 = tpu.memref_slice %arg8[%run_scoped3A_332, %dma_start3A_359] : memref<8x128xi32, #tpu.memory_space<vmem>> -> memref<1x128xi32, #tpu.memory_space<vmem>>
        %dma_start3A_361 = tpu.memref_squeeze %dma_start3A_360 : memref<1x128xi32, #tpu.memory_space<vmem>> -> memref<128xi32, #tpu.memory_space<vmem>>
        %dma_start3A_362 = arith.constant 0 : i32
        %dma_start3A_363 = arith.constant 0 : i32
        %dma_start3A_364 = tpu.memref_slice %arg11[%dma_start3A_362, %dma_start3A_363] : memref<10240x128xf32, #tpu.memory_space<vmem_shared>> -> memref<10240x128xf32, #tpu.memory_space<vmem_shared>>
        tpu.enqueue_indirect_dma source(%arg9 : memref<128x128xf32, #tpu.memory_space<vmem>>) target(%dma_start3A_364 : memref<10240x128xf32, #tpu.memory_space<vmem_shared>>) offsets(%dma_start3A_361 : memref<128xi32, #tpu.memory_space<vmem>>) semaphore(%run_scoped3A_358 : memref<!tpu.dma_semaphore, #tpu.memory_space<semaphore_mem>>) {add = true}
        %dma_wait3A_365 = arith.constant 0 : i32
        %dma_wait3A_366 = tpu.memref_slice %arg8[%run_scoped3A_332, %dma_wait3A_365] : memref<8x128xi32, #tpu.memory_space<vmem>> -> memref<1x128xi32, #tpu.memory_space<vmem>>
        %dma_wait3A_367 = tpu.memref_squeeze %dma_wait3A_366 : memref<1x128xi32, #tpu.memory_space<vmem>> -> memref<128xi32, #tpu.memory_space<vmem>>
        %dma_wait3A_368 = arith.constant 0 : i32
        %dma_wait3A_369 = arith.constant 0 : i32
        %dma_wait3A_370 = tpu.memref_slice %arg11[%dma_wait3A_368, %dma_wait3A_369] : memref<10240x128xf32, #tpu.memory_space<vmem_shared>> -> memref<10240x128xf32, #tpu.memory_space<vmem_shared>>
        tpu.wait_indirect_dma semaphore(%run_scoped3A_358 : memref<!tpu.dma_semaphore, #tpu.memory_space<semaphore_mem>>) src(%arg9 : memref<128x128xf32, #tpu.memory_space<vmem>>) dst(%dma_wait3A_370 : memref<10240x128xf32, #tpu.memory_space<vmem_shared>>)
        tpu.yield
      }) : () -> ()
      %add3A_333 = arith.constant 2 : i32
      %add3A_334 = arith.addi %add3A_325, %add3A_333 : i32
      %lt3A_335 = arith.constant 80 : i32
      %lt3A_336 = arith.cmpi slt, %add3A_334, %lt3A_335 : i32
      %convert_element_type3A_337 = arith.extui %lt3A_336 : i1 to i32
      %cond3A_338 = arith.constant 0 : i32
      %cond3A_339 = arith.cmpi ne, %convert_element_type3A_337, %cond3A_338 : i32
      scf.if %cond3A_339 {
        %add3A_358 = arith.constant 2 : i32
        %add3A_359 = arith.addi %add3A_325, %add3A_358 : i32
        %dma_start3A_360 = arith.constant 0 : i32
        %dma_start3A_361 = tpu.memref_slice %arg6[%add3A_359, %dma_start3A_360] : memref<80x128xi32, #tpu.memory_space<vmem>> -> memref<1x128xi32, #tpu.memory_space<vmem>>
        %dma_start3A_362 = tpu.memref_squeeze %dma_start3A_361 : memref<1x128xi32, #tpu.memory_space<vmem>> -> memref<128xi32, #tpu.memory_space<vmem>>
        %dma_start3A_363 = arith.constant 0 : i32
        %dma_start3A_364 = arith.constant 0 : i32
        %dma_start3A_365 = tpu.memref_slice %arg2[%dma_start3A_363, %dma_start3A_364] : memref<10000x128xf32, #tpu.memory_space<hbm>> -> memref<10000x128xf32, #tpu.memory_space<hbm>>
        tpu.enqueue_indirect_dma source(%dma_start3A_365 : memref<10000x128xf32, #tpu.memory_space<hbm>>) target(%arg9 : memref<128x128xf32, #tpu.memory_space<vmem>>) offsets(%dma_start3A_362 : memref<128xi32, #tpu.memory_space<vmem>>) semaphore(%arg12 : memref<!tpu.dma_semaphore, #tpu.memory_space<semaphore_mem>>)
      } else {
      }
      %mul3A_340 = arith.constant 8 : i32
      %mul3A_341 = arith.muli %add3A_201, %mul3A_340 : i32
      %add3A_342 = arith.constant 7 : i32
      %add3A_343 = arith.addi %mul3A_341, %add3A_342 : i32
      %dma_wait3A_344 = arith.constant 0 : i32
      %dma_wait3A_345 = tpu.memref_slice %arg6[%add3A_343, %dma_wait3A_344] : memref<80x128xi32, #tpu.memory_space<vmem>> -> memref<1x128xi32, #tpu.memory_space<vmem>>
      %dma_wait3A_346 = tpu.memref_squeeze %dma_wait3A_345 : memref<1x128xi32, #tpu.memory_space<vmem>> -> memref<128xi32, #tpu.memory_space<vmem>>
      %dma_wait3A_347 = arith.constant 0 : i32
      %dma_wait3A_348 = arith.constant 0 : i32
      %dma_wait3A_349 = tpu.memref_slice %arg2[%dma_wait3A_347, %dma_wait3A_348] : memref<10000x128xf32, #tpu.memory_space<hbm>> -> memref<10000x128xf32, #tpu.memory_space<hbm>>
      tpu.wait_indirect_dma semaphore(%arg13 : memref<!tpu.dma_semaphore, #tpu.memory_space<semaphore_mem>>) src(%dma_wait3A_349 : memref<10000x128xf32, #tpu.memory_space<hbm>>) dst(%arg10 : memref<128x128xf32, #tpu.memory_space<vmem>>)
      %run_scoped3A_350 = arith.constant 7 : i32
      "tpu.region"() ({
        %run_scoped3A_358 = tpu.sem_alloc : memref<!tpu.dma_semaphore, #tpu.memory_space<semaphore_mem>>
        %dma_start3A_359 = arith.constant 0 : i32
        %dma_start3A_360 = tpu.memref_slice %arg8[%run_scoped3A_350, %dma_start3A_359] : memref<8x128xi32, #tpu.memory_space<vmem>> -> memref<1x128xi32, #tpu.memory_space<vmem>>
        %dma_start3A_361 = tpu.memref_squeeze %dma_start3A_360 : memref<1x128xi32, #tpu.memory_space<vmem>> -> memref<128xi32, #tpu.memory_space<vmem>>
        %dma_start3A_362 = arith.constant 0 : i32
        %dma_start3A_363 = arith.constant 0 : i32
        %dma_start3A_364 = tpu.memref_slice %arg11[%dma_start3A_362, %dma_start3A_363] : memref<10240x128xf32, #tpu.memory_space<vmem_shared>> -> memref<10240x128xf32, #tpu.memory_space<vmem_shared>>
        tpu.enqueue_indirect_dma source(%arg10 : memref<128x128xf32, #tpu.memory_space<vmem>>) target(%dma_start3A_364 : memref<10240x128xf32, #tpu.memory_space<vmem_shared>>) offsets(%dma_start3A_361 : memref<128xi32, #tpu.memory_space<vmem>>) semaphore(%run_scoped3A_358 : memref<!tpu.dma_semaphore, #tpu.memory_space<semaphore_mem>>) {add = true}
        %dma_wait3A_365 = arith.constant 0 : i32
        %dma_wait3A_366 = tpu.memref_slice %arg8[%run_scoped3A_350, %dma_wait3A_365] : memref<8x128xi32, #tpu.memory_space<vmem>> -> memref<1x128xi32, #tpu.memory_space<vmem>>
        %dma_wait3A_367 = tpu.memref_squeeze %dma_wait3A_366 : memref<1x128xi32, #tpu.memory_space<vmem>> -> memref<128xi32, #tpu.memory_space<vmem>>
        %dma_wait3A_368 = arith.constant 0 : i32
        %dma_wait3A_369 = arith.constant 0 : i32
        %dma_wait3A_370 = tpu.memref_slice %arg11[%dma_wait3A_368, %dma_wait3A_369] : memref<10240x128xf32, #tpu.memory_space<vmem_shared>> -> memref<10240x128xf32, #tpu.memory_space<vmem_shared>>
        tpu.wait_indirect_dma semaphore(%run_scoped3A_358 : memref<!tpu.dma_semaphore, #tpu.memory_space<semaphore_mem>>) src(%arg10 : memref<128x128xf32, #tpu.memory_space<vmem>>) dst(%dma_wait3A_370 : memref<10240x128xf32, #tpu.memory_space<vmem_shared>>)
        tpu.yield
      }) : () -> ()
      %add3A_351 = arith.constant 2 : i32
      %add3A_352 = arith.addi %add3A_343, %add3A_351 : i32
      %lt3A_353 = arith.constant 80 : i32
      %lt3A_354 = arith.cmpi slt, %add3A_352, %lt3A_353 : i32
      %convert_element_type3A_355 = arith.extui %lt3A_354 : i1 to i32
      %cond3A_356 = arith.constant 0 : i32
      %cond3A_357 = arith.cmpi ne, %convert_element_type3A_355, %cond3A_356 : i32
      scf.if %cond3A_357 {
        %add3A_358 = arith.constant 2 : i32
        %add3A_359 = arith.addi %add3A_343, %add3A_358 : i32
        %dma_start3A_360 = arith.constant 0 : i32
        %dma_start3A_361 = tpu.memref_slice %arg6[%add3A_359, %dma_start3A_360] : memref<80x128xi32, #tpu.memory_space<vmem>> -> memref<1x128xi32, #tpu.memory_space<vmem>>
        %dma_start3A_362 = tpu.memref_squeeze %dma_start3A_361 : memref<1x128xi32, #tpu.memory_space<vmem>> -> memref<128xi32, #tpu.memory_space<vmem>>
        %dma_start3A_363 = arith.constant 0 : i32
        %dma_start3A_364 = arith.constant 0 : i32
        %dma_start3A_365 = tpu.memref_slice %arg2[%dma_start3A_363, %dma_start3A_364] : memref<10000x128xf32, #tpu.memory_space<hbm>> -> memref<10000x128xf32, #tpu.memory_space<hbm>>
        tpu.enqueue_indirect_dma source(%dma_start3A_365 : memref<10000x128xf32, #tpu.memory_space<hbm>>) target(%arg10 : memref<128x128xf32, #tpu.memory_space<vmem>>) offsets(%dma_start3A_362 : memref<128xi32, #tpu.memory_space<vmem>>) semaphore(%arg13 : memref<!tpu.dma_semaphore, #tpu.memory_space<semaphore_mem>>)
      } else {
      }
    }
    %scan3A_23 = arith.constant 5 : i32
    %barrier3A_24 = arith.constant 0 : index
    tpu.barrier barrier_id(%barrier3A_24)
    %lt3A_25 = arith.constant 15 : i32
    %lt3A_26 = arith.cmpi slt, %arg1, %lt3A_25 : i32
    %convert_element_type3A_27 = arith.extui %lt3A_26 : i1 to i32
    %cond3A_28 = arith.constant 0 : i32
    %cond3A_29 = arith.cmpi ne, %convert_element_type3A_27, %cond3A_28 : i32
    scf.if %cond3A_29 {
      %mul3A_35 = arith.constant 640 : i32
      %mul3A_36 = arith.muli %arg1, %mul3A_35 : i32
      %mul3A_37 = arith.constant 640 : i32
      %mul3A_38 = arith.muli %arg1, %mul3A_37 : i32
      "tpu.region"() ({
        %run_scoped3A_39 = tpu.sem_alloc : memref<!tpu.dma_semaphore, #tpu.memory_space<semaphore_mem>>
        %dma_start3A_40 = arith.constant 0 : i32
        %dma_start3A_41 = tpu.memref_slice %arg5[%arg0, %mul3A_38, %dma_start3A_40] : memref<2x10000x128xf32, #tpu.memory_space<hbm>> -> memref<1x640x128xf32, #tpu.memory_space<hbm>>
        %dma_start3A_42 = tpu.memref_squeeze %dma_start3A_41 : memref<1x640x128xf32, #tpu.memory_space<hbm>> -> memref<640x128xf32, #tpu.memory_space<hbm>>
        %dma_start3A_43 = arith.constant 0 : i32
        %dma_start3A_44 = tpu.memref_slice %arg11[%mul3A_36, %dma_start3A_43] : memref<10240x128xf32, #tpu.memory_space<vmem_shared>> -> memref<640x128xf32, #tpu.memory_space<vmem_shared>>
        tpu.enqueue_dma source(%dma_start3A_44 : memref<640x128xf32, #tpu.memory_space<vmem_shared>>) target(%dma_start3A_42 : memref<640x128xf32, #tpu.memory_space<hbm>>) target_semaphore(%run_scoped3A_39 : memref<!tpu.dma_semaphore, #tpu.memory_space<semaphore_mem>>)
        %dma_wait3A = arith.constant 0 : i32
        %dma_wait3A_45 = tpu.memref_slice %arg5[%arg0, %mul3A_38, %dma_wait3A] : memref<2x10000x128xf32, #tpu.memory_space<hbm>> -> memref<1x640x128xf32, #tpu.memory_space<hbm>>
        %dma_wait3A_46 = tpu.memref_squeeze %dma_wait3A_45 : memref<1x640x128xf32, #tpu.memory_space<hbm>> -> memref<640x128xf32, #tpu.memory_space<hbm>>
        %dma_wait3A_47 = arith.constant 0 : i32
        %dma_wait3A_48 = tpu.memref_slice %arg11[%mul3A_36, %dma_wait3A_47] : memref<10240x128xf32, #tpu.memory_space<vmem_shared>> -> memref<640x128xf32, #tpu.memory_space<vmem_shared>>
        tpu.wait_dma2 semaphore(%run_scoped3A_39 : memref<!tpu.dma_semaphore, #tpu.memory_space<semaphore_mem>>) src(%dma_wait3A_48 : memref<640x128xf32, #tpu.memory_space<vmem_shared>>) dst(%dma_wait3A_46 : memref<640x128xf32, #tpu.memory_space<hbm>>)
        tpu.yield
      }) : () -> ()
    } else {
    }
    %eq3A_30 = arith.constant 15 : i32
    %eq3A_31 = arith.cmpi eq, %arg1, %eq3A_30 : i32
    %convert_element_type3A_32 = arith.extui %eq3A_31 : i1 to i32
    %cond3A_33 = arith.constant 0 : i32
    %cond3A_34 = arith.cmpi ne, %convert_element_type3A_32, %cond3A_33 : i32
    scf.if %cond3A_34 {
      "tpu.region"() ({
        %run_scoped3A_35 = tpu.sem_alloc : memref<!tpu.dma_semaphore, #tpu.memory_space<semaphore_mem>>
        %dma_start3A_36 = arith.constant 9600 : i32
        %dma_start3A_37 = arith.constant 0 : i32
        %dma_start3A_38 = tpu.memref_slice %arg5[%arg0, %dma_start3A_36, %dma_start3A_37] : memref<2x10000x128xf32, #tpu.memory_space<hbm>> -> memref<1x400x128xf32, #tpu.memory_space<hbm>>
        %dma_start3A_39 = tpu.memref_squeeze %dma_start3A_38 : memref<1x400x128xf32, #tpu.memory_space<hbm>> -> memref<400x128xf32, #tpu.memory_space<hbm>>
        %dma_start3A_40 = arith.constant 9600 : i32
        %dma_start3A_41 = arith.constant 0 : i32
        %dma_start3A_42 = tpu.memref_slice %arg11[%dma_start3A_40, %dma_start3A_41] : memref<10240x128xf32, #tpu.memory_space<vmem_shared>> -> memref<400x128xf32, #tpu.memory_space<vmem_shared>>
        tpu.enqueue_dma source(%dma_start3A_42 : memref<400x128xf32, #tpu.memory_space<vmem_shared>>) target(%dma_start3A_39 : memref<400x128xf32, #tpu.memory_space<hbm>>) target_semaphore(%run_scoped3A_35 : memref<!tpu.dma_semaphore, #tpu.memory_space<semaphore_mem>>)
        %dma_wait3A = arith.constant 9600 : i32
        %dma_wait3A_43 = arith.constant 0 : i32
        %dma_wait3A_44 = tpu.memref_slice %arg5[%arg0, %dma_wait3A, %dma_wait3A_43] : memref<2x10000x128xf32, #tpu.memory_space<hbm>> -> memref<1x400x128xf32, #tpu.memory_space<hbm>>
        %dma_wait3A_45 = tpu.memref_squeeze %dma_wait3A_44 : memref<1x400x128xf32, #tpu.memory_space<hbm>> -> memref<400x128xf32, #tpu.memory_space<hbm>>
        %dma_wait3A_46 = arith.constant 9600 : i32
        %dma_wait3A_47 = arith.constant 0 : i32
        %dma_wait3A_48 = tpu.memref_slice %arg11[%dma_wait3A_46, %dma_wait3A_47] : memref<10240x128xf32, #tpu.memory_space<vmem_shared>> -> memref<400x128xf32, #tpu.memory_space<vmem_shared>>
        tpu.wait_dma2 semaphore(%run_scoped3A_35 : memref<!tpu.dma_semaphore, #tpu.memory_space<semaphore_mem>>) src(%dma_wait3A_48 : memref<400x128xf32, #tpu.memory_space<vmem_shared>>) dst(%dma_wait3A_45 : memref<400x128xf32, #tpu.memory_space<hbm>>)
        tpu.yield
      }) : () -> ()
    } else {
    }
    return
  }
}

#map = affine_map<(d0, d1) -> (0, 0)>
#map1 = affine_map<(d0, d1) -> (0, 0, 0)>
#map2 = affine_map<(d0, d1) -> (0, 0, 0, 0)>
module attributes {stable_mosaic.version = 14 : i64} {
  func.func @_sc_agg_body(%arg0: i32, %arg1: i32, %arg2: memref<10000x128xf32, #tpu.memory_space<hbm>>, %arg3: memref<32x80x128xi32, #tpu.memory_space<hbm>>, %arg4: memref<32x10x8x128xi32, #tpu.memory_space<hbm>>, %arg5: memref<2x10000x128xf32, #tpu.memory_space<hbm>>, %arg6: memref<80x128xi32, #tpu.memory_space<vmem>>, %arg7: memref<8x128xi32, #tpu.memory_space<vmem>>, %arg8: memref<8x128xi32, #tpu.memory_space<vmem>>, %arg9: memref<128x128xf32, #tpu.memory_space<vmem>>, %arg10: memref<128x128xf32, #tpu.memory_space<vmem>>, %arg11: memref<10240x128xf32, #tpu.memory_space<vmem_shared>>, %arg12: memref<!tpu.dma_semaphore, #tpu.memory_space<semaphore_mem>>, %arg13: memref<!tpu.dma_semaphore, #tpu.memory_space<semaphore_mem>>, %arg14: memref<!tpu.dma_semaphore, #tpu.memory_space<semaphore_mem>>, %arg15: memref<!tpu.dma_semaphore, #tpu.memory_space<semaphore_mem>>) attributes {dimension_semantics = [#tpu.dimension_semantics<core_parallel>, #tpu.dimension_semantics<subcore_parallel>], iteration_bounds = array<i64: 2, 16>, scalar_prefetch = 0 : i64, scratch_operands = 10 : i64, tpu.core_type = #tpu.core_type<sc_vector_subcore>, window_params = [{transform_indices = #map}, {transform_indices = #map1}, {transform_indices = #map2}, {transform_indices = #map1}]} {
    %mul3A = arith.constant 16 : i32
    %mul3A_0 = arith.muli %arg0, %mul3A : i32
    %add3A = arith.addi %mul3A_0, %arg1 : i32
    "tpu.region"() ({
      %run_scoped3A_35 = tpu.sem_alloc : memref<!tpu.dma_semaphore, #tpu.memory_space<semaphore_mem>>
      %dma_start3A_36 = arith.constant 0 : i32
      %dma_start3A_37 = arith.constant 0 : i32
      %dma_start3A_38 = tpu.memref_slice %arg3[%add3A, %dma_start3A_36, %dma_start3A_37] : memref<32x80x128xi32, #tpu.memory_space<hbm>> -> memref<1x80x128xi32, #tpu.memory_space<hbm>>
      %dma_start3A_39 = tpu.memref_squeeze %dma_start3A_38 : memref<1x80x128xi32, #tpu.memory_space<hbm>> -> memref<80x128xi32, #tpu.memory_space<hbm>>
      %dma_start3A_40 = arith.constant 0 : i32
      %dma_start3A_41 = arith.constant 0 : i32
      %dma_start3A_42 = tpu.memref_slice %arg3[%add3A, %dma_start3A_40, %dma_start3A_41] : memref<32x80x128xi32, #tpu.memory_space<hbm>> -> memref<1x80x128xi32, #tpu.memory_space<hbm>>
      %dma_start3A_43 = tpu.memref_squeeze %dma_start3A_42 : memref<1x80x128xi32, #tpu.memory_space<hbm>> -> memref<80x128xi32, #tpu.memory_space<hbm>>
      tpu.enqueue_dma source(%dma_start3A_43 : memref<80x128xi32, #tpu.memory_space<hbm>>) target(%arg6 : memref<80x128xi32, #tpu.memory_space<vmem>>) target_semaphore(%run_scoped3A_35 : memref<!tpu.dma_semaphore, #tpu.memory_space<semaphore_mem>>)
      %dma_wait3A = arith.constant 0 : i32
      %dma_wait3A_44 = arith.constant 0 : i32
      %dma_wait3A_45 = tpu.memref_slice %arg3[%add3A, %dma_wait3A, %dma_wait3A_44] : memref<32x80x128xi32, #tpu.memory_space<hbm>> -> memref<1x80x128xi32, #tpu.memory_space<hbm>>
      %dma_wait3A_46 = tpu.memref_squeeze %dma_wait3A_45 : memref<1x80x128xi32, #tpu.memory_space<hbm>> -> memref<80x128xi32, #tpu.memory_space<hbm>>
      %dma_wait3A_47 = arith.constant 0 : i32
      %dma_wait3A_48 = arith.constant 0 : i32
      %dma_wait3A_49 = tpu.memref_slice %arg3[%add3A, %dma_wait3A_47, %dma_wait3A_48] : memref<32x80x128xi32, #tpu.memory_space<hbm>> -> memref<1x80x128xi32, #tpu.memory_space<hbm>>
      %dma_wait3A_50 = tpu.memref_squeeze %dma_wait3A_49 : memref<1x80x128xi32, #tpu.memory_space<hbm>> -> memref<80x128xi32, #tpu.memory_space<hbm>>
      tpu.wait_dma2 semaphore(%run_scoped3A_35 : memref<!tpu.dma_semaphore, #tpu.memory_space<semaphore_mem>>) src(%dma_wait3A_50 : memref<80x128xi32, #tpu.memory_space<hbm>>) dst(%arg6 : memref<80x128xi32, #tpu.memory_space<vmem>>)
      tpu.yield
    }) : () -> ()
    %run_scoped3A = arith.constant 0 : i32
    "tpu.region"() ({
      %run_scoped3A_35 = tpu.sem_alloc : memref<!tpu.dma_semaphore, #tpu.memory_space<semaphore_mem>>
      %dma_start3A_36 = arith.constant 0 : i32
      %dma_start3A_37 = arith.constant 0 : i32
      %dma_start3A_38 = tpu.memref_slice %arg4[%add3A, %run_scoped3A, %dma_start3A_36, %dma_start3A_37] : memref<32x10x8x128xi32, #tpu.memory_space<hbm>> -> memref<1x1x8x128xi32, #tpu.memory_space<hbm>>
      %dma_start3A_39 = tpu.memref_squeeze %dma_start3A_38 : memref<1x1x8x128xi32, #tpu.memory_space<hbm>> -> memref<8x128xi32, #tpu.memory_space<hbm>>
      %dma_start3A_40 = arith.constant 0 : i32
      %dma_start3A_41 = arith.constant 0 : i32
      %dma_start3A_42 = tpu.memref_slice %arg4[%add3A, %run_scoped3A, %dma_start3A_40, %dma_start3A_41] : memref<32x10x8x128xi32, #tpu.memory_space<hbm>> -> memref<1x1x8x128xi32, #tpu.memory_space<hbm>>
      %dma_start3A_43 = tpu.memref_squeeze %dma_start3A_42 : memref<1x1x8x128xi32, #tpu.memory_space<hbm>> -> memref<8x128xi32, #tpu.memory_space<hbm>>
      tpu.enqueue_dma source(%dma_start3A_43 : memref<8x128xi32, #tpu.memory_space<hbm>>) target(%arg7 : memref<8x128xi32, #tpu.memory_space<vmem>>) target_semaphore(%run_scoped3A_35 : memref<!tpu.dma_semaphore, #tpu.memory_space<semaphore_mem>>)
      %dma_wait3A = arith.constant 0 : i32
      %dma_wait3A_44 = arith.constant 0 : i32
      %dma_wait3A_45 = tpu.memref_slice %arg4[%add3A, %run_scoped3A, %dma_wait3A, %dma_wait3A_44] : memref<32x10x8x128xi32, #tpu.memory_space<hbm>> -> memref<1x1x8x128xi32, #tpu.memory_space<hbm>>
      %dma_wait3A_46 = tpu.memref_squeeze %dma_wait3A_45 : memref<1x1x8x128xi32, #tpu.memory_space<hbm>> -> memref<8x128xi32, #tpu.memory_space<hbm>>
      %dma_wait3A_47 = arith.constant 0 : i32
      %dma_wait3A_48 = arith.constant 0 : i32
      %dma_wait3A_49 = tpu.memref_slice %arg4[%add3A, %run_scoped3A, %dma_wait3A_47, %dma_wait3A_48] : memref<32x10x8x128xi32, #tpu.memory_space<hbm>> -> memref<1x1x8x128xi32, #tpu.memory_space<hbm>>
      %dma_wait3A_50 = tpu.memref_squeeze %dma_wait3A_49 : memref<1x1x8x128xi32, #tpu.memory_space<hbm>> -> memref<8x128xi32, #tpu.memory_space<hbm>>
      tpu.wait_dma2 semaphore(%run_scoped3A_35 : memref<!tpu.dma_semaphore, #tpu.memory_space<semaphore_mem>>) src(%dma_wait3A_50 : memref<8x128xi32, #tpu.memory_space<hbm>>) dst(%arg7 : memref<8x128xi32, #tpu.memory_space<vmem>>)
      tpu.yield
    }) : () -> ()
    %lt3A = arith.constant 15 : i32
    %lt3A_1 = arith.cmpi slt, %arg1, %lt3A : i32
    %convert_element_type3A = arith.extui %lt3A_1 : i1 to i32
    %cond3A = arith.constant 0 : i32
    %cond3A_2 = arith.cmpi ne, %convert_element_type3A, %cond3A : i32
    scf.if %cond3A_2 {
      %mul3A_35 = arith.constant 640 : i32
      %mul3A_36 = arith.muli %arg1, %mul3A_35 : i32
      %mul3A_37 = arith.constant 640 : i32
      %mul3A_38 = arith.muli %arg1, %mul3A_37 : i32
      "tpu.region"() ({
        %run_scoped3A_39 = tpu.sem_alloc : memref<!tpu.dma_semaphore, #tpu.memory_space<semaphore_mem>>
        %dma_start3A_40 = arith.constant 0 : i32
        %dma_start3A_41 = tpu.memref_slice %arg11[%mul3A_38, %dma_start3A_40] : memref<10240x128xf32, #tpu.memory_space<vmem_shared>> -> memref<640x128xf32, #tpu.memory_space<vmem_shared>>
        %dma_start3A_42 = arith.constant 0 : i32
        %dma_start3A_43 = tpu.memref_slice %arg2[%mul3A_36, %dma_start3A_42] : memref<10000x128xf32, #tpu.memory_space<hbm>> -> memref<640x128xf32, #tpu.memory_space<hbm>>
        tpu.enqueue_dma source(%dma_start3A_43 : memref<640x128xf32, #tpu.memory_space<hbm>>) target(%dma_start3A_41 : memref<640x128xf32, #tpu.memory_space<vmem_shared>>) target_semaphore(%run_scoped3A_39 : memref<!tpu.dma_semaphore, #tpu.memory_space<semaphore_mem>>)
        %dma_wait3A = arith.constant 0 : i32
        %dma_wait3A_44 = tpu.memref_slice %arg11[%mul3A_38, %dma_wait3A] : memref<10240x128xf32, #tpu.memory_space<vmem_shared>> -> memref<640x128xf32, #tpu.memory_space<vmem_shared>>
        %dma_wait3A_45 = arith.constant 0 : i32
        %dma_wait3A_46 = tpu.memref_slice %arg2[%mul3A_36, %dma_wait3A_45] : memref<10000x128xf32, #tpu.memory_space<hbm>> -> memref<640x128xf32, #tpu.memory_space<hbm>>
        tpu.wait_dma2 semaphore(%run_scoped3A_39 : memref<!tpu.dma_semaphore, #tpu.memory_space<semaphore_mem>>) src(%dma_wait3A_46 : memref<640x128xf32, #tpu.memory_space<hbm>>) dst(%dma_wait3A_44 : memref<640x128xf32, #tpu.memory_space<vmem_shared>>)
        tpu.yield
      }) : () -> ()
    } else {
    }
    %eq3A = arith.constant 15 : i32
    %eq3A_3 = arith.cmpi eq, %arg1, %eq3A : i32
    %convert_element_type3A_4 = arith.extui %eq3A_3 : i1 to i32
    %cond3A_5 = arith.constant 0 : i32
    %cond3A_6 = arith.cmpi ne, %convert_element_type3A_4, %cond3A_5 : i32
    scf.if %cond3A_6 {
      "tpu.region"() ({
        %run_scoped3A_35 = tpu.sem_alloc : memref<!tpu.dma_semaphore, #tpu.memory_space<semaphore_mem>>
        %dma_start3A_36 = arith.constant 9600 : i32
        %dma_start3A_37 = arith.constant 0 : i32
        %dma_start3A_38 = tpu.memref_slice %arg11[%dma_start3A_36, %dma_start3A_37] : memref<10240x128xf32, #tpu.memory_space<vmem_shared>> -> memref<400x128xf32, #tpu.memory_space<vmem_shared>>
        %dma_start3A_39 = arith.constant 9600 : i32
        %dma_start3A_40 = arith.constant 0 : i32
        %dma_start3A_41 = tpu.memref_slice %arg2[%dma_start3A_39, %dma_start3A_40] : memref<10000x128xf32, #tpu.memory_space<hbm>> -> memref<400x128xf32, #tpu.memory_space<hbm>>
        tpu.enqueue_dma source(%dma_start3A_41 : memref<400x128xf32, #tpu.memory_space<hbm>>) target(%dma_start3A_38 : memref<400x128xf32, #tpu.memory_space<vmem_shared>>) target_semaphore(%run_scoped3A_35 : memref<!tpu.dma_semaphore, #tpu.memory_space<semaphore_mem>>)
        %dma_wait3A = arith.constant 9600 : i32
        %dma_wait3A_42 = arith.constant 0 : i32
        %dma_wait3A_43 = tpu.memref_slice %arg11[%dma_wait3A, %dma_wait3A_42] : memref<10240x128xf32, #tpu.memory_space<vmem_shared>> -> memref<400x128xf32, #tpu.memory_space<vmem_shared>>
        %dma_wait3A_44 = arith.constant 9600 : i32
        %dma_wait3A_45 = arith.constant 0 : i32
        %dma_wait3A_46 = tpu.memref_slice %arg2[%dma_wait3A_44, %dma_wait3A_45] : memref<10000x128xf32, #tpu.memory_space<hbm>> -> memref<400x128xf32, #tpu.memory_space<hbm>>
        tpu.wait_dma2 semaphore(%run_scoped3A_35 : memref<!tpu.dma_semaphore, #tpu.memory_space<semaphore_mem>>) src(%dma_wait3A_46 : memref<400x128xf32, #tpu.memory_space<hbm>>) dst(%dma_wait3A_43 : memref<400x128xf32, #tpu.memory_space<vmem_shared>>)
        tpu.yield
      }) : () -> ()
    } else {
    }
    %barrier3A = arith.constant 0 : index
    tpu.barrier barrier_id(%barrier3A)
    %dma_start3A = arith.constant 0 : i32
    %dma_start3A_7 = arith.constant 0 : i32
    %dma_start3A_8 = tpu.memref_slice %arg6[%dma_start3A, %dma_start3A_7] : memref<80x128xi32, #tpu.memory_space<vmem>> -> memref<1x128xi32, #tpu.memory_space<vmem>>
    %dma_start3A_9 = tpu.memref_squeeze %dma_start3A_8 : memref<1x128xi32, #tpu.memory_space<vmem>> -> memref<128xi32, #tpu.memory_space<vmem>>
    %dma_start3A_10 = arith.constant 0 : i32
    %dma_start3A_11 = arith.constant 0 : i32
    %dma_start3A_12 = tpu.memref_slice %arg2[%dma_start3A_10, %dma_start3A_11] : memref<10000x128xf32, #tpu.memory_space<hbm>> -> memref<10000x128xf32, #tpu.memory_space<hbm>>
    tpu.enqueue_indirect_dma source(%dma_start3A_12 : memref<10000x128xf32, #tpu.memory_space<hbm>>) target(%arg9 : memref<128x128xf32, #tpu.memory_space<vmem>>) offsets(%dma_start3A_9 : memref<128xi32, #tpu.memory_space<vmem>>) semaphore(%arg12 : memref<!tpu.dma_semaphore, #tpu.memory_space<semaphore_mem>>)
    %dma_start3A_13 = arith.constant 1 : i32
    %dma_start3A_14 = arith.constant 0 : i32
    %dma_start3A_15 = tpu.memref_slice %arg6[%dma_start3A_13, %dma_start3A_14] : memref<80x128xi32, #tpu.memory_space<vmem>> -> memref<1x128xi32, #tpu.memory_space<vmem>>
    %dma_start3A_16 = tpu.memref_squeeze %dma_start3A_15 : memref<1x128xi32, #tpu.memory_space<vmem>> -> memref<128xi32, #tpu.memory_space<vmem>>
    %dma_start3A_17 = arith.constant 0 : i32
    %dma_start3A_18 = arith.constant 0 : i32
    %dma_start3A_19 = tpu.memref_slice %arg2[%dma_start3A_17, %dma_start3A_18] : memref<10000x128xf32, #tpu.memory_space<hbm>> -> memref<10000x128xf32, #tpu.memory_space<hbm>>
    tpu.enqueue_indirect_dma source(%dma_start3A_19 : memref<10000x128xf32, #tpu.memory_space<hbm>>) target(%arg10 : memref<128x128xf32, #tpu.memory_space<vmem>>) offsets(%dma_start3A_16 : memref<128xi32, #tpu.memory_space<vmem>>) semaphore(%arg13 : memref<!tpu.dma_semaphore, #tpu.memory_space<semaphore_mem>>)
    %scan3A = arith.constant 0 : i32
    %scan3A_20 = arith.constant 5 : i32
    %scan3A_21 = arith.addi %scan3A, %scan3A_20 : i32
    %scan3A_22 = arith.constant 1 : i32
    scf.for %scan3A_35 = %scan3A to %scan3A_21 step %scan3A_22  : i32 {
      %mul3A_36 = arith.constant 1 : i32
      %mul3A_37 = arith.muli %scan3A_35, %mul3A_36 : i32
      %add3A_38 = arith.constant 0 : i32
      %add3A_39 = arith.addi %add3A_38, %mul3A_37 : i32
      %mul3A_40 = arith.constant 2 : i32
      %mul3A_41 = arith.muli %add3A_39, %mul3A_40 : i32
      %add3A_42 = arith.constant 0 : i32
      %add3A_43 = arith.addi %mul3A_41, %add3A_42 : i32
      %add3A_44 = arith.constant 1 : i32
      %add3A_45 = arith.addi %add3A_43, %add3A_44 : i32
      %lt3A_46 = arith.constant 10 : i32
      %lt3A_47 = arith.cmpi slt, %add3A_45, %lt3A_46 : i32
      %convert_element_type3A_48 = arith.extui %lt3A_47 : i1 to i32
      %cond3A_49 = arith.constant 0 : i32
      %cond3A_50 = arith.cmpi ne, %convert_element_type3A_48, %cond3A_49 : i32
      scf.if %cond3A_50 {
        %add3A_358 = arith.constant 1 : i32
        %add3A_359 = arith.addi %add3A_43, %add3A_358 : i32
        %dma_start3A_360 = arith.constant 0 : i32
        %dma_start3A_361 = arith.constant 0 : i32
        %dma_start3A_362 = tpu.memref_slice %arg4[%add3A, %add3A_359, %dma_start3A_360, %dma_start3A_361] : memref<32x10x8x128xi32, #tpu.memory_space<hbm>> -> memref<1x1x8x128xi32, #tpu.memory_space<hbm>>
        %dma_start3A_363 = tpu.memref_squeeze %dma_start3A_362 : memref<1x1x8x128xi32, #tpu.memory_space<hbm>> -> memref<8x128xi32, #tpu.memory_space<hbm>>
        %dma_start3A_364 = arith.constant 0 : i32
        %dma_start3A_365 = arith.constant 0 : i32
        %dma_start3A_366 = tpu.memref_slice %arg4[%add3A, %add3A_359, %dma_start3A_364, %dma_start3A_365] : memref<32x10x8x128xi32, #tpu.memory_space<hbm>> -> memref<1x1x8x128xi32, #tpu.memory_space<hbm>>
        %dma_start3A_367 = tpu.memref_squeeze %dma_start3A_366 : memref<1x1x8x128xi32, #tpu.memory_space<hbm>> -> memref<8x128xi32, #tpu.memory_space<hbm>>
        tpu.enqueue_dma source(%dma_start3A_367 : memref<8x128xi32, #tpu.memory_space<hbm>>) target(%arg8 : memref<8x128xi32, #tpu.memory_space<vmem>>) target_semaphore(%arg15 : memref<!tpu.dma_semaphore, #tpu.memory_space<semaphore_mem>>)
      } else {
      }
      %gt3A = arith.constant 0 : i32
      %gt3A_51 = arith.cmpi sgt, %add3A_43, %gt3A : i32
      %convert_element_type3A_52 = arith.extui %gt3A_51 : i1 to i32
      %cond3A_53 = arith.constant 0 : i32
      %cond3A_54 = arith.cmpi ne, %convert_element_type3A_52, %cond3A_53 : i32
      scf.if %cond3A_54 {
        %dma_wait3A_358 = arith.constant 0 : i32
        %dma_wait3A_359 = arith.constant 0 : i32
        %dma_wait3A_360 = tpu.memref_slice %arg4[%add3A, %add3A_43, %dma_wait3A_358, %dma_wait3A_359] : memref<32x10x8x128xi32, #tpu.memory_space<hbm>> -> memref<1x1x8x128xi32, #tpu.memory_space<hbm>>
        %dma_wait3A_361 = tpu.memref_squeeze %dma_wait3A_360 : memref<1x1x8x128xi32, #tpu.memory_space<hbm>> -> memref<8x128xi32, #tpu.memory_space<hbm>>
        %dma_wait3A_362 = arith.constant 0 : i32
        %dma_wait3A_363 = arith.constant 0 : i32
        %dma_wait3A_364 = tpu.memref_slice %arg4[%add3A, %add3A_43, %dma_wait3A_362, %dma_wait3A_363] : memref<32x10x8x128xi32, #tpu.memory_space<hbm>> -> memref<1x1x8x128xi32, #tpu.memory_space<hbm>>
        %dma_wait3A_365 = tpu.memref_squeeze %dma_wait3A_364 : memref<1x1x8x128xi32, #tpu.memory_space<hbm>> -> memref<8x128xi32, #tpu.memory_space<hbm>>
        tpu.wait_dma2 semaphore(%arg14 : memref<!tpu.dma_semaphore, #tpu.memory_space<semaphore_mem>>) src(%dma_wait3A_365 : memref<8x128xi32, #tpu.memory_space<hbm>>) dst(%arg7 : memref<8x128xi32, #tpu.memory_space<vmem>>)
      } else {
      }
      %mul3A_55 = arith.constant 8 : i32
      %mul3A_56 = arith.muli %add3A_43, %mul3A_55 : i32
      %add3A_57 = arith.constant 0 : i32
      %add3A_58 = arith.addi %mul3A_56, %add3A_57 : i32
      %dma_wait3A = arith.constant 0 : i32
      %dma_wait3A_59 = tpu.memref_slice %arg6[%add3A_58, %dma_wait3A] : memref<80x128xi32, #tpu.memory_space<vmem>> -> memref<1x128xi32, #tpu.memory_space<vmem>>
      %dma_wait3A_60 = tpu.memref_squeeze %dma_wait3A_59 : memref<1x128xi32, #tpu.memory_space<vmem>> -> memref<128xi32, #tpu.memory_space<vmem>>
      %dma_wait3A_61 = arith.constant 0 : i32
      %dma_wait3A_62 = arith.constant 0 : i32
      %dma_wait3A_63 = tpu.memref_slice %arg2[%dma_wait3A_61, %dma_wait3A_62] : memref<10000x128xf32, #tpu.memory_space<hbm>> -> memref<10000x128xf32, #tpu.memory_space<hbm>>
      tpu.wait_indirect_dma semaphore(%arg12 : memref<!tpu.dma_semaphore, #tpu.memory_space<semaphore_mem>>) src(%dma_wait3A_63 : memref<10000x128xf32, #tpu.memory_space<hbm>>) dst(%arg9 : memref<128x128xf32, #tpu.memory_space<vmem>>)
      %run_scoped3A_64 = arith.constant 0 : i32
      "tpu.region"() ({
        %run_scoped3A_358 = tpu.sem_alloc : memref<!tpu.dma_semaphore, #tpu.memory_space<semaphore_mem>>
        %dma_start3A_359 = arith.constant 0 : i32
        %dma_start3A_360 = tpu.memref_slice %arg7[%run_scoped3A_64, %dma_start3A_359] : memref<8x128xi32, #tpu.memory_space<vmem>> -> memref<1x128xi32, #tpu.memory_space<vmem>>
        %dma_start3A_361 = tpu.memref_squeeze %dma_start3A_360 : memref<1x128xi32, #tpu.memory_space<vmem>> -> memref<128xi32, #tpu.memory_space<vmem>>
        %dma_start3A_362 = arith.constant 0 : i32
        %dma_start3A_363 = arith.constant 0 : i32
        %dma_start3A_364 = tpu.memref_slice %arg11[%dma_start3A_362, %dma_start3A_363] : memref<10240x128xf32, #tpu.memory_space<vmem_shared>> -> memref<10240x128xf32, #tpu.memory_space<vmem_shared>>
        tpu.enqueue_indirect_dma source(%arg9 : memref<128x128xf32, #tpu.memory_space<vmem>>) target(%dma_start3A_364 : memref<10240x128xf32, #tpu.memory_space<vmem_shared>>) offsets(%dma_start3A_361 : memref<128xi32, #tpu.memory_space<vmem>>) semaphore(%run_scoped3A_358 : memref<!tpu.dma_semaphore, #tpu.memory_space<semaphore_mem>>) {add = true}
        %dma_wait3A_365 = arith.constant 0 : i32
        %dma_wait3A_366 = tpu.memref_slice %arg7[%run_scoped3A_64, %dma_wait3A_365] : memref<8x128xi32, #tpu.memory_space<vmem>> -> memref<1x128xi32, #tpu.memory_space<vmem>>
        %dma_wait3A_367 = tpu.memref_squeeze %dma_wait3A_366 : memref<1x128xi32, #tpu.memory_space<vmem>> -> memref<128xi32, #tpu.memory_space<vmem>>
        %dma_wait3A_368 = arith.constant 0 : i32
        %dma_wait3A_369 = arith.constant 0 : i32
        %dma_wait3A_370 = tpu.memref_slice %arg11[%dma_wait3A_368, %dma_wait3A_369] : memref<10240x128xf32, #tpu.memory_space<vmem_shared>> -> memref<10240x128xf32, #tpu.memory_space<vmem_shared>>
        tpu.wait_indirect_dma semaphore(%run_scoped3A_358 : memref<!tpu.dma_semaphore, #tpu.memory_space<semaphore_mem>>) src(%arg9 : memref<128x128xf32, #tpu.memory_space<vmem>>) dst(%dma_wait3A_370 : memref<10240x128xf32, #tpu.memory_space<vmem_shared>>)
        tpu.yield
      }) : () -> ()
      %add3A_65 = arith.constant 2 : i32
      %add3A_66 = arith.addi %add3A_58, %add3A_65 : i32
      %lt3A_67 = arith.constant 80 : i32
      %lt3A_68 = arith.cmpi slt, %add3A_66, %lt3A_67 : i32
      %convert_element_type3A_69 = arith.extui %lt3A_68 : i1 to i32
      %cond3A_70 = arith.constant 0 : i32
      %cond3A_71 = arith.cmpi ne, %convert_element_type3A_69, %cond3A_70 : i32
      scf.if %cond3A_71 {
        %add3A_358 = arith.constant 2 : i32
        %add3A_359 = arith.addi %add3A_58, %add3A_358 : i32
        %dma_start3A_360 = arith.constant 0 : i32
        %dma_start3A_361 = tpu.memref_slice %arg6[%add3A_359, %dma_start3A_360] : memref<80x128xi32, #tpu.memory_space<vmem>> -> memref<1x128xi32, #tpu.memory_space<vmem>>
        %dma_start3A_362 = tpu.memref_squeeze %dma_start3A_361 : memref<1x128xi32, #tpu.memory_space<vmem>> -> memref<128xi32, #tpu.memory_space<vmem>>
        %dma_start3A_363 = arith.constant 0 : i32
        %dma_start3A_364 = arith.constant 0 : i32
        %dma_start3A_365 = tpu.memref_slice %arg2[%dma_start3A_363, %dma_start3A_364] : memref<10000x128xf32, #tpu.memory_space<hbm>> -> memref<10000x128xf32, #tpu.memory_space<hbm>>
        tpu.enqueue_indirect_dma source(%dma_start3A_365 : memref<10000x128xf32, #tpu.memory_space<hbm>>) target(%arg9 : memref<128x128xf32, #tpu.memory_space<vmem>>) offsets(%dma_start3A_362 : memref<128xi32, #tpu.memory_space<vmem>>) semaphore(%arg12 : memref<!tpu.dma_semaphore, #tpu.memory_space<semaphore_mem>>)
      } else {
      }
      %mul3A_72 = arith.constant 8 : i32
      %mul3A_73 = arith.muli %add3A_43, %mul3A_72 : i32
      %add3A_74 = arith.constant 1 : i32
      %add3A_75 = arith.addi %mul3A_73, %add3A_74 : i32
      %dma_wait3A_76 = arith.constant 0 : i32
      %dma_wait3A_77 = tpu.memref_slice %arg6[%add3A_75, %dma_wait3A_76] : memref<80x128xi32, #tpu.memory_space<vmem>> -> memref<1x128xi32, #tpu.memory_space<vmem>>
      %dma_wait3A_78 = tpu.memref_squeeze %dma_wait3A_77 : memref<1x128xi32, #tpu.memory_space<vmem>> -> memref<128xi32, #tpu.memory_space<vmem>>
      %dma_wait3A_79 = arith.constant 0 : i32
      %dma_wait3A_80 = arith.constant 0 : i32
      %dma_wait3A_81 = tpu.memref_slice %arg2[%dma_wait3A_79, %dma_wait3A_80] : memref<10000x128xf32, #tpu.memory_space<hbm>> -> memref<10000x128xf32, #tpu.memory_space<hbm>>
      tpu.wait_indirect_dma semaphore(%arg13 : memref<!tpu.dma_semaphore, #tpu.memory_space<semaphore_mem>>) src(%dma_wait3A_81 : memref<10000x128xf32, #tpu.memory_space<hbm>>) dst(%arg10 : memref<128x128xf32, #tpu.memory_space<vmem>>)
      %run_scoped3A_82 = arith.constant 1 : i32
      "tpu.region"() ({
        %run_scoped3A_358 = tpu.sem_alloc : memref<!tpu.dma_semaphore, #tpu.memory_space<semaphore_mem>>
        %dma_start3A_359 = arith.constant 0 : i32
        %dma_start3A_360 = tpu.memref_slice %arg7[%run_scoped3A_82, %dma_start3A_359] : memref<8x128xi32, #tpu.memory_space<vmem>> -> memref<1x128xi32, #tpu.memory_space<vmem>>
        %dma_start3A_361 = tpu.memref_squeeze %dma_start3A_360 : memref<1x128xi32, #tpu.memory_space<vmem>> -> memref<128xi32, #tpu.memory_space<vmem>>
        %dma_start3A_362 = arith.constant 0 : i32
        %dma_start3A_363 = arith.constant 0 : i32
        %dma_start3A_364 = tpu.memref_slice %arg11[%dma_start3A_362, %dma_start3A_363] : memref<10240x128xf32, #tpu.memory_space<vmem_shared>> -> memref<10240x128xf32, #tpu.memory_space<vmem_shared>>
        tpu.enqueue_indirect_dma source(%arg10 : memref<128x128xf32, #tpu.memory_space<vmem>>) target(%dma_start3A_364 : memref<10240x128xf32, #tpu.memory_space<vmem_shared>>) offsets(%dma_start3A_361 : memref<128xi32, #tpu.memory_space<vmem>>) semaphore(%run_scoped3A_358 : memref<!tpu.dma_semaphore, #tpu.memory_space<semaphore_mem>>) {add = true}
        %dma_wait3A_365 = arith.constant 0 : i32
        %dma_wait3A_366 = tpu.memref_slice %arg7[%run_scoped3A_82, %dma_wait3A_365] : memref<8x128xi32, #tpu.memory_space<vmem>> -> memref<1x128xi32, #tpu.memory_space<vmem>>
        %dma_wait3A_367 = tpu.memref_squeeze %dma_wait3A_366 : memref<1x128xi32, #tpu.memory_space<vmem>> -> memref<128xi32, #tpu.memory_space<vmem>>
        %dma_wait3A_368 = arith.constant 0 : i32
        %dma_wait3A_369 = arith.constant 0 : i32
        %dma_wait3A_370 = tpu.memref_slice %arg11[%dma_wait3A_368, %dma_wait3A_369] : memref<10240x128xf32, #tpu.memory_space<vmem_shared>> -> memref<10240x128xf32, #tpu.memory_space<vmem_shared>>
        tpu.wait_indirect_dma semaphore(%run_scoped3A_358 : memref<!tpu.dma_semaphore, #tpu.memory_space<semaphore_mem>>) src(%arg10 : memref<128x128xf32, #tpu.memory_space<vmem>>) dst(%dma_wait3A_370 : memref<10240x128xf32, #tpu.memory_space<vmem_shared>>)
        tpu.yield
      }) : () -> ()
      %add3A_83 = arith.constant 2 : i32
      %add3A_84 = arith.addi %add3A_75, %add3A_83 : i32
      %lt3A_85 = arith.constant 80 : i32
      %lt3A_86 = arith.cmpi slt, %add3A_84, %lt3A_85 : i32
      %convert_element_type3A_87 = arith.extui %lt3A_86 : i1 to i32
      %cond3A_88 = arith.constant 0 : i32
      %cond3A_89 = arith.cmpi ne, %convert_element_type3A_87, %cond3A_88 : i32
      scf.if %cond3A_89 {
        %add3A_358 = arith.constant 2 : i32
        %add3A_359 = arith.addi %add3A_75, %add3A_358 : i32
        %dma_start3A_360 = arith.constant 0 : i32
        %dma_start3A_361 = tpu.memref_slice %arg6[%add3A_359, %dma_start3A_360] : memref<80x128xi32, #tpu.memory_space<vmem>> -> memref<1x128xi32, #tpu.memory_space<vmem>>
        %dma_start3A_362 = tpu.memref_squeeze %dma_start3A_361 : memref<1x128xi32, #tpu.memory_space<vmem>> -> memref<128xi32, #tpu.memory_space<vmem>>
        %dma_start3A_363 = arith.constant 0 : i32
        %dma_start3A_364 = arith.constant 0 : i32
        %dma_start3A_365 = tpu.memref_slice %arg2[%dma_start3A_363, %dma_start3A_364] : memref<10000x128xf32, #tpu.memory_space<hbm>> -> memref<10000x128xf32, #tpu.memory_space<hbm>>
        tpu.enqueue_indirect_dma source(%dma_start3A_365 : memref<10000x128xf32, #tpu.memory_space<hbm>>) target(%arg10 : memref<128x128xf32, #tpu.memory_space<vmem>>) offsets(%dma_start3A_362 : memref<128xi32, #tpu.memory_space<vmem>>) semaphore(%arg13 : memref<!tpu.dma_semaphore, #tpu.memory_space<semaphore_mem>>)
      } else {
      }
      %mul3A_90 = arith.constant 8 : i32
      %mul3A_91 = arith.muli %add3A_43, %mul3A_90 : i32
      %add3A_92 = arith.constant 2 : i32
      %add3A_93 = arith.addi %mul3A_91, %add3A_92 : i32
      %dma_wait3A_94 = arith.constant 0 : i32
      %dma_wait3A_95 = tpu.memref_slice %arg6[%add3A_93, %dma_wait3A_94] : memref<80x128xi32, #tpu.memory_space<vmem>> -> memref<1x128xi32, #tpu.memory_space<vmem>>
      %dma_wait3A_96 = tpu.memref_squeeze %dma_wait3A_95 : memref<1x128xi32, #tpu.memory_space<vmem>> -> memref<128xi32, #tpu.memory_space<vmem>>
      %dma_wait3A_97 = arith.constant 0 : i32
      %dma_wait3A_98 = arith.constant 0 : i32
      %dma_wait3A_99 = tpu.memref_slice %arg2[%dma_wait3A_97, %dma_wait3A_98] : memref<10000x128xf32, #tpu.memory_space<hbm>> -> memref<10000x128xf32, #tpu.memory_space<hbm>>
      tpu.wait_indirect_dma semaphore(%arg12 : memref<!tpu.dma_semaphore, #tpu.memory_space<semaphore_mem>>) src(%dma_wait3A_99 : memref<10000x128xf32, #tpu.memory_space<hbm>>) dst(%arg9 : memref<128x128xf32, #tpu.memory_space<vmem>>)
      %run_scoped3A_100 = arith.constant 2 : i32
      "tpu.region"() ({
        %run_scoped3A_358 = tpu.sem_alloc : memref<!tpu.dma_semaphore, #tpu.memory_space<semaphore_mem>>
        %dma_start3A_359 = arith.constant 0 : i32
        %dma_start3A_360 = tpu.memref_slice %arg7[%run_scoped3A_100, %dma_start3A_359] : memref<8x128xi32, #tpu.memory_space<vmem>> -> memref<1x128xi32, #tpu.memory_space<vmem>>
        %dma_start3A_361 = tpu.memref_squeeze %dma_start3A_360 : memref<1x128xi32, #tpu.memory_space<vmem>> -> memref<128xi32, #tpu.memory_space<vmem>>
        %dma_start3A_362 = arith.constant 0 : i32
        %dma_start3A_363 = arith.constant 0 : i32
        %dma_start3A_364 = tpu.memref_slice %arg11[%dma_start3A_362, %dma_start3A_363] : memref<10240x128xf32, #tpu.memory_space<vmem_shared>> -> memref<10240x128xf32, #tpu.memory_space<vmem_shared>>
        tpu.enqueue_indirect_dma source(%arg9 : memref<128x128xf32, #tpu.memory_space<vmem>>) target(%dma_start3A_364 : memref<10240x128xf32, #tpu.memory_space<vmem_shared>>) offsets(%dma_start3A_361 : memref<128xi32, #tpu.memory_space<vmem>>) semaphore(%run_scoped3A_358 : memref<!tpu.dma_semaphore, #tpu.memory_space<semaphore_mem>>) {add = true}
        %dma_wait3A_365 = arith.constant 0 : i32
        %dma_wait3A_366 = tpu.memref_slice %arg7[%run_scoped3A_100, %dma_wait3A_365] : memref<8x128xi32, #tpu.memory_space<vmem>> -> memref<1x128xi32, #tpu.memory_space<vmem>>
        %dma_wait3A_367 = tpu.memref_squeeze %dma_wait3A_366 : memref<1x128xi32, #tpu.memory_space<vmem>> -> memref<128xi32, #tpu.memory_space<vmem>>
        %dma_wait3A_368 = arith.constant 0 : i32
        %dma_wait3A_369 = arith.constant 0 : i32
        %dma_wait3A_370 = tpu.memref_slice %arg11[%dma_wait3A_368, %dma_wait3A_369] : memref<10240x128xf32, #tpu.memory_space<vmem_shared>> -> memref<10240x128xf32, #tpu.memory_space<vmem_shared>>
        tpu.wait_indirect_dma semaphore(%run_scoped3A_358 : memref<!tpu.dma_semaphore, #tpu.memory_space<semaphore_mem>>) src(%arg9 : memref<128x128xf32, #tpu.memory_space<vmem>>) dst(%dma_wait3A_370 : memref<10240x128xf32, #tpu.memory_space<vmem_shared>>)
        tpu.yield
      }) : () -> ()
      %add3A_101 = arith.constant 2 : i32
      %add3A_102 = arith.addi %add3A_93, %add3A_101 : i32
      %lt3A_103 = arith.constant 80 : i32
      %lt3A_104 = arith.cmpi slt, %add3A_102, %lt3A_103 : i32
      %convert_element_type3A_105 = arith.extui %lt3A_104 : i1 to i32
      %cond3A_106 = arith.constant 0 : i32
      %cond3A_107 = arith.cmpi ne, %convert_element_type3A_105, %cond3A_106 : i32
      scf.if %cond3A_107 {
        %add3A_358 = arith.constant 2 : i32
        %add3A_359 = arith.addi %add3A_93, %add3A_358 : i32
        %dma_start3A_360 = arith.constant 0 : i32
        %dma_start3A_361 = tpu.memref_slice %arg6[%add3A_359, %dma_start3A_360] : memref<80x128xi32, #tpu.memory_space<vmem>> -> memref<1x128xi32, #tpu.memory_space<vmem>>
        %dma_start3A_362 = tpu.memref_squeeze %dma_start3A_361 : memref<1x128xi32, #tpu.memory_space<vmem>> -> memref<128xi32, #tpu.memory_space<vmem>>
        %dma_start3A_363 = arith.constant 0 : i32
        %dma_start3A_364 = arith.constant 0 : i32
        %dma_start3A_365 = tpu.memref_slice %arg2[%dma_start3A_363, %dma_start3A_364] : memref<10000x128xf32, #tpu.memory_space<hbm>> -> memref<10000x128xf32, #tpu.memory_space<hbm>>
        tpu.enqueue_indirect_dma source(%dma_start3A_365 : memref<10000x128xf32, #tpu.memory_space<hbm>>) target(%arg9 : memref<128x128xf32, #tpu.memory_space<vmem>>) offsets(%dma_start3A_362 : memref<128xi32, #tpu.memory_space<vmem>>) semaphore(%arg12 : memref<!tpu.dma_semaphore, #tpu.memory_space<semaphore_mem>>)
      } else {
      }
      %mul3A_108 = arith.constant 8 : i32
      %mul3A_109 = arith.muli %add3A_43, %mul3A_108 : i32
      %add3A_110 = arith.constant 3 : i32
      %add3A_111 = arith.addi %mul3A_109, %add3A_110 : i32
      %dma_wait3A_112 = arith.constant 0 : i32
      %dma_wait3A_113 = tpu.memref_slice %arg6[%add3A_111, %dma_wait3A_112] : memref<80x128xi32, #tpu.memory_space<vmem>> -> memref<1x128xi32, #tpu.memory_space<vmem>>
      %dma_wait3A_114 = tpu.memref_squeeze %dma_wait3A_113 : memref<1x128xi32, #tpu.memory_space<vmem>> -> memref<128xi32, #tpu.memory_space<vmem>>
      %dma_wait3A_115 = arith.constant 0 : i32
      %dma_wait3A_116 = arith.constant 0 : i32
      %dma_wait3A_117 = tpu.memref_slice %arg2[%dma_wait3A_115, %dma_wait3A_116] : memref<10000x128xf32, #tpu.memory_space<hbm>> -> memref<10000x128xf32, #tpu.memory_space<hbm>>
      tpu.wait_indirect_dma semaphore(%arg13 : memref<!tpu.dma_semaphore, #tpu.memory_space<semaphore_mem>>) src(%dma_wait3A_117 : memref<10000x128xf32, #tpu.memory_space<hbm>>) dst(%arg10 : memref<128x128xf32, #tpu.memory_space<vmem>>)
      %run_scoped3A_118 = arith.constant 3 : i32
      "tpu.region"() ({
        %run_scoped3A_358 = tpu.sem_alloc : memref<!tpu.dma_semaphore, #tpu.memory_space<semaphore_mem>>
        %dma_start3A_359 = arith.constant 0 : i32
        %dma_start3A_360 = tpu.memref_slice %arg7[%run_scoped3A_118, %dma_start3A_359] : memref<8x128xi32, #tpu.memory_space<vmem>> -> memref<1x128xi32, #tpu.memory_space<vmem>>
        %dma_start3A_361 = tpu.memref_squeeze %dma_start3A_360 : memref<1x128xi32, #tpu.memory_space<vmem>> -> memref<128xi32, #tpu.memory_space<vmem>>
        %dma_start3A_362 = arith.constant 0 : i32
        %dma_start3A_363 = arith.constant 0 : i32
        %dma_start3A_364 = tpu.memref_slice %arg11[%dma_start3A_362, %dma_start3A_363] : memref<10240x128xf32, #tpu.memory_space<vmem_shared>> -> memref<10240x128xf32, #tpu.memory_space<vmem_shared>>
        tpu.enqueue_indirect_dma source(%arg10 : memref<128x128xf32, #tpu.memory_space<vmem>>) target(%dma_start3A_364 : memref<10240x128xf32, #tpu.memory_space<vmem_shared>>) offsets(%dma_start3A_361 : memref<128xi32, #tpu.memory_space<vmem>>) semaphore(%run_scoped3A_358 : memref<!tpu.dma_semaphore, #tpu.memory_space<semaphore_mem>>) {add = true}
        %dma_wait3A_365 = arith.constant 0 : i32
        %dma_wait3A_366 = tpu.memref_slice %arg7[%run_scoped3A_118, %dma_wait3A_365] : memref<8x128xi32, #tpu.memory_space<vmem>> -> memref<1x128xi32, #tpu.memory_space<vmem>>
        %dma_wait3A_367 = tpu.memref_squeeze %dma_wait3A_366 : memref<1x128xi32, #tpu.memory_space<vmem>> -> memref<128xi32, #tpu.memory_space<vmem>>
        %dma_wait3A_368 = arith.constant 0 : i32
        %dma_wait3A_369 = arith.constant 0 : i32
        %dma_wait3A_370 = tpu.memref_slice %arg11[%dma_wait3A_368, %dma_wait3A_369] : memref<10240x128xf32, #tpu.memory_space<vmem_shared>> -> memref<10240x128xf32, #tpu.memory_space<vmem_shared>>
        tpu.wait_indirect_dma semaphore(%run_scoped3A_358 : memref<!tpu.dma_semaphore, #tpu.memory_space<semaphore_mem>>) src(%arg10 : memref<128x128xf32, #tpu.memory_space<vmem>>) dst(%dma_wait3A_370 : memref<10240x128xf32, #tpu.memory_space<vmem_shared>>)
        tpu.yield
      }) : () -> ()
      %add3A_119 = arith.constant 2 : i32
      %add3A_120 = arith.addi %add3A_111, %add3A_119 : i32
      %lt3A_121 = arith.constant 80 : i32
      %lt3A_122 = arith.cmpi slt, %add3A_120, %lt3A_121 : i32
      %convert_element_type3A_123 = arith.extui %lt3A_122 : i1 to i32
      %cond3A_124 = arith.constant 0 : i32
      %cond3A_125 = arith.cmpi ne, %convert_element_type3A_123, %cond3A_124 : i32
      scf.if %cond3A_125 {
        %add3A_358 = arith.constant 2 : i32
        %add3A_359 = arith.addi %add3A_111, %add3A_358 : i32
        %dma_start3A_360 = arith.constant 0 : i32
        %dma_start3A_361 = tpu.memref_slice %arg6[%add3A_359, %dma_start3A_360] : memref<80x128xi32, #tpu.memory_space<vmem>> -> memref<1x128xi32, #tpu.memory_space<vmem>>
        %dma_start3A_362 = tpu.memref_squeeze %dma_start3A_361 : memref<1x128xi32, #tpu.memory_space<vmem>> -> memref<128xi32, #tpu.memory_space<vmem>>
        %dma_start3A_363 = arith.constant 0 : i32
        %dma_start3A_364 = arith.constant 0 : i32
        %dma_start3A_365 = tpu.memref_slice %arg2[%dma_start3A_363, %dma_start3A_364] : memref<10000x128xf32, #tpu.memory_space<hbm>> -> memref<10000x128xf32, #tpu.memory_space<hbm>>
        tpu.enqueue_indirect_dma source(%dma_start3A_365 : memref<10000x128xf32, #tpu.memory_space<hbm>>) target(%arg10 : memref<128x128xf32, #tpu.memory_space<vmem>>) offsets(%dma_start3A_362 : memref<128xi32, #tpu.memory_space<vmem>>) semaphore(%arg13 : memref<!tpu.dma_semaphore, #tpu.memory_space<semaphore_mem>>)
      } else {
      }
      %mul3A_126 = arith.constant 8 : i32
      %mul3A_127 = arith.muli %add3A_43, %mul3A_126 : i32
      %add3A_128 = arith.constant 4 : i32
      %add3A_129 = arith.addi %mul3A_127, %add3A_128 : i32
      %dma_wait3A_130 = arith.constant 0 : i32
      %dma_wait3A_131 = tpu.memref_slice %arg6[%add3A_129, %dma_wait3A_130] : memref<80x128xi32, #tpu.memory_space<vmem>> -> memref<1x128xi32, #tpu.memory_space<vmem>>
      %dma_wait3A_132 = tpu.memref_squeeze %dma_wait3A_131 : memref<1x128xi32, #tpu.memory_space<vmem>> -> memref<128xi32, #tpu.memory_space<vmem>>
      %dma_wait3A_133 = arith.constant 0 : i32
      %dma_wait3A_134 = arith.constant 0 : i32
      %dma_wait3A_135 = tpu.memref_slice %arg2[%dma_wait3A_133, %dma_wait3A_134] : memref<10000x128xf32, #tpu.memory_space<hbm>> -> memref<10000x128xf32, #tpu.memory_space<hbm>>
      tpu.wait_indirect_dma semaphore(%arg12 : memref<!tpu.dma_semaphore, #tpu.memory_space<semaphore_mem>>) src(%dma_wait3A_135 : memref<10000x128xf32, #tpu.memory_space<hbm>>) dst(%arg9 : memref<128x128xf32, #tpu.memory_space<vmem>>)
      %run_scoped3A_136 = arith.constant 4 : i32
      "tpu.region"() ({
        %run_scoped3A_358 = tpu.sem_alloc : memref<!tpu.dma_semaphore, #tpu.memory_space<semaphore_mem>>
        %dma_start3A_359 = arith.constant 0 : i32
        %dma_start3A_360 = tpu.memref_slice %arg7[%run_scoped3A_136, %dma_start3A_359] : memref<8x128xi32, #tpu.memory_space<vmem>> -> memref<1x128xi32, #tpu.memory_space<vmem>>
        %dma_start3A_361 = tpu.memref_squeeze %dma_start3A_360 : memref<1x128xi32, #tpu.memory_space<vmem>> -> memref<128xi32, #tpu.memory_space<vmem>>
        %dma_start3A_362 = arith.constant 0 : i32
        %dma_start3A_363 = arith.constant 0 : i32
        %dma_start3A_364 = tpu.memref_slice %arg11[%dma_start3A_362, %dma_start3A_363] : memref<10240x128xf32, #tpu.memory_space<vmem_shared>> -> memref<10240x128xf32, #tpu.memory_space<vmem_shared>>
        tpu.enqueue_indirect_dma source(%arg9 : memref<128x128xf32, #tpu.memory_space<vmem>>) target(%dma_start3A_364 : memref<10240x128xf32, #tpu.memory_space<vmem_shared>>) offsets(%dma_start3A_361 : memref<128xi32, #tpu.memory_space<vmem>>) semaphore(%run_scoped3A_358 : memref<!tpu.dma_semaphore, #tpu.memory_space<semaphore_mem>>) {add = true}
        %dma_wait3A_365 = arith.constant 0 : i32
        %dma_wait3A_366 = tpu.memref_slice %arg7[%run_scoped3A_136, %dma_wait3A_365] : memref<8x128xi32, #tpu.memory_space<vmem>> -> memref<1x128xi32, #tpu.memory_space<vmem>>
        %dma_wait3A_367 = tpu.memref_squeeze %dma_wait3A_366 : memref<1x128xi32, #tpu.memory_space<vmem>> -> memref<128xi32, #tpu.memory_space<vmem>>
        %dma_wait3A_368 = arith.constant 0 : i32
        %dma_wait3A_369 = arith.constant 0 : i32
        %dma_wait3A_370 = tpu.memref_slice %arg11[%dma_wait3A_368, %dma_wait3A_369] : memref<10240x128xf32, #tpu.memory_space<vmem_shared>> -> memref<10240x128xf32, #tpu.memory_space<vmem_shared>>
        tpu.wait_indirect_dma semaphore(%run_scoped3A_358 : memref<!tpu.dma_semaphore, #tpu.memory_space<semaphore_mem>>) src(%arg9 : memref<128x128xf32, #tpu.memory_space<vmem>>) dst(%dma_wait3A_370 : memref<10240x128xf32, #tpu.memory_space<vmem_shared>>)
        tpu.yield
      }) : () -> ()
      %add3A_137 = arith.constant 2 : i32
      %add3A_138 = arith.addi %add3A_129, %add3A_137 : i32
      %lt3A_139 = arith.constant 80 : i32
      %lt3A_140 = arith.cmpi slt, %add3A_138, %lt3A_139 : i32
      %convert_element_type3A_141 = arith.extui %lt3A_140 : i1 to i32
      %cond3A_142 = arith.constant 0 : i32
      %cond3A_143 = arith.cmpi ne, %convert_element_type3A_141, %cond3A_142 : i32
      scf.if %cond3A_143 {
        %add3A_358 = arith.constant 2 : i32
        %add3A_359 = arith.addi %add3A_129, %add3A_358 : i32
        %dma_start3A_360 = arith.constant 0 : i32
        %dma_start3A_361 = tpu.memref_slice %arg6[%add3A_359, %dma_start3A_360] : memref<80x128xi32, #tpu.memory_space<vmem>> -> memref<1x128xi32, #tpu.memory_space<vmem>>
        %dma_start3A_362 = tpu.memref_squeeze %dma_start3A_361 : memref<1x128xi32, #tpu.memory_space<vmem>> -> memref<128xi32, #tpu.memory_space<vmem>>
        %dma_start3A_363 = arith.constant 0 : i32
        %dma_start3A_364 = arith.constant 0 : i32
        %dma_start3A_365 = tpu.memref_slice %arg2[%dma_start3A_363, %dma_start3A_364] : memref<10000x128xf32, #tpu.memory_space<hbm>> -> memref<10000x128xf32, #tpu.memory_space<hbm>>
        tpu.enqueue_indirect_dma source(%dma_start3A_365 : memref<10000x128xf32, #tpu.memory_space<hbm>>) target(%arg9 : memref<128x128xf32, #tpu.memory_space<vmem>>) offsets(%dma_start3A_362 : memref<128xi32, #tpu.memory_space<vmem>>) semaphore(%arg12 : memref<!tpu.dma_semaphore, #tpu.memory_space<semaphore_mem>>)
      } else {
      }
      %mul3A_144 = arith.constant 8 : i32
      %mul3A_145 = arith.muli %add3A_43, %mul3A_144 : i32
      %add3A_146 = arith.constant 5 : i32
      %add3A_147 = arith.addi %mul3A_145, %add3A_146 : i32
      %dma_wait3A_148 = arith.constant 0 : i32
      %dma_wait3A_149 = tpu.memref_slice %arg6[%add3A_147, %dma_wait3A_148] : memref<80x128xi32, #tpu.memory_space<vmem>> -> memref<1x128xi32, #tpu.memory_space<vmem>>
      %dma_wait3A_150 = tpu.memref_squeeze %dma_wait3A_149 : memref<1x128xi32, #tpu.memory_space<vmem>> -> memref<128xi32, #tpu.memory_space<vmem>>
      %dma_wait3A_151 = arith.constant 0 : i32
      %dma_wait3A_152 = arith.constant 0 : i32
      %dma_wait3A_153 = tpu.memref_slice %arg2[%dma_wait3A_151, %dma_wait3A_152] : memref<10000x128xf32, #tpu.memory_space<hbm>> -> memref<10000x128xf32, #tpu.memory_space<hbm>>
      tpu.wait_indirect_dma semaphore(%arg13 : memref<!tpu.dma_semaphore, #tpu.memory_space<semaphore_mem>>) src(%dma_wait3A_153 : memref<10000x128xf32, #tpu.memory_space<hbm>>) dst(%arg10 : memref<128x128xf32, #tpu.memory_space<vmem>>)
      %run_scoped3A_154 = arith.constant 5 : i32
      "tpu.region"() ({
        %run_scoped3A_358 = tpu.sem_alloc : memref<!tpu.dma_semaphore, #tpu.memory_space<semaphore_mem>>
        %dma_start3A_359 = arith.constant 0 : i32
        %dma_start3A_360 = tpu.memref_slice %arg7[%run_scoped3A_154, %dma_start3A_359] : memref<8x128xi32, #tpu.memory_space<vmem>> -> memref<1x128xi32, #tpu.memory_space<vmem>>
        %dma_start3A_361 = tpu.memref_squeeze %dma_start3A_360 : memref<1x128xi32, #tpu.memory_space<vmem>> -> memref<128xi32, #tpu.memory_space<vmem>>
        %dma_start3A_362 = arith.constant 0 : i32
        %dma_start3A_363 = arith.constant 0 : i32
        %dma_start3A_364 = tpu.memref_slice %arg11[%dma_start3A_362, %dma_start3A_363] : memref<10240x128xf32, #tpu.memory_space<vmem_shared>> -> memref<10240x128xf32, #tpu.memory_space<vmem_shared>>
        tpu.enqueue_indirect_dma source(%arg10 : memref<128x128xf32, #tpu.memory_space<vmem>>) target(%dma_start3A_364 : memref<10240x128xf32, #tpu.memory_space<vmem_shared>>) offsets(%dma_start3A_361 : memref<128xi32, #tpu.memory_space<vmem>>) semaphore(%run_scoped3A_358 : memref<!tpu.dma_semaphore, #tpu.memory_space<semaphore_mem>>) {add = true}
        %dma_wait3A_365 = arith.constant 0 : i32
        %dma_wait3A_366 = tpu.memref_slice %arg7[%run_scoped3A_154, %dma_wait3A_365] : memref<8x128xi32, #tpu.memory_space<vmem>> -> memref<1x128xi32, #tpu.memory_space<vmem>>
        %dma_wait3A_367 = tpu.memref_squeeze %dma_wait3A_366 : memref<1x128xi32, #tpu.memory_space<vmem>> -> memref<128xi32, #tpu.memory_space<vmem>>
        %dma_wait3A_368 = arith.constant 0 : i32
        %dma_wait3A_369 = arith.constant 0 : i32
        %dma_wait3A_370 = tpu.memref_slice %arg11[%dma_wait3A_368, %dma_wait3A_369] : memref<10240x128xf32, #tpu.memory_space<vmem_shared>> -> memref<10240x128xf32, #tpu.memory_space<vmem_shared>>
        tpu.wait_indirect_dma semaphore(%run_scoped3A_358 : memref<!tpu.dma_semaphore, #tpu.memory_space<semaphore_mem>>) src(%arg10 : memref<128x128xf32, #tpu.memory_space<vmem>>) dst(%dma_wait3A_370 : memref<10240x128xf32, #tpu.memory_space<vmem_shared>>)
        tpu.yield
      }) : () -> ()
      %add3A_155 = arith.constant 2 : i32
      %add3A_156 = arith.addi %add3A_147, %add3A_155 : i32
      %lt3A_157 = arith.constant 80 : i32
      %lt3A_158 = arith.cmpi slt, %add3A_156, %lt3A_157 : i32
      %convert_element_type3A_159 = arith.extui %lt3A_158 : i1 to i32
      %cond3A_160 = arith.constant 0 : i32
      %cond3A_161 = arith.cmpi ne, %convert_element_type3A_159, %cond3A_160 : i32
      scf.if %cond3A_161 {
        %add3A_358 = arith.constant 2 : i32
        %add3A_359 = arith.addi %add3A_147, %add3A_358 : i32
        %dma_start3A_360 = arith.constant 0 : i32
        %dma_start3A_361 = tpu.memref_slice %arg6[%add3A_359, %dma_start3A_360] : memref<80x128xi32, #tpu.memory_space<vmem>> -> memref<1x128xi32, #tpu.memory_space<vmem>>
        %dma_start3A_362 = tpu.memref_squeeze %dma_start3A_361 : memref<1x128xi32, #tpu.memory_space<vmem>> -> memref<128xi32, #tpu.memory_space<vmem>>
        %dma_start3A_363 = arith.constant 0 : i32
        %dma_start3A_364 = arith.constant 0 : i32
        %dma_start3A_365 = tpu.memref_slice %arg2[%dma_start3A_363, %dma_start3A_364] : memref<10000x128xf32, #tpu.memory_space<hbm>> -> memref<10000x128xf32, #tpu.memory_space<hbm>>
        tpu.enqueue_indirect_dma source(%dma_start3A_365 : memref<10000x128xf32, #tpu.memory_space<hbm>>) target(%arg10 : memref<128x128xf32, #tpu.memory_space<vmem>>) offsets(%dma_start3A_362 : memref<128xi32, #tpu.memory_space<vmem>>) semaphore(%arg13 : memref<!tpu.dma_semaphore, #tpu.memory_space<semaphore_mem>>)
      } else {
      }
      %mul3A_162 = arith.constant 8 : i32
      %mul3A_163 = arith.muli %add3A_43, %mul3A_162 : i32
      %add3A_164 = arith.constant 6 : i32
      %add3A_165 = arith.addi %mul3A_163, %add3A_164 : i32
      %dma_wait3A_166 = arith.constant 0 : i32
      %dma_wait3A_167 = tpu.memref_slice %arg6[%add3A_165, %dma_wait3A_166] : memref<80x128xi32, #tpu.memory_space<vmem>> -> memref<1x128xi32, #tpu.memory_space<vmem>>
      %dma_wait3A_168 = tpu.memref_squeeze %dma_wait3A_167 : memref<1x128xi32, #tpu.memory_space<vmem>> -> memref<128xi32, #tpu.memory_space<vmem>>
      %dma_wait3A_169 = arith.constant 0 : i32
      %dma_wait3A_170 = arith.constant 0 : i32
      %dma_wait3A_171 = tpu.memref_slice %arg2[%dma_wait3A_169, %dma_wait3A_170] : memref<10000x128xf32, #tpu.memory_space<hbm>> -> memref<10000x128xf32, #tpu.memory_space<hbm>>
      tpu.wait_indirect_dma semaphore(%arg12 : memref<!tpu.dma_semaphore, #tpu.memory_space<semaphore_mem>>) src(%dma_wait3A_171 : memref<10000x128xf32, #tpu.memory_space<hbm>>) dst(%arg9 : memref<128x128xf32, #tpu.memory_space<vmem>>)
      %run_scoped3A_172 = arith.constant 6 : i32
      "tpu.region"() ({
        %run_scoped3A_358 = tpu.sem_alloc : memref<!tpu.dma_semaphore, #tpu.memory_space<semaphore_mem>>
        %dma_start3A_359 = arith.constant 0 : i32
        %dma_start3A_360 = tpu.memref_slice %arg7[%run_scoped3A_172, %dma_start3A_359] : memref<8x128xi32, #tpu.memory_space<vmem>> -> memref<1x128xi32, #tpu.memory_space<vmem>>
        %dma_start3A_361 = tpu.memref_squeeze %dma_start3A_360 : memref<1x128xi32, #tpu.memory_space<vmem>> -> memref<128xi32, #tpu.memory_space<vmem>>
        %dma_start3A_362 = arith.constant 0 : i32
        %dma_start3A_363 = arith.constant 0 : i32
        %dma_start3A_364 = tpu.memref_slice %arg11[%dma_start3A_362, %dma_start3A_363] : memref<10240x128xf32, #tpu.memory_space<vmem_shared>> -> memref<10240x128xf32, #tpu.memory_space<vmem_shared>>
        tpu.enqueue_indirect_dma source(%arg9 : memref<128x128xf32, #tpu.memory_space<vmem>>) target(%dma_start3A_364 : memref<10240x128xf32, #tpu.memory_space<vmem_shared>>) offsets(%dma_start3A_361 : memref<128xi32, #tpu.memory_space<vmem>>) semaphore(%run_scoped3A_358 : memref<!tpu.dma_semaphore, #tpu.memory_space<semaphore_mem>>) {add = true}
        %dma_wait3A_365 = arith.constant 0 : i32
        %dma_wait3A_366 = tpu.memref_slice %arg7[%run_scoped3A_172, %dma_wait3A_365] : memref<8x128xi32, #tpu.memory_space<vmem>> -> memref<1x128xi32, #tpu.memory_space<vmem>>
        %dma_wait3A_367 = tpu.memref_squeeze %dma_wait3A_366 : memref<1x128xi32, #tpu.memory_space<vmem>> -> memref<128xi32, #tpu.memory_space<vmem>>
        %dma_wait3A_368 = arith.constant 0 : i32
        %dma_wait3A_369 = arith.constant 0 : i32
        %dma_wait3A_370 = tpu.memref_slice %arg11[%dma_wait3A_368, %dma_wait3A_369] : memref<10240x128xf32, #tpu.memory_space<vmem_shared>> -> memref<10240x128xf32, #tpu.memory_space<vmem_shared>>
        tpu.wait_indirect_dma semaphore(%run_scoped3A_358 : memref<!tpu.dma_semaphore, #tpu.memory_space<semaphore_mem>>) src(%arg9 : memref<128x128xf32, #tpu.memory_space<vmem>>) dst(%dma_wait3A_370 : memref<10240x128xf32, #tpu.memory_space<vmem_shared>>)
        tpu.yield
      }) : () -> ()
      %add3A_173 = arith.constant 2 : i32
      %add3A_174 = arith.addi %add3A_165, %add3A_173 : i32
      %lt3A_175 = arith.constant 80 : i32
      %lt3A_176 = arith.cmpi slt, %add3A_174, %lt3A_175 : i32
      %convert_element_type3A_177 = arith.extui %lt3A_176 : i1 to i32
      %cond3A_178 = arith.constant 0 : i32
      %cond3A_179 = arith.cmpi ne, %convert_element_type3A_177, %cond3A_178 : i32
      scf.if %cond3A_179 {
        %add3A_358 = arith.constant 2 : i32
        %add3A_359 = arith.addi %add3A_165, %add3A_358 : i32
        %dma_start3A_360 = arith.constant 0 : i32
        %dma_start3A_361 = tpu.memref_slice %arg6[%add3A_359, %dma_start3A_360] : memref<80x128xi32, #tpu.memory_space<vmem>> -> memref<1x128xi32, #tpu.memory_space<vmem>>
        %dma_start3A_362 = tpu.memref_squeeze %dma_start3A_361 : memref<1x128xi32, #tpu.memory_space<vmem>> -> memref<128xi32, #tpu.memory_space<vmem>>
        %dma_start3A_363 = arith.constant 0 : i32
        %dma_start3A_364 = arith.constant 0 : i32
        %dma_start3A_365 = tpu.memref_slice %arg2[%dma_start3A_363, %dma_start3A_364] : memref<10000x128xf32, #tpu.memory_space<hbm>> -> memref<10000x128xf32, #tpu.memory_space<hbm>>
        tpu.enqueue_indirect_dma source(%dma_start3A_365 : memref<10000x128xf32, #tpu.memory_space<hbm>>) target(%arg9 : memref<128x128xf32, #tpu.memory_space<vmem>>) offsets(%dma_start3A_362 : memref<128xi32, #tpu.memory_space<vmem>>) semaphore(%arg12 : memref<!tpu.dma_semaphore, #tpu.memory_space<semaphore_mem>>)
      } else {
      }
      %mul3A_180 = arith.constant 8 : i32
      %mul3A_181 = arith.muli %add3A_43, %mul3A_180 : i32
      %add3A_182 = arith.constant 7 : i32
      %add3A_183 = arith.addi %mul3A_181, %add3A_182 : i32
      %dma_wait3A_184 = arith.constant 0 : i32
      %dma_wait3A_185 = tpu.memref_slice %arg6[%add3A_183, %dma_wait3A_184] : memref<80x128xi32, #tpu.memory_space<vmem>> -> memref<1x128xi32, #tpu.memory_space<vmem>>
      %dma_wait3A_186 = tpu.memref_squeeze %dma_wait3A_185 : memref<1x128xi32, #tpu.memory_space<vmem>> -> memref<128xi32, #tpu.memory_space<vmem>>
      %dma_wait3A_187 = arith.constant 0 : i32
      %dma_wait3A_188 = arith.constant 0 : i32
      %dma_wait3A_189 = tpu.memref_slice %arg2[%dma_wait3A_187, %dma_wait3A_188] : memref<10000x128xf32, #tpu.memory_space<hbm>> -> memref<10000x128xf32, #tpu.memory_space<hbm>>
      tpu.wait_indirect_dma semaphore(%arg13 : memref<!tpu.dma_semaphore, #tpu.memory_space<semaphore_mem>>) src(%dma_wait3A_189 : memref<10000x128xf32, #tpu.memory_space<hbm>>) dst(%arg10 : memref<128x128xf32, #tpu.memory_space<vmem>>)
      %run_scoped3A_190 = arith.constant 7 : i32
      "tpu.region"() ({
        %run_scoped3A_358 = tpu.sem_alloc : memref<!tpu.dma_semaphore, #tpu.memory_space<semaphore_mem>>
        %dma_start3A_359 = arith.constant 0 : i32
        %dma_start3A_360 = tpu.memref_slice %arg7[%run_scoped3A_190, %dma_start3A_359] : memref<8x128xi32, #tpu.memory_space<vmem>> -> memref<1x128xi32, #tpu.memory_space<vmem>>
        %dma_start3A_361 = tpu.memref_squeeze %dma_start3A_360 : memref<1x128xi32, #tpu.memory_space<vmem>> -> memref<128xi32, #tpu.memory_space<vmem>>
        %dma_start3A_362 = arith.constant 0 : i32
        %dma_start3A_363 = arith.constant 0 : i32
        %dma_start3A_364 = tpu.memref_slice %arg11[%dma_start3A_362, %dma_start3A_363] : memref<10240x128xf32, #tpu.memory_space<vmem_shared>> -> memref<10240x128xf32, #tpu.memory_space<vmem_shared>>
        tpu.enqueue_indirect_dma source(%arg10 : memref<128x128xf32, #tpu.memory_space<vmem>>) target(%dma_start3A_364 : memref<10240x128xf32, #tpu.memory_space<vmem_shared>>) offsets(%dma_start3A_361 : memref<128xi32, #tpu.memory_space<vmem>>) semaphore(%run_scoped3A_358 : memref<!tpu.dma_semaphore, #tpu.memory_space<semaphore_mem>>) {add = true}
        %dma_wait3A_365 = arith.constant 0 : i32
        %dma_wait3A_366 = tpu.memref_slice %arg7[%run_scoped3A_190, %dma_wait3A_365] : memref<8x128xi32, #tpu.memory_space<vmem>> -> memref<1x128xi32, #tpu.memory_space<vmem>>
        %dma_wait3A_367 = tpu.memref_squeeze %dma_wait3A_366 : memref<1x128xi32, #tpu.memory_space<vmem>> -> memref<128xi32, #tpu.memory_space<vmem>>
        %dma_wait3A_368 = arith.constant 0 : i32
        %dma_wait3A_369 = arith.constant 0 : i32
        %dma_wait3A_370 = tpu.memref_slice %arg11[%dma_wait3A_368, %dma_wait3A_369] : memref<10240x128xf32, #tpu.memory_space<vmem_shared>> -> memref<10240x128xf32, #tpu.memory_space<vmem_shared>>
        tpu.wait_indirect_dma semaphore(%run_scoped3A_358 : memref<!tpu.dma_semaphore, #tpu.memory_space<semaphore_mem>>) src(%arg10 : memref<128x128xf32, #tpu.memory_space<vmem>>) dst(%dma_wait3A_370 : memref<10240x128xf32, #tpu.memory_space<vmem_shared>>)
        tpu.yield
      }) : () -> ()
      %add3A_191 = arith.constant 2 : i32
      %add3A_192 = arith.addi %add3A_183, %add3A_191 : i32
      %lt3A_193 = arith.constant 80 : i32
      %lt3A_194 = arith.cmpi slt, %add3A_192, %lt3A_193 : i32
      %convert_element_type3A_195 = arith.extui %lt3A_194 : i1 to i32
      %cond3A_196 = arith.constant 0 : i32
      %cond3A_197 = arith.cmpi ne, %convert_element_type3A_195, %cond3A_196 : i32
      scf.if %cond3A_197 {
        %add3A_358 = arith.constant 2 : i32
        %add3A_359 = arith.addi %add3A_183, %add3A_358 : i32
        %dma_start3A_360 = arith.constant 0 : i32
        %dma_start3A_361 = tpu.memref_slice %arg6[%add3A_359, %dma_start3A_360] : memref<80x128xi32, #tpu.memory_space<vmem>> -> memref<1x128xi32, #tpu.memory_space<vmem>>
        %dma_start3A_362 = tpu.memref_squeeze %dma_start3A_361 : memref<1x128xi32, #tpu.memory_space<vmem>> -> memref<128xi32, #tpu.memory_space<vmem>>
        %dma_start3A_363 = arith.constant 0 : i32
        %dma_start3A_364 = arith.constant 0 : i32
        %dma_start3A_365 = tpu.memref_slice %arg2[%dma_start3A_363, %dma_start3A_364] : memref<10000x128xf32, #tpu.memory_space<hbm>> -> memref<10000x128xf32, #tpu.memory_space<hbm>>
        tpu.enqueue_indirect_dma source(%dma_start3A_365 : memref<10000x128xf32, #tpu.memory_space<hbm>>) target(%arg10 : memref<128x128xf32, #tpu.memory_space<vmem>>) offsets(%dma_start3A_362 : memref<128xi32, #tpu.memory_space<vmem>>) semaphore(%arg13 : memref<!tpu.dma_semaphore, #tpu.memory_space<semaphore_mem>>)
      } else {
      }
      %mul3A_198 = arith.constant 2 : i32
      %mul3A_199 = arith.muli %add3A_39, %mul3A_198 : i32
      %add3A_200 = arith.constant 1 : i32
      %add3A_201 = arith.addi %mul3A_199, %add3A_200 : i32
      %add3A_202 = arith.constant 1 : i32
      %add3A_203 = arith.addi %add3A_201, %add3A_202 : i32
      %lt3A_204 = arith.constant 10 : i32
      %lt3A_205 = arith.cmpi slt, %add3A_203, %lt3A_204 : i32
      %convert_element_type3A_206 = arith.extui %lt3A_205 : i1 to i32
      %cond3A_207 = arith.constant 0 : i32
      %cond3A_208 = arith.cmpi ne, %convert_element_type3A_206, %cond3A_207 : i32
      scf.if %cond3A_208 {
        %add3A_358 = arith.constant 1 : i32
        %add3A_359 = arith.addi %add3A_201, %add3A_358 : i32
        %dma_start3A_360 = arith.constant 0 : i32
        %dma_start3A_361 = arith.constant 0 : i32
        %dma_start3A_362 = tpu.memref_slice %arg4[%add3A, %add3A_359, %dma_start3A_360, %dma_start3A_361] : memref<32x10x8x128xi32, #tpu.memory_space<hbm>> -> memref<1x1x8x128xi32, #tpu.memory_space<hbm>>
        %dma_start3A_363 = tpu.memref_squeeze %dma_start3A_362 : memref<1x1x8x128xi32, #tpu.memory_space<hbm>> -> memref<8x128xi32, #tpu.memory_space<hbm>>
        %dma_start3A_364 = arith.constant 0 : i32
        %dma_start3A_365 = arith.constant 0 : i32
        %dma_start3A_366 = tpu.memref_slice %arg4[%add3A, %add3A_359, %dma_start3A_364, %dma_start3A_365] : memref<32x10x8x128xi32, #tpu.memory_space<hbm>> -> memref<1x1x8x128xi32, #tpu.memory_space<hbm>>
        %dma_start3A_367 = tpu.memref_squeeze %dma_start3A_366 : memref<1x1x8x128xi32, #tpu.memory_space<hbm>> -> memref<8x128xi32, #tpu.memory_space<hbm>>
        tpu.enqueue_dma source(%dma_start3A_367 : memref<8x128xi32, #tpu.memory_space<hbm>>) target(%arg7 : memref<8x128xi32, #tpu.memory_space<vmem>>) target_semaphore(%arg14 : memref<!tpu.dma_semaphore, #tpu.memory_space<semaphore_mem>>)
      } else {
      }
      %gt3A_209 = arith.constant 0 : i32
      %gt3A_210 = arith.cmpi sgt, %add3A_201, %gt3A_209 : i32
      %convert_element_type3A_211 = arith.extui %gt3A_210 : i1 to i32
      %cond3A_212 = arith.constant 0 : i32
      %cond3A_213 = arith.cmpi ne, %convert_element_type3A_211, %cond3A_212 : i32
      scf.if %cond3A_213 {
        %dma_wait3A_358 = arith.constant 0 : i32
        %dma_wait3A_359 = arith.constant 0 : i32
        %dma_wait3A_360 = tpu.memref_slice %arg4[%add3A, %add3A_201, %dma_wait3A_358, %dma_wait3A_359] : memref<32x10x8x128xi32, #tpu.memory_space<hbm>> -> memref<1x1x8x128xi32, #tpu.memory_space<hbm>>
        %dma_wait3A_361 = tpu.memref_squeeze %dma_wait3A_360 : memref<1x1x8x128xi32, #tpu.memory_space<hbm>> -> memref<8x128xi32, #tpu.memory_space<hbm>>
        %dma_wait3A_362 = arith.constant 0 : i32
        %dma_wait3A_363 = arith.constant 0 : i32
        %dma_wait3A_364 = tpu.memref_slice %arg4[%add3A, %add3A_201, %dma_wait3A_362, %dma_wait3A_363] : memref<32x10x8x128xi32, #tpu.memory_space<hbm>> -> memref<1x1x8x128xi32, #tpu.memory_space<hbm>>
        %dma_wait3A_365 = tpu.memref_squeeze %dma_wait3A_364 : memref<1x1x8x128xi32, #tpu.memory_space<hbm>> -> memref<8x128xi32, #tpu.memory_space<hbm>>
        tpu.wait_dma2 semaphore(%arg15 : memref<!tpu.dma_semaphore, #tpu.memory_space<semaphore_mem>>) src(%dma_wait3A_365 : memref<8x128xi32, #tpu.memory_space<hbm>>) dst(%arg8 : memref<8x128xi32, #tpu.memory_space<vmem>>)
      } else {
      }
      %mul3A_214 = arith.constant 8 : i32
      %mul3A_215 = arith.muli %add3A_201, %mul3A_214 : i32
      %add3A_216 = arith.constant 0 : i32
      %add3A_217 = arith.addi %mul3A_215, %add3A_216 : i32
      %dma_wait3A_218 = arith.constant 0 : i32
      %dma_wait3A_219 = tpu.memref_slice %arg6[%add3A_217, %dma_wait3A_218] : memref<80x128xi32, #tpu.memory_space<vmem>> -> memref<1x128xi32, #tpu.memory_space<vmem>>
      %dma_wait3A_220 = tpu.memref_squeeze %dma_wait3A_219 : memref<1x128xi32, #tpu.memory_space<vmem>> -> memref<128xi32, #tpu.memory_space<vmem>>
      %dma_wait3A_221 = arith.constant 0 : i32
      %dma_wait3A_222 = arith.constant 0 : i32
      %dma_wait3A_223 = tpu.memref_slice %arg2[%dma_wait3A_221, %dma_wait3A_222] : memref<10000x128xf32, #tpu.memory_space<hbm>> -> memref<10000x128xf32, #tpu.memory_space<hbm>>
      tpu.wait_indirect_dma semaphore(%arg12 : memref<!tpu.dma_semaphore, #tpu.memory_space<semaphore_mem>>) src(%dma_wait3A_223 : memref<10000x128xf32, #tpu.memory_space<hbm>>) dst(%arg9 : memref<128x128xf32, #tpu.memory_space<vmem>>)
      %run_scoped3A_224 = arith.constant 0 : i32
      "tpu.region"() ({
        %run_scoped3A_358 = tpu.sem_alloc : memref<!tpu.dma_semaphore, #tpu.memory_space<semaphore_mem>>
        %dma_start3A_359 = arith.constant 0 : i32
        %dma_start3A_360 = tpu.memref_slice %arg8[%run_scoped3A_224, %dma_start3A_359] : memref<8x128xi32, #tpu.memory_space<vmem>> -> memref<1x128xi32, #tpu.memory_space<vmem>>
        %dma_start3A_361 = tpu.memref_squeeze %dma_start3A_360 : memref<1x128xi32, #tpu.memory_space<vmem>> -> memref<128xi32, #tpu.memory_space<vmem>>
        %dma_start3A_362 = arith.constant 0 : i32
        %dma_start3A_363 = arith.constant 0 : i32
        %dma_start3A_364 = tpu.memref_slice %arg11[%dma_start3A_362, %dma_start3A_363] : memref<10240x128xf32, #tpu.memory_space<vmem_shared>> -> memref<10240x128xf32, #tpu.memory_space<vmem_shared>>
        tpu.enqueue_indirect_dma source(%arg9 : memref<128x128xf32, #tpu.memory_space<vmem>>) target(%dma_start3A_364 : memref<10240x128xf32, #tpu.memory_space<vmem_shared>>) offsets(%dma_start3A_361 : memref<128xi32, #tpu.memory_space<vmem>>) semaphore(%run_scoped3A_358 : memref<!tpu.dma_semaphore, #tpu.memory_space<semaphore_mem>>) {add = true}
        %dma_wait3A_365 = arith.constant 0 : i32
        %dma_wait3A_366 = tpu.memref_slice %arg8[%run_scoped3A_224, %dma_wait3A_365] : memref<8x128xi32, #tpu.memory_space<vmem>> -> memref<1x128xi32, #tpu.memory_space<vmem>>
        %dma_wait3A_367 = tpu.memref_squeeze %dma_wait3A_366 : memref<1x128xi32, #tpu.memory_space<vmem>> -> memref<128xi32, #tpu.memory_space<vmem>>
        %dma_wait3A_368 = arith.constant 0 : i32
        %dma_wait3A_369 = arith.constant 0 : i32
        %dma_wait3A_370 = tpu.memref_slice %arg11[%dma_wait3A_368, %dma_wait3A_369] : memref<10240x128xf32, #tpu.memory_space<vmem_shared>> -> memref<10240x128xf32, #tpu.memory_space<vmem_shared>>
        tpu.wait_indirect_dma semaphore(%run_scoped3A_358 : memref<!tpu.dma_semaphore, #tpu.memory_space<semaphore_mem>>) src(%arg9 : memref<128x128xf32, #tpu.memory_space<vmem>>) dst(%dma_wait3A_370 : memref<10240x128xf32, #tpu.memory_space<vmem_shared>>)
        tpu.yield
      }) : () -> ()
      %add3A_225 = arith.constant 2 : i32
      %add3A_226 = arith.addi %add3A_217, %add3A_225 : i32
      %lt3A_227 = arith.constant 80 : i32
      %lt3A_228 = arith.cmpi slt, %add3A_226, %lt3A_227 : i32
      %convert_element_type3A_229 = arith.extui %lt3A_228 : i1 to i32
      %cond3A_230 = arith.constant 0 : i32
      %cond3A_231 = arith.cmpi ne, %convert_element_type3A_229, %cond3A_230 : i32
      scf.if %cond3A_231 {
        %add3A_358 = arith.constant 2 : i32
        %add3A_359 = arith.addi %add3A_217, %add3A_358 : i32
        %dma_start3A_360 = arith.constant 0 : i32
        %dma_start3A_361 = tpu.memref_slice %arg6[%add3A_359, %dma_start3A_360] : memref<80x128xi32, #tpu.memory_space<vmem>> -> memref<1x128xi32, #tpu.memory_space<vmem>>
        %dma_start3A_362 = tpu.memref_squeeze %dma_start3A_361 : memref<1x128xi32, #tpu.memory_space<vmem>> -> memref<128xi32, #tpu.memory_space<vmem>>
        %dma_start3A_363 = arith.constant 0 : i32
        %dma_start3A_364 = arith.constant 0 : i32
        %dma_start3A_365 = tpu.memref_slice %arg2[%dma_start3A_363, %dma_start3A_364] : memref<10000x128xf32, #tpu.memory_space<hbm>> -> memref<10000x128xf32, #tpu.memory_space<hbm>>
        tpu.enqueue_indirect_dma source(%dma_start3A_365 : memref<10000x128xf32, #tpu.memory_space<hbm>>) target(%arg9 : memref<128x128xf32, #tpu.memory_space<vmem>>) offsets(%dma_start3A_362 : memref<128xi32, #tpu.memory_space<vmem>>) semaphore(%arg12 : memref<!tpu.dma_semaphore, #tpu.memory_space<semaphore_mem>>)
      } else {
      }
      %mul3A_232 = arith.constant 8 : i32
      %mul3A_233 = arith.muli %add3A_201, %mul3A_232 : i32
      %add3A_234 = arith.constant 1 : i32
      %add3A_235 = arith.addi %mul3A_233, %add3A_234 : i32
      %dma_wait3A_236 = arith.constant 0 : i32
      %dma_wait3A_237 = tpu.memref_slice %arg6[%add3A_235, %dma_wait3A_236] : memref<80x128xi32, #tpu.memory_space<vmem>> -> memref<1x128xi32, #tpu.memory_space<vmem>>
      %dma_wait3A_238 = tpu.memref_squeeze %dma_wait3A_237 : memref<1x128xi32, #tpu.memory_space<vmem>> -> memref<128xi32, #tpu.memory_space<vmem>>
      %dma_wait3A_239 = arith.constant 0 : i32
      %dma_wait3A_240 = arith.constant 0 : i32
      %dma_wait3A_241 = tpu.memref_slice %arg2[%dma_wait3A_239, %dma_wait3A_240] : memref<10000x128xf32, #tpu.memory_space<hbm>> -> memref<10000x128xf32, #tpu.memory_space<hbm>>
      tpu.wait_indirect_dma semaphore(%arg13 : memref<!tpu.dma_semaphore, #tpu.memory_space<semaphore_mem>>) src(%dma_wait3A_241 : memref<10000x128xf32, #tpu.memory_space<hbm>>) dst(%arg10 : memref<128x128xf32, #tpu.memory_space<vmem>>)
      %run_scoped3A_242 = arith.constant 1 : i32
      "tpu.region"() ({
        %run_scoped3A_358 = tpu.sem_alloc : memref<!tpu.dma_semaphore, #tpu.memory_space<semaphore_mem>>
        %dma_start3A_359 = arith.constant 0 : i32
        %dma_start3A_360 = tpu.memref_slice %arg8[%run_scoped3A_242, %dma_start3A_359] : memref<8x128xi32, #tpu.memory_space<vmem>> -> memref<1x128xi32, #tpu.memory_space<vmem>>
        %dma_start3A_361 = tpu.memref_squeeze %dma_start3A_360 : memref<1x128xi32, #tpu.memory_space<vmem>> -> memref<128xi32, #tpu.memory_space<vmem>>
        %dma_start3A_362 = arith.constant 0 : i32
        %dma_start3A_363 = arith.constant 0 : i32
        %dma_start3A_364 = tpu.memref_slice %arg11[%dma_start3A_362, %dma_start3A_363] : memref<10240x128xf32, #tpu.memory_space<vmem_shared>> -> memref<10240x128xf32, #tpu.memory_space<vmem_shared>>
        tpu.enqueue_indirect_dma source(%arg10 : memref<128x128xf32, #tpu.memory_space<vmem>>) target(%dma_start3A_364 : memref<10240x128xf32, #tpu.memory_space<vmem_shared>>) offsets(%dma_start3A_361 : memref<128xi32, #tpu.memory_space<vmem>>) semaphore(%run_scoped3A_358 : memref<!tpu.dma_semaphore, #tpu.memory_space<semaphore_mem>>) {add = true}
        %dma_wait3A_365 = arith.constant 0 : i32
        %dma_wait3A_366 = tpu.memref_slice %arg8[%run_scoped3A_242, %dma_wait3A_365] : memref<8x128xi32, #tpu.memory_space<vmem>> -> memref<1x128xi32, #tpu.memory_space<vmem>>
        %dma_wait3A_367 = tpu.memref_squeeze %dma_wait3A_366 : memref<1x128xi32, #tpu.memory_space<vmem>> -> memref<128xi32, #tpu.memory_space<vmem>>
        %dma_wait3A_368 = arith.constant 0 : i32
        %dma_wait3A_369 = arith.constant 0 : i32
        %dma_wait3A_370 = tpu.memref_slice %arg11[%dma_wait3A_368, %dma_wait3A_369] : memref<10240x128xf32, #tpu.memory_space<vmem_shared>> -> memref<10240x128xf32, #tpu.memory_space<vmem_shared>>
        tpu.wait_indirect_dma semaphore(%run_scoped3A_358 : memref<!tpu.dma_semaphore, #tpu.memory_space<semaphore_mem>>) src(%arg10 : memref<128x128xf32, #tpu.memory_space<vmem>>) dst(%dma_wait3A_370 : memref<10240x128xf32, #tpu.memory_space<vmem_shared>>)
        tpu.yield
      }) : () -> ()
      %add3A_243 = arith.constant 2 : i32
      %add3A_244 = arith.addi %add3A_235, %add3A_243 : i32
      %lt3A_245 = arith.constant 80 : i32
      %lt3A_246 = arith.cmpi slt, %add3A_244, %lt3A_245 : i32
      %convert_element_type3A_247 = arith.extui %lt3A_246 : i1 to i32
      %cond3A_248 = arith.constant 0 : i32
      %cond3A_249 = arith.cmpi ne, %convert_element_type3A_247, %cond3A_248 : i32
      scf.if %cond3A_249 {
        %add3A_358 = arith.constant 2 : i32
        %add3A_359 = arith.addi %add3A_235, %add3A_358 : i32
        %dma_start3A_360 = arith.constant 0 : i32
        %dma_start3A_361 = tpu.memref_slice %arg6[%add3A_359, %dma_start3A_360] : memref<80x128xi32, #tpu.memory_space<vmem>> -> memref<1x128xi32, #tpu.memory_space<vmem>>
        %dma_start3A_362 = tpu.memref_squeeze %dma_start3A_361 : memref<1x128xi32, #tpu.memory_space<vmem>> -> memref<128xi32, #tpu.memory_space<vmem>>
        %dma_start3A_363 = arith.constant 0 : i32
        %dma_start3A_364 = arith.constant 0 : i32
        %dma_start3A_365 = tpu.memref_slice %arg2[%dma_start3A_363, %dma_start3A_364] : memref<10000x128xf32, #tpu.memory_space<hbm>> -> memref<10000x128xf32, #tpu.memory_space<hbm>>
        tpu.enqueue_indirect_dma source(%dma_start3A_365 : memref<10000x128xf32, #tpu.memory_space<hbm>>) target(%arg10 : memref<128x128xf32, #tpu.memory_space<vmem>>) offsets(%dma_start3A_362 : memref<128xi32, #tpu.memory_space<vmem>>) semaphore(%arg13 : memref<!tpu.dma_semaphore, #tpu.memory_space<semaphore_mem>>)
      } else {
      }
      %mul3A_250 = arith.constant 8 : i32
      %mul3A_251 = arith.muli %add3A_201, %mul3A_250 : i32
      %add3A_252 = arith.constant 2 : i32
      %add3A_253 = arith.addi %mul3A_251, %add3A_252 : i32
      %dma_wait3A_254 = arith.constant 0 : i32
      %dma_wait3A_255 = tpu.memref_slice %arg6[%add3A_253, %dma_wait3A_254] : memref<80x128xi32, #tpu.memory_space<vmem>> -> memref<1x128xi32, #tpu.memory_space<vmem>>
      %dma_wait3A_256 = tpu.memref_squeeze %dma_wait3A_255 : memref<1x128xi32, #tpu.memory_space<vmem>> -> memref<128xi32, #tpu.memory_space<vmem>>
      %dma_wait3A_257 = arith.constant 0 : i32
      %dma_wait3A_258 = arith.constant 0 : i32
      %dma_wait3A_259 = tpu.memref_slice %arg2[%dma_wait3A_257, %dma_wait3A_258] : memref<10000x128xf32, #tpu.memory_space<hbm>> -> memref<10000x128xf32, #tpu.memory_space<hbm>>
      tpu.wait_indirect_dma semaphore(%arg12 : memref<!tpu.dma_semaphore, #tpu.memory_space<semaphore_mem>>) src(%dma_wait3A_259 : memref<10000x128xf32, #tpu.memory_space<hbm>>) dst(%arg9 : memref<128x128xf32, #tpu.memory_space<vmem>>)
      %run_scoped3A_260 = arith.constant 2 : i32
      "tpu.region"() ({
        %run_scoped3A_358 = tpu.sem_alloc : memref<!tpu.dma_semaphore, #tpu.memory_space<semaphore_mem>>
        %dma_start3A_359 = arith.constant 0 : i32
        %dma_start3A_360 = tpu.memref_slice %arg8[%run_scoped3A_260, %dma_start3A_359] : memref<8x128xi32, #tpu.memory_space<vmem>> -> memref<1x128xi32, #tpu.memory_space<vmem>>
        %dma_start3A_361 = tpu.memref_squeeze %dma_start3A_360 : memref<1x128xi32, #tpu.memory_space<vmem>> -> memref<128xi32, #tpu.memory_space<vmem>>
        %dma_start3A_362 = arith.constant 0 : i32
        %dma_start3A_363 = arith.constant 0 : i32
        %dma_start3A_364 = tpu.memref_slice %arg11[%dma_start3A_362, %dma_start3A_363] : memref<10240x128xf32, #tpu.memory_space<vmem_shared>> -> memref<10240x128xf32, #tpu.memory_space<vmem_shared>>
        tpu.enqueue_indirect_dma source(%arg9 : memref<128x128xf32, #tpu.memory_space<vmem>>) target(%dma_start3A_364 : memref<10240x128xf32, #tpu.memory_space<vmem_shared>>) offsets(%dma_start3A_361 : memref<128xi32, #tpu.memory_space<vmem>>) semaphore(%run_scoped3A_358 : memref<!tpu.dma_semaphore, #tpu.memory_space<semaphore_mem>>) {add = true}
        %dma_wait3A_365 = arith.constant 0 : i32
        %dma_wait3A_366 = tpu.memref_slice %arg8[%run_scoped3A_260, %dma_wait3A_365] : memref<8x128xi32, #tpu.memory_space<vmem>> -> memref<1x128xi32, #tpu.memory_space<vmem>>
        %dma_wait3A_367 = tpu.memref_squeeze %dma_wait3A_366 : memref<1x128xi32, #tpu.memory_space<vmem>> -> memref<128xi32, #tpu.memory_space<vmem>>
        %dma_wait3A_368 = arith.constant 0 : i32
        %dma_wait3A_369 = arith.constant 0 : i32
        %dma_wait3A_370 = tpu.memref_slice %arg11[%dma_wait3A_368, %dma_wait3A_369] : memref<10240x128xf32, #tpu.memory_space<vmem_shared>> -> memref<10240x128xf32, #tpu.memory_space<vmem_shared>>
        tpu.wait_indirect_dma semaphore(%run_scoped3A_358 : memref<!tpu.dma_semaphore, #tpu.memory_space<semaphore_mem>>) src(%arg9 : memref<128x128xf32, #tpu.memory_space<vmem>>) dst(%dma_wait3A_370 : memref<10240x128xf32, #tpu.memory_space<vmem_shared>>)
        tpu.yield
      }) : () -> ()
      %add3A_261 = arith.constant 2 : i32
      %add3A_262 = arith.addi %add3A_253, %add3A_261 : i32
      %lt3A_263 = arith.constant 80 : i32
      %lt3A_264 = arith.cmpi slt, %add3A_262, %lt3A_263 : i32
      %convert_element_type3A_265 = arith.extui %lt3A_264 : i1 to i32
      %cond3A_266 = arith.constant 0 : i32
      %cond3A_267 = arith.cmpi ne, %convert_element_type3A_265, %cond3A_266 : i32
      scf.if %cond3A_267 {
        %add3A_358 = arith.constant 2 : i32
        %add3A_359 = arith.addi %add3A_253, %add3A_358 : i32
        %dma_start3A_360 = arith.constant 0 : i32
        %dma_start3A_361 = tpu.memref_slice %arg6[%add3A_359, %dma_start3A_360] : memref<80x128xi32, #tpu.memory_space<vmem>> -> memref<1x128xi32, #tpu.memory_space<vmem>>
        %dma_start3A_362 = tpu.memref_squeeze %dma_start3A_361 : memref<1x128xi32, #tpu.memory_space<vmem>> -> memref<128xi32, #tpu.memory_space<vmem>>
        %dma_start3A_363 = arith.constant 0 : i32
        %dma_start3A_364 = arith.constant 0 : i32
        %dma_start3A_365 = tpu.memref_slice %arg2[%dma_start3A_363, %dma_start3A_364] : memref<10000x128xf32, #tpu.memory_space<hbm>> -> memref<10000x128xf32, #tpu.memory_space<hbm>>
        tpu.enqueue_indirect_dma source(%dma_start3A_365 : memref<10000x128xf32, #tpu.memory_space<hbm>>) target(%arg9 : memref<128x128xf32, #tpu.memory_space<vmem>>) offsets(%dma_start3A_362 : memref<128xi32, #tpu.memory_space<vmem>>) semaphore(%arg12 : memref<!tpu.dma_semaphore, #tpu.memory_space<semaphore_mem>>)
      } else {
      }
      %mul3A_268 = arith.constant 8 : i32
      %mul3A_269 = arith.muli %add3A_201, %mul3A_268 : i32
      %add3A_270 = arith.constant 3 : i32
      %add3A_271 = arith.addi %mul3A_269, %add3A_270 : i32
      %dma_wait3A_272 = arith.constant 0 : i32
      %dma_wait3A_273 = tpu.memref_slice %arg6[%add3A_271, %dma_wait3A_272] : memref<80x128xi32, #tpu.memory_space<vmem>> -> memref<1x128xi32, #tpu.memory_space<vmem>>
      %dma_wait3A_274 = tpu.memref_squeeze %dma_wait3A_273 : memref<1x128xi32, #tpu.memory_space<vmem>> -> memref<128xi32, #tpu.memory_space<vmem>>
      %dma_wait3A_275 = arith.constant 0 : i32
      %dma_wait3A_276 = arith.constant 0 : i32
      %dma_wait3A_277 = tpu.memref_slice %arg2[%dma_wait3A_275, %dma_wait3A_276] : memref<10000x128xf32, #tpu.memory_space<hbm>> -> memref<10000x128xf32, #tpu.memory_space<hbm>>
      tpu.wait_indirect_dma semaphore(%arg13 : memref<!tpu.dma_semaphore, #tpu.memory_space<semaphore_mem>>) src(%dma_wait3A_277 : memref<10000x128xf32, #tpu.memory_space<hbm>>) dst(%arg10 : memref<128x128xf32, #tpu.memory_space<vmem>>)
      %run_scoped3A_278 = arith.constant 3 : i32
      "tpu.region"() ({
        %run_scoped3A_358 = tpu.sem_alloc : memref<!tpu.dma_semaphore, #tpu.memory_space<semaphore_mem>>
        %dma_start3A_359 = arith.constant 0 : i32
        %dma_start3A_360 = tpu.memref_slice %arg8[%run_scoped3A_278, %dma_start3A_359] : memref<8x128xi32, #tpu.memory_space<vmem>> -> memref<1x128xi32, #tpu.memory_space<vmem>>
        %dma_start3A_361 = tpu.memref_squeeze %dma_start3A_360 : memref<1x128xi32, #tpu.memory_space<vmem>> -> memref<128xi32, #tpu.memory_space<vmem>>
        %dma_start3A_362 = arith.constant 0 : i32
        %dma_start3A_363 = arith.constant 0 : i32
        %dma_start3A_364 = tpu.memref_slice %arg11[%dma_start3A_362, %dma_start3A_363] : memref<10240x128xf32, #tpu.memory_space<vmem_shared>> -> memref<10240x128xf32, #tpu.memory_space<vmem_shared>>
        tpu.enqueue_indirect_dma source(%arg10 : memref<128x128xf32, #tpu.memory_space<vmem>>) target(%dma_start3A_364 : memref<10240x128xf32, #tpu.memory_space<vmem_shared>>) offsets(%dma_start3A_361 : memref<128xi32, #tpu.memory_space<vmem>>) semaphore(%run_scoped3A_358 : memref<!tpu.dma_semaphore, #tpu.memory_space<semaphore_mem>>) {add = true}
        %dma_wait3A_365 = arith.constant 0 : i32
        %dma_wait3A_366 = tpu.memref_slice %arg8[%run_scoped3A_278, %dma_wait3A_365] : memref<8x128xi32, #tpu.memory_space<vmem>> -> memref<1x128xi32, #tpu.memory_space<vmem>>
        %dma_wait3A_367 = tpu.memref_squeeze %dma_wait3A_366 : memref<1x128xi32, #tpu.memory_space<vmem>> -> memref<128xi32, #tpu.memory_space<vmem>>
        %dma_wait3A_368 = arith.constant 0 : i32
        %dma_wait3A_369 = arith.constant 0 : i32
        %dma_wait3A_370 = tpu.memref_slice %arg11[%dma_wait3A_368, %dma_wait3A_369] : memref<10240x128xf32, #tpu.memory_space<vmem_shared>> -> memref<10240x128xf32, #tpu.memory_space<vmem_shared>>
        tpu.wait_indirect_dma semaphore(%run_scoped3A_358 : memref<!tpu.dma_semaphore, #tpu.memory_space<semaphore_mem>>) src(%arg10 : memref<128x128xf32, #tpu.memory_space<vmem>>) dst(%dma_wait3A_370 : memref<10240x128xf32, #tpu.memory_space<vmem_shared>>)
        tpu.yield
      }) : () -> ()
      %add3A_279 = arith.constant 2 : i32
      %add3A_280 = arith.addi %add3A_271, %add3A_279 : i32
      %lt3A_281 = arith.constant 80 : i32
      %lt3A_282 = arith.cmpi slt, %add3A_280, %lt3A_281 : i32
      %convert_element_type3A_283 = arith.extui %lt3A_282 : i1 to i32
      %cond3A_284 = arith.constant 0 : i32
      %cond3A_285 = arith.cmpi ne, %convert_element_type3A_283, %cond3A_284 : i32
      scf.if %cond3A_285 {
        %add3A_358 = arith.constant 2 : i32
        %add3A_359 = arith.addi %add3A_271, %add3A_358 : i32
        %dma_start3A_360 = arith.constant 0 : i32
        %dma_start3A_361 = tpu.memref_slice %arg6[%add3A_359, %dma_start3A_360] : memref<80x128xi32, #tpu.memory_space<vmem>> -> memref<1x128xi32, #tpu.memory_space<vmem>>
        %dma_start3A_362 = tpu.memref_squeeze %dma_start3A_361 : memref<1x128xi32, #tpu.memory_space<vmem>> -> memref<128xi32, #tpu.memory_space<vmem>>
        %dma_start3A_363 = arith.constant 0 : i32
        %dma_start3A_364 = arith.constant 0 : i32
        %dma_start3A_365 = tpu.memref_slice %arg2[%dma_start3A_363, %dma_start3A_364] : memref<10000x128xf32, #tpu.memory_space<hbm>> -> memref<10000x128xf32, #tpu.memory_space<hbm>>
        tpu.enqueue_indirect_dma source(%dma_start3A_365 : memref<10000x128xf32, #tpu.memory_space<hbm>>) target(%arg10 : memref<128x128xf32, #tpu.memory_space<vmem>>) offsets(%dma_start3A_362 : memref<128xi32, #tpu.memory_space<vmem>>) semaphore(%arg13 : memref<!tpu.dma_semaphore, #tpu.memory_space<semaphore_mem>>)
      } else {
      }
      %mul3A_286 = arith.constant 8 : i32
      %mul3A_287 = arith.muli %add3A_201, %mul3A_286 : i32
      %add3A_288 = arith.constant 4 : i32
      %add3A_289 = arith.addi %mul3A_287, %add3A_288 : i32
      %dma_wait3A_290 = arith.constant 0 : i32
      %dma_wait3A_291 = tpu.memref_slice %arg6[%add3A_289, %dma_wait3A_290] : memref<80x128xi32, #tpu.memory_space<vmem>> -> memref<1x128xi32, #tpu.memory_space<vmem>>
      %dma_wait3A_292 = tpu.memref_squeeze %dma_wait3A_291 : memref<1x128xi32, #tpu.memory_space<vmem>> -> memref<128xi32, #tpu.memory_space<vmem>>
      %dma_wait3A_293 = arith.constant 0 : i32
      %dma_wait3A_294 = arith.constant 0 : i32
      %dma_wait3A_295 = tpu.memref_slice %arg2[%dma_wait3A_293, %dma_wait3A_294] : memref<10000x128xf32, #tpu.memory_space<hbm>> -> memref<10000x128xf32, #tpu.memory_space<hbm>>
      tpu.wait_indirect_dma semaphore(%arg12 : memref<!tpu.dma_semaphore, #tpu.memory_space<semaphore_mem>>) src(%dma_wait3A_295 : memref<10000x128xf32, #tpu.memory_space<hbm>>) dst(%arg9 : memref<128x128xf32, #tpu.memory_space<vmem>>)
      %run_scoped3A_296 = arith.constant 4 : i32
      "tpu.region"() ({
        %run_scoped3A_358 = tpu.sem_alloc : memref<!tpu.dma_semaphore, #tpu.memory_space<semaphore_mem>>
        %dma_start3A_359 = arith.constant 0 : i32
        %dma_start3A_360 = tpu.memref_slice %arg8[%run_scoped3A_296, %dma_start3A_359] : memref<8x128xi32, #tpu.memory_space<vmem>> -> memref<1x128xi32, #tpu.memory_space<vmem>>
        %dma_start3A_361 = tpu.memref_squeeze %dma_start3A_360 : memref<1x128xi32, #tpu.memory_space<vmem>> -> memref<128xi32, #tpu.memory_space<vmem>>
        %dma_start3A_362 = arith.constant 0 : i32
        %dma_start3A_363 = arith.constant 0 : i32
        %dma_start3A_364 = tpu.memref_slice %arg11[%dma_start3A_362, %dma_start3A_363] : memref<10240x128xf32, #tpu.memory_space<vmem_shared>> -> memref<10240x128xf32, #tpu.memory_space<vmem_shared>>
        tpu.enqueue_indirect_dma source(%arg9 : memref<128x128xf32, #tpu.memory_space<vmem>>) target(%dma_start3A_364 : memref<10240x128xf32, #tpu.memory_space<vmem_shared>>) offsets(%dma_start3A_361 : memref<128xi32, #tpu.memory_space<vmem>>) semaphore(%run_scoped3A_358 : memref<!tpu.dma_semaphore, #tpu.memory_space<semaphore_mem>>) {add = true}
        %dma_wait3A_365 = arith.constant 0 : i32
        %dma_wait3A_366 = tpu.memref_slice %arg8[%run_scoped3A_296, %dma_wait3A_365] : memref<8x128xi32, #tpu.memory_space<vmem>> -> memref<1x128xi32, #tpu.memory_space<vmem>>
        %dma_wait3A_367 = tpu.memref_squeeze %dma_wait3A_366 : memref<1x128xi32, #tpu.memory_space<vmem>> -> memref<128xi32, #tpu.memory_space<vmem>>
        %dma_wait3A_368 = arith.constant 0 : i32
        %dma_wait3A_369 = arith.constant 0 : i32
        %dma_wait3A_370 = tpu.memref_slice %arg11[%dma_wait3A_368, %dma_wait3A_369] : memref<10240x128xf32, #tpu.memory_space<vmem_shared>> -> memref<10240x128xf32, #tpu.memory_space<vmem_shared>>
        tpu.wait_indirect_dma semaphore(%run_scoped3A_358 : memref<!tpu.dma_semaphore, #tpu.memory_space<semaphore_mem>>) src(%arg9 : memref<128x128xf32, #tpu.memory_space<vmem>>) dst(%dma_wait3A_370 : memref<10240x128xf32, #tpu.memory_space<vmem_shared>>)
        tpu.yield
      }) : () -> ()
      %add3A_297 = arith.constant 2 : i32
      %add3A_298 = arith.addi %add3A_289, %add3A_297 : i32
      %lt3A_299 = arith.constant 80 : i32
      %lt3A_300 = arith.cmpi slt, %add3A_298, %lt3A_299 : i32
      %convert_element_type3A_301 = arith.extui %lt3A_300 : i1 to i32
      %cond3A_302 = arith.constant 0 : i32
      %cond3A_303 = arith.cmpi ne, %convert_element_type3A_301, %cond3A_302 : i32
      scf.if %cond3A_303 {
        %add3A_358 = arith.constant 2 : i32
        %add3A_359 = arith.addi %add3A_289, %add3A_358 : i32
        %dma_start3A_360 = arith.constant 0 : i32
        %dma_start3A_361 = tpu.memref_slice %arg6[%add3A_359, %dma_start3A_360] : memref<80x128xi32, #tpu.memory_space<vmem>> -> memref<1x128xi32, #tpu.memory_space<vmem>>
        %dma_start3A_362 = tpu.memref_squeeze %dma_start3A_361 : memref<1x128xi32, #tpu.memory_space<vmem>> -> memref<128xi32, #tpu.memory_space<vmem>>
        %dma_start3A_363 = arith.constant 0 : i32
        %dma_start3A_364 = arith.constant 0 : i32
        %dma_start3A_365 = tpu.memref_slice %arg2[%dma_start3A_363, %dma_start3A_364] : memref<10000x128xf32, #tpu.memory_space<hbm>> -> memref<10000x128xf32, #tpu.memory_space<hbm>>
        tpu.enqueue_indirect_dma source(%dma_start3A_365 : memref<10000x128xf32, #tpu.memory_space<hbm>>) target(%arg9 : memref<128x128xf32, #tpu.memory_space<vmem>>) offsets(%dma_start3A_362 : memref<128xi32, #tpu.memory_space<vmem>>) semaphore(%arg12 : memref<!tpu.dma_semaphore, #tpu.memory_space<semaphore_mem>>)
      } else {
      }
      %mul3A_304 = arith.constant 8 : i32
      %mul3A_305 = arith.muli %add3A_201, %mul3A_304 : i32
      %add3A_306 = arith.constant 5 : i32
      %add3A_307 = arith.addi %mul3A_305, %add3A_306 : i32
      %dma_wait3A_308 = arith.constant 0 : i32
      %dma_wait3A_309 = tpu.memref_slice %arg6[%add3A_307, %dma_wait3A_308] : memref<80x128xi32, #tpu.memory_space<vmem>> -> memref<1x128xi32, #tpu.memory_space<vmem>>
      %dma_wait3A_310 = tpu.memref_squeeze %dma_wait3A_309 : memref<1x128xi32, #tpu.memory_space<vmem>> -> memref<128xi32, #tpu.memory_space<vmem>>
      %dma_wait3A_311 = arith.constant 0 : i32
      %dma_wait3A_312 = arith.constant 0 : i32
      %dma_wait3A_313 = tpu.memref_slice %arg2[%dma_wait3A_311, %dma_wait3A_312] : memref<10000x128xf32, #tpu.memory_space<hbm>> -> memref<10000x128xf32, #tpu.memory_space<hbm>>
      tpu.wait_indirect_dma semaphore(%arg13 : memref<!tpu.dma_semaphore, #tpu.memory_space<semaphore_mem>>) src(%dma_wait3A_313 : memref<10000x128xf32, #tpu.memory_space<hbm>>) dst(%arg10 : memref<128x128xf32, #tpu.memory_space<vmem>>)
      %run_scoped3A_314 = arith.constant 5 : i32
      "tpu.region"() ({
        %run_scoped3A_358 = tpu.sem_alloc : memref<!tpu.dma_semaphore, #tpu.memory_space<semaphore_mem>>
        %dma_start3A_359 = arith.constant 0 : i32
        %dma_start3A_360 = tpu.memref_slice %arg8[%run_scoped3A_314, %dma_start3A_359] : memref<8x128xi32, #tpu.memory_space<vmem>> -> memref<1x128xi32, #tpu.memory_space<vmem>>
        %dma_start3A_361 = tpu.memref_squeeze %dma_start3A_360 : memref<1x128xi32, #tpu.memory_space<vmem>> -> memref<128xi32, #tpu.memory_space<vmem>>
        %dma_start3A_362 = arith.constant 0 : i32
        %dma_start3A_363 = arith.constant 0 : i32
        %dma_start3A_364 = tpu.memref_slice %arg11[%dma_start3A_362, %dma_start3A_363] : memref<10240x128xf32, #tpu.memory_space<vmem_shared>> -> memref<10240x128xf32, #tpu.memory_space<vmem_shared>>
        tpu.enqueue_indirect_dma source(%arg10 : memref<128x128xf32, #tpu.memory_space<vmem>>) target(%dma_start3A_364 : memref<10240x128xf32, #tpu.memory_space<vmem_shared>>) offsets(%dma_start3A_361 : memref<128xi32, #tpu.memory_space<vmem>>) semaphore(%run_scoped3A_358 : memref<!tpu.dma_semaphore, #tpu.memory_space<semaphore_mem>>) {add = true}
        %dma_wait3A_365 = arith.constant 0 : i32
        %dma_wait3A_366 = tpu.memref_slice %arg8[%run_scoped3A_314, %dma_wait3A_365] : memref<8x128xi32, #tpu.memory_space<vmem>> -> memref<1x128xi32, #tpu.memory_space<vmem>>
        %dma_wait3A_367 = tpu.memref_squeeze %dma_wait3A_366 : memref<1x128xi32, #tpu.memory_space<vmem>> -> memref<128xi32, #tpu.memory_space<vmem>>
        %dma_wait3A_368 = arith.constant 0 : i32
        %dma_wait3A_369 = arith.constant 0 : i32
        %dma_wait3A_370 = tpu.memref_slice %arg11[%dma_wait3A_368, %dma_wait3A_369] : memref<10240x128xf32, #tpu.memory_space<vmem_shared>> -> memref<10240x128xf32, #tpu.memory_space<vmem_shared>>
        tpu.wait_indirect_dma semaphore(%run_scoped3A_358 : memref<!tpu.dma_semaphore, #tpu.memory_space<semaphore_mem>>) src(%arg10 : memref<128x128xf32, #tpu.memory_space<vmem>>) dst(%dma_wait3A_370 : memref<10240x128xf32, #tpu.memory_space<vmem_shared>>)
        tpu.yield
      }) : () -> ()
      %add3A_315 = arith.constant 2 : i32
      %add3A_316 = arith.addi %add3A_307, %add3A_315 : i32
      %lt3A_317 = arith.constant 80 : i32
      %lt3A_318 = arith.cmpi slt, %add3A_316, %lt3A_317 : i32
      %convert_element_type3A_319 = arith.extui %lt3A_318 : i1 to i32
      %cond3A_320 = arith.constant 0 : i32
      %cond3A_321 = arith.cmpi ne, %convert_element_type3A_319, %cond3A_320 : i32
      scf.if %cond3A_321 {
        %add3A_358 = arith.constant 2 : i32
        %add3A_359 = arith.addi %add3A_307, %add3A_358 : i32
        %dma_start3A_360 = arith.constant 0 : i32
        %dma_start3A_361 = tpu.memref_slice %arg6[%add3A_359, %dma_start3A_360] : memref<80x128xi32, #tpu.memory_space<vmem>> -> memref<1x128xi32, #tpu.memory_space<vmem>>
        %dma_start3A_362 = tpu.memref_squeeze %dma_start3A_361 : memref<1x128xi32, #tpu.memory_space<vmem>> -> memref<128xi32, #tpu.memory_space<vmem>>
        %dma_start3A_363 = arith.constant 0 : i32
        %dma_start3A_364 = arith.constant 0 : i32
        %dma_start3A_365 = tpu.memref_slice %arg2[%dma_start3A_363, %dma_start3A_364] : memref<10000x128xf32, #tpu.memory_space<hbm>> -> memref<10000x128xf32, #tpu.memory_space<hbm>>
        tpu.enqueue_indirect_dma source(%dma_start3A_365 : memref<10000x128xf32, #tpu.memory_space<hbm>>) target(%arg10 : memref<128x128xf32, #tpu.memory_space<vmem>>) offsets(%dma_start3A_362 : memref<128xi32, #tpu.memory_space<vmem>>) semaphore(%arg13 : memref<!tpu.dma_semaphore, #tpu.memory_space<semaphore_mem>>)
      } else {
      }
      %mul3A_322 = arith.constant 8 : i32
      %mul3A_323 = arith.muli %add3A_201, %mul3A_322 : i32
      %add3A_324 = arith.constant 6 : i32
      %add3A_325 = arith.addi %mul3A_323, %add3A_324 : i32
      %dma_wait3A_326 = arith.constant 0 : i32
      %dma_wait3A_327 = tpu.memref_slice %arg6[%add3A_325, %dma_wait3A_326] : memref<80x128xi32, #tpu.memory_space<vmem>> -> memref<1x128xi32, #tpu.memory_space<vmem>>
      %dma_wait3A_328 = tpu.memref_squeeze %dma_wait3A_327 : memref<1x128xi32, #tpu.memory_space<vmem>> -> memref<128xi32, #tpu.memory_space<vmem>>
      %dma_wait3A_329 = arith.constant 0 : i32
      %dma_wait3A_330 = arith.constant 0 : i32
      %dma_wait3A_331 = tpu.memref_slice %arg2[%dma_wait3A_329, %dma_wait3A_330] : memref<10000x128xf32, #tpu.memory_space<hbm>> -> memref<10000x128xf32, #tpu.memory_space<hbm>>
      tpu.wait_indirect_dma semaphore(%arg12 : memref<!tpu.dma_semaphore, #tpu.memory_space<semaphore_mem>>) src(%dma_wait3A_331 : memref<10000x128xf32, #tpu.memory_space<hbm>>) dst(%arg9 : memref<128x128xf32, #tpu.memory_space<vmem>>)
      %run_scoped3A_332 = arith.constant 6 : i32
      "tpu.region"() ({
        %run_scoped3A_358 = tpu.sem_alloc : memref<!tpu.dma_semaphore, #tpu.memory_space<semaphore_mem>>
        %dma_start3A_359 = arith.constant 0 : i32
        %dma_start3A_360 = tpu.memref_slice %arg8[%run_scoped3A_332, %dma_start3A_359] : memref<8x128xi32, #tpu.memory_space<vmem>> -> memref<1x128xi32, #tpu.memory_space<vmem>>
        %dma_start3A_361 = tpu.memref_squeeze %dma_start3A_360 : memref<1x128xi32, #tpu.memory_space<vmem>> -> memref<128xi32, #tpu.memory_space<vmem>>
        %dma_start3A_362 = arith.constant 0 : i32
        %dma_start3A_363 = arith.constant 0 : i32
        %dma_start3A_364 = tpu.memref_slice %arg11[%dma_start3A_362, %dma_start3A_363] : memref<10240x128xf32, #tpu.memory_space<vmem_shared>> -> memref<10240x128xf32, #tpu.memory_space<vmem_shared>>
        tpu.enqueue_indirect_dma source(%arg9 : memref<128x128xf32, #tpu.memory_space<vmem>>) target(%dma_start3A_364 : memref<10240x128xf32, #tpu.memory_space<vmem_shared>>) offsets(%dma_start3A_361 : memref<128xi32, #tpu.memory_space<vmem>>) semaphore(%run_scoped3A_358 : memref<!tpu.dma_semaphore, #tpu.memory_space<semaphore_mem>>) {add = true}
        %dma_wait3A_365 = arith.constant 0 : i32
        %dma_wait3A_366 = tpu.memref_slice %arg8[%run_scoped3A_332, %dma_wait3A_365] : memref<8x128xi32, #tpu.memory_space<vmem>> -> memref<1x128xi32, #tpu.memory_space<vmem>>
        %dma_wait3A_367 = tpu.memref_squeeze %dma_wait3A_366 : memref<1x128xi32, #tpu.memory_space<vmem>> -> memref<128xi32, #tpu.memory_space<vmem>>
        %dma_wait3A_368 = arith.constant 0 : i32
        %dma_wait3A_369 = arith.constant 0 : i32
        %dma_wait3A_370 = tpu.memref_slice %arg11[%dma_wait3A_368, %dma_wait3A_369] : memref<10240x128xf32, #tpu.memory_space<vmem_shared>> -> memref<10240x128xf32, #tpu.memory_space<vmem_shared>>
        tpu.wait_indirect_dma semaphore(%run_scoped3A_358 : memref<!tpu.dma_semaphore, #tpu.memory_space<semaphore_mem>>) src(%arg9 : memref<128x128xf32, #tpu.memory_space<vmem>>) dst(%dma_wait3A_370 : memref<10240x128xf32, #tpu.memory_space<vmem_shared>>)
        tpu.yield
      }) : () -> ()
      %add3A_333 = arith.constant 2 : i32
      %add3A_334 = arith.addi %add3A_325, %add3A_333 : i32
      %lt3A_335 = arith.constant 80 : i32
      %lt3A_336 = arith.cmpi slt, %add3A_334, %lt3A_335 : i32
      %convert_element_type3A_337 = arith.extui %lt3A_336 : i1 to i32
      %cond3A_338 = arith.constant 0 : i32
      %cond3A_339 = arith.cmpi ne, %convert_element_type3A_337, %cond3A_338 : i32
      scf.if %cond3A_339 {
        %add3A_358 = arith.constant 2 : i32
        %add3A_359 = arith.addi %add3A_325, %add3A_358 : i32
        %dma_start3A_360 = arith.constant 0 : i32
        %dma_start3A_361 = tpu.memref_slice %arg6[%add3A_359, %dma_start3A_360] : memref<80x128xi32, #tpu.memory_space<vmem>> -> memref<1x128xi32, #tpu.memory_space<vmem>>
        %dma_start3A_362 = tpu.memref_squeeze %dma_start3A_361 : memref<1x128xi32, #tpu.memory_space<vmem>> -> memref<128xi32, #tpu.memory_space<vmem>>
        %dma_start3A_363 = arith.constant 0 : i32
        %dma_start3A_364 = arith.constant 0 : i32
        %dma_start3A_365 = tpu.memref_slice %arg2[%dma_start3A_363, %dma_start3A_364] : memref<10000x128xf32, #tpu.memory_space<hbm>> -> memref<10000x128xf32, #tpu.memory_space<hbm>>
        tpu.enqueue_indirect_dma source(%dma_start3A_365 : memref<10000x128xf32, #tpu.memory_space<hbm>>) target(%arg9 : memref<128x128xf32, #tpu.memory_space<vmem>>) offsets(%dma_start3A_362 : memref<128xi32, #tpu.memory_space<vmem>>) semaphore(%arg12 : memref<!tpu.dma_semaphore, #tpu.memory_space<semaphore_mem>>)
      } else {
      }
      %mul3A_340 = arith.constant 8 : i32
      %mul3A_341 = arith.muli %add3A_201, %mul3A_340 : i32
      %add3A_342 = arith.constant 7 : i32
      %add3A_343 = arith.addi %mul3A_341, %add3A_342 : i32
      %dma_wait3A_344 = arith.constant 0 : i32
      %dma_wait3A_345 = tpu.memref_slice %arg6[%add3A_343, %dma_wait3A_344] : memref<80x128xi32, #tpu.memory_space<vmem>> -> memref<1x128xi32, #tpu.memory_space<vmem>>
      %dma_wait3A_346 = tpu.memref_squeeze %dma_wait3A_345 : memref<1x128xi32, #tpu.memory_space<vmem>> -> memref<128xi32, #tpu.memory_space<vmem>>
      %dma_wait3A_347 = arith.constant 0 : i32
      %dma_wait3A_348 = arith.constant 0 : i32
      %dma_wait3A_349 = tpu.memref_slice %arg2[%dma_wait3A_347, %dma_wait3A_348] : memref<10000x128xf32, #tpu.memory_space<hbm>> -> memref<10000x128xf32, #tpu.memory_space<hbm>>
      tpu.wait_indirect_dma semaphore(%arg13 : memref<!tpu.dma_semaphore, #tpu.memory_space<semaphore_mem>>) src(%dma_wait3A_349 : memref<10000x128xf32, #tpu.memory_space<hbm>>) dst(%arg10 : memref<128x128xf32, #tpu.memory_space<vmem>>)
      %run_scoped3A_350 = arith.constant 7 : i32
      "tpu.region"() ({
        %run_scoped3A_358 = tpu.sem_alloc : memref<!tpu.dma_semaphore, #tpu.memory_space<semaphore_mem>>
        %dma_start3A_359 = arith.constant 0 : i32
        %dma_start3A_360 = tpu.memref_slice %arg8[%run_scoped3A_350, %dma_start3A_359] : memref<8x128xi32, #tpu.memory_space<vmem>> -> memref<1x128xi32, #tpu.memory_space<vmem>>
        %dma_start3A_361 = tpu.memref_squeeze %dma_start3A_360 : memref<1x128xi32, #tpu.memory_space<vmem>> -> memref<128xi32, #tpu.memory_space<vmem>>
        %dma_start3A_362 = arith.constant 0 : i32
        %dma_start3A_363 = arith.constant 0 : i32
        %dma_start3A_364 = tpu.memref_slice %arg11[%dma_start3A_362, %dma_start3A_363] : memref<10240x128xf32, #tpu.memory_space<vmem_shared>> -> memref<10240x128xf32, #tpu.memory_space<vmem_shared>>
        tpu.enqueue_indirect_dma source(%arg10 : memref<128x128xf32, #tpu.memory_space<vmem>>) target(%dma_start3A_364 : memref<10240x128xf32, #tpu.memory_space<vmem_shared>>) offsets(%dma_start3A_361 : memref<128xi32, #tpu.memory_space<vmem>>) semaphore(%run_scoped3A_358 : memref<!tpu.dma_semaphore, #tpu.memory_space<semaphore_mem>>) {add = true}
        %dma_wait3A_365 = arith.constant 0 : i32
        %dma_wait3A_366 = tpu.memref_slice %arg8[%run_scoped3A_350, %dma_wait3A_365] : memref<8x128xi32, #tpu.memory_space<vmem>> -> memref<1x128xi32, #tpu.memory_space<vmem>>
        %dma_wait3A_367 = tpu.memref_squeeze %dma_wait3A_366 : memref<1x128xi32, #tpu.memory_space<vmem>> -> memref<128xi32, #tpu.memory_space<vmem>>
        %dma_wait3A_368 = arith.constant 0 : i32
        %dma_wait3A_369 = arith.constant 0 : i32
        %dma_wait3A_370 = tpu.memref_slice %arg11[%dma_wait3A_368, %dma_wait3A_369] : memref<10240x128xf32, #tpu.memory_space<vmem_shared>> -> memref<10240x128xf32, #tpu.memory_space<vmem_shared>>
        tpu.wait_indirect_dma semaphore(%run_scoped3A_358 : memref<!tpu.dma_semaphore, #tpu.memory_space<semaphore_mem>>) src(%arg10 : memref<128x128xf32, #tpu.memory_space<vmem>>) dst(%dma_wait3A_370 : memref<10240x128xf32, #tpu.memory_space<vmem_shared>>)
        tpu.yield
      }) : () -> ()
      %add3A_351 = arith.constant 2 : i32
      %add3A_352 = arith.addi %add3A_343, %add3A_351 : i32
      %lt3A_353 = arith.constant 80 : i32
      %lt3A_354 = arith.cmpi slt, %add3A_352, %lt3A_353 : i32
      %convert_element_type3A_355 = arith.extui %lt3A_354 : i1 to i32
      %cond3A_356 = arith.constant 0 : i32
      %cond3A_357 = arith.cmpi ne, %convert_element_type3A_355, %cond3A_356 : i32
      scf.if %cond3A_357 {
        %add3A_358 = arith.constant 2 : i32
        %add3A_359 = arith.addi %add3A_343, %add3A_358 : i32
        %dma_start3A_360 = arith.constant 0 : i32
        %dma_start3A_361 = tpu.memref_slice %arg6[%add3A_359, %dma_start3A_360] : memref<80x128xi32, #tpu.memory_space<vmem>> -> memref<1x128xi32, #tpu.memory_space<vmem>>
        %dma_start3A_362 = tpu.memref_squeeze %dma_start3A_361 : memref<1x128xi32, #tpu.memory_space<vmem>> -> memref<128xi32, #tpu.memory_space<vmem>>
        %dma_start3A_363 = arith.constant 0 : i32
        %dma_start3A_364 = arith.constant 0 : i32
        %dma_start3A_365 = tpu.memref_slice %arg2[%dma_start3A_363, %dma_start3A_364] : memref<10000x128xf32, #tpu.memory_space<hbm>> -> memref<10000x128xf32, #tpu.memory_space<hbm>>
        tpu.enqueue_indirect_dma source(%dma_start3A_365 : memref<10000x128xf32, #tpu.memory_space<hbm>>) target(%arg10 : memref<128x128xf32, #tpu.memory_space<vmem>>) offsets(%dma_start3A_362 : memref<128xi32, #tpu.memory_space<vmem>>) semaphore(%arg13 : memref<!tpu.dma_semaphore, #tpu.memory_space<semaphore_mem>>)
      } else {
      }
    }
    %scan3A_23 = arith.constant 5 : i32
    %barrier3A_24 = arith.constant 0 : index
    tpu.barrier barrier_id(%barrier3A_24)
    %lt3A_25 = arith.constant 15 : i32
    %lt3A_26 = arith.cmpi slt, %arg1, %lt3A_25 : i32
    %convert_element_type3A_27 = arith.extui %lt3A_26 : i1 to i32
    %cond3A_28 = arith.constant 0 : i32
    %cond3A_29 = arith.cmpi ne, %convert_element_type3A_27, %cond3A_28 : i32
    scf.if %cond3A_29 {
      %mul3A_35 = arith.constant 640 : i32
      %mul3A_36 = arith.muli %arg1, %mul3A_35 : i32
      %mul3A_37 = arith.constant 640 : i32
      %mul3A_38 = arith.muli %arg1, %mul3A_37 : i32
      "tpu.region"() ({
        %run_scoped3A_39 = tpu.sem_alloc : memref<!tpu.dma_semaphore, #tpu.memory_space<semaphore_mem>>
        %dma_start3A_40 = arith.constant 0 : i32
        %dma_start3A_41 = tpu.memref_slice %arg5[%arg0, %mul3A_38, %dma_start3A_40] : memref<2x10000x128xf32, #tpu.memory_space<hbm>> -> memref<1x640x128xf32, #tpu.memory_space<hbm>>
        %dma_start3A_42 = tpu.memref_squeeze %dma_start3A_41 : memref<1x640x128xf32, #tpu.memory_space<hbm>> -> memref<640x128xf32, #tpu.memory_space<hbm>>
        %dma_start3A_43 = arith.constant 0 : i32
        %dma_start3A_44 = tpu.memref_slice %arg11[%mul3A_36, %dma_start3A_43] : memref<10240x128xf32, #tpu.memory_space<vmem_shared>> -> memref<640x128xf32, #tpu.memory_space<vmem_shared>>
        tpu.enqueue_dma source(%dma_start3A_44 : memref<640x128xf32, #tpu.memory_space<vmem_shared>>) target(%dma_start3A_42 : memref<640x128xf32, #tpu.memory_space<hbm>>) target_semaphore(%run_scoped3A_39 : memref<!tpu.dma_semaphore, #tpu.memory_space<semaphore_mem>>)
        %dma_wait3A = arith.constant 0 : i32
        %dma_wait3A_45 = tpu.memref_slice %arg5[%arg0, %mul3A_38, %dma_wait3A] : memref<2x10000x128xf32, #tpu.memory_space<hbm>> -> memref<1x640x128xf32, #tpu.memory_space<hbm>>
        %dma_wait3A_46 = tpu.memref_squeeze %dma_wait3A_45 : memref<1x640x128xf32, #tpu.memory_space<hbm>> -> memref<640x128xf32, #tpu.memory_space<hbm>>
        %dma_wait3A_47 = arith.constant 0 : i32
        %dma_wait3A_48 = tpu.memref_slice %arg11[%mul3A_36, %dma_wait3A_47] : memref<10240x128xf32, #tpu.memory_space<vmem_shared>> -> memref<640x128xf32, #tpu.memory_space<vmem_shared>>
        tpu.wait_dma2 semaphore(%run_scoped3A_39 : memref<!tpu.dma_semaphore, #tpu.memory_space<semaphore_mem>>) src(%dma_wait3A_48 : memref<640x128xf32, #tpu.memory_space<vmem_shared>>) dst(%dma_wait3A_46 : memref<640x128xf32, #tpu.memory_space<hbm>>)
        tpu.yield
      }) : () -> ()
    } else {
    }
    %eq3A_30 = arith.constant 15 : i32
    %eq3A_31 = arith.cmpi eq, %arg1, %eq3A_30 : i32
    %convert_element_type3A_32 = arith.extui %eq3A_31 : i1 to i32
    %cond3A_33 = arith.constant 0 : i32
    %cond3A_34 = arith.cmpi ne, %convert_element_type3A_32, %cond3A_33 : i32
    scf.if %cond3A_34 {
      "tpu.region"() ({
        %run_scoped3A_35 = tpu.sem_alloc : memref<!tpu.dma_semaphore, #tpu.memory_space<semaphore_mem>>
        %dma_start3A_36 = arith.constant 9600 : i32
        %dma_start3A_37 = arith.constant 0 : i32
        %dma_start3A_38 = tpu.memref_slice %arg5[%arg0, %dma_start3A_36, %dma_start3A_37] : memref<2x10000x128xf32, #tpu.memory_space<hbm>> -> memref<1x400x128xf32, #tpu.memory_space<hbm>>
        %dma_start3A_39 = tpu.memref_squeeze %dma_start3A_38 : memref<1x400x128xf32, #tpu.memory_space<hbm>> -> memref<400x128xf32, #tpu.memory_space<hbm>>
        %dma_start3A_40 = arith.constant 9600 : i32
        %dma_start3A_41 = arith.constant 0 : i32
        %dma_start3A_42 = tpu.memref_slice %arg11[%dma_start3A_40, %dma_start3A_41] : memref<10240x128xf32, #tpu.memory_space<vmem_shared>> -> memref<400x128xf32, #tpu.memory_space<vmem_shared>>
        tpu.enqueue_dma source(%dma_start3A_42 : memref<400x128xf32, #tpu.memory_space<vmem_shared>>) target(%dma_start3A_39 : memref<400x128xf32, #tpu.memory_space<hbm>>) target_semaphore(%run_scoped3A_35 : memref<!tpu.dma_semaphore, #tpu.memory_space<semaphore_mem>>)
        %dma_wait3A = arith.constant 9600 : i32
        %dma_wait3A_43 = arith.constant 0 : i32
        %dma_wait3A_44 = tpu.memref_slice %arg5[%arg0, %dma_wait3A, %dma_wait3A_43] : memref<2x10000x128xf32, #tpu.memory_space<hbm>> -> memref<1x400x128xf32, #tpu.memory_space<hbm>>
        %dma_wait3A_45 = tpu.memref_squeeze %dma_wait3A_44 : memref<1x400x128xf32, #tpu.memory_space<hbm>> -> memref<400x128xf32, #tpu.memory_space<hbm>>
        %dma_wait3A_46 = arith.constant 9600 : i32
        %dma_wait3A_47 = arith.constant 0 : i32
        %dma_wait3A_48 = tpu.memref_slice %arg11[%dma_wait3A_46, %dma_wait3A_47] : memref<10240x128xf32, #tpu.memory_space<vmem_shared>> -> memref<400x128xf32, #tpu.memory_space<vmem_shared>>
        tpu.wait_dma2 semaphore(%run_scoped3A_35 : memref<!tpu.dma_semaphore, #tpu.memory_space<semaphore_mem>>) src(%dma_wait3A_48 : memref<400x128xf32, #tpu.memory_space<vmem_shared>>) dst(%dma_wait3A_45 : memref<400x128xf32, #tpu.memory_space<hbm>>)
        tpu.yield
      }) : () -> ()
    } else {
    }
    return
  }
}

module attributes {stable_mosaic.version = 14 : i64} {
  func.func @_mlp_body(%arg0: memref<2x10000x128xf32, #tpu.memory_space<vmem>>, %arg1: memref<10000x128xf32, #tpu.memory_space<vmem>>, %arg2: memref<1x1xf32, #tpu.memory_space<vmem>>, %arg3: memref<128x128xf32, #tpu.memory_space<vmem>>, %arg4: memref<1x128xf32, #tpu.memory_space<vmem>>, %arg5: memref<1x128xf32, #tpu.memory_space<vmem>>, %arg6: memref<1x128xf32, #tpu.memory_space<vmem>>, %arg7: memref<128x128xf32, #tpu.memory_space<vmem>>, %arg8: memref<1x128xf32, #tpu.memory_space<vmem>>, %arg9: memref<1x128xf32, #tpu.memory_space<vmem>>, %arg10: memref<1x128xf32, #tpu.memory_space<vmem>>, %arg11: memref<10000x128xf32, #tpu.memory_space<vmem>>) attributes {dimension_semantics = [], scalar_prefetch = 0 : i64, scratch_operands = 0 : i64, tpu.core_type = #tpu.core_type<tc>} {
    %get3A = arith.constant 0 : index
    %get3A_0 = arith.constant 0 : index
    %get3A_1 = vector.load %arg1[%get3A, %get3A_0] : memref<10000x128xf32, #tpu.memory_space<vmem>>, vector<10000x128xf32>
    %get3A_2 = arith.constant 0 : index
    %get3A_3 = arith.constant 0 : index
    %get3A_4 = arith.constant 0 : index
    %get3A_5 = vector.load %arg0[%get3A_2, %get3A_3, %get3A_4] : memref<2x10000x128xf32, #tpu.memory_space<vmem>>, vector<1x10000x128xf32>
    %get3A_6 = vector.shape_cast %get3A_5 : vector<1x10000x128xf32> to vector<10000x128xf32>
    %get3A_7 = arith.constant 1 : index
    %get3A_8 = arith.constant 0 : index
    %get3A_9 = arith.constant 0 : index
    %get3A_10 = vector.load %arg0[%get3A_7, %get3A_8, %get3A_9] : memref<2x10000x128xf32, #tpu.memory_space<vmem>>, vector<1x10000x128xf32>
    %get3A_11 = vector.shape_cast %get3A_10 : vector<1x10000x128xf32> to vector<10000x128xf32>
    %add3A = arith.addf %get3A_6, %get3A_11 : vector<10000x128xf32>
    %get3A_12 = arith.constant 0 : index
    %get3A_13 = arith.constant 0 : index
    %get3A_14 = vector.load %arg2[%get3A_12, %get3A_13] : memref<1x1xf32, #tpu.memory_space<vmem>>, vector<1x1xf32>
    %mul3A = vector.broadcast %get3A_14 : vector<1x1xf32> to vector<10000x128xf32>
    %mul3A_15 = arith.mulf %mul3A, %get3A_1 : vector<10000x128xf32>
    %add3A_16 = arith.addf %add3A, %mul3A_15 : vector<10000x128xf32>
    %get3A_17 = arith.constant 0 : index
    %get3A_18 = arith.constant 0 : index
    %get3A_19 = vector.load %arg3[%get3A_17, %get3A_18] : memref<128x128xf32, #tpu.memory_space<vmem>>, vector<128x128xf32>
    %dot_general3A = arith.constant dense<0.000000e+00> : vector<10000x128xf32>
    %dot_general3A_20 = tpu.matmul %add3A_16, %get3A_19, %dot_general3A {dimension_numbers = #tpu.dot_dimension_numbers<[1], [0], [0], [1], [0, 0, 1, 1], [], []>, transpose_lhs_hint = false} : vector<10000x128xf32>, vector<128x128xf32>, vector<10000x128xf32> -> vector<10000x128xf32>
    %get3A_21 = arith.constant 0 : index
    %get3A_22 = arith.constant 0 : index
    %get3A_23 = vector.load %arg4[%get3A_21, %get3A_22] : memref<1x128xf32, #tpu.memory_space<vmem>>, vector<1x128xf32>
    %add3A_24 = vector.broadcast %get3A_23 : vector<1x128xf32> to vector<10000x128xf32>
    %add3A_25 = arith.addf %dot_general3A_20, %add3A_24 : vector<10000x128xf32>
    %reduce_sum3A = arith.constant dense<0.000000e+00> : vector<128xf32>
    %reduce_sum3A_26 = vector.multi_reduction <add>, %add3A_25, %reduce_sum3A [0] : vector<10000x128xf32> to vector<128xf32>
    %broadcast_in_dim3A = vector.shape_cast %reduce_sum3A_26 : vector<128xf32> to vector<1x128xf32>
    %div3A = arith.constant 1.000000e+04 : f32
    %div3A_27 = vector.broadcast %div3A : f32 to vector<1x128xf32>
    %div3A_28 = arith.divf %broadcast_in_dim3A, %div3A_27 : vector<1x128xf32>
    %sub3A = vector.broadcast %div3A_28 : vector<1x128xf32> to vector<10000x128xf32>
    %sub3A_29 = arith.subf %add3A_25, %sub3A : vector<10000x128xf32>
    %integer_pow3A = arith.mulf %sub3A_29, %sub3A_29 : vector<10000x128xf32>
    %reduce_sum3A_30 = arith.constant dense<0.000000e+00> : vector<128xf32>
    %reduce_sum3A_31 = vector.multi_reduction <add>, %integer_pow3A, %reduce_sum3A_30 [0] : vector<10000x128xf32> to vector<128xf32>
    %broadcast_in_dim3A_32 = vector.shape_cast %reduce_sum3A_31 : vector<128xf32> to vector<1x128xf32>
    %div3A_33 = arith.constant 1.000000e+04 : f32
    %div3A_34 = vector.broadcast %div3A_33 : f32 to vector<1x128xf32>
    %div3A_35 = arith.divf %broadcast_in_dim3A_32, %div3A_34 : vector<1x128xf32>
    %sub3A_36 = vector.broadcast %div3A_28 : vector<1x128xf32> to vector<10000x128xf32>
    %sub3A_37 = arith.subf %add3A_25, %sub3A_36 : vector<10000x128xf32>
    %add3A_38 = arith.constant 9.99999974E-6 : f32
    %add3A_39 = vector.broadcast %add3A_38 : f32 to vector<1x128xf32>
    %add3A_40 = arith.addf %div3A_35, %add3A_39 : vector<1x128xf32>
    %rsqrt3A = math.rsqrt %add3A_40 : vector<1x128xf32>
    %mul3A_41 = vector.broadcast %rsqrt3A : vector<1x128xf32> to vector<10000x128xf32>
    %mul3A_42 = arith.mulf %sub3A_37, %mul3A_41 : vector<10000x128xf32>
    %get3A_43 = arith.constant 0 : index
    %get3A_44 = arith.constant 0 : index
    %get3A_45 = vector.load %arg5[%get3A_43, %get3A_44] : memref<1x128xf32, #tpu.memory_space<vmem>>, vector<1x128xf32>
    %mul3A_46 = vector.broadcast %get3A_45 : vector<1x128xf32> to vector<10000x128xf32>
    %mul3A_47 = arith.mulf %mul3A_42, %mul3A_46 : vector<10000x128xf32>
    %get3A_48 = arith.constant 0 : index
    %get3A_49 = arith.constant 0 : index
    %get3A_50 = vector.load %arg6[%get3A_48, %get3A_49] : memref<1x128xf32, #tpu.memory_space<vmem>>, vector<1x128xf32>
    %add3A_51 = vector.broadcast %get3A_50 : vector<1x128xf32> to vector<10000x128xf32>
    %add3A_52 = arith.addf %mul3A_47, %add3A_51 : vector<10000x128xf32>
    %max3A = arith.constant 0.000000e+00 : f32
    %max3A_53 = vector.broadcast %max3A : f32 to vector<10000x128xf32>
    %max3A_54 = arith.maximumf %add3A_52, %max3A_53 : vector<10000x128xf32>
    %get3A_55 = arith.constant 0 : index
    %get3A_56 = arith.constant 0 : index
    %get3A_57 = vector.load %arg7[%get3A_55, %get3A_56] : memref<128x128xf32, #tpu.memory_space<vmem>>, vector<128x128xf32>
    %dot_general3A_58 = arith.constant dense<0.000000e+00> : vector<10000x128xf32>
    %dot_general3A_59 = tpu.matmul %max3A_54, %get3A_57, %dot_general3A_58 {dimension_numbers = #tpu.dot_dimension_numbers<[1], [0], [0], [1], [0, 0, 1, 1], [], []>, transpose_lhs_hint = false} : vector<10000x128xf32>, vector<128x128xf32>, vector<10000x128xf32> -> vector<10000x128xf32>
    %get3A_60 = arith.constant 0 : index
    %get3A_61 = arith.constant 0 : index
    %get3A_62 = vector.load %arg8[%get3A_60, %get3A_61] : memref<1x128xf32, #tpu.memory_space<vmem>>, vector<1x128xf32>
    %add3A_63 = vector.broadcast %get3A_62 : vector<1x128xf32> to vector<10000x128xf32>
    %add3A_64 = arith.addf %dot_general3A_59, %add3A_63 : vector<10000x128xf32>
    %reduce_sum3A_65 = arith.constant dense<0.000000e+00> : vector<128xf32>
    %reduce_sum3A_66 = vector.multi_reduction <add>, %add3A_64, %reduce_sum3A_65 [0] : vector<10000x128xf32> to vector<128xf32>
    %broadcast_in_dim3A_67 = vector.shape_cast %reduce_sum3A_66 : vector<128xf32> to vector<1x128xf32>
    %div3A_68 = arith.constant 1.000000e+04 : f32
    %div3A_69 = vector.broadcast %div3A_68 : f32 to vector<1x128xf32>
    %div3A_70 = arith.divf %broadcast_in_dim3A_67, %div3A_69 : vector<1x128xf32>
    %sub3A_71 = vector.broadcast %div3A_70 : vector<1x128xf32> to vector<10000x128xf32>
    %sub3A_72 = arith.subf %add3A_64, %sub3A_71 : vector<10000x128xf32>
    %integer_pow3A_73 = arith.mulf %sub3A_72, %sub3A_72 : vector<10000x128xf32>
    %reduce_sum3A_74 = arith.constant dense<0.000000e+00> : vector<128xf32>
    %reduce_sum3A_75 = vector.multi_reduction <add>, %integer_pow3A_73, %reduce_sum3A_74 [0] : vector<10000x128xf32> to vector<128xf32>
    %broadcast_in_dim3A_76 = vector.shape_cast %reduce_sum3A_75 : vector<128xf32> to vector<1x128xf32>
    %div3A_77 = arith.constant 1.000000e+04 : f32
    %div3A_78 = vector.broadcast %div3A_77 : f32 to vector<1x128xf32>
    %div3A_79 = arith.divf %broadcast_in_dim3A_76, %div3A_78 : vector<1x128xf32>
    %sub3A_80 = vector.broadcast %div3A_70 : vector<1x128xf32> to vector<10000x128xf32>
    %sub3A_81 = arith.subf %add3A_64, %sub3A_80 : vector<10000x128xf32>
    %add3A_82 = arith.constant 9.99999974E-6 : f32
    %add3A_83 = vector.broadcast %add3A_82 : f32 to vector<1x128xf32>
    %add3A_84 = arith.addf %div3A_79, %add3A_83 : vector<1x128xf32>
    %rsqrt3A_85 = math.rsqrt %add3A_84 : vector<1x128xf32>
    %mul3A_86 = vector.broadcast %rsqrt3A_85 : vector<1x128xf32> to vector<10000x128xf32>
    %mul3A_87 = arith.mulf %sub3A_81, %mul3A_86 : vector<10000x128xf32>
    %get3A_88 = arith.constant 0 : index
    %get3A_89 = arith.constant 0 : index
    %get3A_90 = vector.load %arg9[%get3A_88, %get3A_89] : memref<1x128xf32, #tpu.memory_space<vmem>>, vector<1x128xf32>
    %mul3A_91 = vector.broadcast %get3A_90 : vector<1x128xf32> to vector<10000x128xf32>
    %mul3A_92 = arith.mulf %mul3A_87, %mul3A_91 : vector<10000x128xf32>
    %get3A_93 = arith.constant 0 : index
    %get3A_94 = arith.constant 0 : index
    %get3A_95 = vector.load %arg10[%get3A_93, %get3A_94] : memref<1x128xf32, #tpu.memory_space<vmem>>, vector<1x128xf32>
    %add3A_96 = vector.broadcast %get3A_95 : vector<1x128xf32> to vector<10000x128xf32>
    %add3A_97 = arith.addf %mul3A_92, %add3A_96 : vector<10000x128xf32>
    %max3A_98 = arith.constant 0.000000e+00 : f32
    %max3A_99 = vector.broadcast %max3A_98 : f32 to vector<10000x128xf32>
    %max3A_100 = arith.maximumf %add3A_97, %max3A_99 : vector<10000x128xf32>
    %swap3A = arith.constant 0 : index
    %swap3A_101 = arith.constant 0 : index
    %swap3A_102 = vector.load %arg11[%swap3A, %swap3A_101] : memref<10000x128xf32, #tpu.memory_space<vmem>>, vector<10000x128xf32>
    tpu.vector_store %arg11[%swap3A, %swap3A_101], %max3A_100 {strides = array<i32>} : memref<10000x128xf32, #tpu.memory_space<vmem>>, vector<10000x128xf32>,
    return
  }
}

module attributes {stable_mosaic.version = 14 : i64} {
  func.func @_final_body(%arg0: memref<2x10000x128xf32, #tpu.memory_space<vmem>>, %arg1: memref<10000x128xf32, #tpu.memory_space<vmem>>, %arg2: memref<1x1xf32, #tpu.memory_space<vmem>>, %arg3: memref<128x128xf32, #tpu.memory_space<vmem>>, %arg4: memref<1x128xf32, #tpu.memory_space<vmem>>, %arg5: memref<1x128xf32, #tpu.memory_space<vmem>>, %arg6: memref<1x128xf32, #tpu.memory_space<vmem>>, %arg7: memref<128x128xf32, #tpu.memory_space<vmem>>, %arg8: memref<1x128xf32, #tpu.memory_space<vmem>>, %arg9: memref<1x128xf32, #tpu.memory_space<vmem>>, %arg10: memref<1x128xf32, #tpu.memory_space<vmem>>, %arg11: memref<1x10000xi32, #tpu.memory_space<vmem>>, %arg12: memref<128x64xf32, #tpu.memory_space<vmem>>, %arg13: memref<1x64xf32, #tpu.memory_space<vmem>>, %arg14: memref<64x1xf32, #tpu.memory_space<vmem>>, %arg15: memref<1x1xf32, #tpu.memory_space<vmem>>, %arg16: memref<64x1xf32, #tpu.memory_space<vmem>>) attributes {dimension_semantics = [], scalar_prefetch = 0 : i64, scratch_operands = 0 : i64, tpu.core_type = #tpu.core_type<tc>} {
    %get3A = arith.constant 0 : index
    %get3A_0 = arith.constant 0 : index
    %get3A_1 = vector.load %arg1[%get3A, %get3A_0] : memref<10000x128xf32, #tpu.memory_space<vmem>>, vector<10000x128xf32>
    %get3A_2 = arith.constant 0 : index
    %get3A_3 = arith.constant 0 : index
    %get3A_4 = arith.constant 0 : index
    %get3A_5 = vector.load %arg0[%get3A_2, %get3A_3, %get3A_4] : memref<2x10000x128xf32, #tpu.memory_space<vmem>>, vector<1x10000x128xf32>
    %get3A_6 = vector.shape_cast %get3A_5 : vector<1x10000x128xf32> to vector<10000x128xf32>
    %get3A_7 = arith.constant 1 : index
    %get3A_8 = arith.constant 0 : index
    %get3A_9 = arith.constant 0 : index
    %get3A_10 = vector.load %arg0[%get3A_7, %get3A_8, %get3A_9] : memref<2x10000x128xf32, #tpu.memory_space<vmem>>, vector<1x10000x128xf32>
    %get3A_11 = vector.shape_cast %get3A_10 : vector<1x10000x128xf32> to vector<10000x128xf32>
    %add3A = arith.addf %get3A_6, %get3A_11 : vector<10000x128xf32>
    %get3A_12 = arith.constant 0 : index
    %get3A_13 = arith.constant 0 : index
    %get3A_14 = vector.load %arg2[%get3A_12, %get3A_13] : memref<1x1xf32, #tpu.memory_space<vmem>>, vector<1x1xf32>
    %mul3A = vector.broadcast %get3A_14 : vector<1x1xf32> to vector<10000x128xf32>
    %mul3A_15 = arith.mulf %mul3A, %get3A_1 : vector<10000x128xf32>
    %add3A_16 = arith.addf %add3A, %mul3A_15 : vector<10000x128xf32>
    %get3A_17 = arith.constant 0 : index
    %get3A_18 = arith.constant 0 : index
    %get3A_19 = vector.load %arg3[%get3A_17, %get3A_18] : memref<128x128xf32, #tpu.memory_space<vmem>>, vector<128x128xf32>
    %dot_general3A = arith.constant dense<0.000000e+00> : vector<10000x128xf32>
    %dot_general3A_20 = tpu.matmul %add3A_16, %get3A_19, %dot_general3A {dimension_numbers = #tpu.dot_dimension_numbers<[1], [0], [0], [1], [0, 0, 1, 1], [], []>, transpose_lhs_hint = false} : vector<10000x128xf32>, vector<128x128xf32>, vector<10000x128xf32> -> vector<10000x128xf32>
    %get3A_21 = arith.constant 0 : index
    %get3A_22 = arith.constant 0 : index
    %get3A_23 = vector.load %arg4[%get3A_21, %get3A_22] : memref<1x128xf32, #tpu.memory_space<vmem>>, vector<1x128xf32>
    %add3A_24 = vector.broadcast %get3A_23 : vector<1x128xf32> to vector<10000x128xf32>
    %add3A_25 = arith.addf %dot_general3A_20, %add3A_24 : vector<10000x128xf32>
    %reduce_sum3A = arith.constant dense<0.000000e+00> : vector<128xf32>
    %reduce_sum3A_26 = vector.multi_reduction <add>, %add3A_25, %reduce_sum3A [0] : vector<10000x128xf32> to vector<128xf32>
    %broadcast_in_dim3A = vector.shape_cast %reduce_sum3A_26 : vector<128xf32> to vector<1x128xf32>
    %div3A = arith.constant 1.000000e+04 : f32
    %div3A_27 = vector.broadcast %div3A : f32 to vector<1x128xf32>
    %div3A_28 = arith.divf %broadcast_in_dim3A, %div3A_27 : vector<1x128xf32>
    %sub3A = vector.broadcast %div3A_28 : vector<1x128xf32> to vector<10000x128xf32>
    %sub3A_29 = arith.subf %add3A_25, %sub3A : vector<10000x128xf32>
    %integer_pow3A = arith.mulf %sub3A_29, %sub3A_29 : vector<10000x128xf32>
    %reduce_sum3A_30 = arith.constant dense<0.000000e+00> : vector<128xf32>
    %reduce_sum3A_31 = vector.multi_reduction <add>, %integer_pow3A, %reduce_sum3A_30 [0] : vector<10000x128xf32> to vector<128xf32>
    %broadcast_in_dim3A_32 = vector.shape_cast %reduce_sum3A_31 : vector<128xf32> to vector<1x128xf32>
    %div3A_33 = arith.constant 1.000000e+04 : f32
    %div3A_34 = vector.broadcast %div3A_33 : f32 to vector<1x128xf32>
    %div3A_35 = arith.divf %broadcast_in_dim3A_32, %div3A_34 : vector<1x128xf32>
    %sub3A_36 = vector.broadcast %div3A_28 : vector<1x128xf32> to vector<10000x128xf32>
    %sub3A_37 = arith.subf %add3A_25, %sub3A_36 : vector<10000x128xf32>
    %add3A_38 = arith.constant 9.99999974E-6 : f32
    %add3A_39 = vector.broadcast %add3A_38 : f32 to vector<1x128xf32>
    %add3A_40 = arith.addf %div3A_35, %add3A_39 : vector<1x128xf32>
    %rsqrt3A = math.rsqrt %add3A_40 : vector<1x128xf32>
    %mul3A_41 = vector.broadcast %rsqrt3A : vector<1x128xf32> to vector<10000x128xf32>
    %mul3A_42 = arith.mulf %sub3A_37, %mul3A_41 : vector<10000x128xf32>
    %get3A_43 = arith.constant 0 : index
    %get3A_44 = arith.constant 0 : index
    %get3A_45 = vector.load %arg5[%get3A_43, %get3A_44] : memref<1x128xf32, #tpu.memory_space<vmem>>, vector<1x128xf32>
    %mul3A_46 = vector.broadcast %get3A_45 : vector<1x128xf32> to vector<10000x128xf32>
    %mul3A_47 = arith.mulf %mul3A_42, %mul3A_46 : vector<10000x128xf32>
    %get3A_48 = arith.constant 0 : index
    %get3A_49 = arith.constant 0 : index
    %get3A_50 = vector.load %arg6[%get3A_48, %get3A_49] : memref<1x128xf32, #tpu.memory_space<vmem>>, vector<1x128xf32>
    %add3A_51 = vector.broadcast %get3A_50 : vector<1x128xf32> to vector<10000x128xf32>
    %add3A_52 = arith.addf %mul3A_47, %add3A_51 : vector<10000x128xf32>
    %max3A = arith.constant 0.000000e+00 : f32
    %max3A_53 = vector.broadcast %max3A : f32 to vector<10000x128xf32>
    %max3A_54 = arith.maximumf %add3A_52, %max3A_53 : vector<10000x128xf32>
    %get3A_55 = arith.constant 0 : index
    %get3A_56 = arith.constant 0 : index
    %get3A_57 = vector.load %arg7[%get3A_55, %get3A_56] : memref<128x128xf32, #tpu.memory_space<vmem>>, vector<128x128xf32>
    %dot_general3A_58 = arith.constant dense<0.000000e+00> : vector<10000x128xf32>
    %dot_general3A_59 = tpu.matmul %max3A_54, %get3A_57, %dot_general3A_58 {dimension_numbers = #tpu.dot_dimension_numbers<[1], [0], [0], [1], [0, 0, 1, 1], [], []>, transpose_lhs_hint = false} : vector<10000x128xf32>, vector<128x128xf32>, vector<10000x128xf32> -> vector<10000x128xf32>
    %get3A_60 = arith.constant 0 : index
    %get3A_61 = arith.constant 0 : index
    %get3A_62 = vector.load %arg8[%get3A_60, %get3A_61] : memref<1x128xf32, #tpu.memory_space<vmem>>, vector<1x128xf32>
    %add3A_63 = vector.broadcast %get3A_62 : vector<1x128xf32> to vector<10000x128xf32>
    %add3A_64 = arith.addf %dot_general3A_59, %add3A_63 : vector<10000x128xf32>
    %reduce_sum3A_65 = arith.constant dense<0.000000e+00> : vector<128xf32>
    %reduce_sum3A_66 = vector.multi_reduction <add>, %add3A_64, %reduce_sum3A_65 [0] : vector<10000x128xf32> to vector<128xf32>
    %broadcast_in_dim3A_67 = vector.shape_cast %reduce_sum3A_66 : vector<128xf32> to vector<1x128xf32>
    %div3A_68 = arith.constant 1.000000e+04 : f32
    %div3A_69 = vector.broadcast %div3A_68 : f32 to vector<1x128xf32>
    %div3A_70 = arith.divf %broadcast_in_dim3A_67, %div3A_69 : vector<1x128xf32>
    %sub3A_71 = vector.broadcast %div3A_70 : vector<1x128xf32> to vector<10000x128xf32>
    %sub3A_72 = arith.subf %add3A_64, %sub3A_71 : vector<10000x128xf32>
    %integer_pow3A_73 = arith.mulf %sub3A_72, %sub3A_72 : vector<10000x128xf32>
    %reduce_sum3A_74 = arith.constant dense<0.000000e+00> : vector<128xf32>
    %reduce_sum3A_75 = vector.multi_reduction <add>, %integer_pow3A_73, %reduce_sum3A_74 [0] : vector<10000x128xf32> to vector<128xf32>
    %broadcast_in_dim3A_76 = vector.shape_cast %reduce_sum3A_75 : vector<128xf32> to vector<1x128xf32>
    %div3A_77 = arith.constant 1.000000e+04 : f32
    %div3A_78 = vector.broadcast %div3A_77 : f32 to vector<1x128xf32>
    %div3A_79 = arith.divf %broadcast_in_dim3A_76, %div3A_78 : vector<1x128xf32>
    %sub3A_80 = vector.broadcast %div3A_70 : vector<1x128xf32> to vector<10000x128xf32>
    %sub3A_81 = arith.subf %add3A_64, %sub3A_80 : vector<10000x128xf32>
    %add3A_82 = arith.constant 9.99999974E-6 : f32
    %add3A_83 = vector.broadcast %add3A_82 : f32 to vector<1x128xf32>
    %add3A_84 = arith.addf %div3A_79, %add3A_83 : vector<1x128xf32>
    %rsqrt3A_85 = math.rsqrt %add3A_84 : vector<1x128xf32>
    %mul3A_86 = vector.broadcast %rsqrt3A_85 : vector<1x128xf32> to vector<10000x128xf32>
    %mul3A_87 = arith.mulf %sub3A_81, %mul3A_86 : vector<10000x128xf32>
    %get3A_88 = arith.constant 0 : index
    %get3A_89 = arith.constant 0 : index
    %get3A_90 = vector.load %arg9[%get3A_88, %get3A_89] : memref<1x128xf32, #tpu.memory_space<vmem>>, vector<1x128xf32>
    %mul3A_91 = vector.broadcast %get3A_90 : vector<1x128xf32> to vector<10000x128xf32>
    %mul3A_92 = arith.mulf %mul3A_87, %mul3A_91 : vector<10000x128xf32>
    %get3A_93 = arith.constant 0 : index
    %get3A_94 = arith.constant 0 : index
    %get3A_95 = vector.load %arg10[%get3A_93, %get3A_94] : memref<1x128xf32, #tpu.memory_space<vmem>>, vector<1x128xf32>
    %add3A_96 = vector.broadcast %get3A_95 : vector<1x128xf32> to vector<10000x128xf32>
    %add3A_97 = arith.addf %mul3A_92, %add3A_96 : vector<10000x128xf32>
    %max3A_98 = arith.constant 0.000000e+00 : f32
    %max3A_99 = vector.broadcast %max3A_98 : f32 to vector<10000x128xf32>
    %max3A_100 = arith.maximumf %add3A_97, %max3A_99 : vector<10000x128xf32>
    %iota3A = tpu.iota {dimensions = array<i32: 0>} : vector<64x10000xi32>
    %get3A_101 = arith.constant 0 : index
    %get3A_102 = arith.constant 0 : index
    %get3A_103 = vector.load %arg11[%get3A_101, %get3A_102] : memref<1x10000xi32, #tpu.memory_space<vmem>>, vector<1x10000xi32>
    %eq3A = vector.broadcast %get3A_103 : vector<1x10000xi32> to vector<64x10000xi32>
    %eq3A_104 = arith.cmpi eq, %eq3A, %iota3A : vector<64x10000xi32>
    %jit3A = arith.constant 1.000000e+00 : f32
    %jit3A_105 = arith.constant 0.000000e+00 : f32
    %broadcast_in_dim3A_106 = vector.broadcast %jit3A : f32 to vector<64x10000xf32>
    %broadcast_in_dim3A_107 = vector.broadcast %jit3A_105 : f32 to vector<64x10000xf32>
    %select_n3A = arith.select %eq3A_104, %broadcast_in_dim3A_106, %broadcast_in_dim3A_107 : vector<64x10000xi1>, vector<64x10000xf32>
    %dot_general3A_108 = arith.constant dense<0.000000e+00> : vector<64x128xf32>
    %dot_general3A_109 = tpu.matmul %select_n3A, %max3A_100, %dot_general3A_108 {dimension_numbers = #tpu.dot_dimension_numbers<[1], [0], [0], [1], [0, 0, 1, 1], [], []>, transpose_lhs_hint = false} : vector<64x10000xf32>, vector<10000x128xf32>, vector<64x128xf32> -> vector<64x128xf32>
    %reduce_sum3A_110 = arith.constant dense<0.000000e+00> : vector<64xf32>
    %reduce_sum3A_111 = vector.multi_reduction <add>, %select_n3A, %reduce_sum3A_110 [1] : vector<64x10000xf32> to vector<64xf32>
    %broadcast_in_dim3A_112 = vector.shape_cast %reduce_sum3A_111 : vector<64xf32> to vector<64x1xf32>
    %max3A_113 = arith.constant 1.000000e+00 : f32
    %max3A_114 = vector.broadcast %max3A_113 : f32 to vector<64x1xf32>
    %max3A_115 = arith.maximumf %broadcast_in_dim3A_112, %max3A_114 : vector<64x1xf32>
    %div3A_116 = vector.broadcast %max3A_115 : vector<64x1xf32> to vector<64x128xf32>
    %div3A_117 = arith.divf %dot_general3A_109, %div3A_116 : vector<64x128xf32>
    %get3A_118 = arith.constant 0 : index
    %get3A_119 = arith.constant 0 : index
    %get3A_120 = vector.load %arg12[%get3A_118, %get3A_119] : memref<128x64xf32, #tpu.memory_space<vmem>>, vector<128x64xf32>
    %dot_general3A_121 = arith.constant dense<0.000000e+00> : vector<64x64xf32>
    %dot_general3A_122 = tpu.matmul %div3A_117, %get3A_120, %dot_general3A_121 {dimension_numbers = #tpu.dot_dimension_numbers<[1], [0], [0], [1], [0, 0, 1, 1], [], []>, transpose_lhs_hint = false} : vector<64x128xf32>, vector<128x64xf32>, vector<64x64xf32> -> vector<64x64xf32>
    %get3A_123 = arith.constant 0 : index
    %get3A_124 = arith.constant 0 : index
    %get3A_125 = vector.load %arg13[%get3A_123, %get3A_124] : memref<1x64xf32, #tpu.memory_space<vmem>>, vector<1x64xf32>
    %add3A_126 = vector.broadcast %get3A_125 : vector<1x64xf32> to vector<64x64xf32>
    %add3A_127 = arith.addf %dot_general3A_122, %add3A_126 : vector<64x64xf32>
    %max3A_128 = arith.constant 0.000000e+00 : f32
    %max3A_129 = vector.broadcast %max3A_128 : f32 to vector<64x64xf32>
    %max3A_130 = arith.maximumf %add3A_127, %max3A_129 : vector<64x64xf32>
    %get3A_131 = arith.constant 0 : index
    %get3A_132 = arith.constant 0 : index
    %get3A_133 = vector.load %arg14[%get3A_131, %get3A_132] : memref<64x1xf32, #tpu.memory_space<vmem>>, vector<64x1xf32>
    %dot_general3A_134 = arith.constant dense<0.000000e+00> : vector<64x1xf32>
    %dot_general3A_135 = tpu.matmul %max3A_130, %get3A_133, %dot_general3A_134 {dimension_numbers = #tpu.dot_dimension_numbers<[1], [0], [0], [1], [0, 0, 1, 1], [], []>, transpose_lhs_hint = false} : vector<64x64xf32>, vector<64x1xf32>, vector<64x1xf32> -> vector<64x1xf32>
    %get3A_136 = arith.constant 0 : index
    %get3A_137 = arith.constant 0 : index
    %get3A_138 = vector.load %arg15[%get3A_136, %get3A_137] : memref<1x1xf32, #tpu.memory_space<vmem>>, vector<1x1xf32>
    %add3A_139 = vector.broadcast %get3A_138 : vector<1x1xf32> to vector<64x1xf32>
    %add3A_140 = arith.addf %dot_general3A_135, %add3A_139 : vector<64x1xf32>
    %swap3A = arith.constant 0 : index
    %swap3A_141 = arith.constant 0 : index
    %swap3A_142 = vector.load %arg16[%swap3A, %swap3A_141] : memref<64x1xf32, #tpu.memory_space<vmem>>, vector<64x1xf32>
    tpu.vector_store %arg16[%swap3A, %swap3A_141], %add3A_140 {strides = array<i32>} : memref<64x1xf32, #tpu.memory_space<vmem>>, vector<64x1xf32>,
    return
  }
}

</mosaic_0001>

<sc_bundles>
// kernel: kernel.11.cloned.1.call-start
scs
__scs_entry_jumppad:
0x0: {  	(pc) =	sbr.rel $0x88, $3  }
0x1: {  	(tag) =	ssettag $0x0;
	lr =	simm.s32 $0x1  }
0x2: {  	[smem:$0x3F7F] =	sst lr;
	_ =	strace $0xD0000000  }
0x3: {  	_ = 	snop  }
0x4: {  	_ = 	snop  }
0x5: {  	_ = 	snop  }
0x6: {  	_ = 	snop  }
0x7: {  	_ = 	snop  }
__scs_overlays_trampoline_lowered:
0x8: {  	[smem:$0x3F8E] =	sst s0  }
0x9: {  	[smem:$0x3F8F] =	sst s1  }
0xa: {  	[smem:$0x3F90] =	sst s2  }
0xb: {  	[smem:$0x3F91] =	sst s3  }
0xc: {  	[smem:$0x3F92] =	sst s4  }
0xd: {  	[smem:$0x3F93] =	sst s5  }
0xe: {  	[smem:$0x3F94] =	sst s6  }
0xf: {  	[smem:$0x3F95] =	sst s7  }
0x10: {  	[smem:$0x3F96] =	sst s8  }
0x11: {  	[smem:$0x3F97] =	sst s9;
	s0 =	simm.s32 @!p0 $0x0  }
0x12: {  	s1 =	sld [smem:$0x3F7D];
	s0 =	simm.s32 @p0 $0x1  }
0x13: {  	[smem:$0x3F98] =	sst s0;
	s0 =	simm.s32 @!p1 $0x0  }
0x14: {  	s2 =	sld [smem:$0x3F7C];
	s0 =	simm.s32 @p1 $0x1  }
0x15: {  	[smem:$0x3F99] =	sst s0;
	s0 =	simm.s32 @!p2 $0x0  }
0x16: {  	s3 =	sld [smem:$0x3FDB];
	s0 =	simm.s32 @p2 $0x1  }
0x17: {  	s4 =	simm.s32 $0x1BF5;
	[smem:$0x3F9B] =	sst s0  }
0x18: {  	s0 =	sld [smem:$0x3F7E];
	_ =	swait.ge [sflag:s4], $0x0  }
0x19: {  	s7 =	sld [smem:$0x3F7F]  }
0x1a: {  	s8 =	sadd.s32 $0xFFFFE003, lr  }
0x1b: {  	s9 =	sadd.s32 $0xFFFFFEF7, lr;
	s5 =	simm.s32 $0xFFFFFFFF;
	p2 =	slt.u32 s8, $0xFFFFF086  }
0x1c: {  	p1 =	slt.u32 s9, $0xF7A;
	s5 =	simm.s32 @!p2 $0x0  }
0x1d: {  	s5 =	simm.s32 @p1 $0x1;
	p0 =	seq.s32 s7, s2  }
0x1e: {  	s7 =	smul.u32 @!p0 $0xF7A, s2;
	p2 =	seq.s32 @!p0 s5, $0x0  }
0x1f: {  	s9 =	smul.u32 $0xF7A, s1;
	s8 =	simm.s32 @!p0 $0x1BF5;
	p2 =	por !p2, p0  }
0x20: {  	[sflag:s8] =	ssyncset.s32 @!p0 $0xFFFFF086;
	s6 =	sadd.s32 @!p0 s3, s7;
	s7 =	simm.s32 @!p0 $0x108  }
0x21: {  	s3 =	sadd.s32 s3, s9;
	s6 =	sadd.s32 @!p0 $0x88, s6;
	s7 =	simm.s32 @p2 $0x1082  }
0x22: {  	[simem:s7], [sflag:s8] =	dma.local @!p0 [hbm:s6], $0xF7A  }
0x23: {  	s9 =	sor.u32 $0xD0000000, s2;
	s6 =	simm.s32 $0x108;
	_ =	swait.ge @!p0 [sflag:s8], $0x0  }
0x24: {  	s3 =	sadd.s32 $0x88, s3;
	s6 =	simm.s32 @!p1 $0x1082;
	[sflag:s4] =	ssyncset.s32 $0xFFFFF086  }
0x25: {  	[simem:s6], [sflag:s4] =	dma.local [hbm:s3], $0xF7A  }
0x26: {  	[smem:$0x3F7F] =	sst s1;
	(tag) =	ssettag s2;
	_ =	strace s9  }
0x27: {  	s1 =	sld [smem:$0x3F8F]  }
0x28: {  	s2 =	sld [smem:$0x3F90]  }
0x29: {  	s4 =	sld [smem:$0x3F92]  }
0x2a: {  	p0 =	seq.s32 s5, $0x0;
	s5 =	sld [smem:$0x3F93]  }
0x2b: {  	s6 =	sld [smem:$0x3F94]  }
0x2c: {  	s7 =	sld [smem:$0x3F95]  }
0x2d: {  	s3 =	simm.s32 $0x108;
	s8 =	sld [smem:$0x3F96]  }
0x2e: {  	s3 =	simm.s32 @!p0 $0x1082;
	s9 =	sld [smem:$0x3F97]  }
0x2f: {  	lr =	sadd.s32 s0, s3;
	s0 =	sld [smem:$0x3F8E]  }
0x30: {  	s3 =	sld [smem:$0x3F91]  }
0x31: {  	[smem:$0x3F9A] =	sst s10  }
0x32: {  	s10 =	sld [smem:$0x3F98];
	_ =	sdelay $0x3  }
0x33: {  	p0 =	seq.s32 s10, $0x1;
	s10 =	sld [smem:$0x3F9A];
	_ =	sdelay $0x3  }
0x34: {  	[smem:$0x3F9A] =	sst s10  }
0x35: {  	s10 =	sld [smem:$0x3F99];
	_ =	sdelay $0x3  }
0x36: {  	p1 =	seq.s32 s10, $0x1;
	s10 =	sld [smem:$0x3F9A];
	_ =	sdelay $0x3  }
0x37: {  	[smem:$0x3F9A] =	sst s10  }
0x38: {  	s10 =	sld [smem:$0x3F9B]  }
0x39: {  	_ = 	snop;
	(pc) =	sbr.ind lr, $3  }
0x3a: {  	_ = 	snop  }
0x3b: {  	_ = 	snop  }
0x3c: {  	p2 =	seq.s32 s10, $0x1;
	s10 =	sld [smem:$0x3F9A]  }
0x3d: {  	_ =	shalt  }
0x3e: {  	_ =	shalt  }
0x3f: {  	_ =	shalt  }
0x40: {  	_ =	shalt  }
0x41: {  	_ =	shalt  }
0x42: {  	_ =	shalt  }
0x43: {  	_ =	shalt  }
0x44: {  	_ =	shalt  }
0x45: {  	_ =	shalt  }
0x46: {  	_ =	shalt  }
0x47: {  	_ =	shalt  }
0x48: {  	_ =	shalt  }
0x49: {  	_ =	shalt  }
0x4a: {  	_ =	shalt  }
0x4b: {  	_ =	shalt  }
0x4c: {  	_ =	shalt  }
0x4d: {  	_ =	shalt  }
0x4e: {  	_ =	shalt  }
0x4f: {  	_ =	shalt  }
0x50: {  	_ =	shalt  }
0x51: {  	_ =	shalt  }
0x52: {  	_ =	shalt  }
0x53: {  	_ =	shalt  }
0x54: {  	_ =	shalt  }
0x55: {  	_ =	shalt  }
0x56: {  	_ =	shalt  }
0x57: {  	_ =	shalt  }
0x58: {  	_ =	shalt  }
0x59: {  	_ =	shalt  }
0x5a: {  	_ =	shalt  }
0x5b: {  	_ =	shalt  }
0x5c: {  	_ =	shalt  }
0x5d: {  	_ =	shalt  }
0x5e: {  	_ =	shalt  }
0x5f: {  	_ =	shalt  }
0x60: {  	_ =	shalt  }
0x61: {  	_ =	shalt  }
0x62: {  	_ =	shalt  }
0x63: {  	_ =	shalt  }
0x64: {  	_ =	shalt  }
0x65: {  	_ =	shalt  }
0x66: {  	_ =	shalt  }
0x67: {  	_ =	shalt  }
0x68: {  	_ =	shalt  }
0x69: {  	_ =	shalt  }
0x6a: {  	_ =	shalt  }
0x6b: {  	_ =	shalt  }
0x6c: {  	_ =	shalt  }
0x6d: {  	_ =	shalt  }
0x6e: {  	_ =	shalt  }
0x6f: {  	_ =	shalt  }
0x70: {  	_ =	shalt  }
0x71: {  	_ =	shalt  }
0x72: {  	_ =	shalt  }
0x73: {  	_ =	shalt  }
0x74: {  	_ =	shalt  }
0x75: {  	_ =	shalt  }
0x76: {  	_ =	shalt  }
0x77: {  	_ =	shalt  }
0x78: {  	_ =	shalt  }
0x79: {  	_ =	shalt  }
0x7a: {  	_ =	shalt  }
0x7b: {  	_ =	shalt  }
0x7c: {  	_ =	shalt  }
0x7d: {  	_ =	shalt  }
0x7e: {  	_ =	shalt  }
0x7f: {  	_ =	shalt  }
0x80: {  	_ =	shalt  }
0x81: {  	_ =	shalt  }
0x82: {  	_ =	shalt  }
0x83: {  	_ =	shalt  }
0x84: {  	_ =	shalt  }
0x85: {  	_ =	shalt  }
0x86: {  	_ =	shalt  }
0x87: {  	_ =	shalt  }
.Lfunc_end0:
.L_simem_size_0:
called_computation.1_lowered:
.L_overlay_start_0:
0x88: {  	s2 =	sld [smem:$0x3FD9]  }
0x89: {  	s3 =	sld [smem:$0x3FFE];
	_ =	sdelay $0x1  }
0x8a: {  	s1 =	srdreg.scid  }
0x8b: {  	s0 =	sand.u32 $0x1, s1  }
0x8c: {  	s16 =	sshll.u32 s0, $0xA;
	s2 =	sadd.s32 s3, s2  }
0x8d: {  	s2 =	sadd.s32 s2, s16  }
0x8e: {  	[smem:$0x3FA6] =	sst s2  }
0x8f: {  	_ = 	snop  }
0x90: {  	(tm) =	ssettm $0x1  }
0x91: {  	s17 =	sld [smem:$0x3FFB];
	_ =	sdelay $0x3  }
0x92: {  	_ =	strace s17  }
0x93: {  	s2 =	sld [smem:$0x3FFC];
	_ =	sdelay $0x3  }
0x94: {  	_ =	strace s2  }
0x95: {  	s2 =	sld [smem:$0x3FFD];
	_ =	sdelay $0x3  }
0x96: {  	_ =	strace s2  }
0x97: {  	_ =	strace $0x8FFFFFFF  }
0x98: {  	s18 =	sld [smem:$0x3FDB];
	_ =	sdelay $0x1  }
0x99: {  	s19 =	simm.s32 $_scs_section_size  }
0x9a: {  	s4 =	simm.s32 $_size__tile_overlayer_lowered;
	s5 =	simm.s32 $_tile_overlayer_lowered  }
0x9b: {  	s22 =	simm.s32 $0x1BFF;
	s21 =	sshll.u32 s5, $0x1;
	s2 =	sadd.s32 s19, s18  }
0x9c: {  	s6 =	simm.s32 $0x0;
	s20 =	sshll.u32 s4, $0x1;
	s4 =	sadd.s32 s21, s2  }
0x9d: {  	[timem:s6], [sflag:s22] =	dma.local [hbm:s4], s20  }
0x9e: {  	_ =	swait.ge [sflag:s22], s20  }
0x9f: {  	s3 =	ssub.s32 $0x0, s20;
	[sflag:s22] =	ssyncset.done $0x0  }
0xa0: {  	[sflag:s22] =	ssyncadd.s32 s3;
	_ =	sdelay $0x1  }
0xa1: {  	s23 =	simm.s32 $0x1B8B  }
0xa2: {  	_ =	swait.ge [sflag:s23], $0x1  }
0xa3: {  	[sflag:s23] =	ssyncset.done $0x0  }
0xa4: {  	s25 =	simm.s32 $0x1B8E;
	s24 =	sld [smem:$0x3FFE];
	[sflag:s23] =	ssyncadd.s32 $0xFFFFFFFF  }
0xa5: {  	s26 =	simm.s32 $execute0_lowered;
	[smem:$0x3FD2] =	sst s25  }
0xa6: {  	s4 =	sshll.u32 s26, $0x1;
	_ =	strace $0x80000049;
	[dreg:$0x1] =	wrdreg $0xFFFFFFFF  }
0xa7: {  	s28 =	simm.s32 $_size_execute0_lowered;
	s2 =	sadd.s32 s2, s4;
	[dreg:$0x0] =	wrdreg $0x0  }
0xa8: {  	s4 =	sshll.u32 s28, $0x1;
	[dreg:$0x2] =	wrdreg s2  }
0xa9: {  	[dreg:$0x3] =	wrdreg s4  }
0xaa: {  	[dreg:$0x4] =	wrdreg $0xC0  }
0xab: {  	_ =	task [dreg:s6], $0x5FFFF  }
0xac: {  	[dreg:$0x1] =	wrdreg $0xFFFFFFFF  }
0xad: {  	[dreg:$0x0] =	wrdreg $0x60  }
0xae: {  	[dreg:$0x2] =	wrdreg s24  }
0xaf: {  	[dreg:$0x3] =	wrdreg $0xB0000  }
0xb0: {  	[dreg:$0x4] =	wrdreg $0x9  }
0xb1: {  	_ =	task.clear_ibuf [dreg:s6], $0x5FFFF;
	_ =	strace $0x90000049  }
0xb2: {  	s29 =	simm.s32 $0x9;
	_ =	strace $0x8000004B  }
0xb3: {  	_ =	swait.ge [sflag:s29], $0x1  }
0xb4: {  	[sflag:s29] =	ssyncadd.s32 $0xFFFFFFFF  }
0xb5: {  	_ =	strace $0x9000004B  }
0xb6: {  	_ =	sfence  }
0xb7: {  	s30 =	sld [smem:$0x0];
	_ =	sdelay $0x2  }
0xb8: {  	s31 =	sshll.u32 s1, $0xD;
	s1 =	sshrl.u32 s1, $0x2  }
0xb9: {  	s3 =	sand.u32 $0x4000, s31;
	s1 =	sadd.s32 s1, s30  }
0xba: {  	s0 =	sor.u32 s3, s0;
	s1 =	sshll.u32 s1, $0x11  }
0xbb: {  	s0 =	sor.u32 s1, s0  }
0xbc: {  	s0 =	sadd.s32 $0x8F2B, s0  }
0xbd: {  	[sflag:s0] =	ssyncadd.remote.s32 $0x1  }
0xbe: {  	_ =	sfence.sel $0xFFFF  }
0xbf: {  	[dreg:$0x0] =	wrdreg $0xFFFFFFFF;
	(pc) =	sbr.abs _section_cstart, $3  }
0xc0: {  	[dreg:$0x1] =	wrdreg $0xFFFFFFFF  }
0xc1: {  	_ =	task.clear_ibuf [dreg:s6], $0x2FFFF;
	_ =	strace $0x9FFFFFFF  }
0xc2: {  	(tm) =	ssettm $0x7FFFFFFF  }
0xc3: {  	_ =	shalt  }
tec
execute0_lowered:
.L_overlay_start_1:
0x0: {  	(tag) =	ssettag $0x1  }
0x1: {  	s0 =	srdreg.scid  }
0x2: {  	s1 =	rddreg [dreg:$0x0];
	s18 =	stileid.u32  }
0x3: {  	s2 =	rddreg [dreg:$0x1];
	s16 =	simm.s32 $0x2880;
	s17 =	simm.s32 $0x2900  }
0x4: {  	s19 =	simm.s32 $0x2980;
	s20 =	simm.s32 $0x2A00;
	s21 =	simm.s32 $0x2A80  }
0x5: {  	s22 =	simm.s32 $0x2B00;
	s23 =	simm.s32 $0x2B80;
	s24 =	simm.s32 $0x2C80  }
0x6: {  	s25 =	simm.s32 $0x2D00;
	s26 =	simm.s32 $0x2D80;
	s0 =	sand.u32 $0x1, s0  }
0x7: {  	s29 =	simm.s32 $0x2E00;
	s30 =	simm.s32 $0x2E80;
	s3 =	sshll.u32 s0, $0x4  }
0x8: {  	s28 =	simm.s32 $0x0;
	s4 =	sor.u32 s18, s3;
	s3 =	simm.s32 $0x0  }
0x9: {  	s8 =	smul.u32 $0x50000, s18;
	s5 =	sadd.s32 $0xEC00, s1;
	[smem:$0x7FF] =	sst s3  }
0xa: {  	s13 =	smul.u32 $0x2800, s18;
	_ =	strace $0x8000004A;
	[dreg:$0x3] =	wrdreg s16  }
0xb: {  	s11 =	sadd.s32 $0x3FE00, s1;
	s31 =	smul.u32 $0x14000, s18;
	[dreg:$0x4] =	wrdreg s17  }
0xc: {  	p0 =	seq.s32 s18, $0xF;
	s12 =	smul.u32 $0x138800, s0;
	[dreg:$0x5] =	wrdreg s19  }
0xd: {  	s9 =	ssub.s32 $0x2, s0;
	s0 =	smul.u32 $0x28000, s0;
	[dreg:$0x6] =	wrdreg s20  }
0xe: {  	s10 =	sshrl.u32 s9, $0x1;
	s8 =	sshrl.u32 s8, $0x2;
	[dreg:$0x7] =	wrdreg s21  }
0xf: {  	s4 =	smul.u32 $0x2800, s4;
	s14 =	ssub.s32 s9, s10;
	[dreg:$0x8] =	wrdreg s22  }
0x10: {  	s9 =	sadd.s32 s31, s12;
	s12 =	sshrl.u32 s12, $0x3;
	[dreg:$0x9] =	wrdreg s23  }
0x11: {  	s0 =	sadd.s32 s13, s0;
	s31 =	simm.s32 $0x2F00;
	[dreg:$0xa] =	wrdreg s24  }
0x12: {  	s15 =	sadd.s32 s11, s12;
	s12 =	smax.u32 s14, $0x1;
	[dreg:$0xb] =	wrdreg s25  }
0x13: {  	s16 =	simm.s32 $0x2800;
	s20 =	simm.s32 $0x80;
	[dreg:$0xc] =	wrdreg s26  }
0x14: {  	s21 =	simm.s32 $0x3000;
	[dreg:$0xd] =	wrdreg s29;
	s22 =	simm.s32 $0x7000  }
0x15: {  	[dreg:$0xe] =	wrdreg s30;
	s23 =	simm.s32 $0x2C00;
	s24 =	simm.s32 $0x1  }
0x16: {  	[dreg:$0xf] =	wrdreg s31;
	s25 =	simm.s32 $0x2;
	s6 =	sshrl.u32 s4, $0x3  }
0x17: {  	s26 =	simm.s32 $0x4;
	s4 =	sadd.s32 $0x18C00, s1;
	s7 =	sadd.s32 s6, s1  }
0x18: {  	s6 =	sadd.s32 s5, s6;
	s1 =	sadd.s32 $0x3E400, s1;
	s7 =	sadd.s32 $0x4C00, s7  }
0x19: {  	[dreg:$0x11] =	wrdreg s6;
	s6 =	sadd.s32 s8, s2;
	s8 =	sadd.s32 s4, s13  }
0x1a: {  	[dreg:$0x13] =	wrdreg s1;
	s1 =	sadd.s32 $0x25800, s15;
	s13 =	sadd.s32 $0x800, s0  }
0x1b: {  	s0 =	sor.u32 $0x400, s0;
	s15 =	simm.s32 $0x5;
	[dreg:$0x10] =	wrdreg s7  }
0x1c: {  	[dreg:$0x12] =	wrdreg s8;
	s7 =	sadd.s32 $0x12C000, s2;
	s8 =	sshrl.u32 s9, $0x3  }
0x1d: {  	[dreg:$0x15] =	wrdreg s1;
	s0 =	sshrl.u32 s0, $0x3;
	s1 =	sshll.u32 @!p0 s18, $0x6  }
0x1e: {  	s19 =	sshrl.u32 @!p0 s6, $0x3;
	s10 =	sadd.s32 s11, s8;
	s14 =	sadd.s32 s0, s5  }
0x1f: {  	s17 =	sshrl.u32 @p0 s7, $0x3;
	s18 =	sor.u32 @!p0 $0x1C05, s1;
	[dreg:$0x14] =	wrdreg s10  }
.LBB2_1:
0x20: {  	s0 =	rddreg [dreg:$0x10]  }
0x21: {  	[tilespmem:s3], [sflag:$0x5] =	stream.linear.gather [hbm4b:s0+s3], $0x2800, $0x38;
	[tilespmem:$0x1F000] =	vst v63  }
0x22: {  	_ =	swait.ge [sflag:s15], $0x2800  }
0x23: {  	[sflag:s15] =	ssyncset.done $0x0  }
0x24: {  	s1 =	rddreg [dreg:$0x11];
	[sflag:s15] =	ssyncadd.s32 $0xFFFFD800  }
0x25: {  	[tilespmem:s16], [sflag:$0x5] =	stream.linear.gather [hbm4b:s1+s3], $0x400, $0x38;
	[tilespmem:$0x1F000] =	vst v63  }
0x26: {  	_ =	swait.ge [sflag:s15], $0x400  }
0x27: {  	[sflag:s15] =	ssyncset.done $0x0  }
0x28: {  	s0 =	simm.s32 @p0 $0x1FC5;
	s1 =	rddreg [dreg:$0x13];
	[sflag:s15] =	ssyncadd.s32 $0xFFFFFC00  }
0x29: {  	[spmem:s17], [sflag:s0] =	dma.local @p0 [hbm:s1], $0x1900  }
0x2a: {  	s0 =	simm.s32 @p0 $0x5  }
0x2b: {  	_ =	swait.ge @p0 [sflag:s0], $0x1900  }
0x2c: {  	[sflag:s0] =	ssyncset.done @p0 $0x0  }
0x2d: {  	[sflag:s0] =	ssyncadd.s32 @p0 $0xFFFFE700;
	s0 =	rddreg [dreg:$0x12]  }
0x2e: {  	[spmem:s19], [sflag:s18] =	dma.local @!p0 [hbm:s0], $0x2800  }
0x2f: {  	s0 =	simm.s32 @!p0 $0x5  }
0x30: {  	_ =	swait.ge @!p0 [sflag:s0], $0x2800  }
0x31: {  	[sflag:s0] =	ssyncset.done @!p0 $0x0  }
0x32: {  	[sflag:s0] =	ssyncadd.s32 @!p0 $0xFFFFD800  }
0x33: {  	[bflag:$0x0] =	sbarrier.arrive $0xFFFF  }
0x34: {  	[tilespmem:s21], [sflag:$0x1] =	stream.indirect.gather [hbm4b:s4+s20], $0x80, s3, s20, $0xb8;
	[tilespmem:$0x1F000] =	vst v63  }
0x35: {  	p1 =	por $0x1, $0x1  }
0x36: {  	[tilespmem:s22], [sflag:$0x2] =	stream.indirect.gather [hbm4b:s4+s20], $0x80, s20, s20, $0xb8;
	[tilespmem:$0x1F000] =	vst v63  }
0x37: {  	s0 =	simm.s32 @!p1 $0x3  }
0x38: {  	[tilespmem:s23], [sflag:$0x4] =	stream.linear.gather [hbm4b:s14+s3], $0x400, $0x38;
	[tilespmem:$0x1F000] =	vst v63  }
0x39: {  	_ =	swait.ge @!p1 [sflag:s0], $0x400  }
0x3a: {  	[sflag:s0] =	ssyncset.done @!p1 $0x0  }
0x3b: {  	[sflag:s0] =	ssyncadd.s32 @!p1 $0xFFFFFC00  }
0x3c: {  	_ =	swait.ge [sflag:s24], $0x4000  }
0x3d: {  	[sflag:s24] =	ssyncset.done $0x0  }
0x3e: {  	[sflag:s24] =	ssyncadd.s32 $0xFFFFC000  }
0x3f: {  	[spmem:s2] =	stream.indirect.scatter.add.f32 [tilespmem:s21], [sflag:$0x5], $0x80, s16, s20, $0xb8;
	[tilespmem:$0x1F000] =	vst v63  }
0x40: {  	_ =	swait.ge [sflag:s15], $0x4000  }
0x41: {  	[sflag:s15] =	ssyncset.done $0x0  }
0x42: {  	s6 =	simm.s32 $0x100;
	[sflag:s15] =	ssyncadd.s32 $0xFFFFC000  }
0x43: {  	[tilespmem:s21], [sflag:$0x1] =	stream.indirect.gather [hbm4b:s4+s20], $0x80, s6, s20, $0xb8;
	[tilespmem:$0x1F000] =	vst v63  }
0x44: {  	_ =	swait.ge [sflag:s25], $0x4000  }
0x45: {  	[sflag:s25] =	ssyncset.done $0x0  }
0x46: {  	s7 =	rddreg [dreg:$0x3];
	[sflag:s25] =	ssyncadd.s32 $0xFFFFC000  }
0x47: {  	[spmem:s2] =	stream.indirect.scatter.add.f32 [tilespmem:s22], [sflag:$0x5], $0x80, s7, s20, $0xb8;
	[tilespmem:$0x1F000] =	vst v63  }
0x48: {  	_ =	swait.ge [sflag:s15], $0x4000  }
0x49: {  	[sflag:s15] =	ssyncset.done $0x0  }
0x4a: {  	s8 =	simm.s32 $0x180;
	[sflag:s15] =	ssyncadd.s32 $0xFFFFC000  }
0x4b: {  	[tilespmem:s22], [sflag:$0x2] =	stream.indirect.gather [hbm4b:s4+s20], $0x80, s8, s20, $0xb8;
	[tilespmem:$0x1F000] =	vst v63  }
0x4c: {  	_ =	swait.ge [sflag:s24], $0x4000  }
0x4d: {  	[sflag:s24] =	ssyncset.done $0x0  }
0x4e: {  	s9 =	rddreg [dreg:$0x4];
	[sflag:s24] =	ssyncadd.s32 $0xFFFFC000  }
0x4f: {  	[spmem:s2] =	stream.indirect.scatter.add.f32 [tilespmem:s21], [sflag:$0x5], $0x80, s9, s20, $0xb8;
	[tilespmem:$0x1F000] =	vst v63  }
0x50: {  	_ =	swait.ge [sflag:s15], $0x4000  }
0x51: {  	[sflag:s15] =	ssyncset.done $0x0  }
0x52: {  	s10 =	simm.s32 $0x200;
	[sflag:s15] =	ssyncadd.s32 $0xFFFFC000  }
0x53: {  	[tilespmem:s21], [sflag:$0x1] =	stream.indirect.gather [hbm4b:s4+s20], $0x80, s10, s20, $0xb8;
	[tilespmem:$0x1F000] =	vst v63  }
0x54: {  	_ =	swait.ge [sflag:s25], $0x4000  }
0x55: {  	[sflag:s25] =	ssyncset.done $0x0  }
0x56: {  	s11 =	rddreg [dreg:$0x5];
	[sflag:s25] =	ssyncadd.s32 $0xFFFFC000  }
0x57: {  	[spmem:s2] =	stream.indirect.scatter.add.f32 [tilespmem:s22], [sflag:$0x5], $0x80, s11, s20, $0xb8;
	[tilespmem:$0x1F000] =	vst v63  }
0x58: {  	_ =	swait.ge [sflag:s15], $0x4000  }
0x59: {  	[sflag:s15] =	ssyncset.done $0x0  }
0x5a: {  	s1 =	simm.s32 $0x280;
	[sflag:s15] =	ssyncadd.s32 $0xFFFFC000  }
0x5b: {  	[tilespmem:s22], [sflag:$0x2] =	stream.indirect.gather [hbm4b:s4+s20], $0x80, s1, s20, $0xb8;
	[tilespmem:$0x1F000] =	vst v63  }
0x5c: {  	_ =	swait.ge [sflag:s24], $0x4000  }
0x5d: {  	[sflag:s24] =	ssyncset.done $0x0  }
0x5e: {  	s6 =	rddreg [dreg:$0x6];
	[sflag:s24] =	ssyncadd.s32 $0xFFFFC000  }
0x5f: {  	[spmem:s2] =	stream.indirect.scatter.add.f32 [tilespmem:s21], [sflag:$0x5], $0x80, s6, s20, $0xb8;
	[tilespmem:$0x1F000] =	vst v63  }
0x60: {  	_ =	swait.ge [sflag:s15], $0x4000  }
0x61: {  	[sflag:s15] =	ssyncset.done $0x0  }
0x62: {  	s7 =	simm.s32 $0x300;
	[sflag:s15] =	ssyncadd.s32 $0xFFFFC000  }
0x63: {  	[tilespmem:s21], [sflag:$0x1] =	stream.indirect.gather [hbm4b:s4+s20], $0x80, s7, s20, $0xb8;
	[tilespmem:$0x1F000] =	vst v63  }
0x64: {  	_ =	swait.ge [sflag:s25], $0x4000  }
0x65: {  	[sflag:s25] =	ssyncset.done $0x0  }
0x66: {  	s8 =	rddreg [dreg:$0x7];
	[sflag:s25] =	ssyncadd.s32 $0xFFFFC000  }
0x67: {  	[spmem:s2] =	stream.indirect.scatter.add.f32 [tilespmem:s22], [sflag:$0x5], $0x80, s8, s20, $0xb8;
	[tilespmem:$0x1F000] =	vst v63  }
0x68: {  	_ =	swait.ge [sflag:s15], $0x4000  }
0x69: {  	[sflag:s15] =	ssyncset.done $0x0  }
0x6a: {  	s9 =	simm.s32 $0x380;
	[sflag:s15] =	ssyncadd.s32 $0xFFFFC000  }
0x6b: {  	[tilespmem:s22], [sflag:$0x2] =	stream.indirect.gather [hbm4b:s4+s20], $0x80, s9, s20, $0xb8;
	[tilespmem:$0x1F000] =	vst v63  }
0x6c: {  	_ =	swait.ge [sflag:s24], $0x4000  }
0x6d: {  	[sflag:s24] =	ssyncset.done $0x0  }
0x6e: {  	s10 =	rddreg [dreg:$0x8];
	[sflag:s24] =	ssyncadd.s32 $0xFFFFC000  }
0x6f: {  	[spmem:s2] =	stream.indirect.scatter.add.f32 [tilespmem:s21], [sflag:$0x5], $0x80, s10, s20, $0xb8;
	[tilespmem:$0x1F000] =	vst v63  }
0x70: {  	_ =	swait.ge [sflag:s15], $0x4000  }
0x71: {  	[sflag:s15] =	ssyncset.done $0x0  }
0x72: {  	s11 =	simm.s32 $0x400;
	[sflag:s15] =	ssyncadd.s32 $0xFFFFC000  }
0x73: {  	[tilespmem:s21], [sflag:$0x1] =	stream.indirect.gather [hbm4b:s4+s20], $0x80, s11, s20, $0xb8;
	[tilespmem:$0x1F000] =	vst v63  }
0x74: {  	_ =	swait.ge [sflag:s25], $0x4000  }
0x75: {  	[sflag:s25] =	ssyncset.done $0x0  }
0x76: {  	s1 =	rddreg [dreg:$0x9];
	[sflag:s25] =	ssyncadd.s32 $0xFFFFC000  }
0x77: {  	[spmem:s2] =	stream.indirect.scatter.add.f32 [tilespmem:s22], [sflag:$0x5], $0x80, s1, s20, $0xb8;
	[tilespmem:$0x1F000] =	vst v63  }
0x78: {  	_ =	swait.ge [sflag:s15], $0x4000  }
0x79: {  	p1 =	por $0x0, $0x0;
	[sflag:s15] =	ssyncset.done $0x0  }
0x7a: {  	s6 =	simm.s32 $0x480;
	s1 =	sshrl.u32 @!p1 s13, $0x3;
	[sflag:s15] =	ssyncadd.s32 $0xFFFFC000  }
0x7b: {  	[tilespmem:s22], [sflag:$0x2] =	stream.indirect.gather [hbm4b:s4+s20], $0x80, s6, s20, $0xb8;
	[tilespmem:$0x1F000] =	vst v63  }
0x7c: {  	s0 =	simm.s32 @!p1 $0x2800;
	s1 =	sadd.s32 @!p1 s5, s1;
	s6 =	simm.s32 @!p1 $0x0  }
0x7d: {  	[tilespmem:s0], [sflag:$0x3] =	stream.linear.gather @!p1 [hbm4b:s1+s6], $0x400, $0x38;
	[tilespmem:$0x1F000] =	vst v63  }
0x7e: {  	_ =	swait.ge [sflag:s26], $0x400  }
0x7f: {  	[sflag:s26] =	ssyncset.done $0x0  }
0x80: {  	[sflag:s26] =	ssyncadd.s32 $0xFFFFFC00  }
0x81: {  	_ =	swait.ge [sflag:s24], $0x4000  }
0x82: {  	[sflag:s24] =	ssyncset.done $0x0  }
0x83: {  	[sflag:s24] =	ssyncadd.s32 $0xFFFFC000  }
0x84: {  	[spmem:s2] =	stream.indirect.scatter.add.f32 [tilespmem:s21], [sflag:$0x5], $0x80, s23, s20, $0xb8;
	[tilespmem:$0x1F000] =	vst v63  }
0x85: {  	_ =	swait.ge [sflag:s15], $0x4000  }
0x86: {  	[sflag:s15] =	ssyncset.done $0x0  }
0x87: {  	s7 =	simm.s32 $0x500;
	[sflag:s15] =	ssyncadd.s32 $0xFFFFC000  }
0x88: {  	[tilespmem:s21], [sflag:$0x1] =	stream.indirect.gather [hbm4b:s4+s20], $0x80, s7, s20, $0xb8;
	[tilespmem:$0x1F000] =	vst v63  }
0x89: {  	_ =	swait.ge [sflag:s25], $0x4000  }
0x8a: {  	[sflag:s25] =	ssyncset.done $0x0  }
0x8b: {  	s8 =	rddreg [dreg:$0xa];
	[sflag:s25] =	ssyncadd.s32 $0xFFFFC000  }
0x8c: {  	[spmem:s2] =	stream.indirect.scatter.add.f32 [tilespmem:s22], [sflag:$0x5], $0x80, s8, s20, $0xb8;
	[tilespmem:$0x1F000] =	vst v63  }
0x8d: {  	_ =	swait.ge [sflag:s15], $0x4000  }
0x8e: {  	[sflag:s15] =	ssyncset.done $0x0  }
0x8f: {  	s9 =	simm.s32 $0x580;
	[sflag:s15] =	ssyncadd.s32 $0xFFFFC000  }
0x90: {  	[tilespmem:s22], [sflag:$0x2] =	stream.indirect.gather [hbm4b:s4+s20], $0x80, s9, s20, $0xb8;
	[tilespmem:$0x1F000] =	vst v63  }
0x91: {  	_ =	swait.ge [sflag:s24], $0x4000  }
0x92: {  	[sflag:s24] =	ssyncset.done $0x0  }
0x93: {  	s10 =	rddreg [dreg:$0xb];
	[sflag:s24] =	ssyncadd.s32 $0xFFFFC000  }
0x94: {  	[spmem:s2] =	stream.indirect.scatter.add.f32 [tilespmem:s21], [sflag:$0x5], $0x80, s10, s20, $0xb8;
	[tilespmem:$0x1F000] =	vst v63  }
0x95: {  	_ =	swait.ge [sflag:s15], $0x4000  }
0x96: {  	[sflag:s15] =	ssyncset.done $0x0  }
0x97: {  	s11 =	simm.s32 $0x600;
	[sflag:s15] =	ssyncadd.s32 $0xFFFFC000  }
0x98: {  	[tilespmem:s21], [sflag:$0x1] =	stream.indirect.gather [hbm4b:s4+s20], $0x80, s11, s20, $0xb8;
	[tilespmem:$0x1F000] =	vst v63  }
0x99: {  	_ =	swait.ge [sflag:s25], $0x4000  }
0x9a: {  	[sflag:s25] =	ssyncset.done $0x0  }
0x9b: {  	s1 =	rddreg [dreg:$0xc];
	[sflag:s25] =	ssyncadd.s32 $0xFFFFC000  }
0x9c: {  	[spmem:s2] =	stream.indirect.scatter.add.f32 [tilespmem:s22], [sflag:$0x5], $0x80, s1, s20, $0xb8;
	[tilespmem:$0x1F000] =	vst v63  }
0x9d: {  	_ =	swait.ge [sflag:s15], $0x4000  }
0x9e: {  	[sflag:s15] =	ssyncset.done $0x0  }
0x9f: {  	s6 =	simm.s32 $0x680;
	[sflag:s15] =	ssyncadd.s32 $0xFFFFC000  }
0xa0: {  	[tilespmem:s22], [sflag:$0x2] =	stream.indirect.gather [hbm4b:s4+s20], $0x80, s6, s20, $0xb8;
	[tilespmem:$0x1F000] =	vst v63  }
0xa1: {  	_ =	swait.ge [sflag:s24], $0x4000  }
0xa2: {  	[sflag:s24] =	ssyncset.done $0x0  }
0xa3: {  	s7 =	rddreg [dreg:$0xd];
	[sflag:s24] =	ssyncadd.s32 $0xFFFFC000  }
0xa4: {  	[spmem:s2] =	stream.indirect.scatter.add.f32 [tilespmem:s21], [sflag:$0x5], $0x80, s7, s20, $0xb8;
	[tilespmem:$0x1F000] =	vst v63  }
0xa5: {  	_ =	swait.ge [sflag:s15], $0x4000  }
0xa6: {  	[sflag:s15] =	ssyncset.done $0x0  }
0xa7: {  	s8 =	simm.s32 $0x700;
	[sflag:s15] =	ssyncadd.s32 $0xFFFFC000  }
0xa8: {  	[tilespmem:s21], [sflag:$0x1] =	stream.indirect.gather [hbm4b:s4+s20], $0x80, s8, s20, $0xb8;
	[tilespmem:$0x1F000] =	vst v63  }
0xa9: {  	_ =	swait.ge [sflag:s25], $0x4000  }
0xaa: {  	[sflag:s25] =	ssyncset.done $0x0  }
0xab: {  	s9 =	rddreg [dreg:$0xe];
	[sflag:s25] =	ssyncadd.s32 $0xFFFFC000  }
0xac: {  	[spmem:s2] =	stream.indirect.scatter.add.f32 [tilespmem:s22], [sflag:$0x5], $0x80, s9, s20, $0xb8;
	[tilespmem:$0x1F000] =	vst v63  }
0xad: {  	_ =	swait.ge [sflag:s15], $0x4000  }
0xae: {  	[sflag:s15] =	ssyncset.done $0x0  }
0xaf: {  	s10 =	simm.s32 $0x780;
	[sflag:s15] =	ssyncadd.s32 $0xFFFFC000  }
0xb0: {  	[tilespmem:s22], [sflag:$0x2] =	stream.indirect.gather [hbm4b:s4+s20], $0x80, s10, s20, $0xb8;
	[tilespmem:$0x1F000] =	vst v63  }
0xb1: {  	_ =	swait.ge [sflag:s24], $0x4000  }
0xb2: {  	[sflag:s24] =	ssyncset.done $0x0  }
0xb3: {  	s11 =	rddreg [dreg:$0xf];
	[sflag:s24] =	ssyncadd.s32 $0xFFFFC000  }
0xb4: {  	[spmem:s2] =	stream.indirect.scatter.add.f32 [tilespmem:s21], [sflag:$0x5], $0x80, s11, s20, $0xb8;
	[tilespmem:$0x1F000] =	vst v63  }
0xb5: {  	_ =	swait.ge [sflag:s15], $0x4000  }
0xb6: {  	p2 =	por $0x0, $0x0;
	[sflag:s15] =	ssyncset.done $0x0  }
0xb7: {  	s0 =	simm.s32 @p2 $0x2;
	[sflag:s15] =	ssyncadd.s32 $0xFFFFC000  }
0xb8: {  	_ =	swait.ge @p2 [sflag:s0], $0x4000  }
0xb9: {  	s1 =	simm.s32 @p2 $0x7000;
	s6 =	simm.s32 @p2 $0x80;
	[sflag:s0] =	ssyncset.done @p2 $0x0  }
0xba: {  	s7 =	simm.s32 @p2 $0x2F80;
	[sflag:s0] =	ssyncadd.s32 @p2 $0xFFFFC000;
	s0 =	simm.s32 @p2 $0x5  }
0xbb: {  	[spmem:s2] =	stream.indirect.scatter.add.f32 @p2 [tilespmem:s1], [sflag:$0x5], $0x80, s7, s6, $0xb8;
	[tilespmem:$0x1F000] =	vst v63  }
0xbc: {  	_ =	swait.ge @p2 [sflag:s0], $0x4000  }
0xbd: {  	s1 =	simm.s32 @!p2 $0x800;
	s7 =	simm.s32 @!p2 $0x80;
	[sflag:s0] =	ssyncset.done @p2 $0x0  }
0xbe: {  	s6 =	simm.s32 @!p2 $0x3000;
	[sflag:s0] =	ssyncadd.s32 @p2 $0xFFFFC000;
	s0 =	simm.s32 @!p2 $0x2  }
0xbf: {  	[tilespmem:s6], [sflag:$0x1] =	stream.indirect.gather @!p2 [hbm4b:s4+s7], $0x80, s1, s7, $0xb8;
	[tilespmem:$0x1F000] =	vst v63  }
0xc0: {  	_ =	swait.ge @!p2 [sflag:s0], $0x4000  }
0xc1: {  	s29 =	simm.s32 $0x2000;
	s8 =	simm.s32 @!p2 $0x7000;
	[sflag:s0] =	ssyncset.done @!p2 $0x0  }
0xc2: {  	s1 =	simm.s32 @!p2 $0x2F80;
	[sflag:s0] =	ssyncadd.s32 @!p2 $0xFFFFC000;
	s0 =	simm.s32 @!p2 $0x5  }
0xc3: {  	[spmem:s2] =	stream.indirect.scatter.add.f32 @!p2 [tilespmem:s8], [sflag:$0x5], $0x80, s1, s7, $0xb8;
	[tilespmem:$0x1F000] =	vst v63  }
0xc4: {  	s30 =	simm.s32 $0x3;
	s31 =	sadd.s32 $0x800, s13;
	_ =	swait.ge @!p2 [sflag:s0], $0x4000  }
0xc5: {  	s6 =	simm.s32 @!p2 $0x880;
	s1 =	sadd.s32 $0x100, s14;
	[sflag:s0] =	ssyncset.done @!p2 $0x0  }
.LBB2_2:
0xc6: {  	p3 =	seq.s32 s29, $0x0;
	[sflag:s0] =	ssyncadd.s32 @!p2 $0xFFFFC000  }
0xc7: {  	[tilespmem:s8], [sflag:$0x2] =	stream.indirect.gather @!p2 [hbm4b:s4+s7], $0x80, s6, s7, $0xb8;
	[tilespmem:$0x1F000] =	vst v63  }
0xc8: {  	s6 =	simm.s32 @!p3 $0x3  }
0xc9: {  	[tilespmem:s23], [sflag:$0x4] =	stream.linear.gather [hbm4b:s1+s3], $0x400, $0x38;
	[tilespmem:$0x1F000] =	vst v63  }
0xca: {  	_ =	swait.ge @!p3 [sflag:s6], $0x400  }
0xcb: {  	[sflag:s6] =	ssyncset.done @!p3 $0x0  }
0xcc: {  	[sflag:s6] =	ssyncadd.s32 @!p3 $0xFFFFFC00  }
0xcd: {  	_ =	swait.ge [sflag:s24], $0x4000  }
0xce: {  	[sflag:s24] =	ssyncset.done $0x0  }
0xcf: {  	[sflag:s24] =	ssyncadd.s32 $0xFFFFC000  }
0xd0: {  	[spmem:s2] =	stream.indirect.scatter.add.f32 [tilespmem:s21], [sflag:$0x5], $0x80, s16, s20, $0xb8;
	[tilespmem:$0x1F000] =	vst v63  }
0xd1: {  	s0 =	smov.u32 s29;
	_ =	swait.ge [sflag:s15], $0x4000  }
0xd2: {  	s6 =	sshra.s32 s0, $0x2;
	[sflag:s15] =	ssyncset.done $0x0  }
0xd3: {  	s9 =	sadd.s32 $0x100, s6;
	[sflag:s15] =	ssyncadd.s32 $0xFFFFC000  }
0xd4: {  	[tilespmem:s21], [sflag:$0x1] =	stream.indirect.gather [hbm4b:s4+s20], $0x80, s9, s20, $0xb8;
	[tilespmem:$0x1F000] =	vst v63  }
0xd5: {  	_ =	swait.ge [sflag:s25], $0x4000  }
0xd6: {  	[sflag:s25] =	ssyncset.done $0x0  }
0xd7: {  	s10 =	rddreg [dreg:$0x3];
	[sflag:s25] =	ssyncadd.s32 $0xFFFFC000  }
0xd8: {  	[spmem:s2] =	stream.indirect.scatter.add.f32 [tilespmem:s22], [sflag:$0x5], $0x80, s10, s20, $0xb8;
	[tilespmem:$0x1F000] =	vst v63  }
0xd9: {  	_ =	swait.ge [sflag:s15], $0x4000  }
0xda: {  	[sflag:s15] =	ssyncset.done $0x0  }
0xdb: {  	s11 =	sadd.s32 $0x180, s6;
	[sflag:s15] =	ssyncadd.s32 $0xFFFFC000  }
0xdc: {  	[tilespmem:s22], [sflag:$0x2] =	stream.indirect.gather [hbm4b:s4+s20], $0x80, s11, s20, $0xb8;
	[tilespmem:$0x1F000] =	vst v63  }
0xdd: {  	_ =	swait.ge [sflag:s24], $0x4000  }
0xde: {  	[sflag:s24] =	ssyncset.done $0x0  }
0xdf: {  	s8 =	rddreg [dreg:$0x4];
	[sflag:s24] =	ssyncadd.s32 $0xFFFFC000  }
0xe0: {  	[spmem:s2] =	stream.indirect.scatter.add.f32 [tilespmem:s21], [sflag:$0x5], $0x80, s8, s20, $0xb8;
	[tilespmem:$0x1F000] =	vst v63  }
0xe1: {  	_ =	swait.ge [sflag:s15], $0x4000  }
0xe2: {  	[sflag:s15] =	ssyncset.done $0x0  }
0xe3: {  	s9 =	sadd.s32 $0x200, s6;
	[sflag:s15] =	ssyncadd.s32 $0xFFFFC000  }
0xe4: {  	[tilespmem:s21], [sflag:$0x1] =	stream.indirect.gather [hbm4b:s4+s20], $0x80, s9, s20, $0xb8;
	[tilespmem:$0x1F000] =	vst v63  }
0xe5: {  	_ =	swait.ge [sflag:s25], $0x4000  }
0xe6: {  	[sflag:s25] =	ssyncset.done $0x0  }
0xe7: {  	s10 =	rddreg [dreg:$0x5];
	[sflag:s25] =	ssyncadd.s32 $0xFFFFC000  }
0xe8: {  	[spmem:s2] =	stream.indirect.scatter.add.f32 [tilespmem:s22], [sflag:$0x5], $0x80, s10, s20, $0xb8;
	[tilespmem:$0x1F000] =	vst v63  }
0xe9: {  	_ =	swait.ge [sflag:s15], $0x4000  }
0xea: {  	[sflag:s15] =	ssyncset.done $0x0  }
0xeb: {  	s11 =	sadd.s32 $0x280, s6;
	[sflag:s15] =	ssyncadd.s32 $0xFFFFC000  }
0xec: {  	[tilespmem:s22], [sflag:$0x2] =	stream.indirect.gather [hbm4b:s4+s20], $0x80, s11, s20, $0xb8;
	[tilespmem:$0x1F000] =	vst v63  }
0xed: {  	_ =	swait.ge [sflag:s24], $0x4000  }
0xee: {  	[sflag:s24] =	ssyncset.done $0x0  }
0xef: {  	s8 =	rddreg [dreg:$0x6];
	[sflag:s24] =	ssyncadd.s32 $0xFFFFC000  }
0xf0: {  	[spmem:s2] =	stream.indirect.scatter.add.f32 [tilespmem:s21], [sflag:$0x5], $0x80, s8, s20, $0xb8;
	[tilespmem:$0x1F000] =	vst v63  }
0xf1: {  	_ =	swait.ge [sflag:s15], $0x4000  }
0xf2: {  	[sflag:s15] =	ssyncset.done $0x0  }
0xf3: {  	s9 =	sadd.s32 $0x300, s6;
	[sflag:s15] =	ssyncadd.s32 $0xFFFFC000  }
0xf4: {  	[tilespmem:s21], [sflag:$0x1] =	stream.indirect.gather [hbm4b:s4+s20], $0x80, s9, s20, $0xb8;
	[tilespmem:$0x1F000] =	vst v63  }
0xf5: {  	_ =	swait.ge [sflag:s25], $0x4000  }
0xf6: {  	[sflag:s25] =	ssyncset.done $0x0  }
0xf7: {  	s10 =	rddreg [dreg:$0x7];
	[sflag:s25] =	ssyncadd.s32 $0xFFFFC000  }
0xf8: {  	[spmem:s2] =	stream.indirect.scatter.add.f32 [tilespmem:s22], [sflag:$0x5], $0x80, s10, s20, $0xb8;
	[tilespmem:$0x1F000] =	vst v63  }
0xf9: {  	_ =	swait.ge [sflag:s15], $0x4000  }
0xfa: {  	[sflag:s15] =	ssyncset.done $0x0  }
0xfb: {  	s11 =	sadd.s32 $0x380, s6;
	[sflag:s15] =	ssyncadd.s32 $0xFFFFC000  }
0xfc: {  	[tilespmem:s22], [sflag:$0x2] =	stream.indirect.gather [hbm4b:s4+s20], $0x80, s11, s20, $0xb8;
	[tilespmem:$0x1F000] =	vst v63  }
0xfd: {  	_ =	swait.ge [sflag:s24], $0x4000  }
0xfe: {  	[sflag:s24] =	ssyncset.done $0x0  }
0xff: {  	s8 =	rddreg [dreg:$0x8];
	[sflag:s24] =	ssyncadd.s32 $0xFFFFC000  }
0x100: {  	[spmem:s2] =	stream.indirect.scatter.add.f32 [tilespmem:s21], [sflag:$0x5], $0x80, s8, s20, $0xb8;
	[tilespmem:$0x1F000] =	vst v63  }
0x101: {  	_ =	swait.ge [sflag:s15], $0x4000  }
0x102: {  	[sflag:s15] =	ssyncset.done $0x0  }
0x103: {  	s9 =	sadd.s32 $0x400, s6;
	[sflag:s15] =	ssyncadd.s32 $0xFFFFC000  }
0x104: {  	[tilespmem:s21], [sflag:$0x1] =	stream.indirect.gather [hbm4b:s4+s20], $0x80, s9, s20, $0xb8;
	[tilespmem:$0x1F000] =	vst v63  }
0x105: {  	_ =	swait.ge [sflag:s25], $0x4000  }
0x106: {  	[sflag:s25] =	ssyncset.done $0x0  }
0x107: {  	s10 =	rddreg [dreg:$0x9];
	[sflag:s25] =	ssyncadd.s32 $0xFFFFC000  }
0x108: {  	[spmem:s2] =	stream.indirect.scatter.add.f32 [tilespmem:s22], [sflag:$0x5], $0x80, s10, s20, $0xb8;
	[tilespmem:$0x1F000] =	vst v63  }
0x109: {  	_ =	swait.ge [sflag:s15], $0x4000  }
0x10a: {  	p2 =	seq.s32 s0, $0x8000;
	[sflag:s15] =	ssyncset.done $0x0  }
0x10b: {  	s11 =	sadd.s32 $0x480, s6;
	s8 =	sshrl.u32 @!p2 s31, $0x3;
	[sflag:s15] =	ssyncadd.s32 $0xFFFFC000  }
0x10c: {  	[tilespmem:s22], [sflag:$0x2] =	stream.indirect.gather [hbm4b:s4+s20], $0x80, s11, s20, $0xb8;
	[tilespmem:$0x1F000] =	vst v63  }
0x10d: {  	s7 =	sadd.s32 @!p2 s5, s8;
	s8 =	simm.s32 @!p2 $0x0;
	s9 =	simm.s32 @!p2 $0x2800  }
0x10e: {  	[tilespmem:s9], [sflag:$0x3] =	stream.linear.gather @!p2 [hbm4b:s7+s8], $0x400, $0x38;
	[tilespmem:$0x1F000] =	vst v63  }
0x10f: {  	_ =	swait.ge [sflag:s26], $0x400  }
0x110: {  	[sflag:s26] =	ssyncset.done $0x0  }
0x111: {  	[sflag:s26] =	ssyncadd.s32 $0xFFFFFC00  }
0x112: {  	_ =	swait.ge [sflag:s24], $0x4000  }
0x113: {  	[sflag:s24] =	ssyncset.done $0x0  }
0x114: {  	[sflag:s24] =	ssyncadd.s32 $0xFFFFC000  }
0x115: {  	[spmem:s2] =	stream.indirect.scatter.add.f32 [tilespmem:s21], [sflag:$0x5], $0x80, s23, s20, $0xb8;
	[tilespmem:$0x1F000] =	vst v63  }
0x116: {  	_ =	swait.ge [sflag:s15], $0x4000  }
0x117: {  	[sflag:s15] =	ssyncset.done $0x0  }
0x118: {  	s9 =	sadd.s32 $0x500, s6;
	[sflag:s15] =	ssyncadd.s32 $0xFFFFC000  }
0x119: {  	[tilespmem:s21], [sflag:$0x1] =	stream.indirect.gather [hbm4b:s4+s20], $0x80, s9, s20, $0xb8;
	[tilespmem:$0x1F000] =	vst v63  }
0x11a: {  	_ =	swait.ge [sflag:s25], $0x4000  }
0x11b: {  	[sflag:s25] =	ssyncset.done $0x0  }
0x11c: {  	s10 =	rddreg [dreg:$0xa];
	[sflag:s25] =	ssyncadd.s32 $0xFFFFC000  }
0x11d: {  	[spmem:s2] =	stream.indirect.scatter.add.f32 [tilespmem:s22], [sflag:$0x5], $0x80, s10, s20, $0xb8;
	[tilespmem:$0x1F000] =	vst v63  }
0x11e: {  	_ =	swait.ge [sflag:s15], $0x4000  }
0x11f: {  	[sflag:s15] =	ssyncset.done $0x0  }
0x120: {  	s11 =	sadd.s32 $0x580, s6;
	[sflag:s15] =	ssyncadd.s32 $0xFFFFC000  }
0x121: {  	[tilespmem:s22], [sflag:$0x2] =	stream.indirect.gather [hbm4b:s4+s20], $0x80, s11, s20, $0xb8;
	[tilespmem:$0x1F000] =	vst v63  }
0x122: {  	_ =	swait.ge [sflag:s24], $0x4000  }
0x123: {  	[sflag:s24] =	ssyncset.done $0x0  }
0x124: {  	s8 =	rddreg [dreg:$0xb];
	[sflag:s24] =	ssyncadd.s32 $0xFFFFC000  }
0x125: {  	[spmem:s2] =	stream.indirect.scatter.add.f32 [tilespmem:s21], [sflag:$0x5], $0x80, s8, s20, $0xb8;
	[tilespmem:$0x1F000] =	vst v63  }
0x126: {  	_ =	swait.ge [sflag:s15], $0x4000  }
0x127: {  	[sflag:s15] =	ssyncset.done $0x0  }
0x128: {  	s9 =	sadd.s32 $0x600, s6;
	[sflag:s15] =	ssyncadd.s32 $0xFFFFC000  }
0x129: {  	[tilespmem:s21], [sflag:$0x1] =	stream.indirect.gather [hbm4b:s4+s20], $0x80, s9, s20, $0xb8;
	[tilespmem:$0x1F000] =	vst v63  }
0x12a: {  	_ =	swait.ge [sflag:s25], $0x4000  }
0x12b: {  	[sflag:s25] =	ssyncset.done $0x0  }
0x12c: {  	s10 =	rddreg [dreg:$0xc];
	[sflag:s25] =	ssyncadd.s32 $0xFFFFC000  }
0x12d: {  	[spmem:s2] =	stream.indirect.scatter.add.f32 [tilespmem:s22], [sflag:$0x5], $0x80, s10, s20, $0xb8;
	[tilespmem:$0x1F000] =	vst v63  }
0x12e: {  	_ =	swait.ge [sflag:s15], $0x4000  }
0x12f: {  	[sflag:s15] =	ssyncset.done $0x0  }
0x130: {  	s11 =	sadd.s32 $0x680, s6;
	[sflag:s15] =	ssyncadd.s32 $0xFFFFC000  }
0x131: {  	[tilespmem:s22], [sflag:$0x2] =	stream.indirect.gather [hbm4b:s4+s20], $0x80, s11, s20, $0xb8;
	[tilespmem:$0x1F000] =	vst v63  }
0x132: {  	_ =	swait.ge [sflag:s24], $0x4000  }
0x133: {  	[sflag:s24] =	ssyncset.done $0x0  }
0x134: {  	s8 =	rddreg [dreg:$0xd];
	[sflag:s24] =	ssyncadd.s32 $0xFFFFC000  }
0x135: {  	[spmem:s2] =	stream.indirect.scatter.add.f32 [tilespmem:s21], [sflag:$0x5], $0x80, s8, s20, $0xb8;
	[tilespmem:$0x1F000] =	vst v63  }
0x136: {  	_ =	swait.ge [sflag:s15], $0x4000  }
0x137: {  	[sflag:s15] =	ssyncset.done $0x0  }
0x138: {  	s9 =	sadd.s32 $0x700, s6;
	[sflag:s15] =	ssyncadd.s32 $0xFFFFC000  }
0x139: {  	[tilespmem:s21], [sflag:$0x1] =	stream.indirect.gather [hbm4b:s4+s20], $0x80, s9, s20, $0xb8;
	[tilespmem:$0x1F000] =	vst v63  }
0x13a: {  	_ =	swait.ge [sflag:s25], $0x4000  }
0x13b: {  	[sflag:s25] =	ssyncset.done $0x0  }
0x13c: {  	s10 =	rddreg [dreg:$0xe];
	[sflag:s25] =	ssyncadd.s32 $0xFFFFC000  }
0x13d: {  	[spmem:s2] =	stream.indirect.scatter.add.f32 [tilespmem:s22], [sflag:$0x5], $0x80, s10, s20, $0xb8;
	[tilespmem:$0x1F000] =	vst v63  }
0x13e: {  	_ =	swait.ge [sflag:s15], $0x4000  }
0x13f: {  	[sflag:s15] =	ssyncset.done $0x0  }
0x140: {  	s6 =	sadd.s32 $0x780, s6;
	[sflag:s15] =	ssyncadd.s32 $0xFFFFC000  }
0x141: {  	[tilespmem:s22], [sflag:$0x2] =	stream.indirect.gather [hbm4b:s4+s20], $0x80, s6, s20, $0xb8;
	[tilespmem:$0x1F000] =	vst v63  }
0x142: {  	_ =	swait.ge [sflag:s24], $0x4000  }
0x143: {  	[sflag:s24] =	ssyncset.done $0x0  }
0x144: {  	s11 =	rddreg [dreg:$0xf];
	[sflag:s24] =	ssyncadd.s32 $0xFFFFC000  }
0x145: {  	[spmem:s2] =	stream.indirect.scatter.add.f32 [tilespmem:s21], [sflag:$0x5], $0x80, s11, s20, $0xb8;
	[tilespmem:$0x1F000] =	vst v63  }
0x146: {  	_ =	swait.ge [sflag:s15], $0x4000  }
0x147: {  	p2 =	sgt.u32 s30, $0x8;
	[sflag:s15] =	ssyncset.done $0x0  }
0x148: {  	s7 =	simm.s32 @p2 $0x2;
	s0 =	sshra.s32 @!p2 s0, $0x2;
	[sflag:s15] =	ssyncadd.s32 $0xFFFFC000  }
0x149: {  	s8 =	sadd.s32 @!p2 $0x800, s0;
	s9 =	simm.s32 @p2 $0x80;
	_ =	swait.ge @p2 [sflag:s7], $0x4000  }
0x14a: {  	s10 =	simm.s32 @p2 $0x2F80;
	s6 =	sadd.s32 @!p2 $0x880, s0;
	[sflag:s7] =	ssyncset.done @p2 $0x0  }
0x14b: {  	s0 =	simm.s32 @p2 $0x7000;
	s11 =	simm.s32 @p2 $0x5;
	[sflag:s7] =	ssyncadd.s32 @p2 $0xFFFFC000  }
0x14c: {  	[spmem:s2] =	stream.indirect.scatter.add.f32 @p2 [tilespmem:s0], [sflag:$0x5], $0x80, s10, s9, $0xb8;
	[tilespmem:$0x1F000] =	vst v63  }
0x14d: {  	_ =	swait.ge @p2 [sflag:s11], $0x4000  }
0x14e: {  	s29 =	sadd.s32 $0x2000, s29;
	s7 =	simm.s32 @!p2 $0x80;
	[sflag:s11] =	ssyncset.done @p2 $0x0  }
0x14f: {  	s0 =	simm.s32 @!p2 $0x3000;
	s9 =	simm.s32 @!p2 $0x2;
	[sflag:s11] =	ssyncadd.s32 @p2 $0xFFFFC000  }
0x150: {  	[tilespmem:s0], [sflag:$0x1] =	stream.indirect.gather @!p2 [hbm4b:s4+s7], $0x80, s8, s7, $0xb8;
	[tilespmem:$0x1F000] =	vst v63  }
0x151: {  	p1 =	sne.s32 s29, $0xA000;
	_ =	swait.ge @!p2 [sflag:s9], $0x4000  }
.Ltmp0:
0x152: {  	s10 =	simm.s32 @!p2 $0x2F80;
	[sflag:s9] =	ssyncset.done @!p2 $0x0;
	(pc) =	sbr.rel @p1 .LBB2_2-.Ltmp0, $4  }
0x153: {  	s8 =	simm.s32 @!p2 $0x7000;
	s0 =	simm.s32 @!p2 $0x5;
	[sflag:s9] =	ssyncadd.s32 @!p2 $0xFFFFC000  }
0x154: {  	[spmem:s2] =	stream.indirect.scatter.add.f32 @!p2 [tilespmem:s8], [sflag:$0x5], $0x80, s10, s7, $0xb8;
	[tilespmem:$0x1F000] =	vst v63  }
0x155: {  	s1 =	sadd.s32 $0x100, s1;
	_ =	swait.ge @!p2 [sflag:s0], $0x4000  }
0x156: {  	s31 =	sadd.s32 $0x800, s31;
	s30 =	sadd.s32 $0x2, s30;
	[sflag:s0] =	ssyncset.done @!p2 $0x0  }
0x157: {  	[sflag:s0] =	ssyncadd.s32 @!p2 $0xFFFFC000  }
0x158: {  	[tilespmem:s8], [sflag:$0x2] =	stream.indirect.gather @!p2 [hbm4b:s4+s7], $0x80, s6, s7, $0xb8;
	[tilespmem:$0x1F000] =	vst v63  }
0x159: {  	[bflag:$0x0] =	sbarrier.arrive $0xFFFF  }
0x15a: {  	s0 =	simm.s32 @p0 $0x1FC5;
	s1 =	rddreg [dreg:$0x15]  }
0x15b: {  	[hbm:s1], [sflag:s0] =	dma.local @p0 [spmem:s17], $0x1900  }
0x15c: {  	s0 =	simm.s32 @p0 $0x5  }
0x15d: {  	_ =	swait.ge @p0 [sflag:s0], $0x1900  }
0x15e: {  	s28 =	sadd.s32 $0x1, s28;
	[sflag:s0] =	ssyncset.done @p0 $0x0  }
0x15f: {  	p1 =	sne.s32 s28, s12;
	[sflag:s0] =	ssyncadd.s32 @p0 $0xFFFFE700;
	s0 =	rddreg [dreg:$0x14]  }
0x160: {  	[hbm:s0], [sflag:s18] =	dma.local @!p0 [spmem:s19], $0x2800  }
.Ltmp1:
0x161: {  	_ = 	snop;
	(pc) =	sbr.rel @p1 .LBB2_1-.Ltmp1, $4  }
0x162: {  	s0 =	simm.s32 @!p0 $0x5  }
0x163: {  	_ =	swait.ge @!p0 [sflag:s0], $0x2800  }
0x164: {  	[sflag:s0] =	ssyncset.done @!p0 $0x0  }
0x165: {  	[sflag:s0] =	ssyncadd.s32 @!p0 $0xFFFFD800  }
0x166: {  	_ =	sfence.sel $0x180000  }
0x167: {  	[bflag:$0x0] =	sbarrier.arrive $0xFFFF  }
0x168: {  	_ =	strace $0x9000004A  }
0x169: {  	s0 =	stileid.u32;
	[bflag:$0x2] =	sbarrier.arrive $0xFFFF  }
0x16a: {  	p0 =	sne.s32 s0, $0x0;
	s0 =	rddreg [dreg:$0x2]  }
0x16b: {  	s0 =	sadd.s32 @!p0 $0x100000, s0  }
0x16c: {  	[sflag:s0] =	ssyncadd.tile.s32 @!p0 $0x1;
	_ =	shalt  }
.Lfunc_end2:
_tile_overlayer_lowered:
.L_overlay_start_2:
0x16d: {  	(tag) =	ssettag $0x2  }
0x16e: {  	s0 =	rddreg [dreg:$0x0];
	s2 =	stileid.u32  }
0x16f: {  	s1 =	rddreg [dreg:$0x1];
	p0 =	sne.s32 s2, $0x0  }
0x170: {  	s3 =	rddreg [dreg:$0x2];
	[bflag:$0x3] =	sbarrier.arrive $0xFFFF;
	s2 =	simm.s32 @!p0 $0x1C05  }
0x171: {  	[timem:s3], [sflag:s2] =	dma.local @!p0 [hbm:s0], s1  }
0x172: {  	s0 =	simm.s32 @!p0 $0x5  }
0x173: {  	_ =	swait.ge @!p0 [sflag:s0], s1  }
0x174: {  	s1 =	ssub.s32 @!p0 $0x0, s1;
	[sflag:s0] =	ssyncset.done @!p0 $0x0  }
0x175: {  	[sflag:s0] =	ssyncadd.s32 @!p0 s1  }
0x176: {  	[bflag:$0x3] =	sbarrier.arrive $0xFFFF  }
0x177: {  	_ =	shalt  }

// kernel: kernel.14.cloned.1.call-start
scs
__scs_entry_jumppad:
0x0: {  	(pc) =	sbr.rel $0x88, $3  }
0x1: {  	(tag) =	ssettag $0x0;
	lr =	simm.s32 $0x1  }
0x2: {  	[smem:$0x3F7F] =	sst lr;
	_ =	strace $0xD0000000  }
0x3: {  	_ = 	snop  }
0x4: {  	_ = 	snop  }
0x5: {  	_ = 	snop  }
0x6: {  	_ = 	snop  }
0x7: {  	_ = 	snop  }
__scs_overlays_trampoline_lowered:
0x8: {  	[smem:$0x3F8E] =	sst s0  }
0x9: {  	[smem:$0x3F8F] =	sst s1  }
0xa: {  	[smem:$0x3F90] =	sst s2  }
0xb: {  	[smem:$0x3F91] =	sst s3  }
0xc: {  	[smem:$0x3F92] =	sst s4  }
0xd: {  	[smem:$0x3F93] =	sst s5  }
0xe: {  	[smem:$0x3F94] =	sst s6  }
0xf: {  	[smem:$0x3F95] =	sst s7  }
0x10: {  	[smem:$0x3F96] =	sst s8  }
0x11: {  	[smem:$0x3F97] =	sst s9;
	s0 =	simm.s32 @!p0 $0x0  }
0x12: {  	s1 =	sld [smem:$0x3F7D];
	s0 =	simm.s32 @p0 $0x1  }
0x13: {  	[smem:$0x3F98] =	sst s0;
	s0 =	simm.s32 @!p1 $0x0  }
0x14: {  	s2 =	sld [smem:$0x3F7C];
	s0 =	simm.s32 @p1 $0x1  }
0x15: {  	[smem:$0x3F99] =	sst s0;
	s0 =	simm.s32 @!p2 $0x0  }
0x16: {  	s3 =	sld [smem:$0x3FDB];
	s0 =	simm.s32 @p2 $0x1  }
0x17: {  	s4 =	simm.s32 $0x1BF5;
	[smem:$0x3F9B] =	sst s0  }
0x18: {  	s0 =	sld [smem:$0x3F7E];
	_ =	swait.ge [sflag:s4], $0x0  }
0x19: {  	s7 =	sld [smem:$0x3F7F]  }
0x1a: {  	s8 =	sadd.s32 $0xFFFFE003, lr  }
0x1b: {  	s9 =	sadd.s32 $0xFFFFFEF7, lr;
	s5 =	simm.s32 $0xFFFFFFFF;
	p2 =	slt.u32 s8, $0xFFFFF086  }
0x1c: {  	p1 =	slt.u32 s9, $0xF7A;
	s5 =	simm.s32 @!p2 $0x0  }
0x1d: {  	s5 =	simm.s32 @p1 $0x1;
	p0 =	seq.s32 s7, s2  }
0x1e: {  	s7 =	smul.u32 @!p0 $0xF7A, s2;
	p2 =	seq.s32 @!p0 s5, $0x0  }
0x1f: {  	s9 =	smul.u32 $0xF7A, s1;
	s8 =	simm.s32 @!p0 $0x1BF5;
	p2 =	por !p2, p0  }
0x20: {  	[sflag:s8] =	ssyncset.s32 @!p0 $0xFFFFF086;
	s6 =	sadd.s32 @!p0 s3, s7;
	s7 =	simm.s32 @!p0 $0x108  }
0x21: {  	s3 =	sadd.s32 s3, s9;
	s6 =	sadd.s32 @!p0 $0x88, s6;
	s7 =	simm.s32 @p2 $0x1082  }
0x22: {  	[simem:s7], [sflag:s8] =	dma.local @!p0 [hbm:s6], $0xF7A  }
0x23: {  	s9 =	sor.u32 $0xD0000000, s2;
	s6 =	simm.s32 $0x108;
	_ =	swait.ge @!p0 [sflag:s8], $0x0  }
0x24: {  	s3 =	sadd.s32 $0x88, s3;
	s6 =	simm.s32 @!p1 $0x1082;
	[sflag:s4] =	ssyncset.s32 $0xFFFFF086  }
0x25: {  	[simem:s6], [sflag:s4] =	dma.local [hbm:s3], $0xF7A  }
0x26: {  	[smem:$0x3F7F] =	sst s1;
	(tag) =	ssettag s2;
	_ =	strace s9  }
0x27: {  	s1 =	sld [smem:$0x3F8F]  }
0x28: {  	s2 =	sld [smem:$0x3F90]  }
0x29: {  	s4 =	sld [smem:$0x3F92]  }
0x2a: {  	p0 =	seq.s32 s5, $0x0;
	s5 =	sld [smem:$0x3F93]  }
0x2b: {  	s6 =	sld [smem:$0x3F94]  }
0x2c: {  	s7 =	sld [smem:$0x3F95]  }
0x2d: {  	s3 =	simm.s32 $0x108;
	s8 =	sld [smem:$0x3F96]  }
0x2e: {  	s3 =	simm.s32 @!p0 $0x1082;
	s9 =	sld [smem:$0x3F97]  }
0x2f: {  	lr =	sadd.s32 s0, s3;
	s0 =	sld [smem:$0x3F8E]  }
0x30: {  	s3 =	sld [smem:$0x3F91]  }
0x31: {  	[smem:$0x3F9A] =	sst s10  }
0x32: {  	s10 =	sld [smem:$0x3F98];
	_ =	sdelay $0x3  }
0x33: {  	p0 =	seq.s32 s10, $0x1;
	s10 =	sld [smem:$0x3F9A];
	_ =	sdelay $0x3  }
0x34: {  	[smem:$0x3F9A] =	sst s10  }
0x35: {  	s10 =	sld [smem:$0x3F99];
	_ =	sdelay $0x3  }
0x36: {  	p1 =	seq.s32 s10, $0x1;
	s10 =	sld [smem:$0x3F9A];
	_ =	sdelay $0x3  }
0x37: {  	[smem:$0x3F9A] =	sst s10  }
0x38: {  	s10 =	sld [smem:$0x3F9B]  }
0x39: {  	_ = 	snop;
	(pc) =	sbr.ind lr, $3  }
0x3a: {  	_ = 	snop  }
0x3b: {  	_ = 	snop  }
0x3c: {  	p2 =	seq.s32 s10, $0x1;
	s10 =	sld [smem:$0x3F9A]  }
0x3d: {  	_ =	shalt  }
0x3e: {  	_ =	shalt  }
0x3f: {  	_ =	shalt  }
0x40: {  	_ =	shalt  }
0x41: {  	_ =	shalt  }
0x42: {  	_ =	shalt  }
0x43: {  	_ =	shalt  }
0x44: {  	_ =	shalt  }
0x45: {  	_ =	shalt  }
0x46: {  	_ =	shalt  }
0x47: {  	_ =	shalt  }
0x48: {  	_ =	shalt  }
0x49: {  	_ =	shalt  }
0x4a: {  	_ =	shalt  }
0x4b: {  	_ =	shalt  }
0x4c: {  	_ =	shalt  }
0x4d: {  	_ =	shalt  }
0x4e: {  	_ =	shalt  }
0x4f: {  	_ =	shalt  }
0x50: {  	_ =	shalt  }
0x51: {  	_ =	shalt  }
0x52: {  	_ =	shalt  }
0x53: {  	_ =	shalt  }
0x54: {  	_ =	shalt  }
0x55: {  	_ =	shalt  }
0x56: {  	_ =	shalt  }
0x57: {  	_ =	shalt  }
0x58: {  	_ =	shalt  }
0x59: {  	_ =	shalt  }
0x5a: {  	_ =	shalt  }
0x5b: {  	_ =	shalt  }
0x5c: {  	_ =	shalt  }
0x5d: {  	_ =	shalt  }
0x5e: {  	_ =	shalt  }
0x5f: {  	_ =	shalt  }
0x60: {  	_ =	shalt  }
0x61: {  	_ =	shalt  }
0x62: {  	_ =	shalt  }
0x63: {  	_ =	shalt  }
0x64: {  	_ =	shalt  }
0x65: {  	_ =	shalt  }
0x66: {  	_ =	shalt  }
0x67: {  	_ =	shalt  }
0x68: {  	_ =	shalt  }
0x69: {  	_ =	shalt  }
0x6a: {  	_ =	shalt  }
0x6b: {  	_ =	shalt  }
0x6c: {  	_ =	shalt  }
0x6d: {  	_ =	shalt  }
0x6e: {  	_ =	shalt  }
0x6f: {  	_ =	shalt  }
0x70: {  	_ =	shalt  }
0x71: {  	_ =	shalt  }
0x72: {  	_ =	shalt  }
0x73: {  	_ =	shalt  }
0x74: {  	_ =	shalt  }
0x75: {  	_ =	shalt  }
0x76: {  	_ =	shalt  }
0x77: {  	_ =	shalt  }
0x78: {  	_ =	shalt  }
0x79: {  	_ =	shalt  }
0x7a: {  	_ =	shalt  }
0x7b: {  	_ =	shalt  }
0x7c: {  	_ =	shalt  }
0x7d: {  	_ =	shalt  }
0x7e: {  	_ =	shalt  }
0x7f: {  	_ =	shalt  }
0x80: {  	_ =	shalt  }
0x81: {  	_ =	shalt  }
0x82: {  	_ =	shalt  }
0x83: {  	_ =	shalt  }
0x84: {  	_ =	shalt  }
0x85: {  	_ =	shalt  }
0x86: {  	_ =	shalt  }
0x87: {  	_ =	shalt  }
.Lfunc_end0:
.L_simem_size_0:
called_computation.2_lowered:
.L_overlay_start_0:
0x88: {  	s2 =	sld [smem:$0x3FD9]  }
0x89: {  	s3 =	sld [smem:$0x3FFE];
	_ =	sdelay $0x1  }
0x8a: {  	s1 =	srdreg.scid  }
0x8b: {  	s0 =	sand.u32 $0x1, s1  }
0x8c: {  	s16 =	sshll.u32 s0, $0xA;
	s2 =	sadd.s32 s3, s2  }
0x8d: {  	s2 =	sadd.s32 s2, s16  }
0x8e: {  	[smem:$0x3FA6] =	sst s2  }
0x8f: {  	_ = 	snop  }
0x90: {  	(tm) =	ssettm $0x1  }
0x91: {  	s17 =	sld [smem:$0x3FFB];
	_ =	sdelay $0x3  }
0x92: {  	_ =	strace s17  }
0x93: {  	s2 =	sld [smem:$0x3FFC];
	_ =	sdelay $0x3  }
0x94: {  	_ =	strace s2  }
0x95: {  	s2 =	sld [smem:$0x3FFD];
	_ =	sdelay $0x3  }
0x96: {  	_ =	strace s2  }
0x97: {  	_ =	strace $0x8FFFFFFF  }
0x98: {  	s18 =	sld [smem:$0x3FDB];
	_ =	sdelay $0x1  }
0x99: {  	s19 =	simm.s32 $_scs_section_size  }
0x9a: {  	s4 =	simm.s32 $_size__tile_overlayer_lowered;
	s5 =	simm.s32 $_tile_overlayer_lowered  }
0x9b: {  	s22 =	simm.s32 $0x1BFF;
	s21 =	sshll.u32 s5, $0x1;
	s2 =	sadd.s32 s19, s18  }
0x9c: {  	s6 =	simm.s32 $0x0;
	s20 =	sshll.u32 s4, $0x1;
	s4 =	sadd.s32 s21, s2  }
0x9d: {  	[timem:s6], [sflag:s22] =	dma.local [hbm:s4], s20  }
0x9e: {  	_ =	swait.ge [sflag:s22], s20  }
0x9f: {  	s3 =	ssub.s32 $0x0, s20;
	[sflag:s22] =	ssyncset.done $0x0  }
0xa0: {  	[sflag:s22] =	ssyncadd.s32 s3;
	_ =	sdelay $0x1  }
0xa1: {  	s23 =	simm.s32 $0x1B8B  }
0xa2: {  	_ =	swait.ge [sflag:s23], $0x1  }
0xa3: {  	[sflag:s23] =	ssyncset.done $0x0  }
0xa4: {  	s25 =	simm.s32 $0x1B8E;
	s24 =	sld [smem:$0x3FFE];
	[sflag:s23] =	ssyncadd.s32 $0xFFFFFFFF  }
0xa5: {  	s26 =	simm.s32 $execute0_lowered;
	[smem:$0x3FD2] =	sst s25  }
0xa6: {  	s4 =	sshll.u32 s26, $0x1;
	_ =	strace $0x8000004C;
	[dreg:$0x1] =	wrdreg $0xFFFFFFFF  }
0xa7: {  	s28 =	simm.s32 $_size_execute0_lowered;
	s2 =	sadd.s32 s2, s4;
	[dreg:$0x0] =	wrdreg $0x0  }
0xa8: {  	s4 =	sshll.u32 s28, $0x1;
	[dreg:$0x2] =	wrdreg s2  }
0xa9: {  	[dreg:$0x3] =	wrdreg s4  }
0xaa: {  	[dreg:$0x4] =	wrdreg $0xC0  }
0xab: {  	_ =	task [dreg:s6], $0x5FFFF  }
0xac: {  	[dreg:$0x1] =	wrdreg $0xFFFFFFFF  }
0xad: {  	[dreg:$0x0] =	wrdreg $0x60  }
0xae: {  	[dreg:$0x2] =	wrdreg s24  }
0xaf: {  	[dreg:$0x3] =	wrdreg $0xB0000  }
0xb0: {  	[dreg:$0x4] =	wrdreg $0x9  }
0xb1: {  	_ =	task.clear_ibuf [dreg:s6], $0x5FFFF;
	_ =	strace $0x9000004C  }
0xb2: {  	s29 =	simm.s32 $0x9;
	_ =	strace $0x8000004E  }
0xb3: {  	_ =	swait.ge [sflag:s29], $0x1  }
0xb4: {  	[sflag:s29] =	ssyncadd.s32 $0xFFFFFFFF  }
0xb5: {  	_ =	strace $0x9000004E  }
0xb6: {  	_ =	sfence  }
0xb7: {  	s30 =	sld [smem:$0x0];
	_ =	sdelay $0x2  }
0xb8: {  	s31 =	sshll.u32 s1, $0xD;
	s1 =	sshrl.u32 s1, $0x2  }
0xb9: {  	s3 =	sand.u32 $0x4000, s31;
	s1 =	sadd.s32 s1, s30  }
0xba: {  	s0 =	sor.u32 s3, s0;
	s1 =	sshll.u32 s1, $0x11  }
0xbb: {  	s0 =	sor.u32 s1, s0  }
0xbc: {  	s0 =	sadd.s32 $0x8F2B, s0  }
0xbd: {  	[sflag:s0] =	ssyncadd.remote.s32 $0x1  }
0xbe: {  	_ =	sfence.sel $0xFFFF  }
0xbf: {  	[dreg:$0x0] =	wrdreg $0xFFFFFFFF;
	(pc) =	sbr.abs _section_cstart, $3  }
0xc0: {  	[dreg:$0x1] =	wrdreg $0xFFFFFFFF  }
0xc1: {  	_ =	task.clear_ibuf [dreg:s6], $0x2FFFF;
	_ =	strace $0x9FFFFFFF  }
0xc2: {  	(tm) =	ssettm $0x7FFFFFFF  }
0xc3: {  	_ =	shalt  }
tec
execute0_lowered:
.L_overlay_start_1:
0x0: {  	(tag) =	ssettag $0x1  }
0x1: {  	s0 =	srdreg.scid  }
0x2: {  	s1 =	rddreg [dreg:$0x0];
	s18 =	stileid.u32  }
0x3: {  	s2 =	rddreg [dreg:$0x1];
	s16 =	simm.s32 $0x2880;
	s17 =	simm.s32 $0x2900  }
0x4: {  	s19 =	simm.s32 $0x2980;
	s20 =	simm.s32 $0x2A00;
	s21 =	simm.s32 $0x2A80  }
0x5: {  	s22 =	simm.s32 $0x2B00;
	s23 =	simm.s32 $0x2B80;
	s24 =	simm.s32 $0x2C80  }
0x6: {  	s25 =	simm.s32 $0x2D00;
	s26 =	simm.s32 $0x2D80;
	s0 =	sand.u32 $0x1, s0  }
0x7: {  	s29 =	simm.s32 $0x2E00;
	s30 =	simm.s32 $0x2E80;
	s3 =	sshll.u32 s0, $0x4  }
0x8: {  	s28 =	simm.s32 $0x0;
	s4 =	sor.u32 s18, s3;
	s3 =	simm.s32 $0x0  }
0x9: {  	s8 =	smul.u32 $0x50000, s18;
	s5 =	sadd.s32 $0xEC00, s1;
	[smem:$0x7FF] =	sst s3  }
0xa: {  	s13 =	smul.u32 $0x2800, s18;
	_ =	strace $0x8000004D;
	[dreg:$0x3] =	wrdreg s16  }
0xb: {  	s11 =	sadd.s32 $0x3FE00, s1;
	s31 =	smul.u32 $0x14000, s18;
	[dreg:$0x4] =	wrdreg s17  }
0xc: {  	p0 =	seq.s32 s18, $0xF;
	s12 =	smul.u32 $0x138800, s0;
	[dreg:$0x5] =	wrdreg s19  }
0xd: {  	s9 =	ssub.s32 $0x2, s0;
	s0 =	smul.u32 $0x28000, s0;
	[dreg:$0x6] =	wrdreg s20  }
0xe: {  	s10 =	sshrl.u32 s9, $0x1;
	s8 =	sshrl.u32 s8, $0x2;
	[dreg:$0x7] =	wrdreg s21  }
0xf: {  	s4 =	smul.u32 $0x2800, s4;
	s14 =	ssub.s32 s9, s10;
	[dreg:$0x8] =	wrdreg s22  }
0x10: {  	s9 =	sadd.s32 s31, s12;
	s12 =	sshrl.u32 s12, $0x3;
	[dreg:$0x9] =	wrdreg s23  }
0x11: {  	s0 =	sadd.s32 s13, s0;
	s31 =	simm.s32 $0x2F00;
	[dreg:$0xa] =	wrdreg s24  }
0x12: {  	s15 =	sadd.s32 s11, s12;
	s12 =	smax.u32 s14, $0x1;
	[dreg:$0xb] =	wrdreg s25  }
0x13: {  	s16 =	simm.s32 $0x2800;
	s20 =	simm.s32 $0x80;
	[dreg:$0xc] =	wrdreg s26  }
0x14: {  	s21 =	simm.s32 $0x3000;
	[dreg:$0xd] =	wrdreg s29;
	s22 =	simm.s32 $0x7000  }
0x15: {  	[dreg:$0xe] =	wrdreg s30;
	s23 =	simm.s32 $0x2C00;
	s24 =	simm.s32 $0x1  }
0x16: {  	[dreg:$0xf] =	wrdreg s31;
	s25 =	simm.s32 $0x2;
	s6 =	sshrl.u32 s4, $0x3  }
0x17: {  	s26 =	simm.s32 $0x4;
	s4 =	sadd.s32 $0x18C00, s1;
	s7 =	sadd.s32 s6, s1  }
0x18: {  	s6 =	sadd.s32 s5, s6;
	s1 =	sadd.s32 $0x3E400, s1;
	s7 =	sadd.s32 $0x4C00, s7  }
0x19: {  	[dreg:$0x11] =	wrdreg s6;
	s6 =	sadd.s32 s8, s2;
	s8 =	sadd.s32 s4, s13  }
0x1a: {  	[dreg:$0x13] =	wrdreg s1;
	s1 =	sadd.s32 $0x25800, s15;
	s13 =	sadd.s32 $0x800, s0  }
0x1b: {  	s0 =	sor.u32 $0x400, s0;
	s15 =	simm.s32 $0x5;
	[dreg:$0x10] =	wrdreg s7  }
0x1c: {  	[dreg:$0x12] =	wrdreg s8;
	s7 =	sadd.s32 $0x12C000, s2;
	s8 =	sshrl.u32 s9, $0x3  }
0x1d: {  	[dreg:$0x15] =	wrdreg s1;
	s0 =	sshrl.u32 s0, $0x3;
	s1 =	sshll.u32 @!p0 s18, $0x6  }
0x1e: {  	s19 =	sshrl.u32 @!p0 s6, $0x3;
	s10 =	sadd.s32 s11, s8;
	s14 =	sadd.s32 s0, s5  }
0x1f: {  	s17 =	sshrl.u32 @p0 s7, $0x3;
	s18 =	sor.u32 @!p0 $0x1C05, s1;
	[dreg:$0x14] =	wrdreg s10  }
.LBB2_1:
0x20: {  	s0 =	rddreg [dreg:$0x10]  }
0x21: {  	[tilespmem:s3], [sflag:$0x5] =	stream.linear.gather [hbm4b:s0+s3], $0x2800, $0x38;
	[tilespmem:$0x1F000] =	vst v63  }
0x22: {  	_ =	swait.ge [sflag:s15], $0x2800  }
0x23: {  	[sflag:s15] =	ssyncset.done $0x0  }
0x24: {  	s1 =	rddreg [dreg:$0x11];
	[sflag:s15] =	ssyncadd.s32 $0xFFFFD800  }
0x25: {  	[tilespmem:s16], [sflag:$0x5] =	stream.linear.gather [hbm4b:s1+s3], $0x400, $0x38;
	[tilespmem:$0x1F000] =	vst v63  }
0x26: {  	_ =	swait.ge [sflag:s15], $0x400  }
0x27: {  	[sflag:s15] =	ssyncset.done $0x0  }
0x28: {  	s0 =	simm.s32 @p0 $0x1FC5;
	s1 =	rddreg [dreg:$0x13];
	[sflag:s15] =	ssyncadd.s32 $0xFFFFFC00  }
0x29: {  	[spmem:s17], [sflag:s0] =	dma.local @p0 [hbm:s1], $0x1900  }
0x2a: {  	s0 =	simm.s32 @p0 $0x5  }
0x2b: {  	_ =	swait.ge @p0 [sflag:s0], $0x1900  }
0x2c: {  	[sflag:s0] =	ssyncset.done @p0 $0x0  }
0x2d: {  	[sflag:s0] =	ssyncadd.s32 @p0 $0xFFFFE700;
	s0 =	rddreg [dreg:$0x12]  }
0x2e: {  	[spmem:s19], [sflag:s18] =	dma.local @!p0 [hbm:s0], $0x2800  }
0x2f: {  	s0 =	simm.s32 @!p0 $0x5  }
0x30: {  	_ =	swait.ge @!p0 [sflag:s0], $0x2800  }
0x31: {  	[sflag:s0] =	ssyncset.done @!p0 $0x0  }
0x32: {  	[sflag:s0] =	ssyncadd.s32 @!p0 $0xFFFFD800  }
0x33: {  	[bflag:$0x0] =	sbarrier.arrive $0xFFFF  }
0x34: {  	[tilespmem:s21], [sflag:$0x1] =	stream.indirect.gather [hbm4b:s4+s20], $0x80, s3, s20, $0xb8;
	[tilespmem:$0x1F000] =	vst v63  }
0x35: {  	p1 =	por $0x1, $0x1  }
0x36: {  	[tilespmem:s22], [sflag:$0x2] =	stream.indirect.gather [hbm4b:s4+s20], $0x80, s20, s20, $0xb8;
	[tilespmem:$0x1F000] =	vst v63  }
0x37: {  	s0 =	simm.s32 @!p1 $0x3  }
0x38: {  	[tilespmem:s23], [sflag:$0x4] =	stream.linear.gather [hbm4b:s14+s3], $0x400, $0x38;
	[tilespmem:$0x1F000] =	vst v63  }
0x39: {  	_ =	swait.ge @!p1 [sflag:s0], $0x400  }
0x3a: {  	[sflag:s0] =	ssyncset.done @!p1 $0x0  }
0x3b: {  	[sflag:s0] =	ssyncadd.s32 @!p1 $0xFFFFFC00  }
0x3c: {  	_ =	swait.ge [sflag:s24], $0x4000  }
0x3d: {  	[sflag:s24] =	ssyncset.done $0x0  }
0x3e: {  	[sflag:s24] =	ssyncadd.s32 $0xFFFFC000  }
0x3f: {  	[spmem:s2] =	stream.indirect.scatter.add.f32 [tilespmem:s21], [sflag:$0x5], $0x80, s16, s20, $0xb8;
	[tilespmem:$0x1F000] =	vst v63  }
0x40: {  	_ =	swait.ge [sflag:s15], $0x4000  }
0x41: {  	[sflag:s15] =	ssyncset.done $0x0  }
0x42: {  	s6 =	simm.s32 $0x100;
	[sflag:s15] =	ssyncadd.s32 $0xFFFFC000  }
0x43: {  	[tilespmem:s21], [sflag:$0x1] =	stream.indirect.gather [hbm4b:s4+s20], $0x80, s6, s20, $0xb8;
	[tilespmem:$0x1F000] =	vst v63  }
0x44: {  	_ =	swait.ge [sflag:s25], $0x4000  }
0x45: {  	[sflag:s25] =	ssyncset.done $0x0  }
0x46: {  	s7 =	rddreg [dreg:$0x3];
	[sflag:s25] =	ssyncadd.s32 $0xFFFFC000  }
0x47: {  	[spmem:s2] =	stream.indirect.scatter.add.f32 [tilespmem:s22], [sflag:$0x5], $0x80, s7, s20, $0xb8;
	[tilespmem:$0x1F000] =	vst v63  }
0x48: {  	_ =	swait.ge [sflag:s15], $0x4000  }
0x49: {  	[sflag:s15] =	ssyncset.done $0x0  }
0x4a: {  	s8 =	simm.s32 $0x180;
	[sflag:s15] =	ssyncadd.s32 $0xFFFFC000  }
0x4b: {  	[tilespmem:s22], [sflag:$0x2] =	stream.indirect.gather [hbm4b:s4+s20], $0x80, s8, s20, $0xb8;
	[tilespmem:$0x1F000] =	vst v63  }
0x4c: {  	_ =	swait.ge [sflag:s24], $0x4000  }
0x4d: {  	[sflag:s24] =	ssyncset.done $0x0  }
0x4e: {  	s9 =	rddreg [dreg:$0x4];
	[sflag:s24] =	ssyncadd.s32 $0xFFFFC000  }
0x4f: {  	[spmem:s2] =	stream.indirect.scatter.add.f32 [tilespmem:s21], [sflag:$0x5], $0x80, s9, s20, $0xb8;
	[tilespmem:$0x1F000] =	vst v63  }
0x50: {  	_ =	swait.ge [sflag:s15], $0x4000  }
0x51: {  	[sflag:s15] =	ssyncset.done $0x0  }
0x52: {  	s10 =	simm.s32 $0x200;
	[sflag:s15] =	ssyncadd.s32 $0xFFFFC000  }
0x53: {  	[tilespmem:s21], [sflag:$0x1] =	stream.indirect.gather [hbm4b:s4+s20], $0x80, s10, s20, $0xb8;
	[tilespmem:$0x1F000] =	vst v63  }
0x54: {  	_ =	swait.ge [sflag:s25], $0x4000  }
0x55: {  	[sflag:s25] =	ssyncset.done $0x0  }
0x56: {  	s11 =	rddreg [dreg:$0x5];
	[sflag:s25] =	ssyncadd.s32 $0xFFFFC000  }
0x57: {  	[spmem:s2] =	stream.indirect.scatter.add.f32 [tilespmem:s22], [sflag:$0x5], $0x80, s11, s20, $0xb8;
	[tilespmem:$0x1F000] =	vst v63  }
0x58: {  	_ =	swait.ge [sflag:s15], $0x4000  }
0x59: {  	[sflag:s15] =	ssyncset.done $0x0  }
0x5a: {  	s1 =	simm.s32 $0x280;
	[sflag:s15] =	ssyncadd.s32 $0xFFFFC000  }
0x5b: {  	[tilespmem:s22], [sflag:$0x2] =	stream.indirect.gather [hbm4b:s4+s20], $0x80, s1, s20, $0xb8;
	[tilespmem:$0x1F000] =	vst v63  }
0x5c: {  	_ =	swait.ge [sflag:s24], $0x4000  }
0x5d: {  	[sflag:s24] =	ssyncset.done $0x0  }
0x5e: {  	s6 =	rddreg [dreg:$0x6];
	[sflag:s24] =	ssyncadd.s32 $0xFFFFC000  }
0x5f: {  	[spmem:s2] =	stream.indirect.scatter.add.f32 [tilespmem:s21], [sflag:$0x5], $0x80, s6, s20, $0xb8;
	[tilespmem:$0x1F000] =	vst v63  }
0x60: {  	_ =	swait.ge [sflag:s15], $0x4000  }
0x61: {  	[sflag:s15] =	ssyncset.done $0x0  }
0x62: {  	s7 =	simm.s32 $0x300;
	[sflag:s15] =	ssyncadd.s32 $0xFFFFC000  }
0x63: {  	[tilespmem:s21], [sflag:$0x1] =	stream.indirect.gather [hbm4b:s4+s20], $0x80, s7, s20, $0xb8;
	[tilespmem:$0x1F000] =	vst v63  }
0x64: {  	_ =	swait.ge [sflag:s25], $0x4000  }
0x65: {  	[sflag:s25] =	ssyncset.done $0x0  }
0x66: {  	s8 =	rddreg [dreg:$0x7];
	[sflag:s25] =	ssyncadd.s32 $0xFFFFC000  }
0x67: {  	[spmem:s2] =	stream.indirect.scatter.add.f32 [tilespmem:s22], [sflag:$0x5], $0x80, s8, s20, $0xb8;
	[tilespmem:$0x1F000] =	vst v63  }
0x68: {  	_ =	swait.ge [sflag:s15], $0x4000  }
0x69: {  	[sflag:s15] =	ssyncset.done $0x0  }
0x6a: {  	s9 =	simm.s32 $0x380;
	[sflag:s15] =	ssyncadd.s32 $0xFFFFC000  }
0x6b: {  	[tilespmem:s22], [sflag:$0x2] =	stream.indirect.gather [hbm4b:s4+s20], $0x80, s9, s20, $0xb8;
	[tilespmem:$0x1F000] =	vst v63  }
0x6c: {  	_ =	swait.ge [sflag:s24], $0x4000  }
0x6d: {  	[sflag:s24] =	ssyncset.done $0x0  }
0x6e: {  	s10 =	rddreg [dreg:$0x8];
	[sflag:s24] =	ssyncadd.s32 $0xFFFFC000  }
0x6f: {  	[spmem:s2] =	stream.indirect.scatter.add.f32 [tilespmem:s21], [sflag:$0x5], $0x80, s10, s20, $0xb8;
	[tilespmem:$0x1F000] =	vst v63  }
0x70: {  	_ =	swait.ge [sflag:s15], $0x4000  }
0x71: {  	[sflag:s15] =	ssyncset.done $0x0  }
0x72: {  	s11 =	simm.s32 $0x400;
	[sflag:s15] =	ssyncadd.s32 $0xFFFFC000  }
0x73: {  	[tilespmem:s21], [sflag:$0x1] =	stream.indirect.gather [hbm4b:s4+s20], $0x80, s11, s20, $0xb8;
	[tilespmem:$0x1F000] =	vst v63  }
0x74: {  	_ =	swait.ge [sflag:s25], $0x4000  }
0x75: {  	[sflag:s25] =	ssyncset.done $0x0  }
0x76: {  	s1 =	rddreg [dreg:$0x9];
	[sflag:s25] =	ssyncadd.s32 $0xFFFFC000  }
0x77: {  	[spmem:s2] =	stream.indirect.scatter.add.f32 [tilespmem:s22], [sflag:$0x5], $0x80, s1, s20, $0xb8;
	[tilespmem:$0x1F000] =	vst v63  }
0x78: {  	_ =	swait.ge [sflag:s15], $0x4000  }
0x79: {  	p1 =	por $0x0, $0x0;
	[sflag:s15] =	ssyncset.done $0x0  }
0x7a: {  	s6 =	simm.s32 $0x480;
	s1 =	sshrl.u32 @!p1 s13, $0x3;
	[sflag:s15] =	ssyncadd.s32 $0xFFFFC000  }
0x7b: {  	[tilespmem:s22], [sflag:$0x2] =	stream.indirect.gather [hbm4b:s4+s20], $0x80, s6, s20, $0xb8;
	[tilespmem:$0x1F000] =	vst v63  }
0x7c: {  	s0 =	simm.s32 @!p1 $0x2800;
	s1 =	sadd.s32 @!p1 s5, s1;
	s6 =	simm.s32 @!p1 $0x0  }
0x7d: {  	[tilespmem:s0], [sflag:$0x3] =	stream.linear.gather @!p1 [hbm4b:s1+s6], $0x400, $0x38;
	[tilespmem:$0x1F000] =	vst v63  }
0x7e: {  	_ =	swait.ge [sflag:s26], $0x400  }
0x7f: {  	[sflag:s26] =	ssyncset.done $0x0  }
0x80: {  	[sflag:s26] =	ssyncadd.s32 $0xFFFFFC00  }
0x81: {  	_ =	swait.ge [sflag:s24], $0x4000  }
0x82: {  	[sflag:s24] =	ssyncset.done $0x0  }
0x83: {  	[sflag:s24] =	ssyncadd.s32 $0xFFFFC000  }
0x84: {  	[spmem:s2] =	stream.indirect.scatter.add.f32 [tilespmem:s21], [sflag:$0x5], $0x80, s23, s20, $0xb8;
	[tilespmem:$0x1F000] =	vst v63  }
0x85: {  	_ =	swait.ge [sflag:s15], $0x4000  }
0x86: {  	[sflag:s15] =	ssyncset.done $0x0  }
0x87: {  	s7 =	simm.s32 $0x500;
	[sflag:s15] =	ssyncadd.s32 $0xFFFFC000  }
0x88: {  	[tilespmem:s21], [sflag:$0x1] =	stream.indirect.gather [hbm4b:s4+s20], $0x80, s7, s20, $0xb8;
	[tilespmem:$0x1F000] =	vst v63  }
0x89: {  	_ =	swait.ge [sflag:s25], $0x4000  }
0x8a: {  	[sflag:s25] =	ssyncset.done $0x0  }
0x8b: {  	s8 =	rddreg [dreg:$0xa];
	[sflag:s25] =	ssyncadd.s32 $0xFFFFC000  }
0x8c: {  	[spmem:s2] =	stream.indirect.scatter.add.f32 [tilespmem:s22], [sflag:$0x5], $0x80, s8, s20, $0xb8;
	[tilespmem:$0x1F000] =	vst v63  }
0x8d: {  	_ =	swait.ge [sflag:s15], $0x4000  }
0x8e: {  	[sflag:s15] =	ssyncset.done $0x0  }
0x8f: {  	s9 =	simm.s32 $0x580;
	[sflag:s15] =	ssyncadd.s32 $0xFFFFC000  }
0x90: {  	[tilespmem:s22], [sflag:$0x2] =	stream.indirect.gather [hbm4b:s4+s20], $0x80, s9, s20, $0xb8;
	[tilespmem:$0x1F000] =	vst v63  }
0x91: {  	_ =	swait.ge [sflag:s24], $0x4000  }
0x92: {  	[sflag:s24] =	ssyncset.done $0x0  }
0x93: {  	s10 =	rddreg [dreg:$0xb];
	[sflag:s24] =	ssyncadd.s32 $0xFFFFC000  }
0x94: {  	[spmem:s2] =	stream.indirect.scatter.add.f32 [tilespmem:s21], [sflag:$0x5], $0x80, s10, s20, $0xb8;
	[tilespmem:$0x1F000] =	vst v63  }
0x95: {  	_ =	swait.ge [sflag:s15], $0x4000  }
0x96: {  	[sflag:s15] =	ssyncset.done $0x0  }
0x97: {  	s11 =	simm.s32 $0x600;
	[sflag:s15] =	ssyncadd.s32 $0xFFFFC000  }
0x98: {  	[tilespmem:s21], [sflag:$0x1] =	stream.indirect.gather [hbm4b:s4+s20], $0x80, s11, s20, $0xb8;
	[tilespmem:$0x1F000] =	vst v63  }
0x99: {  	_ =	swait.ge [sflag:s25], $0x4000  }
0x9a: {  	[sflag:s25] =	ssyncset.done $0x0  }
0x9b: {  	s1 =	rddreg [dreg:$0xc];
	[sflag:s25] =	ssyncadd.s32 $0xFFFFC000  }
0x9c: {  	[spmem:s2] =	stream.indirect.scatter.add.f32 [tilespmem:s22], [sflag:$0x5], $0x80, s1, s20, $0xb8;
	[tilespmem:$0x1F000] =	vst v63  }
0x9d: {  	_ =	swait.ge [sflag:s15], $0x4000  }
0x9e: {  	[sflag:s15] =	ssyncset.done $0x0  }
0x9f: {  	s6 =	simm.s32 $0x680;
	[sflag:s15] =	ssyncadd.s32 $0xFFFFC000  }
0xa0: {  	[tilespmem:s22], [sflag:$0x2] =	stream.indirect.gather [hbm4b:s4+s20], $0x80, s6, s20, $0xb8;
	[tilespmem:$0x1F000] =	vst v63  }
0xa1: {  	_ =	swait.ge [sflag:s24], $0x4000  }
0xa2: {  	[sflag:s24] =	ssyncset.done $0x0  }
0xa3: {  	s7 =	rddreg [dreg:$0xd];
	[sflag:s24] =	ssyncadd.s32 $0xFFFFC000  }
0xa4: {  	[spmem:s2] =	stream.indirect.scatter.add.f32 [tilespmem:s21], [sflag:$0x5], $0x80, s7, s20, $0xb8;
	[tilespmem:$0x1F000] =	vst v63  }
0xa5: {  	_ =	swait.ge [sflag:s15], $0x4000  }
0xa6: {  	[sflag:s15] =	ssyncset.done $0x0  }
0xa7: {  	s8 =	simm.s32 $0x700;
	[sflag:s15] =	ssyncadd.s32 $0xFFFFC000  }
0xa8: {  	[tilespmem:s21], [sflag:$0x1] =	stream.indirect.gather [hbm4b:s4+s20], $0x80, s8, s20, $0xb8;
	[tilespmem:$0x1F000] =	vst v63  }
0xa9: {  	_ =	swait.ge [sflag:s25], $0x4000  }
0xaa: {  	[sflag:s25] =	ssyncset.done $0x0  }
0xab: {  	s9 =	rddreg [dreg:$0xe];
	[sflag:s25] =	ssyncadd.s32 $0xFFFFC000  }
0xac: {  	[spmem:s2] =	stream.indirect.scatter.add.f32 [tilespmem:s22], [sflag:$0x5], $0x80, s9, s20, $0xb8;
	[tilespmem:$0x1F000] =	vst v63  }
0xad: {  	_ =	swait.ge [sflag:s15], $0x4000  }
0xae: {  	[sflag:s15] =	ssyncset.done $0x0  }
0xaf: {  	s10 =	simm.s32 $0x780;
	[sflag:s15] =	ssyncadd.s32 $0xFFFFC000  }
0xb0: {  	[tilespmem:s22], [sflag:$0x2] =	stream.indirect.gather [hbm4b:s4+s20], $0x80, s10, s20, $0xb8;
	[tilespmem:$0x1F000] =	vst v63  }
0xb1: {  	_ =	swait.ge [sflag:s24], $0x4000  }
0xb2: {  	[sflag:s24] =	ssyncset.done $0x0  }
0xb3: {  	s11 =	rddreg [dreg:$0xf];
	[sflag:s24] =	ssyncadd.s32 $0xFFFFC000  }
0xb4: {  	[spmem:s2] =	stream.indirect.scatter.add.f32 [tilespmem:s21], [sflag:$0x5], $0x80, s11, s20, $0xb8;
	[tilespmem:$0x1F000] =	vst v63  }
0xb5: {  	_ =	swait.ge [sflag:s15], $0x4000  }
0xb6: {  	p2 =	por $0x0, $0x0;
	[sflag:s15] =	ssyncset.done $0x0  }
0xb7: {  	s0 =	simm.s32 @p2 $0x2;
	[sflag:s15] =	ssyncadd.s32 $0xFFFFC000  }
0xb8: {  	_ =	swait.ge @p2 [sflag:s0], $0x4000  }
0xb9: {  	s1 =	simm.s32 @p2 $0x7000;
	s6 =	simm.s32 @p2 $0x80;
	[sflag:s0] =	ssyncset.done @p2 $0x0  }
0xba: {  	s7 =	simm.s32 @p2 $0x2F80;
	[sflag:s0] =	ssyncadd.s32 @p2 $0xFFFFC000;
	s0 =	simm.s32 @p2 $0x5  }
0xbb: {  	[spmem:s2] =	stream.indirect.scatter.add.f32 @p2 [tilespmem:s1], [sflag:$0x5], $0x80, s7, s6, $0xb8;
	[tilespmem:$0x1F000] =	vst v63  }
0xbc: {  	_ =	swait.ge @p2 [sflag:s0], $0x4000  }
0xbd: {  	s1 =	simm.s32 @!p2 $0x800;
	s7 =	simm.s32 @!p2 $0x80;
	[sflag:s0] =	ssyncset.done @p2 $0x0  }
0xbe: {  	s6 =	simm.s32 @!p2 $0x3000;
	[sflag:s0] =	ssyncadd.s32 @p2 $0xFFFFC000;
	s0 =	simm.s32 @!p2 $0x2  }
0xbf: {  	[tilespmem:s6], [sflag:$0x1] =	stream.indirect.gather @!p2 [hbm4b:s4+s7], $0x80, s1, s7, $0xb8;
	[tilespmem:$0x1F000] =	vst v63  }
0xc0: {  	_ =	swait.ge @!p2 [sflag:s0], $0x4000  }
0xc1: {  	s29 =	simm.s32 $0x2000;
	s8 =	simm.s32 @!p2 $0x7000;
	[sflag:s0] =	ssyncset.done @!p2 $0x0  }
0xc2: {  	s1 =	simm.s32 @!p2 $0x2F80;
	[sflag:s0] =	ssyncadd.s32 @!p2 $0xFFFFC000;
	s0 =	simm.s32 @!p2 $0x5  }
0xc3: {  	[spmem:s2] =	stream.indirect.scatter.add.f32 @!p2 [tilespmem:s8], [sflag:$0x5], $0x80, s1, s7, $0xb8;
	[tilespmem:$0x1F000] =	vst v63  }
0xc4: {  	s30 =	simm.s32 $0x3;
	s31 =	sadd.s32 $0x800, s13;
	_ =	swait.ge @!p2 [sflag:s0], $0x4000  }
0xc5: {  	s6 =	simm.s32 @!p2 $0x880;
	s1 =	sadd.s32 $0x100, s14;
	[sflag:s0] =	ssyncset.done @!p2 $0x0  }
.LBB2_2:
0xc6: {  	p3 =	seq.s32 s29, $0x0;
	[sflag:s0] =	ssyncadd.s32 @!p2 $0xFFFFC000  }
0xc7: {  	[tilespmem:s8], [sflag:$0x2] =	stream.indirect.gather @!p2 [hbm4b:s4+s7], $0x80, s6, s7, $0xb8;
	[tilespmem:$0x1F000] =	vst v63  }
0xc8: {  	s6 =	simm.s32 @!p3 $0x3  }
0xc9: {  	[tilespmem:s23], [sflag:$0x4] =	stream.linear.gather [hbm4b:s1+s3], $0x400, $0x38;
	[tilespmem:$0x1F000] =	vst v63  }
0xca: {  	_ =	swait.ge @!p3 [sflag:s6], $0x400  }
0xcb: {  	[sflag:s6] =	ssyncset.done @!p3 $0x0  }
0xcc: {  	[sflag:s6] =	ssyncadd.s32 @!p3 $0xFFFFFC00  }
0xcd: {  	_ =	swait.ge [sflag:s24], $0x4000  }
0xce: {  	[sflag:s24] =	ssyncset.done $0x0  }
0xcf: {  	[sflag:s24] =	ssyncadd.s32 $0xFFFFC000  }
0xd0: {  	[spmem:s2] =	stream.indirect.scatter.add.f32 [tilespmem:s21], [sflag:$0x5], $0x80, s16, s20, $0xb8;
	[tilespmem:$0x1F000] =	vst v63  }
0xd1: {  	s0 =	smov.u32 s29;
	_ =	swait.ge [sflag:s15], $0x4000  }
0xd2: {  	s6 =	sshra.s32 s0, $0x2;
	[sflag:s15] =	ssyncset.done $0x0  }
0xd3: {  	s9 =	sadd.s32 $0x100, s6;
	[sflag:s15] =	ssyncadd.s32 $0xFFFFC000  }
0xd4: {  	[tilespmem:s21], [sflag:$0x1] =	stream.indirect.gather [hbm4b:s4+s20], $0x80, s9, s20, $0xb8;
	[tilespmem:$0x1F000] =	vst v63  }
0xd5: {  	_ =	swait.ge [sflag:s25], $0x4000  }
0xd6: {  	[sflag:s25] =	ssyncset.done $0x0  }
0xd7: {  	s10 =	rddreg [dreg:$0x3];
	[sflag:s25] =	ssyncadd.s32 $0xFFFFC000  }
0xd8: {  	[spmem:s2] =	stream.indirect.scatter.add.f32 [tilespmem:s22], [sflag:$0x5], $0x80, s10, s20, $0xb8;
	[tilespmem:$0x1F000] =	vst v63  }
0xd9: {  	_ =	swait.ge [sflag:s15], $0x4000  }
0xda: {  	[sflag:s15] =	ssyncset.done $0x0  }
0xdb: {  	s11 =	sadd.s32 $0x180, s6;
	[sflag:s15] =	ssyncadd.s32 $0xFFFFC000  }
0xdc: {  	[tilespmem:s22], [sflag:$0x2] =	stream.indirect.gather [hbm4b:s4+s20], $0x80, s11, s20, $0xb8;
	[tilespmem:$0x1F000] =	vst v63  }
0xdd: {  	_ =	swait.ge [sflag:s24], $0x4000  }
0xde: {  	[sflag:s24] =	ssyncset.done $0x0  }
0xdf: {  	s8 =	rddreg [dreg:$0x4];
	[sflag:s24] =	ssyncadd.s32 $0xFFFFC000  }
0xe0: {  	[spmem:s2] =	stream.indirect.scatter.add.f32 [tilespmem:s21], [sflag:$0x5], $0x80, s8, s20, $0xb8;
	[tilespmem:$0x1F000] =	vst v63  }
0xe1: {  	_ =	swait.ge [sflag:s15], $0x4000  }
0xe2: {  	[sflag:s15] =	ssyncset.done $0x0  }
0xe3: {  	s9 =	sadd.s32 $0x200, s6;
	[sflag:s15] =	ssyncadd.s32 $0xFFFFC000  }
0xe4: {  	[tilespmem:s21], [sflag:$0x1] =	stream.indirect.gather [hbm4b:s4+s20], $0x80, s9, s20, $0xb8;
	[tilespmem:$0x1F000] =	vst v63  }
0xe5: {  	_ =	swait.ge [sflag:s25], $0x4000  }
0xe6: {  	[sflag:s25] =	ssyncset.done $0x0  }
0xe7: {  	s10 =	rddreg [dreg:$0x5];
	[sflag:s25] =	ssyncadd.s32 $0xFFFFC000  }
0xe8: {  	[spmem:s2] =	stream.indirect.scatter.add.f32 [tilespmem:s22], [sflag:$0x5], $0x80, s10, s20, $0xb8;
	[tilespmem:$0x1F000] =	vst v63  }
0xe9: {  	_ =	swait.ge [sflag:s15], $0x4000  }
0xea: {  	[sflag:s15] =	ssyncset.done $0x0  }
0xeb: {  	s11 =	sadd.s32 $0x280, s6;
	[sflag:s15] =	ssyncadd.s32 $0xFFFFC000  }
0xec: {  	[tilespmem:s22], [sflag:$0x2] =	stream.indirect.gather [hbm4b:s4+s20], $0x80, s11, s20, $0xb8;
	[tilespmem:$0x1F000] =	vst v63  }
0xed: {  	_ =	swait.ge [sflag:s24], $0x4000  }
0xee: {  	[sflag:s24] =	ssyncset.done $0x0  }
0xef: {  	s8 =	rddreg [dreg:$0x6];
	[sflag:s24] =	ssyncadd.s32 $0xFFFFC000  }
0xf0: {  	[spmem:s2] =	stream.indirect.scatter.add.f32 [tilespmem:s21], [sflag:$0x5], $0x80, s8, s20, $0xb8;
	[tilespmem:$0x1F000] =	vst v63  }
0xf1: {  	_ =	swait.ge [sflag:s15], $0x4000  }
0xf2: {  	[sflag:s15] =	ssyncset.done $0x0  }
0xf3: {  	s9 =	sadd.s32 $0x300, s6;
	[sflag:s15] =	ssyncadd.s32 $0xFFFFC000  }
0xf4: {  	[tilespmem:s21], [sflag:$0x1] =	stream.indirect.gather [hbm4b:s4+s20], $0x80, s9, s20, $0xb8;
	[tilespmem:$0x1F000] =	vst v63  }
0xf5: {  	_ =	swait.ge [sflag:s25], $0x4000  }
0xf6: {  	[sflag:s25] =	ssyncset.done $0x0  }
0xf7: {  	s10 =	rddreg [dreg:$0x7];
	[sflag:s25] =	ssyncadd.s32 $0xFFFFC000  }
0xf8: {  	[spmem:s2] =	stream.indirect.scatter.add.f32 [tilespmem:s22], [sflag:$0x5], $0x80, s10, s20, $0xb8;
	[tilespmem:$0x1F000] =	vst v63  }
0xf9: {  	_ =	swait.ge [sflag:s15], $0x4000  }
0xfa: {  	[sflag:s15] =	ssyncset.done $0x0  }
0xfb: {  	s11 =	sadd.s32 $0x380, s6;
	[sflag:s15] =	ssyncadd.s32 $0xFFFFC000  }
0xfc: {  	[tilespmem:s22], [sflag:$0x2] =	stream.indirect.gather [hbm4b:s4+s20], $0x80, s11, s20, $0xb8;
	[tilespmem:$0x1F000] =	vst v63  }
0xfd: {  	_ =	swait.ge [sflag:s24], $0x4000  }
0xfe: {  	[sflag:s24] =	ssyncset.done $0x0  }
0xff: {  	s8 =	rddreg [dreg:$0x8];
	[sflag:s24] =	ssyncadd.s32 $0xFFFFC000  }
0x100: {  	[spmem:s2] =	stream.indirect.scatter.add.f32 [tilespmem:s21], [sflag:$0x5], $0x80, s8, s20, $0xb8;
	[tilespmem:$0x1F000] =	vst v63  }
0x101: {  	_ =	swait.ge [sflag:s15], $0x4000  }
0x102: {  	[sflag:s15] =	ssyncset.done $0x0  }
0x103: {  	s9 =	sadd.s32 $0x400, s6;
	[sflag:s15] =	ssyncadd.s32 $0xFFFFC000  }
0x104: {  	[tilespmem:s21], [sflag:$0x1] =	stream.indirect.gather [hbm4b:s4+s20], $0x80, s9, s20, $0xb8;
	[tilespmem:$0x1F000] =	vst v63  }
0x105: {  	_ =	swait.ge [sflag:s25], $0x4000  }
0x106: {  	[sflag:s25] =	ssyncset.done $0x0  }
0x107: {  	s10 =	rddreg [dreg:$0x9];
	[sflag:s25] =	ssyncadd.s32 $0xFFFFC000  }
0x108: {  	[spmem:s2] =	stream.indirect.scatter.add.f32 [tilespmem:s22], [sflag:$0x5], $0x80, s10, s20, $0xb8;
	[tilespmem:$0x1F000] =	vst v63  }
0x109: {  	_ =	swait.ge [sflag:s15], $0x4000  }
0x10a: {  	p2 =	seq.s32 s0, $0x8000;
	[sflag:s15] =	ssyncset.done $0x0  }
0x10b: {  	s11 =	sadd.s32 $0x480, s6;
	s8 =	sshrl.u32 @!p2 s31, $0x3;
	[sflag:s15] =	ssyncadd.s32 $0xFFFFC000  }
0x10c: {  	[tilespmem:s22], [sflag:$0x2] =	stream.indirect.gather [hbm4b:s4+s20], $0x80, s11, s20, $0xb8;
	[tilespmem:$0x1F000] =	vst v63  }
0x10d: {  	s7 =	sadd.s32 @!p2 s5, s8;
	s8 =	simm.s32 @!p2 $0x0;
	s9 =	simm.s32 @!p2 $0x2800  }
0x10e: {  	[tilespmem:s9], [sflag:$0x3] =	stream.linear.gather @!p2 [hbm4b:s7+s8], $0x400, $0x38;
	[tilespmem:$0x1F000] =	vst v63  }
0x10f: {  	_ =	swait.ge [sflag:s26], $0x400  }
0x110: {  	[sflag:s26] =	ssyncset.done $0x0  }
0x111: {  	[sflag:s26] =	ssyncadd.s32 $0xFFFFFC00  }
0x112: {  	_ =	swait.ge [sflag:s24], $0x4000  }
0x113: {  	[sflag:s24] =	ssyncset.done $0x0  }
0x114: {  	[sflag:s24] =	ssyncadd.s32 $0xFFFFC000  }
0x115: {  	[spmem:s2] =	stream.indirect.scatter.add.f32 [tilespmem:s21], [sflag:$0x5], $0x80, s23, s20, $0xb8;
	[tilespmem:$0x1F000] =	vst v63  }
0x116: {  	_ =	swait.ge [sflag:s15], $0x4000  }
0x117: {  	[sflag:s15] =	ssyncset.done $0x0  }
0x118: {  	s9 =	sadd.s32 $0x500, s6;
	[sflag:s15] =	ssyncadd.s32 $0xFFFFC000  }
0x119: {  	[tilespmem:s21], [sflag:$0x1] =	stream.indirect.gather [hbm4b:s4+s20], $0x80, s9, s20, $0xb8;
	[tilespmem:$0x1F000] =	vst v63  }
0x11a: {  	_ =	swait.ge [sflag:s25], $0x4000  }
0x11b: {  	[sflag:s25] =	ssyncset.done $0x0  }
0x11c: {  	s10 =	rddreg [dreg:$0xa];
	[sflag:s25] =	ssyncadd.s32 $0xFFFFC000  }
0x11d: {  	[spmem:s2] =	stream.indirect.scatter.add.f32 [tilespmem:s22], [sflag:$0x5], $0x80, s10, s20, $0xb8;
	[tilespmem:$0x1F000] =	vst v63  }
0x11e: {  	_ =	swait.ge [sflag:s15], $0x4000  }
0x11f: {  	[sflag:s15] =	ssyncset.done $0x0  }
0x120: {  	s11 =	sadd.s32 $0x580, s6;
	[sflag:s15] =	ssyncadd.s32 $0xFFFFC000  }
0x121: {  	[tilespmem:s22], [sflag:$0x2] =	stream.indirect.gather [hbm4b:s4+s20], $0x80, s11, s20, $0xb8;
	[tilespmem:$0x1F000] =	vst v63  }
0x122: {  	_ =	swait.ge [sflag:s24], $0x4000  }
0x123: {  	[sflag:s24] =	ssyncset.done $0x0  }
0x124: {  	s8 =	rddreg [dreg:$0xb];
	[sflag:s24] =	ssyncadd.s32 $0xFFFFC000  }
0x125: {  	[spmem:s2] =	stream.indirect.scatter.add.f32 [tilespmem:s21], [sflag:$0x5], $0x80, s8, s20, $0xb8;
	[tilespmem:$0x1F000] =	vst v63  }
0x126: {  	_ =	swait.ge [sflag:s15], $0x4000  }
0x127: {  	[sflag:s15] =	ssyncset.done $0x0  }
0x128: {  	s9 =	sadd.s32 $0x600, s6;
	[sflag:s15] =	ssyncadd.s32 $0xFFFFC000  }
0x129: {  	[tilespmem:s21], [sflag:$0x1] =	stream.indirect.gather [hbm4b:s4+s20], $0x80, s9, s20, $0xb8;
	[tilespmem:$0x1F000] =	vst v63  }
0x12a: {  	_ =	swait.ge [sflag:s25], $0x4000  }
0x12b: {  	[sflag:s25] =	ssyncset.done $0x0  }
0x12c: {  	s10 =	rddreg [dreg:$0xc];
	[sflag:s25] =	ssyncadd.s32 $0xFFFFC000  }
0x12d: {  	[spmem:s2] =	stream.indirect.scatter.add.f32 [tilespmem:s22], [sflag:$0x5], $0x80, s10, s20, $0xb8;
	[tilespmem:$0x1F000] =	vst v63  }
0x12e: {  	_ =	swait.ge [sflag:s15], $0x4000  }
0x12f: {  	[sflag:s15] =	ssyncset.done $0x0  }
0x130: {  	s11 =	sadd.s32 $0x680, s6;
	[sflag:s15] =	ssyncadd.s32 $0xFFFFC000  }
0x131: {  	[tilespmem:s22], [sflag:$0x2] =	stream.indirect.gather [hbm4b:s4+s20], $0x80, s11, s20, $0xb8;
	[tilespmem:$0x1F000] =	vst v63  }
0x132: {  	_ =	swait.ge [sflag:s24], $0x4000  }
0x133: {  	[sflag:s24] =	ssyncset.done $0x0  }
0x134: {  	s8 =	rddreg [dreg:$0xd];
	[sflag:s24] =	ssyncadd.s32 $0xFFFFC000  }
0x135: {  	[spmem:s2] =	stream.indirect.scatter.add.f32 [tilespmem:s21], [sflag:$0x5], $0x80, s8, s20, $0xb8;
	[tilespmem:$0x1F000] =	vst v63  }
0x136: {  	_ =	swait.ge [sflag:s15], $0x4000  }
0x137: {  	[sflag:s15] =	ssyncset.done $0x0  }
0x138: {  	s9 =	sadd.s32 $0x700, s6;
	[sflag:s15] =	ssyncadd.s32 $0xFFFFC000  }
0x139: {  	[tilespmem:s21], [sflag:$0x1] =	stream.indirect.gather [hbm4b:s4+s20], $0x80, s9, s20, $0xb8;
	[tilespmem:$0x1F000] =	vst v63  }
0x13a: {  	_ =	swait.ge [sflag:s25], $0x4000  }
0x13b: {  	[sflag:s25] =	ssyncset.done $0x0  }
0x13c: {  	s10 =	rddreg [dreg:$0xe];
	[sflag:s25] =	ssyncadd.s32 $0xFFFFC000  }
0x13d: {  	[spmem:s2] =	stream.indirect.scatter.add.f32 [tilespmem:s22], [sflag:$0x5], $0x80, s10, s20, $0xb8;
	[tilespmem:$0x1F000] =	vst v63  }
0x13e: {  	_ =	swait.ge [sflag:s15], $0x4000  }
0x13f: {  	[sflag:s15] =	ssyncset.done $0x0  }
0x140: {  	s6 =	sadd.s32 $0x780, s6;
	[sflag:s15] =	ssyncadd.s32 $0xFFFFC000  }
0x141: {  	[tilespmem:s22], [sflag:$0x2] =	stream.indirect.gather [hbm4b:s4+s20], $0x80, s6, s20, $0xb8;
	[tilespmem:$0x1F000] =	vst v63  }
0x142: {  	_ =	swait.ge [sflag:s24], $0x4000  }
0x143: {  	[sflag:s24] =	ssyncset.done $0x0  }
0x144: {  	s11 =	rddreg [dreg:$0xf];
	[sflag:s24] =	ssyncadd.s32 $0xFFFFC000  }
0x145: {  	[spmem:s2] =	stream.indirect.scatter.add.f32 [tilespmem:s21], [sflag:$0x5], $0x80, s11, s20, $0xb8;
	[tilespmem:$0x1F000] =	vst v63  }
0x146: {  	_ =	swait.ge [sflag:s15], $0x4000  }
0x147: {  	p2 =	sgt.u32 s30, $0x8;
	[sflag:s15] =	ssyncset.done $0x0  }
0x148: {  	s7 =	simm.s32 @p2 $0x2;
	s0 =	sshra.s32 @!p2 s0, $0x2;
	[sflag:s15] =	ssyncadd.s32 $0xFFFFC000  }
0x149: {  	s8 =	sadd.s32 @!p2 $0x800, s0;
	s9 =	simm.s32 @p2 $0x80;
	_ =	swait.ge @p2 [sflag:s7], $0x4000  }
0x14a: {  	s10 =	simm.s32 @p2 $0x2F80;
	s6 =	sadd.s32 @!p2 $0x880, s0;
	[sflag:s7] =	ssyncset.done @p2 $0x0  }
0x14b: {  	s0 =	simm.s32 @p2 $0x7000;
	s11 =	simm.s32 @p2 $0x5;
	[sflag:s7] =	ssyncadd.s32 @p2 $0xFFFFC000  }
0x14c: {  	[spmem:s2] =	stream.indirect.scatter.add.f32 @p2 [tilespmem:s0], [sflag:$0x5], $0x80, s10, s9, $0xb8;
	[tilespmem:$0x1F000] =	vst v63  }
0x14d: {  	_ =	swait.ge @p2 [sflag:s11], $0x4000  }
0x14e: {  	s29 =	sadd.s32 $0x2000, s29;
	s7 =	simm.s32 @!p2 $0x80;
	[sflag:s11] =	ssyncset.done @p2 $0x0  }
0x14f: {  	s0 =	simm.s32 @!p2 $0x3000;
	s9 =	simm.s32 @!p2 $0x2;
	[sflag:s11] =	ssyncadd.s32 @p2 $0xFFFFC000  }
0x150: {  	[tilespmem:s0], [sflag:$0x1] =	stream.indirect.gather @!p2 [hbm4b:s4+s7], $0x80, s8, s7, $0xb8;
	[tilespmem:$0x1F000] =	vst v63  }
0x151: {  	p1 =	sne.s32 s29, $0xA000;
	_ =	swait.ge @!p2 [sflag:s9], $0x4000  }
.Ltmp0:
0x152: {  	s10 =	simm.s32 @!p2 $0x2F80;
	[sflag:s9] =	ssyncset.done @!p2 $0x0;
	(pc) =	sbr.rel @p1 .LBB2_2-.Ltmp0, $4  }
0x153: {  	s8 =	simm.s32 @!p2 $0x7000;
	s0 =	simm.s32 @!p2 $0x5;
	[sflag:s9] =	ssyncadd.s32 @!p2 $0xFFFFC000  }
0x154: {  	[spmem:s2] =	stream.indirect.scatter.add.f32 @!p2 [tilespmem:s8], [sflag:$0x5], $0x80, s10, s7, $0xb8;
	[tilespmem:$0x1F000] =	vst v63  }
0x155: {  	s1 =	sadd.s32 $0x100, s1;
	_ =	swait.ge @!p2 [sflag:s0], $0x4000  }
0x156: {  	s31 =	sadd.s32 $0x800, s31;
	s30 =	sadd.s32 $0x2, s30;
	[sflag:s0] =	ssyncset.done @!p2 $0x0  }
0x157: {  	[sflag:s0] =	ssyncadd.s32 @!p2 $0xFFFFC000  }
0x158: {  	[tilespmem:s8], [sflag:$0x2] =	stream.indirect.gather @!p2 [hbm4b:s4+s7], $0x80, s6, s7, $0xb8;
	[tilespmem:$0x1F000] =	vst v63  }
0x159: {  	[bflag:$0x0] =	sbarrier.arrive $0xFFFF  }
0x15a: {  	s0 =	simm.s32 @p0 $0x1FC5;
	s1 =	rddreg [dreg:$0x15]  }
0x15b: {  	[hbm:s1], [sflag:s0] =	dma.local @p0 [spmem:s17], $0x1900  }
0x15c: {  	s0 =	simm.s32 @p0 $0x5  }
0x15d: {  	_ =	swait.ge @p0 [sflag:s0], $0x1900  }
0x15e: {  	s28 =	sadd.s32 $0x1, s28;
	[sflag:s0] =	ssyncset.done @p0 $0x0  }
0x15f: {  	p1 =	sne.s32 s28, s12;
	[sflag:s0] =	ssyncadd.s32 @p0 $0xFFFFE700;
	s0 =	rddreg [dreg:$0x14]  }
0x160: {  	[hbm:s0], [sflag:s18] =	dma.local @!p0 [spmem:s19], $0x2800  }
.Ltmp1:
0x161: {  	_ = 	snop;
	(pc) =	sbr.rel @p1 .LBB2_1-.Ltmp1, $4  }
0x162: {  	s0 =	simm.s32 @!p0 $0x5  }
0x163: {  	_ =	swait.ge @!p0 [sflag:s0], $0x2800  }
0x164: {  	[sflag:s0] =	ssyncset.done @!p0 $0x0  }
0x165: {  	[sflag:s0] =	ssyncadd.s32 @!p0 $0xFFFFD800  }
0x166: {  	_ =	sfence.sel $0x180000  }
0x167: {  	[bflag:$0x0] =	sbarrier.arrive $0xFFFF  }
0x168: {  	_ =	strace $0x9000004D  }
0x169: {  	s0 =	stileid.u32;
	[bflag:$0x2] =	sbarrier.arrive $0xFFFF  }
0x16a: {  	p0 =	sne.s32 s0, $0x0;
	s0 =	rddreg [dreg:$0x2]  }
0x16b: {  	s0 =	sadd.s32 @!p0 $0x100000, s0  }
0x16c: {  	[sflag:s0] =	ssyncadd.tile.s32 @!p0 $0x1;
	_ =	shalt  }
.Lfunc_end2:
_tile_overlayer_lowered:
.L_overlay_start_2:
0x16d: {  	(tag) =	ssettag $0x2  }
0x16e: {  	s0 =	rddreg [dreg:$0x0];
	s2 =	stileid.u32  }
0x16f: {  	s1 =	rddreg [dreg:$0x1];
	p0 =	sne.s32 s2, $0x0  }
0x170: {  	s3 =	rddreg [dreg:$0x2];
	[bflag:$0x3] =	sbarrier.arrive $0xFFFF;
	s2 =	simm.s32 @!p0 $0x1C05  }
0x171: {  	[timem:s3], [sflag:s2] =	dma.local @!p0 [hbm:s0], s1  }
0x172: {  	s0 =	simm.s32 @!p0 $0x5  }
0x173: {  	_ =	swait.ge @!p0 [sflag:s0], s1  }
0x174: {  	s1 =	ssub.s32 @!p0 $0x0, s1;
	[sflag:s0] =	ssyncset.done @!p0 $0x0  }
0x175: {  	[sflag:s0] =	ssyncadd.s32 @!p0 s1  }
0x176: {  	[bflag:$0x3] =	sbarrier.arrive $0xFFFF  }
0x177: {  	_ =	shalt  }

// kernel: kernel.8.cloned.1.call-start
scs
__scs_entry_jumppad:
0x0: {  	(pc) =	sbr.rel $0x88, $3  }
0x1: {  	(tag) =	ssettag $0x0;
	lr =	simm.s32 $0x1  }
0x2: {  	[smem:$0x3F7F] =	sst lr;
	_ =	strace $0xD0000000  }
0x3: {  	_ = 	snop  }
0x4: {  	_ = 	snop  }
0x5: {  	_ = 	snop  }
0x6: {  	_ = 	snop  }
0x7: {  	_ = 	snop  }
__scs_overlays_trampoline_lowered:
0x8: {  	[smem:$0x3F8E] =	sst s0  }
0x9: {  	[smem:$0x3F8F] =	sst s1  }
0xa: {  	[smem:$0x3F90] =	sst s2  }
0xb: {  	[smem:$0x3F91] =	sst s3  }
0xc: {  	[smem:$0x3F92] =	sst s4  }
0xd: {  	[smem:$0x3F93] =	sst s5  }
0xe: {  	[smem:$0x3F94] =	sst s6  }
0xf: {  	[smem:$0x3F95] =	sst s7  }
0x10: {  	[smem:$0x3F96] =	sst s8  }
0x11: {  	[smem:$0x3F97] =	sst s9;
	s0 =	simm.s32 @!p0 $0x0  }
0x12: {  	s1 =	sld [smem:$0x3F7D];
	s0 =	simm.s32 @p0 $0x1  }
0x13: {  	[smem:$0x3F98] =	sst s0;
	s0 =	simm.s32 @!p1 $0x0  }
0x14: {  	s2 =	sld [smem:$0x3F7C];
	s0 =	simm.s32 @p1 $0x1  }
0x15: {  	[smem:$0x3F99] =	sst s0;
	s0 =	simm.s32 @!p2 $0x0  }
0x16: {  	s3 =	sld [smem:$0x3FDB];
	s0 =	simm.s32 @p2 $0x1  }
0x17: {  	s4 =	simm.s32 $0x1BF5;
	[smem:$0x3F9B] =	sst s0  }
0x18: {  	s0 =	sld [smem:$0x3F7E];
	_ =	swait.ge [sflag:s4], $0x0  }
0x19: {  	s7 =	sld [smem:$0x3F7F]  }
0x1a: {  	s8 =	sadd.s32 $0xFFFFE003, lr  }
0x1b: {  	s9 =	sadd.s32 $0xFFFFFEF7, lr;
	s5 =	simm.s32 $0xFFFFFFFF;
	p2 =	slt.u32 s8, $0xFFFFF086  }
0x1c: {  	p1 =	slt.u32 s9, $0xF7A;
	s5 =	simm.s32 @!p2 $0x0  }
0x1d: {  	s5 =	simm.s32 @p1 $0x1;
	p0 =	seq.s32 s7, s2  }
0x1e: {  	s7 =	smul.u32 @!p0 $0xF7A, s2;
	p2 =	seq.s32 @!p0 s5, $0x0  }
0x1f: {  	s9 =	smul.u32 $0xF7A, s1;
	s8 =	simm.s32 @!p0 $0x1BF5;
	p2 =	por !p2, p0  }
0x20: {  	[sflag:s8] =	ssyncset.s32 @!p0 $0xFFFFF086;
	s6 =	sadd.s32 @!p0 s3, s7;
	s7 =	simm.s32 @!p0 $0x108  }
0x21: {  	s3 =	sadd.s32 s3, s9;
	s6 =	sadd.s32 @!p0 $0x88, s6;
	s7 =	simm.s32 @p2 $0x1082  }
0x22: {  	[simem:s7], [sflag:s8] =	dma.local @!p0 [hbm:s6], $0xF7A  }
0x23: {  	s9 =	sor.u32 $0xD0000000, s2;
	s6 =	simm.s32 $0x108;
	_ =	swait.ge @!p0 [sflag:s8], $0x0  }
0x24: {  	s3 =	sadd.s32 $0x88, s3;
	s6 =	simm.s32 @!p1 $0x1082;
	[sflag:s4] =	ssyncset.s32 $0xFFFFF086  }
0x25: {  	[simem:s6], [sflag:s4] =	dma.local [hbm:s3], $0xF7A  }
0x26: {  	[smem:$0x3F7F] =	sst s1;
	(tag) =	ssettag s2;
	_ =	strace s9  }
0x27: {  	s1 =	sld [smem:$0x3F8F]  }
0x28: {  	s2 =	sld [smem:$0x3F90]  }
0x29: {  	s4 =	sld [smem:$0x3F92]  }
0x2a: {  	p0 =	seq.s32 s5, $0x0;
	s5 =	sld [smem:$0x3F93]  }
0x2b: {  	s6 =	sld [smem:$0x3F94]  }
0x2c: {  	s7 =	sld [smem:$0x3F95]  }
0x2d: {  	s3 =	simm.s32 $0x108;
	s8 =	sld [smem:$0x3F96]  }
0x2e: {  	s3 =	simm.s32 @!p0 $0x1082;
	s9 =	sld [smem:$0x3F97]  }
0x2f: {  	lr =	sadd.s32 s0, s3;
	s0 =	sld [smem:$0x3F8E]  }
0x30: {  	s3 =	sld [smem:$0x3F91]  }
0x31: {  	[smem:$0x3F9A] =	sst s10  }
0x32: {  	s10 =	sld [smem:$0x3F98];
	_ =	sdelay $0x3  }
0x33: {  	p0 =	seq.s32 s10, $0x1;
	s10 =	sld [smem:$0x3F9A];
	_ =	sdelay $0x3  }
0x34: {  	[smem:$0x3F9A] =	sst s10  }
0x35: {  	s10 =	sld [smem:$0x3F99];
	_ =	sdelay $0x3  }
0x36: {  	p1 =	seq.s32 s10, $0x1;
	s10 =	sld [smem:$0x3F9A];
	_ =	sdelay $0x3  }
0x37: {  	[smem:$0x3F9A] =	sst s10  }
0x38: {  	s10 =	sld [smem:$0x3F9B]  }
0x39: {  	_ = 	snop;
	(pc) =	sbr.ind lr, $3  }
0x3a: {  	_ = 	snop  }
0x3b: {  	_ = 	snop  }
0x3c: {  	p2 =	seq.s32 s10, $0x1;
	s10 =	sld [smem:$0x3F9A]  }
0x3d: {  	_ =	shalt  }
0x3e: {  	_ =	shalt  }
0x3f: {  	_ =	shalt  }
0x40: {  	_ =	shalt  }
0x41: {  	_ =	shalt  }
0x42: {  	_ =	shalt  }
0x43: {  	_ =	shalt  }
0x44: {  	_ =	shalt  }
0x45: {  	_ =	shalt  }
0x46: {  	_ =	shalt  }
0x47: {  	_ =	shalt  }
0x48: {  	_ =	shalt  }
0x49: {  	_ =	shalt  }
0x4a: {  	_ =	shalt  }
0x4b: {  	_ =	shalt  }
0x4c: {  	_ =	shalt  }
0x4d: {  	_ =	shalt  }
0x4e: {  	_ =	shalt  }
0x4f: {  	_ =	shalt  }
0x50: {  	_ =	shalt  }
0x51: {  	_ =	shalt  }
0x52: {  	_ =	shalt  }
0x53: {  	_ =	shalt  }
0x54: {  	_ =	shalt  }
0x55: {  	_ =	shalt  }
0x56: {  	_ =	shalt  }
0x57: {  	_ =	shalt  }
0x58: {  	_ =	shalt  }
0x59: {  	_ =	shalt  }
0x5a: {  	_ =	shalt  }
0x5b: {  	_ =	shalt  }
0x5c: {  	_ =	shalt  }
0x5d: {  	_ =	shalt  }
0x5e: {  	_ =	shalt  }
0x5f: {  	_ =	shalt  }
0x60: {  	_ =	shalt  }
0x61: {  	_ =	shalt  }
0x62: {  	_ =	shalt  }
0x63: {  	_ =	shalt  }
0x64: {  	_ =	shalt  }
0x65: {  	_ =	shalt  }
0x66: {  	_ =	shalt  }
0x67: {  	_ =	shalt  }
0x68: {  	_ =	shalt  }
0x69: {  	_ =	shalt  }
0x6a: {  	_ =	shalt  }
0x6b: {  	_ =	shalt  }
0x6c: {  	_ =	shalt  }
0x6d: {  	_ =	shalt  }
0x6e: {  	_ =	shalt  }
0x6f: {  	_ =	shalt  }
0x70: {  	_ =	shalt  }
0x71: {  	_ =	shalt  }
0x72: {  	_ =	shalt  }
0x73: {  	_ =	shalt  }
0x74: {  	_ =	shalt  }
0x75: {  	_ =	shalt  }
0x76: {  	_ =	shalt  }
0x77: {  	_ =	shalt  }
0x78: {  	_ =	shalt  }
0x79: {  	_ =	shalt  }
0x7a: {  	_ =	shalt  }
0x7b: {  	_ =	shalt  }
0x7c: {  	_ =	shalt  }
0x7d: {  	_ =	shalt  }
0x7e: {  	_ =	shalt  }
0x7f: {  	_ =	shalt  }
0x80: {  	_ =	shalt  }
0x81: {  	_ =	shalt  }
0x82: {  	_ =	shalt  }
0x83: {  	_ =	shalt  }
0x84: {  	_ =	shalt  }
0x85: {  	_ =	shalt  }
0x86: {  	_ =	shalt  }
0x87: {  	_ =	shalt  }
.Lfunc_end0:
.L_simem_size_0:
called_computation_lowered:
.L_overlay_start_0:
0x88: {  	s2 =	sld [smem:$0x3FD9]  }
0x89: {  	s3 =	sld [smem:$0x3FFE];
	_ =	sdelay $0x1  }
0x8a: {  	s1 =	srdreg.scid  }
0x8b: {  	s0 =	sand.u32 $0x1, s1  }
0x8c: {  	s17 =	sshll.u32 s0, $0xA;
	s2 =	sadd.s32 s3, s2  }
0x8d: {  	s2 =	sadd.s32 s2, s17  }
0x8e: {  	[smem:$0x3FA6] =	sst s2  }
0x8f: {  	_ = 	snop  }
0x90: {  	s2 =	sld [smem:$0x3FC9];
	(tm) =	ssettm $0x1  }
0x91: {  	s18 =	sld [smem:$0x3FFB];
	_ =	sdelay $0x3  }
0x92: {  	_ =	strace s18  }
0x93: {  	s3 =	sld [smem:$0x3FFC];
	_ =	sdelay $0x3  }
0x94: {  	_ =	strace s3  }
0x95: {  	s3 =	sld [smem:$0x3FFD];
	_ =	sdelay $0x3  }
0x96: {  	_ =	strace s3  }
0x97: {  	_ =	strace $0x8FFFFFFF  }
0x98: {  	s19 =	sld [smem:$0x3FDB];
	_ =	sdelay $0x1  }
0x99: {  	s4 =	simm.s32 $_scs_section_size  }
0x9a: {  	s5 =	simm.s32 $_size__tile_overlayer_lowered;
	s6 =	simm.s32 $_tile_overlayer_lowered  }
0x9b: {  	s22 =	simm.s32 $0x1BFF;
	s21 =	sshll.u32 s6, $0x1;
	s3 =	sadd.s32 s4, s19  }
0x9c: {  	s7 =	simm.s32 $0x0;
	s20 =	sshll.u32 s5, $0x1;
	s5 =	sadd.s32 s21, s3  }
0x9d: {  	[timem:s7], [sflag:s22] =	dma.local [hbm:s5], s20  }
0x9e: {  	_ =	swait.ge [sflag:s22], s20  }
0x9f: {  	s4 =	ssub.s32 $0x0, s20;
	[sflag:s22] =	ssyncset.done $0x0  }
0xa0: {  	[sflag:s22] =	ssyncadd.s32 s4;
	_ =	sdelay $0x1  }
0xa1: {  	s23 =	simm.s32 $0x1B8B  }
0xa2: {  	_ =	swait.ge [sflag:s23], $0x1  }
0xa3: {  	[sflag:s23] =	ssyncset.done $0x0  }
0xa4: {  	s25 =	simm.s32 $0x1B8E;
	s24 =	sld [smem:$0x3FFE];
	[sflag:s23] =	ssyncadd.s32 $0xFFFFFFFF  }
0xa5: {  	s26 =	simm.s32 $execute0_lowered;
	[smem:$0x3FD2] =	sst s25  }
0xa6: {  	s5 =	sshll.u32 s26, $0x1;
	_ =	strace $0x80000046;
	[dreg:$0x1] =	wrdreg $0xFFFFFFFF  }
0xa7: {  	s28 =	simm.s32 $_size_execute0_lowered;
	s3 =	sadd.s32 s3, s5;
	[dreg:$0x0] =	wrdreg $0x0  }
0xa8: {  	s5 =	sshll.u32 s28, $0x1;
	[dreg:$0x2] =	wrdreg s3  }
0xa9: {  	[dreg:$0x3] =	wrdreg s5  }
0xaa: {  	[dreg:$0x4] =	wrdreg $0xC0  }
0xab: {  	_ =	task [dreg:s7], $0x5FFFF  }
0xac: {  	[dreg:$0x1] =	wrdreg $0xFFFFFFFF  }
0xad: {  	[dreg:$0x0] =	wrdreg $0x60  }
0xae: {  	[dreg:$0x2] =	wrdreg s2  }
0xaf: {  	[dreg:$0x3] =	wrdreg s24  }
0xb0: {  	[dreg:$0x4] =	wrdreg $0xB0000  }
0xb1: {  	[dreg:$0x5] =	wrdreg $0x9  }
0xb2: {  	_ =	task.clear_ibuf [dreg:s7], $0x6FFFF;
	_ =	strace $0x90000046  }
0xb3: {  	s29 =	simm.s32 $0x9;
	_ =	strace $0x80000048  }
0xb4: {  	_ =	swait.ge [sflag:s29], $0x1  }
0xb5: {  	[sflag:s29] =	ssyncadd.s32 $0xFFFFFFFF  }
0xb6: {  	_ =	strace $0x90000048  }
0xb7: {  	_ =	sfence  }
0xb8: {  	s30 =	sld [smem:$0x0];
	_ =	sdelay $0x2  }
0xb9: {  	s31 =	sshll.u32 s1, $0xD;
	s1 =	sshrl.u32 s1, $0x2  }
0xba: {  	s3 =	sand.u32 $0x4000, s31;
	s1 =	sadd.s32 s1, s30  }
0xbb: {  	s0 =	sor.u32 s3, s0;
	s1 =	sshll.u32 s1, $0x11  }
0xbc: {  	s0 =	sor.u32 s1, s0  }
0xbd: {  	s0 =	sadd.s32 $0x8F2B, s0  }
0xbe: {  	[sflag:s0] =	ssyncadd.remote.s32 $0x1  }
0xbf: {  	_ =	sfence.sel $0xFFFF  }
0xc0: {  	[dreg:$0x0] =	wrdreg $0xFFFFFFFF;
	(pc) =	sbr.abs _section_cstart, $3  }
0xc1: {  	[dreg:$0x1] =	wrdreg $0xFFFFFFFF  }
0xc2: {  	_ =	task.clear_ibuf [dreg:s7], $0x2FFFF;
	_ =	strace $0x9FFFFFFF  }
0xc3: {  	(tm) =	ssettm $0x7FFFFFFF  }
tec
execute0_lowered:
.L_overlay_start_1:
0x0: {  	(tag) =	ssettag $0x1  }
0x1: {  	s1 =	rddreg [dreg:$0x0]  }
0x2: {  	s0 =	srdreg.scid;
	s6 =	rddreg [dreg:$0x1]  }
0x3: {  	s18 =	stileid.u32;
	s3 =	rddreg [dreg:$0x2];
	s4 =	simm.s32 $0x0  }
0x4: {  	s16 =	simm.s32 $0x2880;
	s17 =	simm.s32 $0x2900;
	s19 =	simm.s32 $0x2980  }
0x5: {  	s20 =	simm.s32 $0x2A00;
	[smem:$0x7FF] =	sst s4;
	s15 =	sadd.s32 $0x25800, s1  }
0x6: {  	s21 =	simm.s32 $0x2A80;
	_ =	strace $0x80000047;
	[dreg:$0x14] =	wrdreg s15  }
0x7: {  	s22 =	simm.s32 $0x2B00;
	s23 =	simm.s32 $0x2B80;
	[dreg:$0x4] =	wrdreg s16  }
0x8: {  	s24 =	simm.s32 $0x2C80;
	s25 =	simm.s32 $0x2D00;
	[dreg:$0x5] =	wrdreg s17  }
0x9: {  	s26 =	simm.s32 $0x2D80;
	s29 =	simm.s32 $0x2E00;
	[dreg:$0x6] =	wrdreg s19  }
0xa: {  	s30 =	simm.s32 $0x2E80;
	s28 =	simm.s32 $0x0;
	[dreg:$0x7] =	wrdreg s20  }
0xb: {  	s0 =	sand.u32 $0x1, s0;
	s8 =	smul.u32 $0x50000, s18;
	[dreg:$0x8] =	wrdreg s21  }
0xc: {  	s5 =	sadd.s32 $0xEC00, s6;
	s13 =	smul.u32 $0x2800, s18;
	[dreg:$0x9] =	wrdreg s22  }
0xd: {  	s31 =	smul.u32 $0x14000, s18;
	p0 =	seq.s32 s18, $0xF;
	[dreg:$0xa] =	wrdreg s23  }
0xe: {  	s2 =	sshll.u32 s0, $0x4;
	s11 =	smul.u32 $0x138800, s0;
	[dreg:$0xb] =	wrdreg s24  }
0xf: {  	s9 =	ssub.s32 $0x2, s0;
	s0 =	smul.u32 $0x28000, s0;
	[dreg:$0xc] =	wrdreg s25  }
0x10: {  	s15 =	simm.s32 $0x5;
	s16 =	simm.s32 $0x2800;
	[dreg:$0xd] =	wrdreg s26  }
0x11: {  	s20 =	simm.s32 $0x80;
	s21 =	simm.s32 $0x3000;
	[dreg:$0xe] =	wrdreg s29  }
0x12: {  	s22 =	simm.s32 $0x7000;
	[dreg:$0xf] =	wrdreg s30;
	s23 =	simm.s32 $0x2C00  }
0x13: {  	s24 =	simm.s32 $0x1;
	s25 =	simm.s32 $0x2;
	s26 =	simm.s32 $0x4  }
0x14: {  	s2 =	sor.u32 s18, s2;
	s10 =	sshrl.u32 s9, $0x1;
	s8 =	sshrl.u32 s8, $0x2  }
0x15: {  	s2 =	smul.u32 $0x2800, s2;
	s12 =	ssub.s32 s9, s10;
	s10 =	sadd.s32 s1, s13  }
0x16: {  	s14 =	sadd.s32 s31, s11;
	s11 =	sshrl.u32 s11, $0x3;
	s0 =	sadd.s32 s13, s0  }
0x17: {  	s31 =	simm.s32 $0x2F00;
	[dreg:$0x13] =	wrdreg s10;
	s12 =	smax.u32 s12, $0x1  }
0x18: {  	s13 =	sadd.s32 $0x800, s0;
	s0 =	sor.u32 $0x400, s0;
	s2 =	sshrl.u32 s2, $0x3  }
0x19: {  	[dreg:$0x10] =	wrdreg s31;
	s0 =	sshrl.u32 s0, $0x3;
	s7 =	sadd.s32 s2, s6  }
0x1a: {  	s6 =	sadd.s32 $0x18C00, s6;
	s2 =	sadd.s32 s5, s2;
	s7 =	sadd.s32 $0x4C00, s7  }
0x1b: {  	[dreg:$0x12] =	wrdreg s2;
	s2 =	sadd.s32 s8, s3;
	s8 =	sshrl.u32 s14, $0x3  }
0x1c: {  	s14 =	sadd.s32 s0, s5;
	s8 =	sadd.s32 s6, s8;
	s6 =	sadd.s32 s6, s11  }
0x1d: {  	[dreg:$0x11] =	wrdreg s7;
	s7 =	sadd.s32 $0x12C000, s3;
	s6 =	sadd.s32 $0x25800, s6  }
0x1e: {  	s19 =	sshrl.u32 @!p0 s2, $0x3;
	[dreg:$0x16] =	wrdreg s6;
	s6 =	sshll.u32 @!p0 s18, $0x6  }
0x1f: {  	[dreg:$0x15] =	wrdreg s8;
	s17 =	sshrl.u32 @p0 s7, $0x3;
	s18 =	sor.u32 @!p0 $0x1C05, s6  }
.LBB2_1:
0x20: {  	s0 =	rddreg [dreg:$0x11]  }
0x21: {  	[tilespmem:s4], [sflag:$0x5] =	stream.linear.gather [hbm4b:s0+s4], $0x2800, $0x38;
	[tilespmem:$0x1F000] =	vst v63  }
0x22: {  	_ =	swait.ge [sflag:s15], $0x2800  }
0x23: {  	[sflag:s15] =	ssyncset.done $0x0  }
0x24: {  	s2 =	rddreg [dreg:$0x12];
	[sflag:s15] =	ssyncadd.s32 $0xFFFFD800  }
0x25: {  	[tilespmem:s16], [sflag:$0x5] =	stream.linear.gather [hbm4b:s2+s4], $0x400, $0x38;
	[tilespmem:$0x1F000] =	vst v63  }
0x26: {  	_ =	swait.ge [sflag:s15], $0x400  }
0x27: {  	[sflag:s15] =	ssyncset.done $0x0  }
0x28: {  	s0 =	simm.s32 @p0 $0x1FC5;
	s2 =	rddreg [dreg:$0x14];
	[sflag:s15] =	ssyncadd.s32 $0xFFFFFC00  }
0x29: {  	[spmem:s17], [sflag:s0] =	dma.local @p0 [hbm:s2], $0x1900  }
0x2a: {  	s0 =	simm.s32 @p0 $0x5  }
0x2b: {  	_ =	swait.ge @p0 [sflag:s0], $0x1900  }
0x2c: {  	[sflag:s0] =	ssyncset.done @p0 $0x0  }
0x2d: {  	[sflag:s0] =	ssyncadd.s32 @p0 $0xFFFFE700;
	s0 =	rddreg [dreg:$0x13]  }
0x2e: {  	[spmem:s19], [sflag:s18] =	dma.local @!p0 [hbm:s0], $0x2800  }
0x2f: {  	s0 =	simm.s32 @!p0 $0x5  }
0x30: {  	_ =	swait.ge @!p0 [sflag:s0], $0x2800  }
0x31: {  	[sflag:s0] =	ssyncset.done @!p0 $0x0  }
0x32: {  	[sflag:s0] =	ssyncadd.s32 @!p0 $0xFFFFD800  }
0x33: {  	[bflag:$0x0] =	sbarrier.arrive $0xFFFF  }
0x34: {  	[tilespmem:s21], [sflag:$0x1] =	stream.indirect.gather [hbm4b:s1+s20], $0x80, s4, s20, $0xb8;
	[tilespmem:$0x1F000] =	vst v63  }
0x35: {  	p1 =	por $0x1, $0x1  }
0x36: {  	[tilespmem:s22], [sflag:$0x2] =	stream.indirect.gather [hbm4b:s1+s20], $0x80, s20, s20, $0xb8;
	[tilespmem:$0x1F000] =	vst v63  }
0x37: {  	s0 =	simm.s32 @!p1 $0x3  }
0x38: {  	[tilespmem:s23], [sflag:$0x4] =	stream.linear.gather [hbm4b:s14+s4], $0x400, $0x38;
	[tilespmem:$0x1F000] =	vst v63  }
0x39: {  	_ =	swait.ge @!p1 [sflag:s0], $0x400  }
0x3a: {  	[sflag:s0] =	ssyncset.done @!p1 $0x0  }
0x3b: {  	[sflag:s0] =	ssyncadd.s32 @!p1 $0xFFFFFC00  }
0x3c: {  	_ =	swait.ge [sflag:s24], $0x4000  }
0x3d: {  	[sflag:s24] =	ssyncset.done $0x0  }
0x3e: {  	[sflag:s24] =	ssyncadd.s32 $0xFFFFC000  }
0x3f: {  	[spmem:s3] =	stream.indirect.scatter.add.f32 [tilespmem:s21], [sflag:$0x5], $0x80, s16, s20, $0xb8;
	[tilespmem:$0x1F000] =	vst v63  }
0x40: {  	_ =	swait.ge [sflag:s15], $0x4000  }
0x41: {  	[sflag:s15] =	ssyncset.done $0x0  }
0x42: {  	s6 =	simm.s32 $0x100;
	[sflag:s15] =	ssyncadd.s32 $0xFFFFC000  }
0x43: {  	[tilespmem:s21], [sflag:$0x1] =	stream.indirect.gather [hbm4b:s1+s20], $0x80, s6, s20, $0xb8;
	[tilespmem:$0x1F000] =	vst v63  }
0x44: {  	_ =	swait.ge [sflag:s25], $0x4000  }
0x45: {  	[sflag:s25] =	ssyncset.done $0x0  }
0x46: {  	s7 =	rddreg [dreg:$0x4];
	[sflag:s25] =	ssyncadd.s32 $0xFFFFC000  }
0x47: {  	[spmem:s3] =	stream.indirect.scatter.add.f32 [tilespmem:s22], [sflag:$0x5], $0x80, s7, s20, $0xb8;
	[tilespmem:$0x1F000] =	vst v63  }
0x48: {  	_ =	swait.ge [sflag:s15], $0x4000  }
0x49: {  	[sflag:s15] =	ssyncset.done $0x0  }
0x4a: {  	s8 =	simm.s32 $0x180;
	[sflag:s15] =	ssyncadd.s32 $0xFFFFC000  }
0x4b: {  	[tilespmem:s22], [sflag:$0x2] =	stream.indirect.gather [hbm4b:s1+s20], $0x80, s8, s20, $0xb8;
	[tilespmem:$0x1F000] =	vst v63  }
0x4c: {  	_ =	swait.ge [sflag:s24], $0x4000  }
0x4d: {  	[sflag:s24] =	ssyncset.done $0x0  }
0x4e: {  	s9 =	rddreg [dreg:$0x5];
	[sflag:s24] =	ssyncadd.s32 $0xFFFFC000  }
0x4f: {  	[spmem:s3] =	stream.indirect.scatter.add.f32 [tilespmem:s21], [sflag:$0x5], $0x80, s9, s20, $0xb8;
	[tilespmem:$0x1F000] =	vst v63  }
0x50: {  	_ =	swait.ge [sflag:s15], $0x4000  }
0x51: {  	[sflag:s15] =	ssyncset.done $0x0  }
0x52: {  	s10 =	simm.s32 $0x200;
	[sflag:s15] =	ssyncadd.s32 $0xFFFFC000  }
0x53: {  	[tilespmem:s21], [sflag:$0x1] =	stream.indirect.gather [hbm4b:s1+s20], $0x80, s10, s20, $0xb8;
	[tilespmem:$0x1F000] =	vst v63  }
0x54: {  	_ =	swait.ge [sflag:s25], $0x4000  }
0x55: {  	[sflag:s25] =	ssyncset.done $0x0  }
0x56: {  	s11 =	rddreg [dreg:$0x6];
	[sflag:s25] =	ssyncadd.s32 $0xFFFFC000  }
0x57: {  	[spmem:s3] =	stream.indirect.scatter.add.f32 [tilespmem:s22], [sflag:$0x5], $0x80, s11, s20, $0xb8;
	[tilespmem:$0x1F000] =	vst v63  }
0x58: {  	_ =	swait.ge [sflag:s15], $0x4000  }
0x59: {  	[sflag:s15] =	ssyncset.done $0x0  }
0x5a: {  	s2 =	simm.s32 $0x280;
	[sflag:s15] =	ssyncadd.s32 $0xFFFFC000  }
0x5b: {  	[tilespmem:s22], [sflag:$0x2] =	stream.indirect.gather [hbm4b:s1+s20], $0x80, s2, s20, $0xb8;
	[tilespmem:$0x1F000] =	vst v63  }
0x5c: {  	_ =	swait.ge [sflag:s24], $0x4000  }
0x5d: {  	[sflag:s24] =	ssyncset.done $0x0  }
0x5e: {  	s6 =	rddreg [dreg:$0x7];
	[sflag:s24] =	ssyncadd.s32 $0xFFFFC000  }
0x5f: {  	[spmem:s3] =	stream.indirect.scatter.add.f32 [tilespmem:s21], [sflag:$0x5], $0x80, s6, s20, $0xb8;
	[tilespmem:$0x1F000] =	vst v63  }
0x60: {  	_ =	swait.ge [sflag:s15], $0x4000  }
0x61: {  	[sflag:s15] =	ssyncset.done $0x0  }
0x62: {  	s7 =	simm.s32 $0x300;
	[sflag:s15] =	ssyncadd.s32 $0xFFFFC000  }
0x63: {  	[tilespmem:s21], [sflag:$0x1] =	stream.indirect.gather [hbm4b:s1+s20], $0x80, s7, s20, $0xb8;
	[tilespmem:$0x1F000] =	vst v63  }
0x64: {  	_ =	swait.ge [sflag:s25], $0x4000  }
0x65: {  	[sflag:s25] =	ssyncset.done $0x0  }
0x66: {  	s8 =	rddreg [dreg:$0x8];
	[sflag:s25] =	ssyncadd.s32 $0xFFFFC000  }
0x67: {  	[spmem:s3] =	stream.indirect.scatter.add.f32 [tilespmem:s22], [sflag:$0x5], $0x80, s8, s20, $0xb8;
	[tilespmem:$0x1F000] =	vst v63  }
0x68: {  	_ =	swait.ge [sflag:s15], $0x4000  }
0x69: {  	[sflag:s15] =	ssyncset.done $0x0  }
0x6a: {  	s9 =	simm.s32 $0x380;
	[sflag:s15] =	ssyncadd.s32 $0xFFFFC000  }
0x6b: {  	[tilespmem:s22], [sflag:$0x2] =	stream.indirect.gather [hbm4b:s1+s20], $0x80, s9, s20, $0xb8;
	[tilespmem:$0x1F000] =	vst v63  }
0x6c: {  	_ =	swait.ge [sflag:s24], $0x4000  }
0x6d: {  	[sflag:s24] =	ssyncset.done $0x0  }
0x6e: {  	s10 =	rddreg [dreg:$0x9];
	[sflag:s24] =	ssyncadd.s32 $0xFFFFC000  }
0x6f: {  	[spmem:s3] =	stream.indirect.scatter.add.f32 [tilespmem:s21], [sflag:$0x5], $0x80, s10, s20, $0xb8;
	[tilespmem:$0x1F000] =	vst v63  }
0x70: {  	_ =	swait.ge [sflag:s15], $0x4000  }
0x71: {  	[sflag:s15] =	ssyncset.done $0x0  }
0x72: {  	s11 =	simm.s32 $0x400;
	[sflag:s15] =	ssyncadd.s32 $0xFFFFC000  }
0x73: {  	[tilespmem:s21], [sflag:$0x1] =	stream.indirect.gather [hbm4b:s1+s20], $0x80, s11, s20, $0xb8;
	[tilespmem:$0x1F000] =	vst v63  }
0x74: {  	_ =	swait.ge [sflag:s25], $0x4000  }
0x75: {  	[sflag:s25] =	ssyncset.done $0x0  }
0x76: {  	s2 =	rddreg [dreg:$0xa];
	[sflag:s25] =	ssyncadd.s32 $0xFFFFC000  }
0x77: {  	[spmem:s3] =	stream.indirect.scatter.add.f32 [tilespmem:s22], [sflag:$0x5], $0x80, s2, s20, $0xb8;
	[tilespmem:$0x1F000] =	vst v63  }
0x78: {  	_ =	swait.ge [sflag:s15], $0x4000  }
0x79: {  	p1 =	por $0x0, $0x0;
	[sflag:s15] =	ssyncset.done $0x0  }
0x7a: {  	s6 =	simm.s32 $0x480;
	s2 =	sshrl.u32 @!p1 s13, $0x3;
	[sflag:s15] =	ssyncadd.s32 $0xFFFFC000  }
0x7b: {  	[tilespmem:s22], [sflag:$0x2] =	stream.indirect.gather [hbm4b:s1+s20], $0x80, s6, s20, $0xb8;
	[tilespmem:$0x1F000] =	vst v63  }
0x7c: {  	s0 =	simm.s32 @!p1 $0x2800;
	s2 =	sadd.s32 @!p1 s5, s2;
	s6 =	simm.s32 @!p1 $0x0  }
0x7d: {  	[tilespmem:s0], [sflag:$0x3] =	stream.linear.gather @!p1 [hbm4b:s2+s6], $0x400, $0x38;
	[tilespmem:$0x1F000] =	vst v63  }
0x7e: {  	_ =	swait.ge [sflag:s26], $0x400  }
0x7f: {  	[sflag:s26] =	ssyncset.done $0x0  }
0x80: {  	[sflag:s26] =	ssyncadd.s32 $0xFFFFFC00  }
0x81: {  	_ =	swait.ge [sflag:s24], $0x4000  }
0x82: {  	[sflag:s24] =	ssyncset.done $0x0  }
0x83: {  	[sflag:s24] =	ssyncadd.s32 $0xFFFFC000  }
0x84: {  	[spmem:s3] =	stream.indirect.scatter.add.f32 [tilespmem:s21], [sflag:$0x5], $0x80, s23, s20, $0xb8;
	[tilespmem:$0x1F000] =	vst v63  }
0x85: {  	_ =	swait.ge [sflag:s15], $0x4000  }
0x86: {  	[sflag:s15] =	ssyncset.done $0x0  }
0x87: {  	s7 =	simm.s32 $0x500;
	[sflag:s15] =	ssyncadd.s32 $0xFFFFC000  }
0x88: {  	[tilespmem:s21], [sflag:$0x1] =	stream.indirect.gather [hbm4b:s1+s20], $0x80, s7, s20, $0xb8;
	[tilespmem:$0x1F000] =	vst v63  }
0x89: {  	_ =	swait.ge [sflag:s25], $0x4000  }
0x8a: {  	[sflag:s25] =	ssyncset.done $0x0  }
0x8b: {  	s8 =	rddreg [dreg:$0xb];
	[sflag:s25] =	ssyncadd.s32 $0xFFFFC000  }
0x8c: {  	[spmem:s3] =	stream.indirect.scatter.add.f32 [tilespmem:s22], [sflag:$0x5], $0x80, s8, s20, $0xb8;
	[tilespmem:$0x1F000] =	vst v63  }
0x8d: {  	_ =	swait.ge [sflag:s15], $0x4000  }
0x8e: {  	[sflag:s15] =	ssyncset.done $0x0  }
0x8f: {  	s9 =	simm.s32 $0x580;
	[sflag:s15] =	ssyncadd.s32 $0xFFFFC000  }
0x90: {  	[tilespmem:s22], [sflag:$0x2] =	stream.indirect.gather [hbm4b:s1+s20], $0x80, s9, s20, $0xb8;
	[tilespmem:$0x1F000] =	vst v63  }
0x91: {  	_ =	swait.ge [sflag:s24], $0x4000  }
0x92: {  	[sflag:s24] =	ssyncset.done $0x0  }
0x93: {  	s10 =	rddreg [dreg:$0xc];
	[sflag:s24] =	ssyncadd.s32 $0xFFFFC000  }
0x94: {  	[spmem:s3] =	stream.indirect.scatter.add.f32 [tilespmem:s21], [sflag:$0x5], $0x80, s10, s20, $0xb8;
	[tilespmem:$0x1F000] =	vst v63  }
0x95: {  	_ =	swait.ge [sflag:s15], $0x4000  }
0x96: {  	[sflag:s15] =	ssyncset.done $0x0  }
0x97: {  	s11 =	simm.s32 $0x600;
	[sflag:s15] =	ssyncadd.s32 $0xFFFFC000  }
0x98: {  	[tilespmem:s21], [sflag:$0x1] =	stream.indirect.gather [hbm4b:s1+s20], $0x80, s11, s20, $0xb8;
	[tilespmem:$0x1F000] =	vst v63  }
0x99: {  	_ =	swait.ge [sflag:s25], $0x4000  }
0x9a: {  	[sflag:s25] =	ssyncset.done $0x0  }
0x9b: {  	s2 =	rddreg [dreg:$0xd];
	[sflag:s25] =	ssyncadd.s32 $0xFFFFC000  }
0x9c: {  	[spmem:s3] =	stream.indirect.scatter.add.f32 [tilespmem:s22], [sflag:$0x5], $0x80, s2, s20, $0xb8;
	[tilespmem:$0x1F000] =	vst v63  }
0x9d: {  	_ =	swait.ge [sflag:s15], $0x4000  }
0x9e: {  	[sflag:s15] =	ssyncset.done $0x0  }
0x9f: {  	s6 =	simm.s32 $0x680;
	[sflag:s15] =	ssyncadd.s32 $0xFFFFC000  }
0xa0: {  	[tilespmem:s22], [sflag:$0x2] =	stream.indirect.gather [hbm4b:s1+s20], $0x80, s6, s20, $0xb8;
	[tilespmem:$0x1F000] =	vst v63  }
0xa1: {  	_ =	swait.ge [sflag:s24], $0x4000  }
0xa2: {  	[sflag:s24] =	ssyncset.done $0x0  }
0xa3: {  	s7 =	rddreg [dreg:$0xe];
	[sflag:s24] =	ssyncadd.s32 $0xFFFFC000  }
0xa4: {  	[spmem:s3] =	stream.indirect.scatter.add.f32 [tilespmem:s21], [sflag:$0x5], $0x80, s7, s20, $0xb8;
	[tilespmem:$0x1F000] =	vst v63  }
0xa5: {  	_ =	swait.ge [sflag:s15], $0x4000  }
0xa6: {  	[sflag:s15] =	ssyncset.done $0x0  }
0xa7: {  	s8 =	simm.s32 $0x700;
	[sflag:s15] =	ssyncadd.s32 $0xFFFFC000  }
0xa8: {  	[tilespmem:s21], [sflag:$0x1] =	stream.indirect.gather [hbm4b:s1+s20], $0x80, s8, s20, $0xb8;
	[tilespmem:$0x1F000] =	vst v63  }
0xa9: {  	_ =	swait.ge [sflag:s25], $0x4000  }
0xaa: {  	[sflag:s25] =	ssyncset.done $0x0  }
0xab: {  	s9 =	rddreg [dreg:$0xf];
	[sflag:s25] =	ssyncadd.s32 $0xFFFFC000  }
0xac: {  	[spmem:s3] =	stream.indirect.scatter.add.f32 [tilespmem:s22], [sflag:$0x5], $0x80, s9, s20, $0xb8;
	[tilespmem:$0x1F000] =	vst v63  }
0xad: {  	_ =	swait.ge [sflag:s15], $0x4000  }
0xae: {  	[sflag:s15] =	ssyncset.done $0x0  }
0xaf: {  	s10 =	simm.s32 $0x780;
	[sflag:s15] =	ssyncadd.s32 $0xFFFFC000  }
0xb0: {  	[tilespmem:s22], [sflag:$0x2] =	stream.indirect.gather [hbm4b:s1+s20], $0x80, s10, s20, $0xb8;
	[tilespmem:$0x1F000] =	vst v63  }
0xb1: {  	_ =	swait.ge [sflag:s24], $0x4000  }
0xb2: {  	[sflag:s24] =	ssyncset.done $0x0  }
0xb3: {  	s11 =	rddreg [dreg:$0x10];
	[sflag:s24] =	ssyncadd.s32 $0xFFFFC000  }
0xb4: {  	[spmem:s3] =	stream.indirect.scatter.add.f32 [tilespmem:s21], [sflag:$0x5], $0x80, s11, s20, $0xb8;
	[tilespmem:$0x1F000] =	vst v63  }
0xb5: {  	_ =	swait.ge [sflag:s15], $0x4000  }
0xb6: {  	p2 =	por $0x0, $0x0;
	[sflag:s15] =	ssyncset.done $0x0  }
0xb7: {  	s0 =	simm.s32 @p2 $0x2;
	[sflag:s15] =	ssyncadd.s32 $0xFFFFC000  }
0xb8: {  	_ =	swait.ge @p2 [sflag:s0], $0x4000  }
0xb9: {  	s2 =	simm.s32 @p2 $0x7000;
	s6 =	simm.s32 @p2 $0x80;
	[sflag:s0] =	ssyncset.done @p2 $0x0  }
0xba: {  	s7 =	simm.s32 @p2 $0x2F80;
	[sflag:s0] =	ssyncadd.s32 @p2 $0xFFFFC000;
	s0 =	simm.s32 @p2 $0x5  }
0xbb: {  	[spmem:s3] =	stream.indirect.scatter.add.f32 @p2 [tilespmem:s2], [sflag:$0x5], $0x80, s7, s6, $0xb8;
	[tilespmem:$0x1F000] =	vst v63  }
0xbc: {  	_ =	swait.ge @p2 [sflag:s0], $0x4000  }
0xbd: {  	s2 =	simm.s32 @!p2 $0x800;
	s7 =	simm.s32 @!p2 $0x80;
	[sflag:s0] =	ssyncset.done @p2 $0x0  }
0xbe: {  	s6 =	simm.s32 @!p2 $0x3000;
	[sflag:s0] =	ssyncadd.s32 @p2 $0xFFFFC000;
	s0 =	simm.s32 @!p2 $0x2  }
0xbf: {  	[tilespmem:s6], [sflag:$0x1] =	stream.indirect.gather @!p2 [hbm4b:s1+s7], $0x80, s2, s7, $0xb8;
	[tilespmem:$0x1F000] =	vst v63  }
0xc0: {  	_ =	swait.ge @!p2 [sflag:s0], $0x4000  }
0xc1: {  	s29 =	simm.s32 $0x2000;
	s8 =	simm.s32 @!p2 $0x7000;
	[sflag:s0] =	ssyncset.done @!p2 $0x0  }
0xc2: {  	s2 =	simm.s32 @!p2 $0x2F80;
	[sflag:s0] =	ssyncadd.s32 @!p2 $0xFFFFC000;
	s0 =	simm.s32 @!p2 $0x5  }
0xc3: {  	[spmem:s3] =	stream.indirect.scatter.add.f32 @!p2 [tilespmem:s8], [sflag:$0x5], $0x80, s2, s7, $0xb8;
	[tilespmem:$0x1F000] =	vst v63  }
0xc4: {  	s30 =	simm.s32 $0x3;
	s31 =	sadd.s32 $0x800, s13;
	_ =	swait.ge @!p2 [sflag:s0], $0x4000  }
0xc5: {  	s6 =	simm.s32 @!p2 $0x880;
	s2 =	sadd.s32 $0x100, s14;
	[sflag:s0] =	ssyncset.done @!p2 $0x0  }
.LBB2_2:
0xc6: {  	p3 =	seq.s32 s29, $0x0;
	[sflag:s0] =	ssyncadd.s32 @!p2 $0xFFFFC000  }
0xc7: {  	[tilespmem:s8], [sflag:$0x2] =	stream.indirect.gather @!p2 [hbm4b:s1+s7], $0x80, s6, s7, $0xb8;
	[tilespmem:$0x1F000] =	vst v63  }
0xc8: {  	s6 =	simm.s32 @!p3 $0x3  }
0xc9: {  	[tilespmem:s23], [sflag:$0x4] =	stream.linear.gather [hbm4b:s2+s4], $0x400, $0x38;
	[tilespmem:$0x1F000] =	vst v63  }
0xca: {  	_ =	swait.ge @!p3 [sflag:s6], $0x400  }
0xcb: {  	[sflag:s6] =	ssyncset.done @!p3 $0x0  }
0xcc: {  	[sflag:s6] =	ssyncadd.s32 @!p3 $0xFFFFFC00  }
0xcd: {  	_ =	swait.ge [sflag:s24], $0x4000  }
0xce: {  	[sflag:s24] =	ssyncset.done $0x0  }
0xcf: {  	[sflag:s24] =	ssyncadd.s32 $0xFFFFC000  }
0xd0: {  	[spmem:s3] =	stream.indirect.scatter.add.f32 [tilespmem:s21], [sflag:$0x5], $0x80, s16, s20, $0xb8;
	[tilespmem:$0x1F000] =	vst v63  }
0xd1: {  	s0 =	smov.u32 s29;
	_ =	swait.ge [sflag:s15], $0x4000  }
0xd2: {  	s6 =	sshra.s32 s0, $0x2;
	[sflag:s15] =	ssyncset.done $0x0  }
0xd3: {  	s9 =	sadd.s32 $0x100, s6;
	[sflag:s15] =	ssyncadd.s32 $0xFFFFC000  }
0xd4: {  	[tilespmem:s21], [sflag:$0x1] =	stream.indirect.gather [hbm4b:s1+s20], $0x80, s9, s20, $0xb8;
	[tilespmem:$0x1F000] =	vst v63  }
0xd5: {  	_ =	swait.ge [sflag:s25], $0x4000  }
0xd6: {  	[sflag:s25] =	ssyncset.done $0x0  }
0xd7: {  	s10 =	rddreg [dreg:$0x4];
	[sflag:s25] =	ssyncadd.s32 $0xFFFFC000  }
0xd8: {  	[spmem:s3] =	stream.indirect.scatter.add.f32 [tilespmem:s22], [sflag:$0x5], $0x80, s10, s20, $0xb8;
	[tilespmem:$0x1F000] =	vst v63  }
0xd9: {  	_ =	swait.ge [sflag:s15], $0x4000  }
0xda: {  	[sflag:s15] =	ssyncset.done $0x0  }
0xdb: {  	s11 =	sadd.s32 $0x180, s6;
	[sflag:s15] =	ssyncadd.s32 $0xFFFFC000  }
0xdc: {  	[tilespmem:s22], [sflag:$0x2] =	stream.indirect.gather [hbm4b:s1+s20], $0x80, s11, s20, $0xb8;
	[tilespmem:$0x1F000] =	vst v63  }
0xdd: {  	_ =	swait.ge [sflag:s24], $0x4000  }
0xde: {  	[sflag:s24] =	ssyncset.done $0x0  }
0xdf: {  	s8 =	rddreg [dreg:$0x5];
	[sflag:s24] =	ssyncadd.s32 $0xFFFFC000  }
0xe0: {  	[spmem:s3] =	stream.indirect.scatter.add.f32 [tilespmem:s21], [sflag:$0x5], $0x80, s8, s20, $0xb8;
	[tilespmem:$0x1F000] =	vst v63  }
0xe1: {  	_ =	swait.ge [sflag:s15], $0x4000  }
0xe2: {  	[sflag:s15] =	ssyncset.done $0x0  }
0xe3: {  	s9 =	sadd.s32 $0x200, s6;
	[sflag:s15] =	ssyncadd.s32 $0xFFFFC000  }
0xe4: {  	[tilespmem:s21], [sflag:$0x1] =	stream.indirect.gather [hbm4b:s1+s20], $0x80, s9, s20, $0xb8;
	[tilespmem:$0x1F000] =	vst v63  }
0xe5: {  	_ =	swait.ge [sflag:s25], $0x4000  }
0xe6: {  	[sflag:s25] =	ssyncset.done $0x0  }
0xe7: {  	s10 =	rddreg [dreg:$0x6];
	[sflag:s25] =	ssyncadd.s32 $0xFFFFC000  }
0xe8: {  	[spmem:s3] =	stream.indirect.scatter.add.f32 [tilespmem:s22], [sflag:$0x5], $0x80, s10, s20, $0xb8;
	[tilespmem:$0x1F000] =	vst v63  }
0xe9: {  	_ =	swait.ge [sflag:s15], $0x4000  }
0xea: {  	[sflag:s15] =	ssyncset.done $0x0  }
0xeb: {  	s11 =	sadd.s32 $0x280, s6;
	[sflag:s15] =	ssyncadd.s32 $0xFFFFC000  }
0xec: {  	[tilespmem:s22], [sflag:$0x2] =	stream.indirect.gather [hbm4b:s1+s20], $0x80, s11, s20, $0xb8;
	[tilespmem:$0x1F000] =	vst v63  }
0xed: {  	_ =	swait.ge [sflag:s24], $0x4000  }
0xee: {  	[sflag:s24] =	ssyncset.done $0x0  }
0xef: {  	s8 =	rddreg [dreg:$0x7];
	[sflag:s24] =	ssyncadd.s32 $0xFFFFC000  }
0xf0: {  	[spmem:s3] =	stream.indirect.scatter.add.f32 [tilespmem:s21], [sflag:$0x5], $0x80, s8, s20, $0xb8;
	[tilespmem:$0x1F000] =	vst v63  }
0xf1: {  	_ =	swait.ge [sflag:s15], $0x4000  }
0xf2: {  	[sflag:s15] =	ssyncset.done $0x0  }
0xf3: {  	s9 =	sadd.s32 $0x300, s6;
	[sflag:s15] =	ssyncadd.s32 $0xFFFFC000  }
0xf4: {  	[tilespmem:s21], [sflag:$0x1] =	stream.indirect.gather [hbm4b:s1+s20], $0x80, s9, s20, $0xb8;
	[tilespmem:$0x1F000] =	vst v63  }
0xf5: {  	_ =	swait.ge [sflag:s25], $0x4000  }
0xf6: {  	[sflag:s25] =	ssyncset.done $0x0  }
0xf7: {  	s10 =	rddreg [dreg:$0x8];
	[sflag:s25] =	ssyncadd.s32 $0xFFFFC000  }
0xf8: {  	[spmem:s3] =	stream.indirect.scatter.add.f32 [tilespmem:s22], [sflag:$0x5], $0x80, s10, s20, $0xb8;
	[tilespmem:$0x1F000] =	vst v63  }
0xf9: {  	_ =	swait.ge [sflag:s15], $0x4000  }
0xfa: {  	[sflag:s15] =	ssyncset.done $0x0  }
0xfb: {  	s11 =	sadd.s32 $0x380, s6;
	[sflag:s15] =	ssyncadd.s32 $0xFFFFC000  }
0xfc: {  	[tilespmem:s22], [sflag:$0x2] =	stream.indirect.gather [hbm4b:s1+s20], $0x80, s11, s20, $0xb8;
	[tilespmem:$0x1F000] =	vst v63  }
0xfd: {  	_ =	swait.ge [sflag:s24], $0x4000  }
0xfe: {  	[sflag:s24] =	ssyncset.done $0x0  }
0xff: {  	s8 =	rddreg [dreg:$0x9];
	[sflag:s24] =	ssyncadd.s32 $0xFFFFC000  }
0x100: {  	[spmem:s3] =	stream.indirect.scatter.add.f32 [tilespmem:s21], [sflag:$0x5], $0x80, s8, s20, $0xb8;
	[tilespmem:$0x1F000] =	vst v63  }
0x101: {  	_ =	swait.ge [sflag:s15], $0x4000  }
0x102: {  	[sflag:s15] =	ssyncset.done $0x0  }
0x103: {  	s9 =	sadd.s32 $0x400, s6;
	[sflag:s15] =	ssyncadd.s32 $0xFFFFC000  }
0x104: {  	[tilespmem:s21], [sflag:$0x1] =	stream.indirect.gather [hbm4b:s1+s20], $0x80, s9, s20, $0xb8;
	[tilespmem:$0x1F000] =	vst v63  }
0x105: {  	_ =	swait.ge [sflag:s25], $0x4000  }
0x106: {  	[sflag:s25] =	ssyncset.done $0x0  }
0x107: {  	s10 =	rddreg [dreg:$0xa];
	[sflag:s25] =	ssyncadd.s32 $0xFFFFC000  }
0x108: {  	[spmem:s3] =	stream.indirect.scatter.add.f32 [tilespmem:s22], [sflag:$0x5], $0x80, s10, s20, $0xb8;
	[tilespmem:$0x1F000] =	vst v63  }
0x109: {  	_ =	swait.ge [sflag:s15], $0x4000  }
0x10a: {  	p2 =	seq.s32 s0, $0x8000;
	[sflag:s15] =	ssyncset.done $0x0  }
0x10b: {  	s11 =	sadd.s32 $0x480, s6;
	s8 =	sshrl.u32 @!p2 s31, $0x3;
	[sflag:s15] =	ssyncadd.s32 $0xFFFFC000  }
0x10c: {  	[tilespmem:s22], [sflag:$0x2] =	stream.indirect.gather [hbm4b:s1+s20], $0x80, s11, s20, $0xb8;
	[tilespmem:$0x1F000] =	vst v63  }
0x10d: {  	s7 =	sadd.s32 @!p2 s5, s8;
	s8 =	simm.s32 @!p2 $0x0;
	s9 =	simm.s32 @!p2 $0x2800  }
0x10e: {  	[tilespmem:s9], [sflag:$0x3] =	stream.linear.gather @!p2 [hbm4b:s7+s8], $0x400, $0x38;
	[tilespmem:$0x1F000] =	vst v63  }
0x10f: {  	_ =	swait.ge [sflag:s26], $0x400  }
0x110: {  	[sflag:s26] =	ssyncset.done $0x0  }
0x111: {  	[sflag:s26] =	ssyncadd.s32 $0xFFFFFC00  }
0x112: {  	_ =	swait.ge [sflag:s24], $0x4000  }
0x113: {  	[sflag:s24] =	ssyncset.done $0x0  }
0x114: {  	[sflag:s24] =	ssyncadd.s32 $0xFFFFC000  }
0x115: {  	[spmem:s3] =	stream.indirect.scatter.add.f32 [tilespmem:s21], [sflag:$0x5], $0x80, s23, s20, $0xb8;
	[tilespmem:$0x1F000] =	vst v63  }
0x116: {  	_ =	swait.ge [sflag:s15], $0x4000  }
0x117: {  	[sflag:s15] =	ssyncset.done $0x0  }
0x118: {  	s9 =	sadd.s32 $0x500, s6;
	[sflag:s15] =	ssyncadd.s32 $0xFFFFC000  }
0x119: {  	[tilespmem:s21], [sflag:$0x1] =	stream.indirect.gather [hbm4b:s1+s20], $0x80, s9, s20, $0xb8;
	[tilespmem:$0x1F000] =	vst v63  }
0x11a: {  	_ =	swait.ge [sflag:s25], $0x4000  }
0x11b: {  	[sflag:s25] =	ssyncset.done $0x0  }
0x11c: {  	s10 =	rddreg [dreg:$0xb];
	[sflag:s25] =	ssyncadd.s32 $0xFFFFC000  }
0x11d: {  	[spmem:s3] =	stream.indirect.scatter.add.f32 [tilespmem:s22], [sflag:$0x5], $0x80, s10, s20, $0xb8;
	[tilespmem:$0x1F000] =	vst v63  }
0x11e: {  	_ =	swait.ge [sflag:s15], $0x4000  }
0x11f: {  	[sflag:s15] =	ssyncset.done $0x0  }
0x120: {  	s11 =	sadd.s32 $0x580, s6;
	[sflag:s15] =	ssyncadd.s32 $0xFFFFC000  }
0x121: {  	[tilespmem:s22], [sflag:$0x2] =	stream.indirect.gather [hbm4b:s1+s20], $0x80, s11, s20, $0xb8;
	[tilespmem:$0x1F000] =	vst v63  }
0x122: {  	_ =	swait.ge [sflag:s24], $0x4000  }
0x123: {  	[sflag:s24] =	ssyncset.done $0x0  }
0x124: {  	s8 =	rddreg [dreg:$0xc];
	[sflag:s24] =	ssyncadd.s32 $0xFFFFC000  }
0x125: {  	[spmem:s3] =	stream.indirect.scatter.add.f32 [tilespmem:s21], [sflag:$0x5], $0x80, s8, s20, $0xb8;
	[tilespmem:$0x1F000] =	vst v63  }
0x126: {  	_ =	swait.ge [sflag:s15], $0x4000  }
0x127: {  	[sflag:s15] =	ssyncset.done $0x0  }
0x128: {  	s9 =	sadd.s32 $0x600, s6;
	[sflag:s15] =	ssyncadd.s32 $0xFFFFC000  }
0x129: {  	[tilespmem:s21], [sflag:$0x1] =	stream.indirect.gather [hbm4b:s1+s20], $0x80, s9, s20, $0xb8;
	[tilespmem:$0x1F000] =	vst v63  }
0x12a: {  	_ =	swait.ge [sflag:s25], $0x4000  }
0x12b: {  	[sflag:s25] =	ssyncset.done $0x0  }
0x12c: {  	s10 =	rddreg [dreg:$0xd];
	[sflag:s25] =	ssyncadd.s32 $0xFFFFC000  }
0x12d: {  	[spmem:s3] =	stream.indirect.scatter.add.f32 [tilespmem:s22], [sflag:$0x5], $0x80, s10, s20, $0xb8;
	[tilespmem:$0x1F000] =	vst v63  }
0x12e: {  	_ =	swait.ge [sflag:s15], $0x4000  }
0x12f: {  	[sflag:s15] =	ssyncset.done $0x0  }
0x130: {  	s11 =	sadd.s32 $0x680, s6;
	[sflag:s15] =	ssyncadd.s32 $0xFFFFC000  }
0x131: {  	[tilespmem:s22], [sflag:$0x2] =	stream.indirect.gather [hbm4b:s1+s20], $0x80, s11, s20, $0xb8;
	[tilespmem:$0x1F000] =	vst v63  }
0x132: {  	_ =	swait.ge [sflag:s24], $0x4000  }
0x133: {  	[sflag:s24] =	ssyncset.done $0x0  }
0x134: {  	s8 =	rddreg [dreg:$0xe];
	[sflag:s24] =	ssyncadd.s32 $0xFFFFC000  }
0x135: {  	[spmem:s3] =	stream.indirect.scatter.add.f32 [tilespmem:s21], [sflag:$0x5], $0x80, s8, s20, $0xb8;
	[tilespmem:$0x1F000] =	vst v63  }
0x136: {  	_ =	swait.ge [sflag:s15], $0x4000  }
0x137: {  	[sflag:s15] =	ssyncset.done $0x0  }
0x138: {  	s9 =	sadd.s32 $0x700, s6;
	[sflag:s15] =	ssyncadd.s32 $0xFFFFC000  }
0x139: {  	[tilespmem:s21], [sflag:$0x1] =	stream.indirect.gather [hbm4b:s1+s20], $0x80, s9, s20, $0xb8;
	[tilespmem:$0x1F000] =	vst v63  }
0x13a: {  	_ =	swait.ge [sflag:s25], $0x4000  }
0x13b: {  	[sflag:s25] =	ssyncset.done $0x0  }
0x13c: {  	s10 =	rddreg [dreg:$0xf];
	[sflag:s25] =	ssyncadd.s32 $0xFFFFC000  }
0x13d: {  	[spmem:s3] =	stream.indirect.scatter.add.f32 [tilespmem:s22], [sflag:$0x5], $0x80, s10, s20, $0xb8;
	[tilespmem:$0x1F000] =	vst v63  }
0x13e: {  	_ =	swait.ge [sflag:s15], $0x4000  }
0x13f: {  	[sflag:s15] =	ssyncset.done $0x0  }
0x140: {  	s6 =	sadd.s32 $0x780, s6;
	[sflag:s15] =	ssyncadd.s32 $0xFFFFC000  }
0x141: {  	[tilespmem:s22], [sflag:$0x2] =	stream.indirect.gather [hbm4b:s1+s20], $0x80, s6, s20, $0xb8;
	[tilespmem:$0x1F000] =	vst v63  }
0x142: {  	_ =	swait.ge [sflag:s24], $0x4000  }
0x143: {  	[sflag:s24] =	ssyncset.done $0x0  }
0x144: {  	s11 =	rddreg [dreg:$0x10];
	[sflag:s24] =	ssyncadd.s32 $0xFFFFC000  }
0x145: {  	[spmem:s3] =	stream.indirect.scatter.add.f32 [tilespmem:s21], [sflag:$0x5], $0x80, s11, s20, $0xb8;
	[tilespmem:$0x1F000] =	vst v63  }
0x146: {  	_ =	swait.ge [sflag:s15], $0x4000  }
0x147: {  	p2 =	sgt.u32 s30, $0x8;
	[sflag:s15] =	ssyncset.done $0x0  }
0x148: {  	s7 =	simm.s32 @p2 $0x2;
	s0 =	sshra.s32 @!p2 s0, $0x2;
	[sflag:s15] =	ssyncadd.s32 $0xFFFFC000  }
0x149: {  	s8 =	sadd.s32 @!p2 $0x800, s0;
	s9 =	simm.s32 @p2 $0x80;
	_ =	swait.ge @p2 [sflag:s7], $0x4000  }
0x14a: {  	s10 =	simm.s32 @p2 $0x2F80;
	s6 =	sadd.s32 @!p2 $0x880, s0;
	[sflag:s7] =	ssyncset.done @p2 $0x0  }
0x14b: {  	s0 =	simm.s32 @p2 $0x7000;
	s11 =	simm.s32 @p2 $0x5;
	[sflag:s7] =	ssyncadd.s32 @p2 $0xFFFFC000  }
0x14c: {  	[spmem:s3] =	stream.indirect.scatter.add.f32 @p2 [tilespmem:s0], [sflag:$0x5], $0x80, s10, s9, $0xb8;
	[tilespmem:$0x1F000] =	vst v63  }
0x14d: {  	_ =	swait.ge @p2 [sflag:s11], $0x4000  }
0x14e: {  	s29 =	sadd.s32 $0x2000, s29;
	s7 =	simm.s32 @!p2 $0x80;
	[sflag:s11] =	ssyncset.done @p2 $0x0  }
0x14f: {  	s0 =	simm.s32 @!p2 $0x3000;
	s9 =	simm.s32 @!p2 $0x2;
	[sflag:s11] =	ssyncadd.s32 @p2 $0xFFFFC000  }
0x150: {  	[tilespmem:s0], [sflag:$0x1] =	stream.indirect.gather @!p2 [hbm4b:s1+s7], $0x80, s8, s7, $0xb8;
	[tilespmem:$0x1F000] =	vst v63  }
0x151: {  	p1 =	sne.s32 s29, $0xA000;
	_ =	swait.ge @!p2 [sflag:s9], $0x4000  }
.Ltmp0:
0x152: {  	s10 =	simm.s32 @!p2 $0x2F80;
	[sflag:s9] =	ssyncset.done @!p2 $0x0;
	(pc) =	sbr.rel @p1 .LBB2_2-.Ltmp0, $4  }
0x153: {  	s8 =	simm.s32 @!p2 $0x7000;
	s0 =	simm.s32 @!p2 $0x5;
	[sflag:s9] =	ssyncadd.s32 @!p2 $0xFFFFC000  }
0x154: {  	[spmem:s3] =	stream.indirect.scatter.add.f32 @!p2 [tilespmem:s8], [sflag:$0x5], $0x80, s10, s7, $0xb8;
	[tilespmem:$0x1F000] =	vst v63  }
0x155: {  	s2 =	sadd.s32 $0x100, s2;
	_ =	swait.ge @!p2 [sflag:s0], $0x4000  }
0x156: {  	s31 =	sadd.s32 $0x800, s31;
	s30 =	sadd.s32 $0x2, s30;
	[sflag:s0] =	ssyncset.done @!p2 $0x0  }
0x157: {  	[sflag:s0] =	ssyncadd.s32 @!p2 $0xFFFFC000  }
0x158: {  	[tilespmem:s8], [sflag:$0x2] =	stream.indirect.gather @!p2 [hbm4b:s1+s7], $0x80, s6, s7, $0xb8;
	[tilespmem:$0x1F000] =	vst v63  }
0x159: {  	[bflag:$0x0] =	sbarrier.arrive $0xFFFF  }
0x15a: {  	s0 =	simm.s32 @p0 $0x1FC5;
	s2 =	rddreg [dreg:$0x16]  }
0x15b: {  	[hbm:s2], [sflag:s0] =	dma.local @p0 [spmem:s17], $0x1900  }
0x15c: {  	s0 =	simm.s32 @p0 $0x5  }
0x15d: {  	_ =	swait.ge @p0 [sflag:s0], $0x1900  }
0x15e: {  	s28 =	sadd.s32 $0x1, s28;
	[sflag:s0] =	ssyncset.done @p0 $0x0  }
0x15f: {  	p1 =	sne.s32 s28, s12;
	[sflag:s0] =	ssyncadd.s32 @p0 $0xFFFFE700;
	s0 =	rddreg [dreg:$0x15]  }
0x160: {  	[hbm:s0], [sflag:s18] =	dma.local @!p0 [spmem:s19], $0x2800  }
.Ltmp1:
0x161: {  	_ = 	snop;
	(pc) =	sbr.rel @p1 .LBB2_1-.Ltmp1, $4  }
0x162: {  	s0 =	simm.s32 @!p0 $0x5  }
0x163: {  	_ =	swait.ge @!p0 [sflag:s0], $0x2800  }
0x164: {  	[sflag:s0] =	ssyncset.done @!p0 $0x0  }
0x165: {  	[sflag:s0] =	ssyncadd.s32 @!p0 $0xFFFFD800  }
0x166: {  	_ =	sfence.sel $0x180000  }
0x167: {  	[bflag:$0x0] =	sbarrier.arrive $0xFFFF  }
0x168: {  	_ =	strace $0x90000047  }
0x169: {  	s0 =	stileid.u32;
	[bflag:$0x2] =	sbarrier.arrive $0xFFFF  }
0x16a: {  	p0 =	sne.s32 s0, $0x0;
	s0 =	rddreg [dreg:$0x3]  }
0x16b: {  	s0 =	sadd.s32 @!p0 $0x100000, s0  }
0x16c: {  	[sflag:s0] =	ssyncadd.tile.s32 @!p0 $0x1;
	_ =	shalt  }
.Lfunc_end2:
_tile_overlayer_lowered:
.L_overlay_start_2:
0x16d: {  	(tag) =	ssettag $0x2  }
0x16e: {  	s0 =	rddreg [dreg:$0x0];
	s2 =	stileid.u32  }
0x16f: {  	s1 =	rddreg [dreg:$0x1];
	p0 =	sne.s32 s2, $0x0  }
0x170: {  	s3 =	rddreg [dreg:$0x2];
	[bflag:$0x3] =	sbarrier.arrive $0xFFFF;
	s2 =	simm.s32 @!p0 $0x1C05  }
0x171: {  	[timem:s3], [sflag:s2] =	dma.local @!p0 [hbm:s0], s1  }
0x172: {  	s0 =	simm.s32 @!p0 $0x5  }
0x173: {  	_ =	swait.ge @!p0 [sflag:s0], s1  }
0x174: {  	s1 =	ssub.s32 @!p0 $0x0, s1;
	[sflag:s0] =	ssyncset.done @!p0 $0x0  }
0x175: {  	[sflag:s0] =	ssyncadd.s32 @!p0 s1  }
0x176: {  	[bflag:$0x3] =	sbarrier.arrive $0xFFFF  }
0x177: {  	_ =	shalt  }

</sc_bundles>
